<compile_context>
chip_gen: v7x
topology: tpu7x:2x2x1
jax: 0.10.2.dev20260603
libtpu: 0.0.44.dev20260713+nightly
codegen_flags: <defaults>
</compile_context>

<pallas_src>
import functools

import jax
import jax.numpy as jnp
import numpy as np
from jax import lax
from jax.experimental import pallas as pl
from jax.experimental.pallas import tpu as pltpu
from jax.experimental.pallas import tpu_sc as plsc

BS, C, H, W = 4, 384, 32, 32
HW = H * W
P, G = 9, 8
GC = C // G
NQ = BS * HW
NPC = P * 4
IDXW = 40

_m = np.arange(C)
_jj = _m // 32
_kk = (_m % 32) // 2
_hh = _m % 2
_SIGMA = (_kk % G) * GC + (_jj * 4 + (_kk // G) * 2 + _hh)
_n = np.arange(C)
_AGG = _SIGMA[32 * (_n // 32) + 2 * (_n % 16) + ((_n % 32) // 16)]

_k = np.arange(NPC * 16)
_pc = _k // 16
_p = _pc % P
_c = _pc // P
_l = _k % 16
_D1 = np.zeros((P * G, NPC * 16), np.float32)
_D1[_p * G + (_l % G), _k] = 1.0
_D2 = np.zeros((NPC, NPC * 16), np.float32)
_D2[_c * P + _p, _k] = 1.0
_ES = np.zeros((P * G, G), np.float32)
_ES[np.arange(P * G), np.arange(P * G) % G] = 1.0
_EB = np.zeros((G, P * G), np.float32)
_EB[np.arange(P * G) % G, np.arange(P * G)] = 1.0


def _prologue_body(f1_ref, f2_ref, anc_ref, g1_ref, b1_ref, g2_ref, b2_ref,
                   wv_ref, bv_ref, wwt_ref, bwt_ref,
                   wkx_ref, bkx_ref, wky_ref, bky_ref,
                   d1_ref, d2_ref, es_ref, eb_ref,
                   val_out, cw_out, idx_out, kpx_out, kpy_out):
    b = pl.program_id(0)
    f32 = jnp.float32

    def ln(x, g, bb):
        m = jnp.mean(x, axis=-1, keepdims=True)
        v = jnp.mean((x - m) * (x - m), axis=-1, keepdims=True)
        return (x - m) * lax.rsqrt(v + 1e-5) * g + bb

    l1 = ln(f1_ref[0], g1_ref[...], b1_ref[...])
    l2 = ln(f2_ref[0], g2_ref[...], b2_ref[...])

    val = jnp.dot(l2, wv_ref[...], preferred_element_type=f32) + bv_ref[...]
    val_out[0] = val.astype(jnp.bfloat16)

    wl = jnp.dot(l1, wwt_ref[...], preferred_element_type=f32) + bwt_ref[...]
    m = jnp.max(wl, axis=-1, keepdims=True)
    e = jnp.exp(wl - m)
    s8 = jnp.dot(e, es_ref[...], preferred_element_type=f32)
    den = jnp.dot(s8, eb_ref[...], preferred_element_type=f32)
    w72 = e / den

    offx = jnp.dot(l1, wkx_ref[...], preferred_element_type=f32) + bkx_ref[...]
    offy = jnp.dot(l1, wky_ref[...], preferred_element_type=f32) + bky_ref[...]
    anc = anc_ref[0]
    kx = anc[:, 0:1] + offx
    ky = anc[:, 1:2] + offy
    kpx_out[0] = kx
    kpy_out[0] = ky

    x = kx * W - 0.5
    y = ky * H - 0.5
    x0 = jnp.floor(x)
    y0 = jnp.floor(y)
    wx1 = x - x0
    wx0 = 1.0 - wx1
    wy1 = y - y0
    wy0 = 1.0 - wy1

    def corner(xf, yf, wx, wy):
        valid = (xf >= 0) & (xf < W) & (yf >= 0) & (yf < H)
        xi = jnp.clip(xf, 0, W - 1).astype(jnp.int32)
        yi = jnp.clip(yf, 0, H - 1).astype(jnp.int32)
        idx = yi * W + xi + b * HW
        return idx, wx * wy * valid.astype(f32)

    i0, w0 = corner(x0, y0, wx0, wy0)
    i1, w1 = corner(x0 + 1.0, y0, wx1, wy0)
    i2, w2 = corner(x0, y0 + 1.0, wx0, wy1)
    i3, w3 = corner(x0 + 1.0, y0 + 1.0, wx1, wy1)

    zpad = jnp.zeros((HW, IDXW - NPC), jnp.int32)
    idx_out[0] = jnp.concatenate([i0, i1, i2, i3, zpad], axis=1)
    bw36 = jnp.concatenate([w0, w1, w2, w3], axis=1)

    cw_out[0] = (jnp.dot(w72, d1_ref[...], preferred_element_type=f32)
                 * jnp.dot(bw36, d2_ref[...], preferred_element_type=f32))


def _epilogue_body(agg_ref, w_ref, b_ref, out_ref):
    out_ref[...] = (jnp.dot(agg_ref[...], w_ref[...],
                            preferred_element_type=jnp.float32) + b_ref[...])


def _sc_agg_body(value_hbm, idx_hbm, cw_hbm, out_hbm,
                 idx0, idx1, idx2, idx3, cw0, cw1, cw2, cw3,
                 rows0, rows1, rows2, rows3, orow0, orow1, orow2, orow3,
                 vshared,
                 msem0, msem1, msem2, msem3, sem0, sem1, sem2, sem3,
                 osem0, osem1, osem2, osem3):
    nc = 2
    qper = NQ // 32
    mask = qper - 1
    sid = lax.axis_index("s")
    wid = sid * nc + lax.axis_index("c")
    base = wid * qper
    part = NQ // 16
    pltpu.sync_copy(value_hbm.at[pl.ds(sid * part, part)],
                    vshared.at[pl.ds(sid * part, part)])
    plsc.subcore_barrier()

    idx_b = (idx0, idx1, idx2, idx3)
    cw_b = (cw0, cw1, cw2, cw3)
    rows_b = (rows0, rows1, rows2, rows3)
    orow_b = (orow0, orow1, orow2, orow3)
    msem_b = (msem0, msem1, msem2, msem3)
    sem_b = (sem0, sem1, sem2, sem3)
    osem_b = (osem0, osem1, osem2, osem3)

    def issue_meta(i, b):
        pltpu.async_copy(idx_hbm.at[base + i], idx_b[b], msem_b[b])
        pltpu.async_copy(cw_hbm.at[base + i], cw_b[b], msem_b[b])

    def wait_meta(i, b):
        pltpu.make_async_copy(idx_hbm.at[base + i], idx_b[b], msem_b[b]).wait()
        pltpu.make_async_copy(cw_hbm.at[base + i], cw_b[b], msem_b[b]).wait()

    def issue_gather(b):
        pltpu.async_copy(vshared.at[idx_b[b].at[pl.ds(0, NPC)]],
                         rows_b[b].at[pl.ds(0, NPC)], sem_b[b])

    def wait_gather(b):
        pltpu.make_async_copy(vshared.at[idx_b[b].at[pl.ds(0, NPC)]],
                              rows_b[b].at[pl.ds(0, NPC)], sem_b[b]).wait()

    issue_meta(0, 0)
    issue_meta(1, 1)
    issue_meta(2, 2)
    wait_meta(0, 0)
    issue_gather(0)
    wait_meta(1, 1)
    issue_gather(1)

    def outer(ii, carry):
        for b in range(4):
            i = ii * 4 + b
            wait_gather(b)
            b2 = (b + 2) & 3
            wait_meta(jnp.bitwise_and(i + 2, mask), b2)
            issue_gather(b2)

            orow, osem = orow_b[b], osem_b[b]

            @pl.when(ii > 0)
            def _():
                pltpu.make_async_copy(orow, out_hbm.at[base + i - 4], osem).wait()

            rows, cw = rows_b[b], cw_b[b]
            wvec0 = cw[pl.ds(0, 16)]
            for j in range(12):
                ea, ob = plsc.unpack(rows[0, pl.ds(j * 32, 32)],
                                     format=plsc.PackFormat.INTERLEAVED)
                orow[pl.ds(j * 32, 16)] = ea * wvec0
                orow[pl.ds(j * 32 + 16, 16)] = ob * wvec0

            def pc_body(pc, c):
                wvec = cw[pl.ds(pc * 16, 16)]
                for j in range(12):
                    ea, ob = plsc.unpack(rows[pc, pl.ds(j * 32, 32)],
                                         format=plsc.PackFormat.INTERLEAVED)
                    plsc.addupdate(orow.at[pl.ds(j * 32, 16)], ea * wvec)
                    plsc.addupdate(orow.at[pl.ds(j * 32 + 16, 16)], ob * wvec)
                return c

            lax.fori_loop(1, NPC, pc_body, 0)

            issue_meta(jnp.bitwise_and(i + 3, mask), (b + 3) & 3)
            pltpu.async_copy(orow, out_hbm.at[base + i], osem)
        return carry

    lax.fori_loop(0, qper // 4, outer, 0)
    for b in range(4):
        pltpu.make_async_copy(orow_b[b], out_hbm.at[base + qper - 4 + b],
                              osem_b[b]).wait()
    wait_gather(0)
    wait_gather(1)
    wait_meta(2, 2)


def kernel(feats1, feats2, anchor_points, ln1_g, ln1_b, ln2_g, ln2_b,
           W_val, b_val, W_wt, b_wt, W_kp, b_kp, W_out, b_out):
    f32 = jnp.float32
    sigma = jnp.asarray(_SIGMA)

    f1 = feats1.transpose(0, 2, 3, 1).reshape(BS, HW, C)
    f2 = feats2.transpose(0, 2, 3, 1).reshape(BS, HW, C)

    wv = W_val[sigma].T
    bv = b_val[sigma].reshape(1, C)
    wwt = W_wt.T
    bwt = b_wt.reshape(1, P * G)
    wkx = W_kp[:, 0::2]
    wky = W_kp[:, 1::2]
    bkx = b_kp[0::2].reshape(1, P)
    bky = b_kp[1::2].reshape(1, P)
    wo = W_out[:, jnp.asarray(_AGG)].T
    bo = b_out.reshape(1, C)

    full = lambda shape: pl.BlockSpec(shape, lambda b: tuple(0 for _ in shape))
    per_b = lambda shape: pl.BlockSpec((1,) + shape, lambda b: (b, 0, 0))

    value, cw, idx, kpx, kpy = pl.pallas_call(
        _prologue_body,
        grid=(BS,),
        in_specs=[
            per_b((HW, C)), per_b((HW, C)), per_b((HW, 2)),
            full((1, C)), full((1, C)), full((1, C)), full((1, C)),
            full((C, C)), full((1, C)),
            full((C, P * G)), full((1, P * G)),
            full((C, P)), full((1, P)), full((C, P)), full((1, P)),
            full((P * G, NPC * 16)), full((NPC, NPC * 16)),
            full((P * G, G)), full((G, P * G)),
        ],
        out_specs=[
            per_b((HW, C)), per_b((HW, NPC * 16)), per_b((HW, IDXW)),
            per_b((HW, P)), per_b((HW, P)),
        ],
        out_shape=[
            jax.ShapeDtypeStruct((BS, HW, C), jnp.bfloat16),
            jax.ShapeDtypeStruct((BS, HW, NPC * 16), f32),
            jax.ShapeDtypeStruct((BS, HW, IDXW), jnp.int32),
            jax.ShapeDtypeStruct((BS, HW, P), f32),
            jax.ShapeDtypeStruct((BS, HW, P), f32),
        ],
    )(f1, f2, anchor_points,
      ln1_g.reshape(1, C), ln1_b.reshape(1, C),
      ln2_g.reshape(1, C), ln2_b.reshape(1, C),
      wv, bv, wwt, bwt, wkx, bkx, wky, bky,
      jnp.asarray(_D1), jnp.asarray(_D2), jnp.asarray(_ES), jnp.asarray(_EB))

    mesh = plsc.VectorSubcoreMesh(core_axis_name="c", subcore_axis_name="s",
                                  num_cores=2, num_subcores=16)
    agg = pl.kernel(
        _sc_agg_body,
        out_type=jax.ShapeDtypeStruct((NQ, C), f32),
        mesh=mesh,
        compiler_params=pltpu.CompilerParams(use_tc_tiling_on_sc=False,
                                             needs_layout_passes=False),
        scratch_types=(
            [pltpu.VMEM((IDXW,), jnp.int32)] * 4
            + [pltpu.VMEM((NPC * 16,), f32)] * 4
            + [pltpu.VMEM((IDXW, C), jnp.bfloat16)] * 4
            + [pltpu.VMEM((C,), f32)] * 4
            + [pltpu.VMEM_SHARED((NQ, C), jnp.bfloat16)]
            + [pltpu.SemaphoreType.DMA] * 12
        ),
    )(value.reshape(NQ, C), idx.reshape(NQ, IDXW), cw.reshape(NQ, NPC * 16))

    out2d = pl.pallas_call(
        _epilogue_body,
        in_specs=[pl.BlockSpec((NQ, C), lambda: (0, 0)),
                  pl.BlockSpec((C, C), lambda: (0, 0)),
                  pl.BlockSpec((1, C), lambda: (0, 0))],
        out_specs=pl.BlockSpec((NQ, C), lambda: (0, 0)),
        out_shape=jax.ShapeDtypeStruct((NQ, C), f32),
    )(agg, wo, bo)

    out = out2d.reshape(BS, H, W, C).transpose(0, 3, 1, 2)
    kp = jnp.stack([kpx, kpy], axis=-1).reshape(BS, H, W, P, 2)
    return out, kp

# --- scband reference (transcript-rebuilt; emitter-appended) ---
"""Pipeline reference for scband-deformable1-dfeature-aggregator-82437602279993 (READ-ONLY COPY).

The authoritative reference and input builder live on the scoring server;
editing this copy changes nothing except your own understanding.
"""

import jax, jax.numpy as jnp
import numpy as np

BS, C, H, W = 4, 384, 32, 32
P, G = 9, 8
GC = C // G


def layernorm(x, g, b, eps=1e-5):
    m = x.mean(-1, keepdims=True)
    v = x.var(-1, keepdims=True)
    return (x - m) / jnp.sqrt(v + eps) * g + b


def _bilinear_sample(value, pts):
    # value: (bs, H, W, C); pts: (bs, N, 2) normalized (x, y) in [0, 1]
    bs, Hh, Ww, Cc = value.shape
    x = pts[..., 0] * Ww - 0.5
    y = pts[..., 1] * Hh - 0.5
    x0 = jnp.floor(x)
    y0 = jnp.floor(y)
    x1 = x0 + 1.0
    y1 = y0 + 1.0
    wx1 = x - x0
    wx0 = 1.0 - wx1
    wy1 = y - y0
    wy0 = 1.0 - wy1
    flat = value.reshape(bs, Hh * Ww, Cc)

    def gather(xi, yi):
        valid = (xi >= 0) & (xi < Ww) & (yi >= 0) & (yi < Hh)
        xic = jnp.clip(xi, 0, Ww - 1).astype(jnp.int32)
        yic = jnp.clip(yi, 0, Hh - 1).astype(jnp.int32)
        idx = yic * Ww + xic  # (bs, N)
        g = jnp.take_along_axis(flat, idx[..., None], axis=1)
        return g * valid[..., None].astype(value.dtype)

    out = (gather(x0, y0) * (wx0 * wy0)[..., None]
           + gather(x1, y0) * (wx1 * wy0)[..., None]
           + gather(x0, y1) * (wx0 * wy1)[..., None]
           + gather(x1, y1) * (wx1 * wy1)[..., None])
    return out


def setup_inputs(seed: int = 0):
    key = jax.random.key(seed)
    ks = jax.random.split(key, 8)
    return {
        "feats1": jax.random.normal(ks[0], (BS, C, H, W), jnp.float32),
        "feats2": jax.random.normal(ks[1], (BS, C, H, W), jnp.float32),
        "anchor_points": jax.random.uniform(ks[2], (BS, H * W, 2), jnp.float32),
        "ln1_g": jnp.ones((C,), jnp.float32),
        "ln1_b": jnp.zeros((C,), jnp.float32),
        "ln2_g": jnp.ones((C,), jnp.float32),
        "ln2_b": jnp.zeros((C,), jnp.float32),
        "W_val": jax.random.normal(ks[3], (C, C), jnp.float32) * 0.02,
        "b_val": jnp.zeros((C,), jnp.float32),
        "W_wt": jax.random.normal(ks[4], (G * P, C), jnp.float32) * 0.02,
        "b_wt": jnp.zeros((G * P,), jnp.float32),
        "W_kp": jax.random.normal(ks[5], (C, P * 2), jnp.float32) * 0.01,
        "b_kp": jnp.zeros((P * 2,), jnp.float32),
        "W_out": jax.random.normal(ks[6], (C, C), jnp.float32) * 0.02,
        "b_out": jnp.zeros((C,), jnp.float32),
    }


def reference(feats1, feats2, anchor_points, ln1_g, ln1_b, ln2_g, ln2_b,
              W_val, b_val, W_wt, b_wt, W_kp, b_kp, W_out, b_out):
    bs = feats1.shape[0]
    # to_3d(dim=2): b c h w -> b (h w) c, then LayerNorm over channels
    f1 = feats1.transpose(0, 2, 3, 1).reshape(bs, H * W, C)
    f1 = layernorm(f1, ln1_g, ln1_b)
    f2 = feats2.transpose(0, 2, 3, 1).reshape(bs, H * W, C)
    f2 = layernorm(f2, ln2_g, ln2_b)
    # value_proj (1x1 conv) on feats2
    value = f2 @ W_val.T + b_val  # (bs, HW, C)
    # weight_proj (1x1 conv) on feats1 -> per-group, per-point weights
    wlogits = f1 @ W_wt.T + b_wt  # (bs, HW, G*P), channel = p*G + g ordering
    w = wlogits.reshape(bs, H * W, P, G)
    w = jax.nn.softmax(w, axis=2)  # softmax over num_pts
    w = w.reshape(bs, H * W * P, G)
    # key points generator: learned offsets around anchor points
    offs = (f1 @ W_kp + b_kp).reshape(bs, H * W, P, 2)
    kp = anchor_points[:, :, None, :] + offs  # (bs, HW, P, 2)
    kp_flat = kp.reshape(bs, H * W * P, 2)
    # deformable aggregation: bilinear sample + group-wise weighting
    sampled = _bilinear_sample(value.reshape(bs, H, W, C), kp_flat)  # (bs, HW*P, C)
    weighted = (sampled.reshape(bs, H * W * P, G, GC) * w[..., None]).reshape(bs, H * W * P, C)
    out = weighted.reshape(bs, H * W, P, C).sum(axis=2)  # sum over key points
    out = out @ W_out.T + b_out
    out = out.reshape(bs, H, W, C).transpose(0, 3, 1, 2)
    return out, kp.reshape(bs, H, W, P, 2)

if __name__ == "__main__":
    import jax
    _d = setup_inputs()
    print(jax.jit(kernel)(*tuple(_d.values())))

</pallas_src>

<mosaic_0001>
#map = affine_map<(d0, d1) -> (0, 0)>
module attributes {stable_mosaic.version = 14 : i64} {
  func.func @_sc_agg_body(%arg0: i32, %arg1: i32, %arg2: memref<4096x384xbf16, #tpu.memory_space<hbm>>, %arg3: memref<4096x40xi32, #tpu.memory_space<hbm>>, %arg4: memref<4096x576xf32, #tpu.memory_space<hbm>>, %arg5: memref<4096x384xf32, #tpu.memory_space<hbm>>, %arg6: memref<40xi32, #tpu.memory_space<vmem>>, %arg7: memref<40xi32, #tpu.memory_space<vmem>>, %arg8: memref<40xi32, #tpu.memory_space<vmem>>, %arg9: memref<40xi32, #tpu.memory_space<vmem>>, %arg10: memref<576xf32, #tpu.memory_space<vmem>>, %arg11: memref<576xf32, #tpu.memory_space<vmem>>, %arg12: memref<576xf32, #tpu.memory_space<vmem>>, %arg13: memref<576xf32, #tpu.memory_space<vmem>>, %arg14: memref<40x384xbf16, #tpu.memory_space<vmem>>, %arg15: memref<40x384xbf16, #tpu.memory_space<vmem>>, %arg16: memref<40x384xbf16, #tpu.memory_space<vmem>>, %arg17: memref<40x384xbf16, #tpu.memory_space<vmem>>, %arg18: memref<384xf32, #tpu.memory_space<vmem>>, %arg19: memref<384xf32, #tpu.memory_space<vmem>>, %arg20: memref<384xf32, #tpu.memory_space<vmem>>, %arg21: memref<384xf32, #tpu.memory_space<vmem>>, %arg22: memref<4096x384xbf16, #tpu.memory_space<vmem_shared>>, %arg23: memref<!tpu.dma_semaphore, #tpu.memory_space<semaphore_mem>>, %arg24: memref<!tpu.dma_semaphore, #tpu.memory_space<semaphore_mem>>, %arg25: memref<!tpu.dma_semaphore, #tpu.memory_space<semaphore_mem>>, %arg26: memref<!tpu.dma_semaphore, #tpu.memory_space<semaphore_mem>>, %arg27: memref<!tpu.dma_semaphore, #tpu.memory_space<semaphore_mem>>, %arg28: memref<!tpu.dma_semaphore, #tpu.memory_space<semaphore_mem>>, %arg29: memref<!tpu.dma_semaphore, #tpu.memory_space<semaphore_mem>>, %arg30: memref<!tpu.dma_semaphore, #tpu.memory_space<semaphore_mem>>, %arg31: memref<!tpu.dma_semaphore, #tpu.memory_space<semaphore_mem>>, %arg32: memref<!tpu.dma_semaphore, #tpu.memory_space<semaphore_mem>>, %arg33: memref<!tpu.dma_semaphore, #tpu.memory_space<semaphore_mem>>, %arg34: memref<!tpu.dma_semaphore, #tpu.memory_space<semaphore_mem>>) attributes {dimension_semantics = [#tpu.dimension_semantics<core_parallel>, #tpu.dimension_semantics<subcore_parallel>], iteration_bounds = array<i64: 2, 16>, scalar_prefetch = 0 : i64, scratch_operands = 29 : i64, tpu.core_type = #tpu.core_type<sc_vector_subcore>, window_params = [{transform_indices = #map}, {transform_indices = #map}, {transform_indices = #map}, {transform_indices = #map}]} {
    %mul3A = arith.constant 2 : i32
    %mul3A_0 = arith.muli %arg1, %mul3A : i32
    %add3A = arith.addi %mul3A_0, %arg0 : i32
    %mul3A_1 = arith.constant 128 : i32
    %mul3A_2 = arith.muli %add3A, %mul3A_1 : i32
    %mul3A_3 = arith.constant 256 : i32
    %mul3A_4 = arith.muli %arg1, %mul3A_3 : i32
    %mul3A_5 = arith.constant 256 : i32
    %mul3A_6 = arith.muli %arg1, %mul3A_5 : i32
    "tpu.region"() ({
      %run_scoped3A = tpu.sem_alloc : memref<!tpu.dma_semaphore, #tpu.memory_space<semaphore_mem>>
      %dma_start3A_185 = arith.constant 0 : i32
      %dma_start3A_186 = tpu.memref_slice %arg22[%mul3A_6, %dma_start3A_185] : memref<4096x384xbf16, #tpu.memory_space<vmem_shared>> -> memref<256x384xbf16, #tpu.memory_space<vmem_shared>>
      %dma_start3A_187 = arith.constant 0 : i32
      %dma_start3A_188 = tpu.memref_slice %arg2[%mul3A_4, %dma_start3A_187] : memref<4096x384xbf16, #tpu.memory_space<hbm>> -> memref<256x384xbf16, #tpu.memory_space<hbm>>
      tpu.enqueue_dma source(%dma_start3A_188 : memref<256x384xbf16, #tpu.memory_space<hbm>>) target(%dma_start3A_186 : memref<256x384xbf16, #tpu.memory_space<vmem_shared>>) target_semaphore(%run_scoped3A : memref<!tpu.dma_semaphore, #tpu.memory_space<semaphore_mem>>)
      %dma_wait3A_189 = arith.constant 0 : i32
      %dma_wait3A_190 = tpu.memref_slice %arg22[%mul3A_6, %dma_wait3A_189] : memref<4096x384xbf16, #tpu.memory_space<vmem_shared>> -> memref<256x384xbf16, #tpu.memory_space<vmem_shared>>
      %dma_wait3A_191 = arith.constant 0 : i32
      %dma_wait3A_192 = tpu.memref_slice %arg2[%mul3A_4, %dma_wait3A_191] : memref<4096x384xbf16, #tpu.memory_space<hbm>> -> memref<256x384xbf16, #tpu.memory_space<hbm>>
      tpu.wait_dma2 semaphore(%run_scoped3A : memref<!tpu.dma_semaphore, #tpu.memory_space<semaphore_mem>>) src(%dma_wait3A_192 : memref<256x384xbf16, #tpu.memory_space<hbm>>) dst(%dma_wait3A_190 : memref<256x384xbf16, #tpu.memory_space<vmem_shared>>)
      tpu.yield
    }) : () -> ()
    %barrier3A = arith.constant 0 : index
    tpu.barrier barrier_id(%barrier3A)
    %add3A_7 = arith.constant 0 : i32
    %add3A_8 = arith.addi %mul3A_2, %add3A_7 : i32
    %dma_start3A = arith.constant 0 : i32
    %dma_start3A_9 = tpu.memref_slice %arg3[%add3A_8, %dma_start3A] : memref<4096x40xi32, #tpu.memory_space<hbm>> -> memref<1x40xi32, #tpu.memory_space<hbm>>
    %dma_start3A_10 = tpu.memref_squeeze %dma_start3A_9 : memref<1x40xi32, #tpu.memory_space<hbm>> -> memref<40xi32, #tpu.memory_space<hbm>>
    %dma_start3A_11 = arith.constant 0 : i32
    %dma_start3A_12 = tpu.memref_slice %arg3[%add3A_8, %dma_start3A_11] : memref<4096x40xi32, #tpu.memory_space<hbm>> -> memref<1x40xi32, #tpu.memory_space<hbm>>
    %dma_start3A_13 = tpu.memref_squeeze %dma_start3A_12 : memref<1x40xi32, #tpu.memory_space<hbm>> -> memref<40xi32, #tpu.memory_space<hbm>>
    tpu.enqueue_dma source(%dma_start3A_13 : memref<40xi32, #tpu.memory_space<hbm>>) target(%arg6 : memref<40xi32, #tpu.memory_space<vmem>>) target_semaphore(%arg23 : memref<!tpu.dma_semaphore, #tpu.memory_space<semaphore_mem>>)
    %add3A_14 = arith.constant 0 : i32
    %add3A_15 = arith.addi %mul3A_2, %add3A_14 : i32
    %dma_start3A_16 = arith.constant 0 : i32
    %dma_start3A_17 = tpu.memref_slice %arg4[%add3A_15, %dma_start3A_16] : memref<4096x576xf32, #tpu.memory_space<hbm>> -> memref<1x576xf32, #tpu.memory_space<hbm>>
    %dma_start3A_18 = tpu.memref_squeeze %dma_start3A_17 : memref<1x576xf32, #tpu.memory_space<hbm>> -> memref<576xf32, #tpu.memory_space<hbm>>
    %dma_start3A_19 = arith.constant 0 : i32
    %dma_start3A_20 = tpu.memref_slice %arg4[%add3A_15, %dma_start3A_19] : memref<4096x576xf32, #tpu.memory_space<hbm>> -> memref<1x576xf32, #tpu.memory_space<hbm>>
    %dma_start3A_21 = tpu.memref_squeeze %dma_start3A_20 : memref<1x576xf32, #tpu.memory_space<hbm>> -> memref<576xf32, #tpu.memory_space<hbm>>
    tpu.enqueue_dma source(%dma_start3A_21 : memref<576xf32, #tpu.memory_space<hbm>>) target(%arg10 : memref<576xf32, #tpu.memory_space<vmem>>) target_semaphore(%arg23 : memref<!tpu.dma_semaphore, #tpu.memory_space<semaphore_mem>>)
    %add3A_22 = arith.constant 1 : i32
    %add3A_23 = arith.addi %mul3A_2, %add3A_22 : i32
    %dma_start3A_24 = arith.constant 0 : i32
    %dma_start3A_25 = tpu.memref_slice %arg3[%add3A_23, %dma_start3A_24] : memref<4096x40xi32, #tpu.memory_space<hbm>> -> memref<1x40xi32, #tpu.memory_space<hbm>>
    %dma_start3A_26 = tpu.memref_squeeze %dma_start3A_25 : memref<1x40xi32, #tpu.memory_space<hbm>> -> memref<40xi32, #tpu.memory_space<hbm>>
    %dma_start3A_27 = arith.constant 0 : i32
    %dma_start3A_28 = tpu.memref_slice %arg3[%add3A_23, %dma_start3A_27] : memref<4096x40xi32, #tpu.memory_space<hbm>> -> memref<1x40xi32, #tpu.memory_space<hbm>>
    %dma_start3A_29 = tpu.memref_squeeze %dma_start3A_28 : memref<1x40xi32, #tpu.memory_space<hbm>> -> memref<40xi32, #tpu.memory_space<hbm>>
    tpu.enqueue_dma source(%dma_start3A_29 : memref<40xi32, #tpu.memory_space<hbm>>) target(%arg7 : memref<40xi32, #tpu.memory_space<vmem>>) target_semaphore(%arg24 : memref<!tpu.dma_semaphore, #tpu.memory_space<semaphore_mem>>)
    %add3A_30 = arith.constant 1 : i32
    %add3A_31 = arith.addi %mul3A_2, %add3A_30 : i32
    %dma_start3A_32 = arith.constant 0 : i32
    %dma_start3A_33 = tpu.memref_slice %arg4[%add3A_31, %dma_start3A_32] : memref<4096x576xf32, #tpu.memory_space<hbm>> -> memref<1x576xf32, #tpu.memory_space<hbm>>
    %dma_start3A_34 = tpu.memref_squeeze %dma_start3A_33 : memref<1x576xf32, #tpu.memory_space<hbm>> -> memref<576xf32, #tpu.memory_space<hbm>>
    %dma_start3A_35 = arith.constant 0 : i32
    %dma_start3A_36 = tpu.memref_slice %arg4[%add3A_31, %dma_start3A_35] : memref<4096x576xf32, #tpu.memory_space<hbm>> -> memref<1x576xf32, #tpu.memory_space<hbm>>
    %dma_start3A_37 = tpu.memref_squeeze %dma_start3A_36 : memref<1x576xf32, #tpu.memory_space<hbm>> -> memref<576xf32, #tpu.memory_space<hbm>>
    tpu.enqueue_dma source(%dma_start3A_37 : memref<576xf32, #tpu.memory_space<hbm>>) target(%arg11 : memref<576xf32, #tpu.memory_space<vmem>>) target_semaphore(%arg24 : memref<!tpu.dma_semaphore, #tpu.memory_space<semaphore_mem>>)
    %add3A_38 = arith.constant 2 : i32
    %add3A_39 = arith.addi %mul3A_2, %add3A_38 : i32
    %dma_start3A_40 = arith.constant 0 : i32
    %dma_start3A_41 = tpu.memref_slice %arg3[%add3A_39, %dma_start3A_40] : memref<4096x40xi32, #tpu.memory_space<hbm>> -> memref<1x40xi32, #tpu.memory_space<hbm>>
    %dma_start3A_42 = tpu.memref_squeeze %dma_start3A_41 : memref<1x40xi32, #tpu.memory_space<hbm>> -> memref<40xi32, #tpu.memory_space<hbm>>
    %dma_start3A_43 = arith.constant 0 : i32
    %dma_start3A_44 = tpu.memref_slice %arg3[%add3A_39, %dma_start3A_43] : memref<4096x40xi32, #tpu.memory_space<hbm>> -> memref<1x40xi32, #tpu.memory_space<hbm>>
    %dma_start3A_45 = tpu.memref_squeeze %dma_start3A_44 : memref<1x40xi32, #tpu.memory_space<hbm>> -> memref<40xi32, #tpu.memory_space<hbm>>
    tpu.enqueue_dma source(%dma_start3A_45 : memref<40xi32, #tpu.memory_space<hbm>>) target(%arg8 : memref<40xi32, #tpu.memory_space<vmem>>) target_semaphore(%arg25 : memref<!tpu.dma_semaphore, #tpu.memory_space<semaphore_mem>>)
    %add3A_46 = arith.constant 2 : i32
    %add3A_47 = arith.addi %mul3A_2, %add3A_46 : i32
    %dma_start3A_48 = arith.constant 0 : i32
    %dma_start3A_49 = tpu.memref_slice %arg4[%add3A_47, %dma_start3A_48] : memref<4096x576xf32, #tpu.memory_space<hbm>> -> memref<1x576xf32, #tpu.memory_space<hbm>>
    %dma_start3A_50 = tpu.memref_squeeze %dma_start3A_49 : memref<1x576xf32, #tpu.memory_space<hbm>> -> memref<576xf32, #tpu.memory_space<hbm>>
    %dma_start3A_51 = arith.constant 0 : i32
    %dma_start3A_52 = tpu.memref_slice %arg4[%add3A_47, %dma_start3A_51] : memref<4096x576xf32, #tpu.memory_space<hbm>> -> memref<1x576xf32, #tpu.memory_space<hbm>>
    %dma_start3A_53 = tpu.memref_squeeze %dma_start3A_52 : memref<1x576xf32, #tpu.memory_space<hbm>> -> memref<576xf32, #tpu.memory_space<hbm>>
    tpu.enqueue_dma source(%dma_start3A_53 : memref<576xf32, #tpu.memory_space<hbm>>) target(%arg12 : memref<576xf32, #tpu.memory_space<vmem>>) target_semaphore(%arg25 : memref<!tpu.dma_semaphore, #tpu.memory_space<semaphore_mem>>)
    %add3A_54 = arith.constant 0 : i32
    %add3A_55 = arith.addi %mul3A_2, %add3A_54 : i32
    %dma_wait3A = arith.constant 0 : i32
    %dma_wait3A_56 = tpu.memref_slice %arg3[%add3A_55, %dma_wait3A] : memref<4096x40xi32, #tpu.memory_space<hbm>> -> memref<1x40xi32, #tpu.memory_space<hbm>>
    %dma_wait3A_57 = tpu.memref_squeeze %dma_wait3A_56 : memref<1x40xi32, #tpu.memory_space<hbm>> -> memref<40xi32, #tpu.memory_space<hbm>>
    %dma_wait3A_58 = arith.constant 0 : i32
    %dma_wait3A_59 = tpu.memref_slice %arg3[%add3A_55, %dma_wait3A_58] : memref<4096x40xi32, #tpu.memory_space<hbm>> -> memref<1x40xi32, #tpu.memory_space<hbm>>
    %dma_wait3A_60 = tpu.memref_squeeze %dma_wait3A_59 : memref<1x40xi32, #tpu.memory_space<hbm>> -> memref<40xi32, #tpu.memory_space<hbm>>
    tpu.wait_dma2 semaphore(%arg23 : memref<!tpu.dma_semaphore, #tpu.memory_space<semaphore_mem>>) src(%dma_wait3A_60 : memref<40xi32, #tpu.memory_space<hbm>>) dst(%arg6 : memref<40xi32, #tpu.memory_space<vmem>>)
    %add3A_61 = arith.constant 0 : i32
    %add3A_62 = arith.addi %mul3A_2, %add3A_61 : i32
    %dma_wait3A_63 = arith.constant 0 : i32
    %dma_wait3A_64 = tpu.memref_slice %arg4[%add3A_62, %dma_wait3A_63] : memref<4096x576xf32, #tpu.memory_space<hbm>> -> memref<1x576xf32, #tpu.memory_space<hbm>>
    %dma_wait3A_65 = tpu.memref_squeeze %dma_wait3A_64 : memref<1x576xf32, #tpu.memory_space<hbm>> -> memref<576xf32, #tpu.memory_space<hbm>>
    %dma_wait3A_66 = arith.constant 0 : i32
    %dma_wait3A_67 = tpu.memref_slice %arg4[%add3A_62, %dma_wait3A_66] : memref<4096x576xf32, #tpu.memory_space<hbm>> -> memref<1x576xf32, #tpu.memory_space<hbm>>
    %dma_wait3A_68 = tpu.memref_squeeze %dma_wait3A_67 : memref<1x576xf32, #tpu.memory_space<hbm>> -> memref<576xf32, #tpu.memory_space<hbm>>
    tpu.wait_dma2 semaphore(%arg23 : memref<!tpu.dma_semaphore, #tpu.memory_space<semaphore_mem>>) src(%dma_wait3A_68 : memref<576xf32, #tpu.memory_space<hbm>>) dst(%arg10 : memref<576xf32, #tpu.memory_space<vmem>>)
    %dma_start3A_69 = arith.constant 0 : i32
    %dma_start3A_70 = arith.constant 0 : i32
    %dma_start3A_71 = tpu.memref_slice %arg14[%dma_start3A_69, %dma_start3A_70] : memref<40x384xbf16, #tpu.memory_space<vmem>> -> memref<36x384xbf16, #tpu.memory_space<vmem>>
    %dma_start3A_72 = arith.constant 0 : i32
    %dma_start3A_73 = tpu.memref_slice %arg6[%dma_start3A_72] : memref<40xi32, #tpu.memory_space<vmem>> -> memref<36xi32, #tpu.memory_space<vmem>>
    %dma_start3A_74 = arith.constant 0 : i32
    %dma_start3A_75 = arith.constant 0 : i32
    %dma_start3A_76 = tpu.memref_slice %arg22[%dma_start3A_74, %dma_start3A_75] : memref<4096x384xbf16, #tpu.memory_space<vmem_shared>> -> memref<4096x384xbf16, #tpu.memory_space<vmem_shared>>
    tpu.enqueue_indirect_dma source(%dma_start3A_76 : memref<4096x384xbf16, #tpu.memory_space<vmem_shared>>) target(%dma_start3A_71 : memref<36x384xbf16, #tpu.memory_space<vmem>>) offsets(%dma_start3A_73 : memref<36xi32, #tpu.memory_space<vmem>>) semaphore(%arg27 : memref<!tpu.dma_semaphore, #tpu.memory_space<semaphore_mem>>)
    %add3A_77 = arith.constant 1 : i32
    %add3A_78 = arith.addi %mul3A_2, %add3A_77 : i32
    %dma_wait3A_79 = arith.constant 0 : i32
    %dma_wait3A_80 = tpu.memref_slice %arg3[%add3A_78, %dma_wait3A_79] : memref<4096x40xi32, #tpu.memory_space<hbm>> -> memref<1x40xi32, #tpu.memory_space<hbm>>
    %dma_wait3A_81 = tpu.memref_squeeze %dma_wait3A_80 : memref<1x40xi32, #tpu.memory_space<hbm>> -> memref<40xi32, #tpu.memory_space<hbm>>
    %dma_wait3A_82 = arith.constant 0 : i32
    %dma_wait3A_83 = tpu.memref_slice %arg3[%add3A_78, %dma_wait3A_82] : memref<4096x40xi32, #tpu.memory_space<hbm>> -> memref<1x40xi32, #tpu.memory_space<hbm>>
    %dma_wait3A_84 = tpu.memref_squeeze %dma_wait3A_83 : memref<1x40xi32, #tpu.memory_space<hbm>> -> memref<40xi32, #tpu.memory_space<hbm>>
    tpu.wait_dma2 semaphore(%arg24 : memref<!tpu.dma_semaphore, #tpu.memory_space<semaphore_mem>>) src(%dma_wait3A_84 : memref<40xi32, #tpu.memory_space<hbm>>) dst(%arg7 : memref<40xi32, #tpu.memory_space<vmem>>)
    %add3A_85 = arith.constant 1 : i32
    %add3A_86 = arith.addi %mul3A_2, %add3A_85 : i32
    %dma_wait3A_87 = arith.constant 0 : i32
    %dma_wait3A_88 = tpu.memref_slice %arg4[%add3A_86, %dma_wait3A_87] : memref<4096x576xf32, #tpu.memory_space<hbm>> -> memref<1x576xf32, #tpu.memory_space<hbm>>
    %dma_wait3A_89 = tpu.memref_squeeze %dma_wait3A_88 : memref<1x576xf32, #tpu.memory_space<hbm>> -> memref<576xf32, #tpu.memory_space<hbm>>
    %dma_wait3A_90 = arith.constant 0 : i32
    %dma_wait3A_91 = tpu.memref_slice %arg4[%add3A_86, %dma_wait3A_90] : memref<4096x576xf32, #tpu.memory_space<hbm>> -> memref<1x576xf32, #tpu.memory_space<hbm>>
    %dma_wait3A_92 = tpu.memref_squeeze %dma_wait3A_91 : memref<1x576xf32, #tpu.memory_space<hbm>> -> memref<576xf32, #tpu.memory_space<hbm>>
    tpu.wait_dma2 semaphore(%arg24 : memref<!tpu.dma_semaphore, #tpu.memory_space<semaphore_mem>>) src(%dma_wait3A_92 : memref<576xf32, #tpu.memory_space<hbm>>) dst(%arg11 : memref<576xf32, #tpu.memory_space<vmem>>)
    %dma_start3A_93 = arith.constant 0 : i32
    %dma_start3A_94 = arith.constant 0 : i32
    %dma_start3A_95 = tpu.memref_slice %arg15[%dma_start3A_93, %dma_start3A_94] : memref<40x384xbf16, #tpu.memory_space<vmem>> -> memref<36x384xbf16, #tpu.memory_space<vmem>>
    %dma_start3A_96 = arith.constant 0 : i32
    %dma_start3A_97 = tpu.memref_slice %arg7[%dma_start3A_96] : memref<40xi32, #tpu.memory_space<vmem>> -> memref<36xi32, #tpu.memory_space<vmem>>
    %dma_start3A_98 = arith.constant 0 : i32
    %dma_start3A_99 = arith.constant 0 : i32
    %dma_start3A_100 = tpu.memref_slice %arg22[%dma_start3A_98, %dma_start3A_99] : memref<4096x384xbf16, #tpu.memory_space<vmem_shared>> -> memref<4096x384xbf16, #tpu.memory_space<vmem_shared>>
    tpu.enqueue_indirect_dma source(%dma_start3A_100 : memref<4096x384xbf16, #tpu.memory_space<vmem_shared>>) target(%dma_start3A_95 : memref<36x384xbf16, #tpu.memory_space<vmem>>) offsets(%dma_start3A_97 : memref<36xi32, #tpu.memory_space<vmem>>) semaphore(%arg28 : memref<!tpu.dma_semaphore, #tpu.memory_space<semaphore_mem>>)
    %scan3A = arith.constant 0 : i32
    %scan3A_101 = arith.constant 0 : i32
    %scan3A_102 = arith.constant 32 : i32
    %scan3A_103 = arith.addi %scan3A_101, %scan3A_102 : i32
    %scan3A_104 = arith.constant 1 : i32
    scf.for %scan3A_185 = %scan3A_101 to %scan3A_103 step %scan3A_104  : i32 {
      %mul3A_186 = arith.constant 4 : i32
      %mul3A_187 = arith.muli %scan3A_185, %mul3A_186 : i32
      %add3A_188 = arith.constant 0 : i32
      %add3A_189 = arith.addi %mul3A_187, %add3A_188 : i32
      %dma_wait3A_190 = arith.constant 0 : i32
      %dma_wait3A_191 = arith.constant 0 : i32
      %dma_wait3A_192 = tpu.memref_slice %arg14[%dma_wait3A_190, %dma_wait3A_191] : memref<40x384xbf16, #tpu.memory_space<vmem>> -> memref<36x384xbf16, #tpu.memory_space<vmem>>
      %dma_wait3A_193 = arith.constant 0 : i32
      %dma_wait3A_194 = tpu.memref_slice %arg6[%dma_wait3A_193] : memref<40xi32, #tpu.memory_space<vmem>> -> memref<36xi32, #tpu.memory_space<vmem>>
      %dma_wait3A_195 = arith.constant 0 : i32
      %dma_wait3A_196 = arith.constant 0 : i32
      %dma_wait3A_197 = tpu.memref_slice %arg22[%dma_wait3A_195, %dma_wait3A_196] : memref<4096x384xbf16, #tpu.memory_space<vmem_shared>> -> memref<4096x384xbf16, #tpu.memory_space<vmem_shared>>
      tpu.wait_indirect_dma semaphore(%arg27 : memref<!tpu.dma_semaphore, #tpu.memory_space<semaphore_mem>>) src(%dma_wait3A_197 : memref<4096x384xbf16, #tpu.memory_space<vmem_shared>>) dst(%dma_wait3A_192 : memref<36x384xbf16, #tpu.memory_space<vmem>>)
      %add3A_198 = arith.constant 2 : i32
      %add3A_199 = arith.addi %add3A_189, %add3A_198 : i32
      %and3A = arith.constant 127 : i32
      %and3A_200 = arith.andi %add3A_199, %and3A : i32
      %add3A_201 = arith.addi %mul3A_2, %and3A_200 : i32
      %dma_wait3A_202 = arith.constant 0 : i32
      %dma_wait3A_203 = tpu.memref_slice %arg3[%add3A_201, %dma_wait3A_202] : memref<4096x40xi32, #tpu.memory_space<hbm>> -> memref<1x40xi32, #tpu.memory_space<hbm>>
      %dma_wait3A_204 = tpu.memref_squeeze %dma_wait3A_203 : memref<1x40xi32, #tpu.memory_space<hbm>> -> memref<40xi32, #tpu.memory_space<hbm>>
      %dma_wait3A_205 = arith.constant 0 : i32
      %dma_wait3A_206 = tpu.memref_slice %arg3[%add3A_201, %dma_wait3A_205] : memref<4096x40xi32, #tpu.memory_space<hbm>> -> memref<1x40xi32, #tpu.memory_space<hbm>>
      %dma_wait3A_207 = tpu.memref_squeeze %dma_wait3A_206 : memref<1x40xi32, #tpu.memory_space<hbm>> -> memref<40xi32, #tpu.memory_space<hbm>>
      tpu.wait_dma2 semaphore(%arg25 : memref<!tpu.dma_semaphore, #tpu.memory_space<semaphore_mem>>) src(%dma_wait3A_207 : memref<40xi32, #tpu.memory_space<hbm>>) dst(%arg8 : memref<40xi32, #tpu.memory_space<vmem>>)
      %add3A_208 = arith.addi %mul3A_2, %and3A_200 : i32
      %dma_wait3A_209 = arith.constant 0 : i32
      %dma_wait3A_210 = tpu.memref_slice %arg4[%add3A_208, %dma_wait3A_209] : memref<4096x576xf32, #tpu.memory_space<hbm>> -> memref<1x576xf32, #tpu.memory_space<hbm>>
      %dma_wait3A_211 = tpu.memref_squeeze %dma_wait3A_210 : memref<1x576xf32, #tpu.memory_space<hbm>> -> memref<576xf32, #tpu.memory_space<hbm>>
      %dma_wait3A_212 = arith.constant 0 : i32
      %dma_wait3A_213 = tpu.memref_slice %arg4[%add3A_208, %dma_wait3A_212] : memref<4096x576xf32, #tpu.memory_space<hbm>> -> memref<1x576xf32, #tpu.memory_space<hbm>>
      %dma_wait3A_214 = tpu.memref_squeeze %dma_wait3A_213 : memref<1x576xf32, #tpu.memory_space<hbm>> -> memref<576xf32, #tpu.memory_space<hbm>>
      tpu.wait_dma2 semaphore(%arg25 : memref<!tpu.dma_semaphore, #tpu.memory_space<semaphore_mem>>) src(%dma_wait3A_214 : memref<576xf32, #tpu.memory_space<hbm>>) dst(%arg12 : memref<576xf32, #tpu.memory_space<vmem>>)
      %dma_start3A_215 = arith.constant 0 : i32
      %dma_start3A_216 = arith.constant 0 : i32
      %dma_start3A_217 = tpu.memref_slice %arg16[%dma_start3A_215, %dma_start3A_216] : memref<40x384xbf16, #tpu.memory_space<vmem>> -> memref<36x384xbf16, #tpu.memory_space<vmem>>
      %dma_start3A_218 = arith.constant 0 : i32
      %dma_start3A_219 = tpu.memref_slice %arg8[%dma_start3A_218] : memref<40xi32, #tpu.memory_space<vmem>> -> memref<36xi32, #tpu.memory_space<vmem>>
      %dma_start3A_220 = arith.constant 0 : i32
      %dma_start3A_221 = arith.constant 0 : i32
      %dma_start3A_222 = tpu.memref_slice %arg22[%dma_start3A_220, %dma_start3A_221] : memref<4096x384xbf16, #tpu.memory_space<vmem_shared>> -> memref<4096x384xbf16, #tpu.memory_space<vmem_shared>>
      tpu.enqueue_indirect_dma source(%dma_start3A_222 : memref<4096x384xbf16, #tpu.memory_space<vmem_shared>>) target(%dma_start3A_217 : memref<36x384xbf16, #tpu.memory_space<vmem>>) offsets(%dma_start3A_219 : memref<36xi32, #tpu.memory_space<vmem>>) semaphore(%arg29 : memref<!tpu.dma_semaphore, #tpu.memory_space<semaphore_mem>>)
      %gt3A = arith.constant 0 : i32
      %gt3A_223 = arith.cmpi sgt, %scan3A_185, %gt3A : i32
      %convert_element_type3A = arith.extui %gt3A_223 : i1 to i32
      %cond3A = arith.constant 0 : i32
      %cond3A_224 = arith.cmpi ne, %convert_element_type3A, %cond3A : i32
      scf.if %cond3A_224 {
        %add3A_1059 = arith.addi %mul3A_2, %add3A_189 : i32
        %sub3A_1060 = arith.constant 4 : i32
        %sub3A_1061 = arith.subi %add3A_1059, %sub3A_1060 : i32
        %dma_wait3A_1062 = arith.constant 0 : i32
        %dma_wait3A_1063 = tpu.memref_slice %arg5[%sub3A_1061, %dma_wait3A_1062] : memref<4096x384xf32, #tpu.memory_space<hbm>> -> memref<1x384xf32, #tpu.memory_space<hbm>>
        %dma_wait3A_1064 = tpu.memref_squeeze %dma_wait3A_1063 : memref<1x384xf32, #tpu.memory_space<hbm>> -> memref<384xf32, #tpu.memory_space<hbm>>
        %dma_wait3A_1065 = arith.constant 0 : i32
        %dma_wait3A_1066 = tpu.memref_slice %arg5[%sub3A_1061, %dma_wait3A_1065] : memref<4096x384xf32, #tpu.memory_space<hbm>> -> memref<1x384xf32, #tpu.memory_space<hbm>>
        %dma_wait3A_1067 = tpu.memref_squeeze %dma_wait3A_1066 : memref<1x384xf32, #tpu.memory_space<hbm>> -> memref<384xf32, #tpu.memory_space<hbm>>
        tpu.wait_dma2 semaphore(%arg31 : memref<!tpu.dma_semaphore, #tpu.memory_space<semaphore_mem>>) src(%arg18 : memref<384xf32, #tpu.memory_space<vmem>>) dst(%dma_wait3A_1067 : memref<384xf32, #tpu.memory_space<hbm>>)
      } else {
      }
      %get3A = arith.constant 0 : index
      %get3A_225 = tpu.vector_load %arg10[%get3A] {strides = array<i32>} : memref<576xf32, #tpu.memory_space<vmem>>, vector<16xf32>,
      %get3A_226 = arith.constant 0 : i32
      %get3A_227 = arith.index_cast %get3A_226 : i32 to index
      %get3A_228 = arith.constant 0 : index
      %get3A_229 = tpu.vector_load %arg14[%get3A_227, %get3A_228] {strides = array<i32>} : memref<40x384xbf16, #tpu.memory_space<vmem>>, vector<32xbf16>,
      %unpack3A = tpu.unpack_subelements %get3A_229, 0 {pack_format = #tpu.pack_format<interleaved>} : vector<32xbf16> -> vector<16xf32>
      %unpack3A_230 = tpu.unpack_subelements %get3A_229, 1 {pack_format = #tpu.pack_format<interleaved>} : vector<32xbf16> -> vector<16xf32>
      %mul3A_231 = arith.mulf %unpack3A, %get3A_225 : vector<16xf32>
      %swap3A = arith.constant 0 : index
      %swap3A_232 = tpu.vector_load %arg18[%swap3A] {strides = array<i32>} : memref<384xf32, #tpu.memory_space<vmem>>, vector<16xf32>,
      tpu.vector_store %arg18[%swap3A], %mul3A_231 {strides = array<i32>} : memref<384xf32, #tpu.memory_space<vmem>>, vector<16xf32>,
      %mul3A_233 = arith.mulf %unpack3A_230, %get3A_225 : vector<16xf32>
      %swap3A_234 = arith.constant 16 : index
      %swap3A_235 = tpu.vector_load %arg18[%swap3A_234] {strides = array<i32>} : memref<384xf32, #tpu.memory_space<vmem>>, vector<16xf32>,
      tpu.vector_store %arg18[%swap3A_234], %mul3A_233 {strides = array<i32>} : memref<384xf32, #tpu.memory_space<vmem>>, vector<16xf32>,
      %get3A_236 = arith.constant 0 : i32
      %get3A_237 = arith.index_cast %get3A_236 : i32 to index
      %get3A_238 = arith.constant 32 : index
      %get3A_239 = tpu.vector_load %arg14[%get3A_237, %get3A_238] {strides = array<i32>} : memref<40x384xbf16, #tpu.memory_space<vmem>>, vector<32xbf16>,
      %unpack3A_240 = tpu.unpack_subelements %get3A_239, 0 {pack_format = #tpu.pack_format<interleaved>} : vector<32xbf16> -> vector<16xf32>
      %unpack3A_241 = tpu.unpack_subelements %get3A_239, 1 {pack_format = #tpu.pack_format<interleaved>} : vector<32xbf16> -> vector<16xf32>
      %mul3A_242 = arith.mulf %unpack3A_240, %get3A_225 : vector<16xf32>
      %swap3A_243 = arith.constant 32 : index
      %swap3A_244 = tpu.vector_load %arg18[%swap3A_243] {strides = array<i32>} : memref<384xf32, #tpu.memory_space<vmem>>, vector<16xf32>,
      tpu.vector_store %arg18[%swap3A_243], %mul3A_242 {strides = array<i32>} : memref<384xf32, #tpu.memory_space<vmem>>, vector<16xf32>,
      %mul3A_245 = arith.mulf %unpack3A_241, %get3A_225 : vector<16xf32>
      %swap3A_246 = arith.constant 48 : index
      %swap3A_247 = tpu.vector_load %arg18[%swap3A_246] {strides = array<i32>} : memref<384xf32, #tpu.memory_space<vmem>>, vector<16xf32>,
      tpu.vector_store %arg18[%swap3A_246], %mul3A_245 {strides = array<i32>} : memref<384xf32, #tpu.memory_space<vmem>>, vector<16xf32>,
      %get3A_248 = arith.constant 0 : i32
      %get3A_249 = arith.index_cast %get3A_248 : i32 to index
      %get3A_250 = arith.constant 64 : index
      %get3A_251 = tpu.vector_load %arg14[%get3A_249, %get3A_250] {strides = array<i32>} : memref<40x384xbf16, #tpu.memory_space<vmem>>, vector<32xbf16>,
      %unpack3A_252 = tpu.unpack_subelements %get3A_251, 0 {pack_format = #tpu.pack_format<interleaved>} : vector<32xbf16> -> vector<16xf32>
      %unpack3A_253 = tpu.unpack_subelements %get3A_251, 1 {pack_format = #tpu.pack_format<interleaved>} : vector<32xbf16> -> vector<16xf32>
      %mul3A_254 = arith.mulf %unpack3A_252, %get3A_225 : vector<16xf32>
      %swap3A_255 = arith.constant 64 : index
      %swap3A_256 = tpu.vector_load %arg18[%swap3A_255] {strides = array<i32>} : memref<384xf32, #tpu.memory_space<vmem>>, vector<16xf32>,
      tpu.vector_store %arg18[%swap3A_255], %mul3A_254 {strides = array<i32>} : memref<384xf32, #tpu.memory_space<vmem>>, vector<16xf32>,
      %mul3A_257 = arith.mulf %unpack3A_253, %get3A_225 : vector<16xf32>
      %swap3A_258 = arith.constant 80 : index
      %swap3A_259 = tpu.vector_load %arg18[%swap3A_258] {strides = array<i32>} : memref<384xf32, #tpu.memory_space<vmem>>, vector<16xf32>,
      tpu.vector_store %arg18[%swap3A_258], %mul3A_257 {strides = array<i32>} : memref<384xf32, #tpu.memory_space<vmem>>, vector<16xf32>,
      %get3A_260 = arith.constant 0 : i32
      %get3A_261 = arith.index_cast %get3A_260 : i32 to index
      %get3A_262 = arith.constant 96 : index
      %get3A_263 = tpu.vector_load %arg14[%get3A_261, %get3A_262] {strides = array<i32>} : memref<40x384xbf16, #tpu.memory_space<vmem>>, vector<32xbf16>,
      %unpack3A_264 = tpu.unpack_subelements %get3A_263, 0 {pack_format = #tpu.pack_format<interleaved>} : vector<32xbf16> -> vector<16xf32>
      %unpack3A_265 = tpu.unpack_subelements %get3A_263, 1 {pack_format = #tpu.pack_format<interleaved>} : vector<32xbf16> -> vector<16xf32>
      %mul3A_266 = arith.mulf %unpack3A_264, %get3A_225 : vector<16xf32>
      %swap3A_267 = arith.constant 96 : index
      %swap3A_268 = tpu.vector_load %arg18[%swap3A_267] {strides = array<i32>} : memref<384xf32, #tpu.memory_space<vmem>>, vector<16xf32>,
      tpu.vector_store %arg18[%swap3A_267], %mul3A_266 {strides = array<i32>} : memref<384xf32, #tpu.memory_space<vmem>>, vector<16xf32>,
      %mul3A_269 = arith.mulf %unpack3A_265, %get3A_225 : vector<16xf32>
      %swap3A_270 = arith.constant 112 : index
      %swap3A_271 = tpu.vector_load %arg18[%swap3A_270] {strides = array<i32>} : memref<384xf32, #tpu.memory_space<vmem>>, vector<16xf32>,
      tpu.vector_store %arg18[%swap3A_270], %mul3A_269 {strides = array<i32>} : memref<384xf32, #tpu.memory_space<vmem>>, vector<16xf32>,
      %get3A_272 = arith.constant 0 : i32
      %get3A_273 = arith.index_cast %get3A_272 : i32 to index
      %get3A_274 = arith.constant 128 : index
      %get3A_275 = tpu.vector_load %arg14[%get3A_273, %get3A_274] {strides = array<i32>} : memref<40x384xbf16, #tpu.memory_space<vmem>>, vector<32xbf16>,
      %unpack3A_276 = tpu.unpack_subelements %get3A_275, 0 {pack_format = #tpu.pack_format<interleaved>} : vector<32xbf16> -> vector<16xf32>
      %unpack3A_277 = tpu.unpack_subelements %get3A_275, 1 {pack_format = #tpu.pack_format<interleaved>} : vector<32xbf16> -> vector<16xf32>
      %mul3A_278 = arith.mulf %unpack3A_276, %get3A_225 : vector<16xf32>
      %swap3A_279 = arith.constant 128 : index
      %swap3A_280 = tpu.vector_load %arg18[%swap3A_279] {strides = array<i32>} : memref<384xf32, #tpu.memory_space<vmem>>, vector<16xf32>,
      tpu.vector_store %arg18[%swap3A_279], %mul3A_278 {strides = array<i32>} : memref<384xf32, #tpu.memory_space<vmem>>, vector<16xf32>,
      %mul3A_281 = arith.mulf %unpack3A_277, %get3A_225 : vector<16xf32>
      %swap3A_282 = arith.constant 144 : index
      %swap3A_283 = tpu.vector_load %arg18[%swap3A_282] {strides = array<i32>} : memref<384xf32, #tpu.memory_space<vmem>>, vector<16xf32>,
      tpu.vector_store %arg18[%swap3A_282], %mul3A_281 {strides = array<i32>} : memref<384xf32, #tpu.memory_space<vmem>>, vector<16xf32>,
      %get3A_284 = arith.constant 0 : i32
      %get3A_285 = arith.index_cast %get3A_284 : i32 to index
      %get3A_286 = arith.constant 160 : index
      %get3A_287 = tpu.vector_load %arg14[%get3A_285, %get3A_286] {strides = array<i32>} : memref<40x384xbf16, #tpu.memory_space<vmem>>, vector<32xbf16>,
      %unpack3A_288 = tpu.unpack_subelements %get3A_287, 0 {pack_format = #tpu.pack_format<interleaved>} : vector<32xbf16> -> vector<16xf32>
      %unpack3A_289 = tpu.unpack_subelements %get3A_287, 1 {pack_format = #tpu.pack_format<interleaved>} : vector<32xbf16> -> vector<16xf32>
      %mul3A_290 = arith.mulf %unpack3A_288, %get3A_225 : vector<16xf32>
      %swap3A_291 = arith.constant 160 : index
      %swap3A_292 = tpu.vector_load %arg18[%swap3A_291] {strides = array<i32>} : memref<384xf32, #tpu.memory_space<vmem>>, vector<16xf32>,
      tpu.vector_store %arg18[%swap3A_291], %mul3A_290 {strides = array<i32>} : memref<384xf32, #tpu.memory_space<vmem>>, vector<16xf32>,
      %mul3A_293 = arith.mulf %unpack3A_289, %get3A_225 : vector<16xf32>
      %swap3A_294 = arith.constant 176 : index
      %swap3A_295 = tpu.vector_load %arg18[%swap3A_294] {strides = array<i32>} : memref<384xf32, #tpu.memory_space<vmem>>, vector<16xf32>,
      tpu.vector_store %arg18[%swap3A_294], %mul3A_293 {strides = array<i32>} : memref<384xf32, #tpu.memory_space<vmem>>, vector<16xf32>,
      %get3A_296 = arith.constant 0 : i32
      %get3A_297 = arith.index_cast %get3A_296 : i32 to index
      %get3A_298 = arith.constant 192 : index
      %get3A_299 = tpu.vector_load %arg14[%get3A_297, %get3A_298] {strides = array<i32>} : memref<40x384xbf16, #tpu.memory_space<vmem>>, vector<32xbf16>,
      %unpack3A_300 = tpu.unpack_subelements %get3A_299, 0 {pack_format = #tpu.pack_format<interleaved>} : vector<32xbf16> -> vector<16xf32>
      %unpack3A_301 = tpu.unpack_subelements %get3A_299, 1 {pack_format = #tpu.pack_format<interleaved>} : vector<32xbf16> -> vector<16xf32>
      %mul3A_302 = arith.mulf %unpack3A_300, %get3A_225 : vector<16xf32>
      %swap3A_303 = arith.constant 192 : index
      %swap3A_304 = tpu.vector_load %arg18[%swap3A_303] {strides = array<i32>} : memref<384xf32, #tpu.memory_space<vmem>>, vector<16xf32>,
      tpu.vector_store %arg18[%swap3A_303], %mul3A_302 {strides = array<i32>} : memref<384xf32, #tpu.memory_space<vmem>>, vector<16xf32>,
      %mul3A_305 = arith.mulf %unpack3A_301, %get3A_225 : vector<16xf32>
      %swap3A_306 = arith.constant 208 : index
      %swap3A_307 = tpu.vector_load %arg18[%swap3A_306] {strides = array<i32>} : memref<384xf32, #tpu.memory_space<vmem>>, vector<16xf32>,
      tpu.vector_store %arg18[%swap3A_306], %mul3A_305 {strides = array<i32>} : memref<384xf32, #tpu.memory_space<vmem>>, vector<16xf32>,
      %get3A_308 = arith.constant 0 : i32
      %get3A_309 = arith.index_cast %get3A_308 : i32 to index
      %get3A_310 = arith.constant 224 : index
      %get3A_311 = tpu.vector_load %arg14[%get3A_309, %get3A_310] {strides = array<i32>} : memref<40x384xbf16, #tpu.memory_space<vmem>>, vector<32xbf16>,
      %unpack3A_312 = tpu.unpack_subelements %get3A_311, 0 {pack_format = #tpu.pack_format<interleaved>} : vector<32xbf16> -> vector<16xf32>
      %unpack3A_313 = tpu.unpack_subelements %get3A_311, 1 {pack_format = #tpu.pack_format<interleaved>} : vector<32xbf16> -> vector<16xf32>
      %mul3A_314 = arith.mulf %unpack3A_312, %get3A_225 : vector<16xf32>
      %swap3A_315 = arith.constant 224 : index
      %swap3A_316 = tpu.vector_load %arg18[%swap3A_315] {strides = array<i32>} : memref<384xf32, #tpu.memory_space<vmem>>, vector<16xf32>,
      tpu.vector_store %arg18[%swap3A_315], %mul3A_314 {strides = array<i32>} : memref<384xf32, #tpu.memory_space<vmem>>, vector<16xf32>,
      %mul3A_317 = arith.mulf %unpack3A_313, %get3A_225 : vector<16xf32>
      %swap3A_318 = arith.constant 240 : index
      %swap3A_319 = tpu.vector_load %arg18[%swap3A_318] {strides = array<i32>} : memref<384xf32, #tpu.memory_space<vmem>>, vector<16xf32>,
      tpu.vector_store %arg18[%swap3A_318], %mul3A_317 {strides = array<i32>} : memref<384xf32, #tpu.memory_space<vmem>>, vector<16xf32>,
      %get3A_320 = arith.constant 0 : i32
      %get3A_321 = arith.index_cast %get3A_320 : i32 to index
      %get3A_322 = arith.constant 256 : index
      %get3A_323 = tpu.vector_load %arg14[%get3A_321, %get3A_322] {strides = array<i32>} : memref<40x384xbf16, #tpu.memory_space<vmem>>, vector<32xbf16>,
      %unpack3A_324 = tpu.unpack_subelements %get3A_323, 0 {pack_format = #tpu.pack_format<interleaved>} : vector<32xbf16> -> vector<16xf32>
      %unpack3A_325 = tpu.unpack_subelements %get3A_323, 1 {pack_format = #tpu.pack_format<interleaved>} : vector<32xbf16> -> vector<16xf32>
      %mul3A_326 = arith.mulf %unpack3A_324, %get3A_225 : vector<16xf32>
      %swap3A_327 = arith.constant 256 : index
      %swap3A_328 = tpu.vector_load %arg18[%swap3A_327] {strides = array<i32>} : memref<384xf32, #tpu.memory_space<vmem>>, vector<16xf32>,
      tpu.vector_store %arg18[%swap3A_327], %mul3A_326 {strides = array<i32>} : memref<384xf32, #tpu.memory_space<vmem>>, vector<16xf32>,
      %mul3A_329 = arith.mulf %unpack3A_325, %get3A_225 : vector<16xf32>
      %swap3A_330 = arith.constant 272 : index
      %swap3A_331 = tpu.vector_load %arg18[%swap3A_330] {strides = array<i32>} : memref<384xf32, #tpu.memory_space<vmem>>, vector<16xf32>,
      tpu.vector_store %arg18[%swap3A_330], %mul3A_329 {strides = array<i32>} : memref<384xf32, #tpu.memory_space<vmem>>, vector<16xf32>,
      %get3A_332 = arith.constant 0 : i32
      %get3A_333 = arith.index_cast %get3A_332 : i32 to index
      %get3A_334 = arith.constant 288 : index
      %get3A_335 = tpu.vector_load %arg14[%get3A_333, %get3A_334] {strides = array<i32>} : memref<40x384xbf16, #tpu.memory_space<vmem>>, vector<32xbf16>,
      %unpack3A_336 = tpu.unpack_subelements %get3A_335, 0 {pack_format = #tpu.pack_format<interleaved>} : vector<32xbf16> -> vector<16xf32>
      %unpack3A_337 = tpu.unpack_subelements %get3A_335, 1 {pack_format = #tpu.pack_format<interleaved>} : vector<32xbf16> -> vector<16xf32>
      %mul3A_338 = arith.mulf %unpack3A_336, %get3A_225 : vector<16xf32>
      %swap3A_339 = arith.constant 288 : index
      %swap3A_340 = tpu.vector_load %arg18[%swap3A_339] {strides = array<i32>} : memref<384xf32, #tpu.memory_space<vmem>>, vector<16xf32>,
      tpu.vector_store %arg18[%swap3A_339], %mul3A_338 {strides = array<i32>} : memref<384xf32, #tpu.memory_space<vmem>>, vector<16xf32>,
      %mul3A_341 = arith.mulf %unpack3A_337, %get3A_225 : vector<16xf32>
      %swap3A_342 = arith.constant 304 : index
      %swap3A_343 = tpu.vector_load %arg18[%swap3A_342] {strides = array<i32>} : memref<384xf32, #tpu.memory_space<vmem>>, vector<16xf32>,
      tpu.vector_store %arg18[%swap3A_342], %mul3A_341 {strides = array<i32>} : memref<384xf32, #tpu.memory_space<vmem>>, vector<16xf32>,
      %get3A_344 = arith.constant 0 : i32
      %get3A_345 = arith.index_cast %get3A_344 : i32 to index
      %get3A_346 = arith.constant 320 : index
      %get3A_347 = tpu.vector_load %arg14[%get3A_345, %get3A_346] {strides = array<i32>} : memref<40x384xbf16, #tpu.memory_space<vmem>>, vector<32xbf16>,
      %unpack3A_348 = tpu.unpack_subelements %get3A_347, 0 {pack_format = #tpu.pack_format<interleaved>} : vector<32xbf16> -> vector<16xf32>
      %unpack3A_349 = tpu.unpack_subelements %get3A_347, 1 {pack_format = #tpu.pack_format<interleaved>} : vector<32xbf16> -> vector<16xf32>
      %mul3A_350 = arith.mulf %unpack3A_348, %get3A_225 : vector<16xf32>
      %swap3A_351 = arith.constant 320 : index
      %swap3A_352 = tpu.vector_load %arg18[%swap3A_351] {strides = array<i32>} : memref<384xf32, #tpu.memory_space<vmem>>, vector<16xf32>,
      tpu.vector_store %arg18[%swap3A_351], %mul3A_350 {strides = array<i32>} : memref<384xf32, #tpu.memory_space<vmem>>, vector<16xf32>,
      %mul3A_353 = arith.mulf %unpack3A_349, %get3A_225 : vector<16xf32>
      %swap3A_354 = arith.constant 336 : index
      %swap3A_355 = tpu.vector_load %arg18[%swap3A_354] {strides = array<i32>} : memref<384xf32, #tpu.memory_space<vmem>>, vector<16xf32>,
      tpu.vector_store %arg18[%swap3A_354], %mul3A_353 {strides = array<i32>} : memref<384xf32, #tpu.memory_space<vmem>>, vector<16xf32>,
      %get3A_356 = arith.constant 0 : i32
      %get3A_357 = arith.index_cast %get3A_356 : i32 to index
      %get3A_358 = arith.constant 352 : index
      %get3A_359 = tpu.vector_load %arg14[%get3A_357, %get3A_358] {strides = array<i32>} : memref<40x384xbf16, #tpu.memory_space<vmem>>, vector<32xbf16>,
      %unpack3A_360 = tpu.unpack_subelements %get3A_359, 0 {pack_format = #tpu.pack_format<interleaved>} : vector<32xbf16> -> vector<16xf32>
      %unpack3A_361 = tpu.unpack_subelements %get3A_359, 1 {pack_format = #tpu.pack_format<interleaved>} : vector<32xbf16> -> vector<16xf32>
      %mul3A_362 = arith.mulf %unpack3A_360, %get3A_225 : vector<16xf32>
      %swap3A_363 = arith.constant 352 : index
      %swap3A_364 = tpu.vector_load %arg18[%swap3A_363] {strides = array<i32>} : memref<384xf32, #tpu.memory_space<vmem>>, vector<16xf32>,
      tpu.vector_store %arg18[%swap3A_363], %mul3A_362 {strides = array<i32>} : memref<384xf32, #tpu.memory_space<vmem>>, vector<16xf32>,
      %mul3A_365 = arith.mulf %unpack3A_361, %get3A_225 : vector<16xf32>
      %swap3A_366 = arith.constant 368 : index
      %swap3A_367 = tpu.vector_load %arg18[%swap3A_366] {strides = array<i32>} : memref<384xf32, #tpu.memory_space<vmem>>, vector<16xf32>,
      tpu.vector_store %arg18[%swap3A_366], %mul3A_365 {strides = array<i32>} : memref<384xf32, #tpu.memory_space<vmem>>, vector<16xf32>,
      %scan3A_368 = arith.constant 0 : i32
      %scan3A_369 = arith.constant 1 : i32
      %scan3A_370 = arith.constant 35 : i32
      %scan3A_371 = arith.addi %scan3A_369, %scan3A_370 : i32
      %scan3A_372 = arith.constant 1 : i32
      scf.for %scan3A_1059 = %scan3A_369 to %scan3A_371 step %scan3A_372  : i32 {
        %mul3A_1060 = arith.constant 16 : i32
        %mul3A_1061 = arith.muli %scan3A_1059, %mul3A_1060 : i32
        %get3A_1062 = arith.index_cast %mul3A_1061 : i32 to index
        %get3A_1063 = tpu.vector_load %arg10[%get3A_1062] {strides = array<i32>} : memref<576xf32, #tpu.memory_space<vmem>>, vector<16xf32>,
        %get3A_1064 = arith.index_cast %scan3A_1059 : i32 to index
        %get3A_1065 = arith.constant 0 : index
        %get3A_1066 = tpu.vector_load %arg14[%get3A_1064, %get3A_1065] {strides = array<i32>} : memref<40x384xbf16, #tpu.memory_space<vmem>>, vector<32xbf16>,
        %unpack3A_1067 = tpu.unpack_subelements %get3A_1066, 0 {pack_format = #tpu.pack_format<interleaved>} : vector<32xbf16> -> vector<16xf32>
        %unpack3A_1068 = tpu.unpack_subelements %get3A_1066, 1 {pack_format = #tpu.pack_format<interleaved>} : vector<32xbf16> -> vector<16xf32>
        %mul3A_1069 = arith.mulf %unpack3A_1067, %get3A_1063 : vector<16xf32>
        %swap3A_1070 = arith.constant 0 : index
        %swap3A_1071 = tpu.vector_load %arg18[%swap3A_1070] {strides = array<i32>} : memref<384xf32, #tpu.memory_space<vmem>>, vector<16xf32>,
        tpu.vector_store %arg18[%swap3A_1070], %mul3A_1069 {add = true, strides = array<i32>} : memref<384xf32, #tpu.memory_space<vmem>>, vector<16xf32>,
        %mul3A_1072 = arith.mulf %unpack3A_1068, %get3A_1063 : vector<16xf32>
        %swap3A_1073 = arith.constant 16 : index
        %swap3A_1074 = tpu.vector_load %arg18[%swap3A_1073] {strides = array<i32>} : memref<384xf32, #tpu.memory_space<vmem>>, vector<16xf32>,
        tpu.vector_store %arg18[%swap3A_1073], %mul3A_1072 {add = true, strides = array<i32>} : memref<384xf32, #tpu.memory_space<vmem>>, vector<16xf32>,
        %get3A_1075 = arith.index_cast %scan3A_1059 : i32 to index
        %get3A_1076 = arith.constant 32 : index
        %get3A_1077 = tpu.vector_load %arg14[%get3A_1075, %get3A_1076] {strides = array<i32>} : memref<40x384xbf16, #tpu.memory_space<vmem>>, vector<32xbf16>,
        %unpack3A_1078 = tpu.unpack_subelements %get3A_1077, 0 {pack_format = #tpu.pack_format<interleaved>} : vector<32xbf16> -> vector<16xf32>
        %unpack3A_1079 = tpu.unpack_subelements %get3A_1077, 1 {pack_format = #tpu.pack_format<interleaved>} : vector<32xbf16> -> vector<16xf32>
        %mul3A_1080 = arith.mulf %unpack3A_1078, %get3A_1063 : vector<16xf32>
        %swap3A_1081 = arith.constant 32 : index
        %swap3A_1082 = tpu.vector_load %arg18[%swap3A_1081] {strides = array<i32>} : memref<384xf32, #tpu.memory_space<vmem>>, vector<16xf32>,
        tpu.vector_store %arg18[%swap3A_1081], %mul3A_1080 {add = true, strides = array<i32>} : memref<384xf32, #tpu.memory_space<vmem>>, vector<16xf32>,
        %mul3A_1083 = arith.mulf %unpack3A_1079, %get3A_1063 : vector<16xf32>
        %swap3A_1084 = arith.constant 48 : index
        %swap3A_1085 = tpu.vector_load %arg18[%swap3A_1084] {strides = array<i32>} : memref<384xf32, #tpu.memory_space<vmem>>, vector<16xf32>,
        tpu.vector_store %arg18[%swap3A_1084], %mul3A_1083 {add = true, strides = array<i32>} : memref<384xf32, #tpu.memory_space<vmem>>, vector<16xf32>,
        %get3A_1086 = arith.index_cast %scan3A_1059 : i32 to index
        %get3A_1087 = arith.constant 64 : index
        %get3A_1088 = tpu.vector_load %arg14[%get3A_1086, %get3A_1087] {strides = array<i32>} : memref<40x384xbf16, #tpu.memory_space<vmem>>, vector<32xbf16>,
        %unpack3A_1089 = tpu.unpack_subelements %get3A_1088, 0 {pack_format = #tpu.pack_format<interleaved>} : vector<32xbf16> -> vector<16xf32>
        %unpack3A_1090 = tpu.unpack_subelements %get3A_1088, 1 {pack_format = #tpu.pack_format<interleaved>} : vector<32xbf16> -> vector<16xf32>
        %mul3A_1091 = arith.mulf %unpack3A_1089, %get3A_1063 : vector<16xf32>
        %swap3A_1092 = arith.constant 64 : index
        %swap3A_1093 = tpu.vector_load %arg18[%swap3A_1092] {strides = array<i32>} : memref<384xf32, #tpu.memory_space<vmem>>, vector<16xf32>,
        tpu.vector_store %arg18[%swap3A_1092], %mul3A_1091 {add = true, strides = array<i32>} : memref<384xf32, #tpu.memory_space<vmem>>, vector<16xf32>,
        %mul3A_1094 = arith.mulf %unpack3A_1090, %get3A_1063 : vector<16xf32>
        %swap3A_1095 = arith.constant 80 : index
        %swap3A_1096 = tpu.vector_load %arg18[%swap3A_1095] {strides = array<i32>} : memref<384xf32, #tpu.memory_space<vmem>>, vector<16xf32>,
        tpu.vector_store %arg18[%swap3A_1095], %mul3A_1094 {add = true, strides = array<i32>} : memref<384xf32, #tpu.memory_space<vmem>>, vector<16xf32>,
        %get3A_1097 = arith.index_cast %scan3A_1059 : i32 to index
        %get3A_1098 = arith.constant 96 : index
        %get3A_1099 = tpu.vector_load %arg14[%get3A_1097, %get3A_1098] {strides = array<i32>} : memref<40x384xbf16, #tpu.memory_space<vmem>>, vector<32xbf16>,
        %unpack3A_1100 = tpu.unpack_subelements %get3A_1099, 0 {pack_format = #tpu.pack_format<interleaved>} : vector<32xbf16> -> vector<16xf32>
        %unpack3A_1101 = tpu.unpack_subelements %get3A_1099, 1 {pack_format = #tpu.pack_format<interleaved>} : vector<32xbf16> -> vector<16xf32>
        %mul3A_1102 = arith.mulf %unpack3A_1100, %get3A_1063 : vector<16xf32>
        %swap3A_1103 = arith.constant 96 : index
        %swap3A_1104 = tpu.vector_load %arg18[%swap3A_1103] {strides = array<i32>} : memref<384xf32, #tpu.memory_space<vmem>>, vector<16xf32>,
        tpu.vector_store %arg18[%swap3A_1103], %mul3A_1102 {add = true, strides = array<i32>} : memref<384xf32, #tpu.memory_space<vmem>>, vector<16xf32>,
        %mul3A_1105 = arith.mulf %unpack3A_1101, %get3A_1063 : vector<16xf32>
        %swap3A_1106 = arith.constant 112 : index
        %swap3A_1107 = tpu.vector_load %arg18[%swap3A_1106] {strides = array<i32>} : memref<384xf32, #tpu.memory_space<vmem>>, vector<16xf32>,
        tpu.vector_store %arg18[%swap3A_1106], %mul3A_1105 {add = true, strides = array<i32>} : memref<384xf32, #tpu.memory_space<vmem>>, vector<16xf32>,
        %get3A_1108 = arith.index_cast %scan3A_1059 : i32 to index
        %get3A_1109 = arith.constant 128 : index
        %get3A_1110 = tpu.vector_load %arg14[%get3A_1108, %get3A_1109] {strides = array<i32>} : memref<40x384xbf16, #tpu.memory_space<vmem>>, vector<32xbf16>,
        %unpack3A_1111 = tpu.unpack_subelements %get3A_1110, 0 {pack_format = #tpu.pack_format<interleaved>} : vector<32xbf16> -> vector<16xf32>
        %unpack3A_1112 = tpu.unpack_subelements %get3A_1110, 1 {pack_format = #tpu.pack_format<interleaved>} : vector<32xbf16> -> vector<16xf32>
        %mul3A_1113 = arith.mulf %unpack3A_1111, %get3A_1063 : vector<16xf32>
        %swap3A_1114 = arith.constant 128 : index
        %swap3A_1115 = tpu.vector_load %arg18[%swap3A_1114] {strides = array<i32>} : memref<384xf32, #tpu.memory_space<vmem>>, vector<16xf32>,
        tpu.vector_store %arg18[%swap3A_1114], %mul3A_1113 {add = true, strides = array<i32>} : memref<384xf32, #tpu.memory_space<vmem>>, vector<16xf32>,
        %mul3A_1116 = arith.mulf %unpack3A_1112, %get3A_1063 : vector<16xf32>
        %swap3A_1117 = arith.constant 144 : index
        %swap3A_1118 = tpu.vector_load %arg18[%swap3A_1117] {strides = array<i32>} : memref<384xf32, #tpu.memory_space<vmem>>, vector<16xf32>,
        tpu.vector_store %arg18[%swap3A_1117], %mul3A_1116 {add = true, strides = array<i32>} : memref<384xf32, #tpu.memory_space<vmem>>, vector<16xf32>,
        %get3A_1119 = arith.index_cast %scan3A_1059 : i32 to index
        %get3A_1120 = arith.constant 160 : index
        %get3A_1121 = tpu.vector_load %arg14[%get3A_1119, %get3A_1120] {strides = array<i32>} : memref<40x384xbf16, #tpu.memory_space<vmem>>, vector<32xbf16>,
        %unpack3A_1122 = tpu.unpack_subelements %get3A_1121, 0 {pack_format = #tpu.pack_format<interleaved>} : vector<32xbf16> -> vector<16xf32>
        %unpack3A_1123 = tpu.unpack_subelements %get3A_1121, 1 {pack_format = #tpu.pack_format<interleaved>} : vector<32xbf16> -> vector<16xf32>
        %mul3A_1124 = arith.mulf %unpack3A_1122, %get3A_1063 : vector<16xf32>
        %swap3A_1125 = arith.constant 160 : index
        %swap3A_1126 = tpu.vector_load %arg18[%swap3A_1125] {strides = array<i32>} : memref<384xf32, #tpu.memory_space<vmem>>, vector<16xf32>,
        tpu.vector_store %arg18[%swap3A_1125], %mul3A_1124 {add = true, strides = array<i32>} : memref<384xf32, #tpu.memory_space<vmem>>, vector<16xf32>,
        %mul3A_1127 = arith.mulf %unpack3A_1123, %get3A_1063 : vector<16xf32>
        %swap3A_1128 = arith.constant 176 : index
        %swap3A_1129 = tpu.vector_load %arg18[%swap3A_1128] {strides = array<i32>} : memref<384xf32, #tpu.memory_space<vmem>>, vector<16xf32>,
        tpu.vector_store %arg18[%swap3A_1128], %mul3A_1127 {add = true, strides = array<i32>} : memref<384xf32, #tpu.memory_space<vmem>>, vector<16xf32>,
        %get3A_1130 = arith.index_cast %scan3A_1059 : i32 to index
        %get3A_1131 = arith.constant 192 : index
        %get3A_1132 = tpu.vector_load %arg14[%get3A_1130, %get3A_1131] {strides = array<i32>} : memref<40x384xbf16, #tpu.memory_space<vmem>>, vector<32xbf16>,
        %unpack3A_1133 = tpu.unpack_subelements %get3A_1132, 0 {pack_format = #tpu.pack_format<interleaved>} : vector<32xbf16> -> vector<16xf32>
        %unpack3A_1134 = tpu.unpack_subelements %get3A_1132, 1 {pack_format = #tpu.pack_format<interleaved>} : vector<32xbf16> -> vector<16xf32>
        %mul3A_1135 = arith.mulf %unpack3A_1133, %get3A_1063 : vector<16xf32>
        %swap3A_1136 = arith.constant 192 : index
        %swap3A_1137 = tpu.vector_load %arg18[%swap3A_1136] {strides = array<i32>} : memref<384xf32, #tpu.memory_space<vmem>>, vector<16xf32>,
        tpu.vector_store %arg18[%swap3A_1136], %mul3A_1135 {add = true, strides = array<i32>} : memref<384xf32, #tpu.memory_space<vmem>>, vector<16xf32>,
        %mul3A_1138 = arith.mulf %unpack3A_1134, %get3A_1063 : vector<16xf32>
        %swap3A_1139 = arith.constant 208 : index
        %swap3A_1140 = tpu.vector_load %arg18[%swap3A_1139] {strides = array<i32>} : memref<384xf32, #tpu.memory_space<vmem>>, vector<16xf32>,
        tpu.vector_store %arg18[%swap3A_1139], %mul3A_1138 {add = true, strides = array<i32>} : memref<384xf32, #tpu.memory_space<vmem>>, vector<16xf32>,
        %get3A_1141 = arith.index_cast %scan3A_1059 : i32 to index
        %get3A_1142 = arith.constant 224 : index
        %get3A_1143 = tpu.vector_load %arg14[%get3A_1141, %get3A_1142] {strides = array<i32>} : memref<40x384xbf16, #tpu.memory_space<vmem>>, vector<32xbf16>,
        %unpack3A_1144 = tpu.unpack_subelements %get3A_1143, 0 {pack_format = #tpu.pack_format<interleaved>} : vector<32xbf16> -> vector<16xf32>
        %unpack3A_1145 = tpu.unpack_subelements %get3A_1143, 1 {pack_format = #tpu.pack_format<interleaved>} : vector<32xbf16> -> vector<16xf32>
        %mul3A_1146 = arith.mulf %unpack3A_1144, %get3A_1063 : vector<16xf32>
        %swap3A_1147 = arith.constant 224 : index
        %swap3A_1148 = tpu.vector_load %arg18[%swap3A_1147] {strides = array<i32>} : memref<384xf32, #tpu.memory_space<vmem>>, vector<16xf32>,
        tpu.vector_store %arg18[%swap3A_1147], %mul3A_1146 {add = true, strides = array<i32>} : memref<384xf32, #tpu.memory_space<vmem>>, vector<16xf32>,
        %mul3A_1149 = arith.mulf %unpack3A_1145, %get3A_1063 : vector<16xf32>
        %swap3A_1150 = arith.constant 240 : index
        %swap3A_1151 = tpu.vector_load %arg18[%swap3A_1150] {strides = array<i32>} : memref<384xf32, #tpu.memory_space<vmem>>, vector<16xf32>,
        tpu.vector_store %arg18[%swap3A_1150], %mul3A_1149 {add = true, strides = array<i32>} : memref<384xf32, #tpu.memory_space<vmem>>, vector<16xf32>,
        %get3A_1152 = arith.index_cast %scan3A_1059 : i32 to index
        %get3A_1153 = arith.constant 256 : index
        %get3A_1154 = tpu.vector_load %arg14[%get3A_1152, %get3A_1153] {strides = array<i32>} : memref<40x384xbf16, #tpu.memory_space<vmem>>, vector<32xbf16>,
        %unpack3A_1155 = tpu.unpack_subelements %get3A_1154, 0 {pack_format = #tpu.pack_format<interleaved>} : vector<32xbf16> -> vector<16xf32>
        %unpack3A_1156 = tpu.unpack_subelements %get3A_1154, 1 {pack_format = #tpu.pack_format<interleaved>} : vector<32xbf16> -> vector<16xf32>
        %mul3A_1157 = arith.mulf %unpack3A_1155, %get3A_1063 : vector<16xf32>
        %swap3A_1158 = arith.constant 256 : index
        %swap3A_1159 = tpu.vector_load %arg18[%swap3A_1158] {strides = array<i32>} : memref<384xf32, #tpu.memory_space<vmem>>, vector<16xf32>,
        tpu.vector_store %arg18[%swap3A_1158], %mul3A_1157 {add = true, strides = array<i32>} : memref<384xf32, #tpu.memory_space<vmem>>, vector<16xf32>,
        %mul3A_1160 = arith.mulf %unpack3A_1156, %get3A_1063 : vector<16xf32>
        %swap3A_1161 = arith.constant 272 : index
        %swap3A_1162 = tpu.vector_load %arg18[%swap3A_1161] {strides = array<i32>} : memref<384xf32, #tpu.memory_space<vmem>>, vector<16xf32>,
        tpu.vector_store %arg18[%swap3A_1161], %mul3A_1160 {add = true, strides = array<i32>} : memref<384xf32, #tpu.memory_space<vmem>>, vector<16xf32>,
        %get3A_1163 = arith.index_cast %scan3A_1059 : i32 to index
        %get3A_1164 = arith.constant 288 : index
        %get3A_1165 = tpu.vector_load %arg14[%get3A_1163, %get3A_1164] {strides = array<i32>} : memref<40x384xbf16, #tpu.memory_space<vmem>>, vector<32xbf16>,
        %unpack3A_1166 = tpu.unpack_subelements %get3A_1165, 0 {pack_format = #tpu.pack_format<interleaved>} : vector<32xbf16> -> vector<16xf32>
        %unpack3A_1167 = tpu.unpack_subelements %get3A_1165, 1 {pack_format = #tpu.pack_format<interleaved>} : vector<32xbf16> -> vector<16xf32>
        %mul3A_1168 = arith.mulf %unpack3A_1166, %get3A_1063 : vector<16xf32>
        %swap3A_1169 = arith.constant 288 : index
        %swap3A_1170 = tpu.vector_load %arg18[%swap3A_1169] {strides = array<i32>} : memref<384xf32, #tpu.memory_space<vmem>>, vector<16xf32>,
        tpu.vector_store %arg18[%swap3A_1169], %mul3A_1168 {add = true, strides = array<i32>} : memref<384xf32, #tpu.memory_space<vmem>>, vector<16xf32>,
        %mul3A_1171 = arith.mulf %unpack3A_1167, %get3A_1063 : vector<16xf32>
        %swap3A_1172 = arith.constant 304 : index
        %swap3A_1173 = tpu.vector_load %arg18[%swap3A_1172] {strides = array<i32>} : memref<384xf32, #tpu.memory_space<vmem>>, vector<16xf32>,
        tpu.vector_store %arg18[%swap3A_1172], %mul3A_1171 {add = true, strides = array<i32>} : memref<384xf32, #tpu.memory_space<vmem>>, vector<16xf32>,
        %get3A_1174 = arith.index_cast %scan3A_1059 : i32 to index
        %get3A_1175 = arith.constant 320 : index
        %get3A_1176 = tpu.vector_load %arg14[%get3A_1174, %get3A_1175] {strides = array<i32>} : memref<40x384xbf16, #tpu.memory_space<vmem>>, vector<32xbf16>,
        %unpack3A_1177 = tpu.unpack_subelements %get3A_1176, 0 {pack_format = #tpu.pack_format<interleaved>} : vector<32xbf16> -> vector<16xf32>
        %unpack3A_1178 = tpu.unpack_subelements %get3A_1176, 1 {pack_format = #tpu.pack_format<interleaved>} : vector<32xbf16> -> vector<16xf32>
        %mul3A_1179 = arith.mulf %unpack3A_1177, %get3A_1063 : vector<16xf32>
        %swap3A_1180 = arith.constant 320 : index
        %swap3A_1181 = tpu.vector_load %arg18[%swap3A_1180] {strides = array<i32>} : memref<384xf32, #tpu.memory_space<vmem>>, vector<16xf32>,
        tpu.vector_store %arg18[%swap3A_1180], %mul3A_1179 {add = true, strides = array<i32>} : memref<384xf32, #tpu.memory_space<vmem>>, vector<16xf32>,
        %mul3A_1182 = arith.mulf %unpack3A_1178, %get3A_1063 : vector<16xf32>
        %swap3A_1183 = arith.constant 336 : index
        %swap3A_1184 = tpu.vector_load %arg18[%swap3A_1183] {strides = array<i32>} : memref<384xf32, #tpu.memory_space<vmem>>, vector<16xf32>,
        tpu.vector_store %arg18[%swap3A_1183], %mul3A_1182 {add = true, strides = array<i32>} : memref<384xf32, #tpu.memory_space<vmem>>, vector<16xf32>,
        %get3A_1185 = arith.index_cast %scan3A_1059 : i32 to index
        %get3A_1186 = arith.constant 352 : index
        %get3A_1187 = tpu.vector_load %arg14[%get3A_1185, %get3A_1186] {strides = array<i32>} : memref<40x384xbf16, #tpu.memory_space<vmem>>, vector<32xbf16>,
        %unpack3A_1188 = tpu.unpack_subelements %get3A_1187, 0 {pack_format = #tpu.pack_format<interleaved>} : vector<32xbf16> -> vector<16xf32>
        %unpack3A_1189 = tpu.unpack_subelements %get3A_1187, 1 {pack_format = #tpu.pack_format<interleaved>} : vector<32xbf16> -> vector<16xf32>
        %mul3A_1190 = arith.mulf %unpack3A_1188, %get3A_1063 : vector<16xf32>
        %swap3A_1191 = arith.constant 352 : index
        %swap3A_1192 = tpu.vector_load %arg18[%swap3A_1191] {strides = array<i32>} : memref<384xf32, #tpu.memory_space<vmem>>, vector<16xf32>,
        tpu.vector_store %arg18[%swap3A_1191], %mul3A_1190 {add = true, strides = array<i32>} : memref<384xf32, #tpu.memory_space<vmem>>, vector<16xf32>,
        %mul3A_1193 = arith.mulf %unpack3A_1189, %get3A_1063 : vector<16xf32>
        %swap3A_1194 = arith.constant 368 : index
        %swap3A_1195 = tpu.vector_load %arg18[%swap3A_1194] {strides = array<i32>} : memref<384xf32, #tpu.memory_space<vmem>>, vector<16xf32>,
        tpu.vector_store %arg18[%swap3A_1194], %mul3A_1193 {add = true, strides = array<i32>} : memref<384xf32, #tpu.memory_space<vmem>>, vector<16xf32>,
      }
      %scan3A_373 = arith.constant 35 : i32
      %add3A_374 = arith.constant 3 : i32
      %add3A_375 = arith.addi %add3A_189, %add3A_374 : i32
      %and3A_376 = arith.constant 127 : i32
      %and3A_377 = arith.andi %add3A_375, %and3A_376 : i32
      %add3A_378 = arith.addi %mul3A_2, %and3A_377 : i32
      %dma_start3A_379 = arith.constant 0 : i32
      %dma_start3A_380 = tpu.memref_slice %arg3[%add3A_378, %dma_start3A_379] : memref<4096x40xi32, #tpu.memory_space<hbm>> -> memref<1x40xi32, #tpu.memory_space<hbm>>
      %dma_start3A_381 = tpu.memref_squeeze %dma_start3A_380 : memref<1x40xi32, #tpu.memory_space<hbm>> -> memref<40xi32, #tpu.memory_space<hbm>>
      %dma_start3A_382 = arith.constant 0 : i32
      %dma_start3A_383 = tpu.memref_slice %arg3[%add3A_378, %dma_start3A_382] : memref<4096x40xi32, #tpu.memory_space<hbm>> -> memref<1x40xi32, #tpu.memory_space<hbm>>
      %dma_start3A_384 = tpu.memref_squeeze %dma_start3A_383 : memref<1x40xi32, #tpu.memory_space<hbm>> -> memref<40xi32, #tpu.memory_space<hbm>>
      tpu.enqueue_dma source(%dma_start3A_384 : memref<40xi32, #tpu.memory_space<hbm>>) target(%arg9 : memref<40xi32, #tpu.memory_space<vmem>>) target_semaphore(%arg26 : memref<!tpu.dma_semaphore, #tpu.memory_space<semaphore_mem>>)
      %add3A_385 = arith.addi %mul3A_2, %and3A_377 : i32
      %dma_start3A_386 = arith.constant 0 : i32
      %dma_start3A_387 = tpu.memref_slice %arg4[%add3A_385, %dma_start3A_386] : memref<4096x576xf32, #tpu.memory_space<hbm>> -> memref<1x576xf32, #tpu.memory_space<hbm>>
      %dma_start3A_388 = tpu.memref_squeeze %dma_start3A_387 : memref<1x576xf32, #tpu.memory_space<hbm>> -> memref<576xf32, #tpu.memory_space<hbm>>
      %dma_start3A_389 = arith.constant 0 : i32
      %dma_start3A_390 = tpu.memref_slice %arg4[%add3A_385, %dma_start3A_389] : memref<4096x576xf32, #tpu.memory_space<hbm>> -> memref<1x576xf32, #tpu.memory_space<hbm>>
      %dma_start3A_391 = tpu.memref_squeeze %dma_start3A_390 : memref<1x576xf32, #tpu.memory_space<hbm>> -> memref<576xf32, #tpu.memory_space<hbm>>
      tpu.enqueue_dma source(%dma_start3A_391 : memref<576xf32, #tpu.memory_space<hbm>>) target(%arg13 : memref<576xf32, #tpu.memory_space<vmem>>) target_semaphore(%arg26 : memref<!tpu.dma_semaphore, #tpu.memory_space<semaphore_mem>>)
      %add3A_392 = arith.addi %mul3A_2, %add3A_189 : i32
      %dma_start3A_393 = arith.constant 0 : i32
      %dma_start3A_394 = tpu.memref_slice %arg5[%add3A_392, %dma_start3A_393] : memref<4096x384xf32, #tpu.memory_space<hbm>> -> memref<1x384xf32, #tpu.memory_space<hbm>>
      %dma_start3A_395 = tpu.memref_squeeze %dma_start3A_394 : memref<1x384xf32, #tpu.memory_space<hbm>> -> memref<384xf32, #tpu.memory_space<hbm>>
      %dma_start3A_396 = arith.constant 0 : i32
      %dma_start3A_397 = tpu.memref_slice %arg5[%add3A_392, %dma_start3A_396] : memref<4096x384xf32, #tpu.memory_space<hbm>> -> memref<1x384xf32, #tpu.memory_space<hbm>>
      %dma_start3A_398 = tpu.memref_squeeze %dma_start3A_397 : memref<1x384xf32, #tpu.memory_space<hbm>> -> memref<384xf32, #tpu.memory_space<hbm>>
      tpu.enqueue_dma source(%arg18 : memref<384xf32, #tpu.memory_space<vmem>>) target(%dma_start3A_398 : memref<384xf32, #tpu.memory_space<hbm>>) target_semaphore(%arg31 : memref<!tpu.dma_semaphore, #tpu.memory_space<semaphore_mem>>)
      %mul3A_399 = arith.constant 4 : i32
      %mul3A_400 = arith.muli %scan3A_185, %mul3A_399 : i32
      %add3A_401 = arith.constant 1 : i32
      %add3A_402 = arith.addi %mul3A_400, %add3A_401 : i32
      %dma_wait3A_403 = arith.constant 0 : i32
      %dma_wait3A_404 = arith.constant 0 : i32
      %dma_wait3A_405 = tpu.memref_slice %arg15[%dma_wait3A_403, %dma_wait3A_404] : memref<40x384xbf16, #tpu.memory_space<vmem>> -> memref<36x384xbf16, #tpu.memory_space<vmem>>
      %dma_wait3A_406 = arith.constant 0 : i32
      %dma_wait3A_407 = tpu.memref_slice %arg7[%dma_wait3A_406] : memref<40xi32, #tpu.memory_space<vmem>> -> memref<36xi32, #tpu.memory_space<vmem>>
      %dma_wait3A_408 = arith.constant 0 : i32
      %dma_wait3A_409 = arith.constant 0 : i32
      %dma_wait3A_410 = tpu.memref_slice %arg22[%dma_wait3A_408, %dma_wait3A_409] : memref<4096x384xbf16, #tpu.memory_space<vmem_shared>> -> memref<4096x384xbf16, #tpu.memory_space<vmem_shared>>
      tpu.wait_indirect_dma semaphore(%arg28 : memref<!tpu.dma_semaphore, #tpu.memory_space<semaphore_mem>>) src(%dma_wait3A_410 : memref<4096x384xbf16, #tpu.memory_space<vmem_shared>>) dst(%dma_wait3A_405 : memref<36x384xbf16, #tpu.memory_space<vmem>>)
      %add3A_411 = arith.constant 2 : i32
      %add3A_412 = arith.addi %add3A_402, %add3A_411 : i32
      %and3A_413 = arith.constant 127 : i32
      %and3A_414 = arith.andi %add3A_412, %and3A_413 : i32
      %add3A_415 = arith.addi %mul3A_2, %and3A_414 : i32
      %dma_wait3A_416 = arith.constant 0 : i32
      %dma_wait3A_417 = tpu.memref_slice %arg3[%add3A_415, %dma_wait3A_416] : memref<4096x40xi32, #tpu.memory_space<hbm>> -> memref<1x40xi32, #tpu.memory_space<hbm>>
      %dma_wait3A_418 = tpu.memref_squeeze %dma_wait3A_417 : memref<1x40xi32, #tpu.memory_space<hbm>> -> memref<40xi32, #tpu.memory_space<hbm>>
      %dma_wait3A_419 = arith.constant 0 : i32
      %dma_wait3A_420 = tpu.memref_slice %arg3[%add3A_415, %dma_wait3A_419] : memref<4096x40xi32, #tpu.memory_space<hbm>> -> memref<1x40xi32, #tpu.memory_space<hbm>>
      %dma_wait3A_421 = tpu.memref_squeeze %dma_wait3A_420 : memref<1x40xi32, #tpu.memory_space<hbm>> -> memref<40xi32, #tpu.memory_space<hbm>>
      tpu.wait_dma2 semaphore(%arg26 : memref<!tpu.dma_semaphore, #tpu.memory_space<semaphore_mem>>) src(%dma_wait3A_421 : memref<40xi32, #tpu.memory_space<hbm>>) dst(%arg9 : memref<40xi32, #tpu.memory_space<vmem>>)
      %add3A_422 = arith.addi %mul3A_2, %and3A_414 : i32
      %dma_wait3A_423 = arith.constant 0 : i32
      %dma_wait3A_424 = tpu.memref_slice %arg4[%add3A_422, %dma_wait3A_423] : memref<4096x576xf32, #tpu.memory_space<hbm>> -> memref<1x576xf32, #tpu.memory_space<hbm>>
      %dma_wait3A_425 = tpu.memref_squeeze %dma_wait3A_424 : memref<1x576xf32, #tpu.memory_space<hbm>> -> memref<576xf32, #tpu.memory_space<hbm>>
      %dma_wait3A_426 = arith.constant 0 : i32
      %dma_wait3A_427 = tpu.memref_slice %arg4[%add3A_422, %dma_wait3A_426] : memref<4096x576xf32, #tpu.memory_space<hbm>> -> memref<1x576xf32, #tpu.memory_space<hbm>>
      %dma_wait3A_428 = tpu.memref_squeeze %dma_wait3A_427 : memref<1x576xf32, #tpu.memory_space<hbm>> -> memref<576xf32, #tpu.memory_space<hbm>>
      tpu.wait_dma2 semaphore(%arg26 : memref<!tpu.dma_semaphore, #tpu.memory_space<semaphore_mem>>) src(%dma_wait3A_428 : memref<576xf32, #tpu.memory_space<hbm>>) dst(%arg13 : memref<576xf32, #tpu.memory_space<vmem>>)
      %dma_start3A_429 = arith.constant 0 : i32
      %dma_start3A_430 = arith.constant 0 : i32
      %dma_start3A_431 = tpu.memref_slice %arg17[%dma_start3A_429, %dma_start3A_430] : memref<40x384xbf16, #tpu.memory_space<vmem>> -> memref<36x384xbf16, #tpu.memory_space<vmem>>
      %dma_start3A_432 = arith.constant 0 : i32
      %dma_start3A_433 = tpu.memref_slice %arg9[%dma_start3A_432] : memref<40xi32, #tpu.memory_space<vmem>> -> memref<36xi32, #tpu.memory_space<vmem>>
      %dma_start3A_434 = arith.constant 0 : i32
      %dma_start3A_435 = arith.constant 0 : i32
      %dma_start3A_436 = tpu.memref_slice %arg22[%dma_start3A_434, %dma_start3A_435] : memref<4096x384xbf16, #tpu.memory_space<vmem_shared>> -> memref<4096x384xbf16, #tpu.memory_space<vmem_shared>>
      tpu.enqueue_indirect_dma source(%dma_start3A_436 : memref<4096x384xbf16, #tpu.memory_space<vmem_shared>>) target(%dma_start3A_431 : memref<36x384xbf16, #tpu.memory_space<vmem>>) offsets(%dma_start3A_433 : memref<36xi32, #tpu.memory_space<vmem>>) semaphore(%arg30 : memref<!tpu.dma_semaphore, #tpu.memory_space<semaphore_mem>>)
      %gt3A_437 = arith.constant 0 : i32
      %gt3A_438 = arith.cmpi sgt, %scan3A_185, %gt3A_437 : i32
      %convert_element_type3A_439 = arith.extui %gt3A_438 : i1 to i32
      %cond3A_440 = arith.constant 0 : i32
      %cond3A_441 = arith.cmpi ne, %convert_element_type3A_439, %cond3A_440 : i32
      scf.if %cond3A_441 {
        %add3A_1059 = arith.addi %mul3A_2, %add3A_402 : i32
        %sub3A_1060 = arith.constant 4 : i32
        %sub3A_1061 = arith.subi %add3A_1059, %sub3A_1060 : i32
        %dma_wait3A_1062 = arith.constant 0 : i32
        %dma_wait3A_1063 = tpu.memref_slice %arg5[%sub3A_1061, %dma_wait3A_1062] : memref<4096x384xf32, #tpu.memory_space<hbm>> -> memref<1x384xf32, #tpu.memory_space<hbm>>
        %dma_wait3A_1064 = tpu.memref_squeeze %dma_wait3A_1063 : memref<1x384xf32, #tpu.memory_space<hbm>> -> memref<384xf32, #tpu.memory_space<hbm>>
        %dma_wait3A_1065 = arith.constant 0 : i32
        %dma_wait3A_1066 = tpu.memref_slice %arg5[%sub3A_1061, %dma_wait3A_1065] : memref<4096x384xf32, #tpu.memory_space<hbm>> -> memref<1x384xf32, #tpu.memory_space<hbm>>
        %dma_wait3A_1067 = tpu.memref_squeeze %dma_wait3A_1066 : memref<1x384xf32, #tpu.memory_space<hbm>> -> memref<384xf32, #tpu.memory_space<hbm>>
        tpu.wait_dma2 semaphore(%arg32 : memref<!tpu.dma_semaphore, #tpu.memory_space<semaphore_mem>>) src(%arg19 : memref<384xf32, #tpu.memory_space<vmem>>) dst(%dma_wait3A_1067 : memref<384xf32, #tpu.memory_space<hbm>>)
      } else {
      }
      %get3A_442 = arith.constant 0 : index
      %get3A_443 = tpu.vector_load %arg11[%get3A_442] {strides = array<i32>} : memref<576xf32, #tpu.memory_space<vmem>>, vector<16xf32>,
      %get3A_444 = arith.constant 0 : i32
      %get3A_445 = arith.index_cast %get3A_444 : i32 to index
      %get3A_446 = arith.constant 0 : index
      %get3A_447 = tpu.vector_load %arg15[%get3A_445, %get3A_446] {strides = array<i32>} : memref<40x384xbf16, #tpu.memory_space<vmem>>, vector<32xbf16>,
      %unpack3A_448 = tpu.unpack_subelements %get3A_447, 0 {pack_format = #tpu.pack_format<interleaved>} : vector<32xbf16> -> vector<16xf32>
      %unpack3A_449 = tpu.unpack_subelements %get3A_447, 1 {pack_format = #tpu.pack_format<interleaved>} : vector<32xbf16> -> vector<16xf32>
      %mul3A_450 = arith.mulf %unpack3A_448, %get3A_443 : vector<16xf32>
      %swap3A_451 = arith.constant 0 : index
      %swap3A_452 = tpu.vector_load %arg19[%swap3A_451] {strides = array<i32>} : memref<384xf32, #tpu.memory_space<vmem>>, vector<16xf32>,
      tpu.vector_store %arg19[%swap3A_451], %mul3A_450 {strides = array<i32>} : memref<384xf32, #tpu.memory_space<vmem>>, vector<16xf32>,
      %mul3A_453 = arith.mulf %unpack3A_449, %get3A_443 : vector<16xf32>
      %swap3A_454 = arith.constant 16 : index
      %swap3A_455 = tpu.vector_load %arg19[%swap3A_454] {strides = array<i32>} : memref<384xf32, #tpu.memory_space<vmem>>, vector<16xf32>,
      tpu.vector_store %arg19[%swap3A_454], %mul3A_453 {strides = array<i32>} : memref<384xf32, #tpu.memory_space<vmem>>, vector<16xf32>,
      %get3A_456 = arith.constant 0 : i32
      %get3A_457 = arith.index_cast %get3A_456 : i32 to index
      %get3A_458 = arith.constant 32 : index
      %get3A_459 = tpu.vector_load %arg15[%get3A_457, %get3A_458] {strides = array<i32>} : memref<40x384xbf16, #tpu.memory_space<vmem>>, vector<32xbf16>,
      %unpack3A_460 = tpu.unpack_subelements %get3A_459, 0 {pack_format = #tpu.pack_format<interleaved>} : vector<32xbf16> -> vector<16xf32>
      %unpack3A_461 = tpu.unpack_subelements %get3A_459, 1 {pack_format = #tpu.pack_format<interleaved>} : vector<32xbf16> -> vector<16xf32>
      %mul3A_462 = arith.mulf %unpack3A_460, %get3A_443 : vector<16xf32>
      %swap3A_463 = arith.constant 32 : index
      %swap3A_464 = tpu.vector_load %arg19[%swap3A_463] {strides = array<i32>} : memref<384xf32, #tpu.memory_space<vmem>>, vector<16xf32>,
      tpu.vector_store %arg19[%swap3A_463], %mul3A_462 {strides = array<i32>} : memref<384xf32, #tpu.memory_space<vmem>>, vector<16xf32>,
      %mul3A_465 = arith.mulf %unpack3A_461, %get3A_443 : vector<16xf32>
      %swap3A_466 = arith.constant 48 : index
      %swap3A_467 = tpu.vector_load %arg19[%swap3A_466] {strides = array<i32>} : memref<384xf32, #tpu.memory_space<vmem>>, vector<16xf32>,
      tpu.vector_store %arg19[%swap3A_466], %mul3A_465 {strides = array<i32>} : memref<384xf32, #tpu.memory_space<vmem>>, vector<16xf32>,
      %get3A_468 = arith.constant 0 : i32
      %get3A_469 = arith.index_cast %get3A_468 : i32 to index
      %get3A_470 = arith.constant 64 : index
      %get3A_471 = tpu.vector_load %arg15[%get3A_469, %get3A_470] {strides = array<i32>} : memref<40x384xbf16, #tpu.memory_space<vmem>>, vector<32xbf16>,
      %unpack3A_472 = tpu.unpack_subelements %get3A_471, 0 {pack_format = #tpu.pack_format<interleaved>} : vector<32xbf16> -> vector<16xf32>
      %unpack3A_473 = tpu.unpack_subelements %get3A_471, 1 {pack_format = #tpu.pack_format<interleaved>} : vector<32xbf16> -> vector<16xf32>
      %mul3A_474 = arith.mulf %unpack3A_472, %get3A_443 : vector<16xf32>
      %swap3A_475 = arith.constant 64 : index
      %swap3A_476 = tpu.vector_load %arg19[%swap3A_475] {strides = array<i32>} : memref<384xf32, #tpu.memory_space<vmem>>, vector<16xf32>,
      tpu.vector_store %arg19[%swap3A_475], %mul3A_474 {strides = array<i32>} : memref<384xf32, #tpu.memory_space<vmem>>, vector<16xf32>,
      %mul3A_477 = arith.mulf %unpack3A_473, %get3A_443 : vector<16xf32>
      %swap3A_478 = arith.constant 80 : index
      %swap3A_479 = tpu.vector_load %arg19[%swap3A_478] {strides = array<i32>} : memref<384xf32, #tpu.memory_space<vmem>>, vector<16xf32>,
      tpu.vector_store %arg19[%swap3A_478], %mul3A_477 {strides = array<i32>} : memref<384xf32, #tpu.memory_space<vmem>>, vector<16xf32>,
      %get3A_480 = arith.constant 0 : i32
      %get3A_481 = arith.index_cast %get3A_480 : i32 to index
      %get3A_482 = arith.constant 96 : index
      %get3A_483 = tpu.vector_load %arg15[%get3A_481, %get3A_482] {strides = array<i32>} : memref<40x384xbf16, #tpu.memory_space<vmem>>, vector<32xbf16>,
      %unpack3A_484 = tpu.unpack_subelements %get3A_483, 0 {pack_format = #tpu.pack_format<interleaved>} : vector<32xbf16> -> vector<16xf32>
      %unpack3A_485 = tpu.unpack_subelements %get3A_483, 1 {pack_format = #tpu.pack_format<interleaved>} : vector<32xbf16> -> vector<16xf32>
      %mul3A_486 = arith.mulf %unpack3A_484, %get3A_443 : vector<16xf32>
      %swap3A_487 = arith.constant 96 : index
      %swap3A_488 = tpu.vector_load %arg19[%swap3A_487] {strides = array<i32>} : memref<384xf32, #tpu.memory_space<vmem>>, vector<16xf32>,
      tpu.vector_store %arg19[%swap3A_487], %mul3A_486 {strides = array<i32>} : memref<384xf32, #tpu.memory_space<vmem>>, vector<16xf32>,
      %mul3A_489 = arith.mulf %unpack3A_485, %get3A_443 : vector<16xf32>
      %swap3A_490 = arith.constant 112 : index
      %swap3A_491 = tpu.vector_load %arg19[%swap3A_490] {strides = array<i32>} : memref<384xf32, #tpu.memory_space<vmem>>, vector<16xf32>,
      tpu.vector_store %arg19[%swap3A_490], %mul3A_489 {strides = array<i32>} : memref<384xf32, #tpu.memory_space<vmem>>, vector<16xf32>,
      %get3A_492 = arith.constant 0 : i32
      %get3A_493 = arith.index_cast %get3A_492 : i32 to index
      %get3A_494 = arith.constant 128 : index
      %get3A_495 = tpu.vector_load %arg15[%get3A_493, %get3A_494] {strides = array<i32>} : memref<40x384xbf16, #tpu.memory_space<vmem>>, vector<32xbf16>,
      %unpack3A_496 = tpu.unpack_subelements %get3A_495, 0 {pack_format = #tpu.pack_format<interleaved>} : vector<32xbf16> -> vector<16xf32>
      %unpack3A_497 = tpu.unpack_subelements %get3A_495, 1 {pack_format = #tpu.pack_format<interleaved>} : vector<32xbf16> -> vector<16xf32>
      %mul3A_498 = arith.mulf %unpack3A_496, %get3A_443 : vector<16xf32>
      %swap3A_499 = arith.constant 128 : index
      %swap3A_500 = tpu.vector_load %arg19[%swap3A_499] {strides = array<i32>} : memref<384xf32, #tpu.memory_space<vmem>>, vector<16xf32>,
      tpu.vector_store %arg19[%swap3A_499], %mul3A_498 {strides = array<i32>} : memref<384xf32, #tpu.memory_space<vmem>>, vector<16xf32>,
      %mul3A_501 = arith.mulf %unpack3A_497, %get3A_443 : vector<16xf32>
      %swap3A_502 = arith.constant 144 : index
      %swap3A_503 = tpu.vector_load %arg19[%swap3A_502] {strides = array<i32>} : memref<384xf32, #tpu.memory_space<vmem>>, vector<16xf32>,
      tpu.vector_store %arg19[%swap3A_502], %mul3A_501 {strides = array<i32>} : memref<384xf32, #tpu.memory_space<vmem>>, vector<16xf32>,
      %get3A_504 = arith.constant 0 : i32
      %get3A_505 = arith.index_cast %get3A_504 : i32 to index
      %get3A_506 = arith.constant 160 : index
      %get3A_507 = tpu.vector_load %arg15[%get3A_505, %get3A_506] {strides = array<i32>} : memref<40x384xbf16, #tpu.memory_space<vmem>>, vector<32xbf16>,
      %unpack3A_508 = tpu.unpack_subelements %get3A_507, 0 {pack_format = #tpu.pack_format<interleaved>} : vector<32xbf16> -> vector<16xf32>
      %unpack3A_509 = tpu.unpack_subelements %get3A_507, 1 {pack_format = #tpu.pack_format<interleaved>} : vector<32xbf16> -> vector<16xf32>
      %mul3A_510 = arith.mulf %unpack3A_508, %get3A_443 : vector<16xf32>
      %swap3A_511 = arith.constant 160 : index
      %swap3A_512 = tpu.vector_load %arg19[%swap3A_511] {strides = array<i32>} : memref<384xf32, #tpu.memory_space<vmem>>, vector<16xf32>,
      tpu.vector_store %arg19[%swap3A_511], %mul3A_510 {strides = array<i32>} : memref<384xf32, #tpu.memory_space<vmem>>, vector<16xf32>,
      %mul3A_513 = arith.mulf %unpack3A_509, %get3A_443 : vector<16xf32>
      %swap3A_514 = arith.constant 176 : index
      %swap3A_515 = tpu.vector_load %arg19[%swap3A_514] {strides = array<i32>} : memref<384xf32, #tpu.memory_space<vmem>>, vector<16xf32>,
      tpu.vector_store %arg19[%swap3A_514], %mul3A_513 {strides = array<i32>} : memref<384xf32, #tpu.memory_space<vmem>>, vector<16xf32>,
      %get3A_516 = arith.constant 0 : i32
      %get3A_517 = arith.index_cast %get3A_516 : i32 to index
      %get3A_518 = arith.constant 192 : index
      %get3A_519 = tpu.vector_load %arg15[%get3A_517, %get3A_518] {strides = array<i32>} : memref<40x384xbf16, #tpu.memory_space<vmem>>, vector<32xbf16>,
      %unpack3A_520 = tpu.unpack_subelements %get3A_519, 0 {pack_format = #tpu.pack_format<interleaved>} : vector<32xbf16> -> vector<16xf32>
      %unpack3A_521 = tpu.unpack_subelements %get3A_519, 1 {pack_format = #tpu.pack_format<interleaved>} : vector<32xbf16> -> vector<16xf32>
      %mul3A_522 = arith.mulf %unpack3A_520, %get3A_443 : vector<16xf32>
      %swap3A_523 = arith.constant 192 : index
      %swap3A_524 = tpu.vector_load %arg19[%swap3A_523] {strides = array<i32>} : memref<384xf32, #tpu.memory_space<vmem>>, vector<16xf32>,
      tpu.vector_store %arg19[%swap3A_523], %mul3A_522 {strides = array<i32>} : memref<384xf32, #tpu.memory_space<vmem>>, vector<16xf32>,
      %mul3A_525 = arith.mulf %unpack3A_521, %get3A_443 : vector<16xf32>
      %swap3A_526 = arith.constant 208 : index
      %swap3A_527 = tpu.vector_load %arg19[%swap3A_526] {strides = array<i32>} : memref<384xf32, #tpu.memory_space<vmem>>, vector<16xf32>,
      tpu.vector_store %arg19[%swap3A_526], %mul3A_525 {strides = array<i32>} : memref<384xf32, #tpu.memory_space<vmem>>, vector<16xf32>,
      %get3A_528 = arith.constant 0 : i32
      %get3A_529 = arith.index_cast %get3A_528 : i32 to index
      %get3A_530 = arith.constant 224 : index
      %get3A_531 = tpu.vector_load %arg15[%get3A_529, %get3A_530] {strides = array<i32>} : memref<40x384xbf16, #tpu.memory_space<vmem>>, vector<32xbf16>,
      %unpack3A_532 = tpu.unpack_subelements %get3A_531, 0 {pack_format = #tpu.pack_format<interleaved>} : vector<32xbf16> -> vector<16xf32>
      %unpack3A_533 = tpu.unpack_subelements %get3A_531, 1 {pack_format = #tpu.pack_format<interleaved>} : vector<32xbf16> -> vector<16xf32>
      %mul3A_534 = arith.mulf %unpack3A_532, %get3A_443 : vector<16xf32>
      %swap3A_535 = arith.constant 224 : index
      %swap3A_536 = tpu.vector_load %arg19[%swap3A_535] {strides = array<i32>} : memref<384xf32, #tpu.memory_space<vmem>>, vector<16xf32>,
      tpu.vector_store %arg19[%swap3A_535], %mul3A_534 {strides = array<i32>} : memref<384xf32, #tpu.memory_space<vmem>>, vector<16xf32>,
      %mul3A_537 = arith.mulf %unpack3A_533, %get3A_443 : vector<16xf32>
      %swap3A_538 = arith.constant 240 : index
      %swap3A_539 = tpu.vector_load %arg19[%swap3A_538] {strides = array<i32>} : memref<384xf32, #tpu.memory_space<vmem>>, vector<16xf32>,
      tpu.vector_store %arg19[%swap3A_538], %mul3A_537 {strides = array<i32>} : memref<384xf32, #tpu.memory_space<vmem>>, vector<16xf32>,
      %get3A_540 = arith.constant 0 : i32
      %get3A_541 = arith.index_cast %get3A_540 : i32 to index
      %get3A_542 = arith.constant 256 : index
      %get3A_543 = tpu.vector_load %arg15[%get3A_541, %get3A_542] {strides = array<i32>} : memref<40x384xbf16, #tpu.memory_space<vmem>>, vector<32xbf16>,
      %unpack3A_544 = tpu.unpack_subelements %get3A_543, 0 {pack_format = #tpu.pack_format<interleaved>} : vector<32xbf16> -> vector<16xf32>
      %unpack3A_545 = tpu.unpack_subelements %get3A_543, 1 {pack_format = #tpu.pack_format<interleaved>} : vector<32xbf16> -> vector<16xf32>
      %mul3A_546 = arith.mulf %unpack3A_544, %get3A_443 : vector<16xf32>
      %swap3A_547 = arith.constant 256 : index
      %swap3A_548 = tpu.vector_load %arg19[%swap3A_547] {strides = array<i32>} : memref<384xf32, #tpu.memory_space<vmem>>, vector<16xf32>,
      tpu.vector_store %arg19[%swap3A_547], %mul3A_546 {strides = array<i32>} : memref<384xf32, #tpu.memory_space<vmem>>, vector<16xf32>,
      %mul3A_549 = arith.mulf %unpack3A_545, %get3A_443 : vector<16xf32>
      %swap3A_550 = arith.constant 272 : index
      %swap3A_551 = tpu.vector_load %arg19[%swap3A_550] {strides = array<i32>} : memref<384xf32, #tpu.memory_space<vmem>>, vector<16xf32>,
      tpu.vector_store %arg19[%swap3A_550], %mul3A_549 {strides = array<i32>} : memref<384xf32, #tpu.memory_space<vmem>>, vector<16xf32>,
      %get3A_552 = arith.constant 0 : i32
      %get3A_553 = arith.index_cast %get3A_552 : i32 to index
      %get3A_554 = arith.constant 288 : index
      %get3A_555 = tpu.vector_load %arg15[%get3A_553, %get3A_554] {strides = array<i32>} : memref<40x384xbf16, #tpu.memory_space<vmem>>, vector<32xbf16>,
      %unpack3A_556 = tpu.unpack_subelements %get3A_555, 0 {pack_format = #tpu.pack_format<interleaved>} : vector<32xbf16> -> vector<16xf32>
      %unpack3A_557 = tpu.unpack_subelements %get3A_555, 1 {pack_format = #tpu.pack_format<interleaved>} : vector<32xbf16> -> vector<16xf32>
      %mul3A_558 = arith.mulf %unpack3A_556, %get3A_443 : vector<16xf32>
      %swap3A_559 = arith.constant 288 : index
      %swap3A_560 = tpu.vector_load %arg19[%swap3A_559] {strides = array<i32>} : memref<384xf32, #tpu.memory_space<vmem>>, vector<16xf32>,
      tpu.vector_store %arg19[%swap3A_559], %mul3A_558 {strides = array<i32>} : memref<384xf32, #tpu.memory_space<vmem>>, vector<16xf32>,
      %mul3A_561 = arith.mulf %unpack3A_557, %get3A_443 : vector<16xf32>
      %swap3A_562 = arith.constant 304 : index
      %swap3A_563 = tpu.vector_load %arg19[%swap3A_562] {strides = array<i32>} : memref<384xf32, #tpu.memory_space<vmem>>, vector<16xf32>,
      tpu.vector_store %arg19[%swap3A_562], %mul3A_561 {strides = array<i32>} : memref<384xf32, #tpu.memory_space<vmem>>, vector<16xf32>,
      %get3A_564 = arith.constant 0 : i32
      %get3A_565 = arith.index_cast %get3A_564 : i32 to index
      %get3A_566 = arith.constant 320 : index
      %get3A_567 = tpu.vector_load %arg15[%get3A_565, %get3A_566] {strides = array<i32>} : memref<40x384xbf16, #tpu.memory_space<vmem>>, vector<32xbf16>,
      %unpack3A_568 = tpu.unpack_subelements %get3A_567, 0 {pack_format = #tpu.pack_format<interleaved>} : vector<32xbf16> -> vector<16xf32>
      %unpack3A_569 = tpu.unpack_subelements %get3A_567, 1 {pack_format = #tpu.pack_format<interleaved>} : vector<32xbf16> -> vector<16xf32>
      %mul3A_570 = arith.mulf %unpack3A_568, %get3A_443 : vector<16xf32>
      %swap3A_571 = arith.constant 320 : index
      %swap3A_572 = tpu.vector_load %arg19[%swap3A_571] {strides = array<i32>} : memref<384xf32, #tpu.memory_space<vmem>>, vector<16xf32>,
      tpu.vector_store %arg19[%swap3A_571], %mul3A_570 {strides = array<i32>} : memref<384xf32, #tpu.memory_space<vmem>>, vector<16xf32>,
      %mul3A_573 = arith.mulf %unpack3A_569, %get3A_443 : vector<16xf32>
      %swap3A_574 = arith.constant 336 : index
      %swap3A_575 = tpu.vector_load %arg19[%swap3A_574] {strides = array<i32>} : memref<384xf32, #tpu.memory_space<vmem>>, vector<16xf32>,
      tpu.vector_store %arg19[%swap3A_574], %mul3A_573 {strides = array<i32>} : memref<384xf32, #tpu.memory_space<vmem>>, vector<16xf32>,
      %get3A_576 = arith.constant 0 : i32
      %get3A_577 = arith.index_cast %get3A_576 : i32 to index
      %get3A_578 = arith.constant 352 : index
      %get3A_579 = tpu.vector_load %arg15[%get3A_577, %get3A_578] {strides = array<i32>} : memref<40x384xbf16, #tpu.memory_space<vmem>>, vector<32xbf16>,
      %unpack3A_580 = tpu.unpack_subelements %get3A_579, 0 {pack_format = #tpu.pack_format<interleaved>} : vector<32xbf16> -> vector<16xf32>
      %unpack3A_581 = tpu.unpack_subelements %get3A_579, 1 {pack_format = #tpu.pack_format<interleaved>} : vector<32xbf16> -> vector<16xf32>
      %mul3A_582 = arith.mulf %unpack3A_580, %get3A_443 : vector<16xf32>
      %swap3A_583 = arith.constant 352 : index
      %swap3A_584 = tpu.vector_load %arg19[%swap3A_583] {strides = array<i32>} : memref<384xf32, #tpu.memory_space<vmem>>, vector<16xf32>,
      tpu.vector_store %arg19[%swap3A_583], %mul3A_582 {strides = array<i32>} : memref<384xf32, #tpu.memory_space<vmem>>, vector<16xf32>,
      %mul3A_585 = arith.mulf %unpack3A_581, %get3A_443 : vector<16xf32>
      %swap3A_586 = arith.constant 368 : index
      %swap3A_587 = tpu.vector_load %arg19[%swap3A_586] {strides = array<i32>} : memref<384xf32, #tpu.memory_space<vmem>>, vector<16xf32>,
      tpu.vector_store %arg19[%swap3A_586], %mul3A_585 {strides = array<i32>} : memref<384xf32, #tpu.memory_space<vmem>>, vector<16xf32>,
      %scan3A_588 = arith.constant 0 : i32
      %scan3A_589 = arith.constant 1 : i32
      %scan3A_590 = arith.constant 35 : i32
      %scan3A_591 = arith.addi %scan3A_589, %scan3A_590 : i32
      %scan3A_592 = arith.constant 1 : i32
      scf.for %scan3A_1059 = %scan3A_589 to %scan3A_591 step %scan3A_592  : i32 {
        %mul3A_1060 = arith.constant 16 : i32
        %mul3A_1061 = arith.muli %scan3A_1059, %mul3A_1060 : i32
        %get3A_1062 = arith.index_cast %mul3A_1061 : i32 to index
        %get3A_1063 = tpu.vector_load %arg11[%get3A_1062] {strides = array<i32>} : memref<576xf32, #tpu.memory_space<vmem>>, vector<16xf32>,
        %get3A_1064 = arith.index_cast %scan3A_1059 : i32 to index
        %get3A_1065 = arith.constant 0 : index
        %get3A_1066 = tpu.vector_load %arg15[%get3A_1064, %get3A_1065] {strides = array<i32>} : memref<40x384xbf16, #tpu.memory_space<vmem>>, vector<32xbf16>,
        %unpack3A_1067 = tpu.unpack_subelements %get3A_1066, 0 {pack_format = #tpu.pack_format<interleaved>} : vector<32xbf16> -> vector<16xf32>
        %unpack3A_1068 = tpu.unpack_subelements %get3A_1066, 1 {pack_format = #tpu.pack_format<interleaved>} : vector<32xbf16> -> vector<16xf32>
        %mul3A_1069 = arith.mulf %unpack3A_1067, %get3A_1063 : vector<16xf32>
        %swap3A_1070 = arith.constant 0 : index
        %swap3A_1071 = tpu.vector_load %arg19[%swap3A_1070] {strides = array<i32>} : memref<384xf32, #tpu.memory_space<vmem>>, vector<16xf32>,
        tpu.vector_store %arg19[%swap3A_1070], %mul3A_1069 {add = true, strides = array<i32>} : memref<384xf32, #tpu.memory_space<vmem>>, vector<16xf32>,
        %mul3A_1072 = arith.mulf %unpack3A_1068, %get3A_1063 : vector<16xf32>
        %swap3A_1073 = arith.constant 16 : index
        %swap3A_1074 = tpu.vector_load %arg19[%swap3A_1073] {strides = array<i32>} : memref<384xf32, #tpu.memory_space<vmem>>, vector<16xf32>,
        tpu.vector_store %arg19[%swap3A_1073], %mul3A_1072 {add = true, strides = array<i32>} : memref<384xf32, #tpu.memory_space<vmem>>, vector<16xf32>,
        %get3A_1075 = arith.index_cast %scan3A_1059 : i32 to index
        %get3A_1076 = arith.constant 32 : index
        %get3A_1077 = tpu.vector_load %arg15[%get3A_1075, %get3A_1076] {strides = array<i32>} : memref<40x384xbf16, #tpu.memory_space<vmem>>, vector<32xbf16>,
        %unpack3A_1078 = tpu.unpack_subelements %get3A_1077, 0 {pack_format = #tpu.pack_format<interleaved>} : vector<32xbf16> -> vector<16xf32>
        %unpack3A_1079 = tpu.unpack_subelements %get3A_1077, 1 {pack_format = #tpu.pack_format<interleaved>} : vector<32xbf16> -> vector<16xf32>
        %mul3A_1080 = arith.mulf %unpack3A_1078, %get3A_1063 : vector<16xf32>
        %swap3A_1081 = arith.constant 32 : index
        %swap3A_1082 = tpu.vector_load %arg19[%swap3A_1081] {strides = array<i32>} : memref<384xf32, #tpu.memory_space<vmem>>, vector<16xf32>,
        tpu.vector_store %arg19[%swap3A_1081], %mul3A_1080 {add = true, strides = array<i32>} : memref<384xf32, #tpu.memory_space<vmem>>, vector<16xf32>,
        %mul3A_1083 = arith.mulf %unpack3A_1079, %get3A_1063 : vector<16xf32>
        %swap3A_1084 = arith.constant 48 : index
        %swap3A_1085 = tpu.vector_load %arg19[%swap3A_1084] {strides = array<i32>} : memref<384xf32, #tpu.memory_space<vmem>>, vector<16xf32>,
        tpu.vector_store %arg19[%swap3A_1084], %mul3A_1083 {add = true, strides = array<i32>} : memref<384xf32, #tpu.memory_space<vmem>>, vector<16xf32>,
        %get3A_1086 = arith.index_cast %scan3A_1059 : i32 to index
        %get3A_1087 = arith.constant 64 : index
        %get3A_1088 = tpu.vector_load %arg15[%get3A_1086, %get3A_1087] {strides = array<i32>} : memref<40x384xbf16, #tpu.memory_space<vmem>>, vector<32xbf16>,
        %unpack3A_1089 = tpu.unpack_subelements %get3A_1088, 0 {pack_format = #tpu.pack_format<interleaved>} : vector<32xbf16> -> vector<16xf32>
        %unpack3A_1090 = tpu.unpack_subelements %get3A_1088, 1 {pack_format = #tpu.pack_format<interleaved>} : vector<32xbf16> -> vector<16xf32>
        %mul3A_1091 = arith.mulf %unpack3A_1089, %get3A_1063 : vector<16xf32>
        %swap3A_1092 = arith.constant 64 : index
        %swap3A_1093 = tpu.vector_load %arg19[%swap3A_1092] {strides = array<i32>} : memref<384xf32, #tpu.memory_space<vmem>>, vector<16xf32>,
        tpu.vector_store %arg19[%swap3A_1092], %mul3A_1091 {add = true, strides = array<i32>} : memref<384xf32, #tpu.memory_space<vmem>>, vector<16xf32>,
        %mul3A_1094 = arith.mulf %unpack3A_1090, %get3A_1063 : vector<16xf32>
        %swap3A_1095 = arith.constant 80 : index
        %swap3A_1096 = tpu.vector_load %arg19[%swap3A_1095] {strides = array<i32>} : memref<384xf32, #tpu.memory_space<vmem>>, vector<16xf32>,
        tpu.vector_store %arg19[%swap3A_1095], %mul3A_1094 {add = true, strides = array<i32>} : memref<384xf32, #tpu.memory_space<vmem>>, vector<16xf32>,
        %get3A_1097 = arith.index_cast %scan3A_1059 : i32 to index
        %get3A_1098 = arith.constant 96 : index
        %get3A_1099 = tpu.vector_load %arg15[%get3A_1097, %get3A_1098] {strides = array<i32>} : memref<40x384xbf16, #tpu.memory_space<vmem>>, vector<32xbf16>,
        %unpack3A_1100 = tpu.unpack_subelements %get3A_1099, 0 {pack_format = #tpu.pack_format<interleaved>} : vector<32xbf16> -> vector<16xf32>
        %unpack3A_1101 = tpu.unpack_subelements %get3A_1099, 1 {pack_format = #tpu.pack_format<interleaved>} : vector<32xbf16> -> vector<16xf32>
        %mul3A_1102 = arith.mulf %unpack3A_1100, %get3A_1063 : vector<16xf32>
        %swap3A_1103 = arith.constant 96 : index
        %swap3A_1104 = tpu.vector_load %arg19[%swap3A_1103] {strides = array<i32>} : memref<384xf32, #tpu.memory_space<vmem>>, vector<16xf32>,
        tpu.vector_store %arg19[%swap3A_1103], %mul3A_1102 {add = true, strides = array<i32>} : memref<384xf32, #tpu.memory_space<vmem>>, vector<16xf32>,
        %mul3A_1105 = arith.mulf %unpack3A_1101, %get3A_1063 : vector<16xf32>
        %swap3A_1106 = arith.constant 112 : index
        %swap3A_1107 = tpu.vector_load %arg19[%swap3A_1106] {strides = array<i32>} : memref<384xf32, #tpu.memory_space<vmem>>, vector<16xf32>,
        tpu.vector_store %arg19[%swap3A_1106], %mul3A_1105 {add = true, strides = array<i32>} : memref<384xf32, #tpu.memory_space<vmem>>, vector<16xf32>,
        %get3A_1108 = arith.index_cast %scan3A_1059 : i32 to index
        %get3A_1109 = arith.constant 128 : index
        %get3A_1110 = tpu.vector_load %arg15[%get3A_1108, %get3A_1109] {strides = array<i32>} : memref<40x384xbf16, #tpu.memory_space<vmem>>, vector<32xbf16>,
        %unpack3A_1111 = tpu.unpack_subelements %get3A_1110, 0 {pack_format = #tpu.pack_format<interleaved>} : vector<32xbf16> -> vector<16xf32>
        %unpack3A_1112 = tpu.unpack_subelements %get3A_1110, 1 {pack_format = #tpu.pack_format<interleaved>} : vector<32xbf16> -> vector<16xf32>
        %mul3A_1113 = arith.mulf %unpack3A_1111, %get3A_1063 : vector<16xf32>
        %swap3A_1114 = arith.constant 128 : index
        %swap3A_1115 = tpu.vector_load %arg19[%swap3A_1114] {strides = array<i32>} : memref<384xf32, #tpu.memory_space<vmem>>, vector<16xf32>,
        tpu.vector_store %arg19[%swap3A_1114], %mul3A_1113 {add = true, strides = array<i32>} : memref<384xf32, #tpu.memory_space<vmem>>, vector<16xf32>,
        %mul3A_1116 = arith.mulf %unpack3A_1112, %get3A_1063 : vector<16xf32>
        %swap3A_1117 = arith.constant 144 : index
        %swap3A_1118 = tpu.vector_load %arg19[%swap3A_1117] {strides = array<i32>} : memref<384xf32, #tpu.memory_space<vmem>>, vector<16xf32>,
        tpu.vector_store %arg19[%swap3A_1117], %mul3A_1116 {add = true, strides = array<i32>} : memref<384xf32, #tpu.memory_space<vmem>>, vector<16xf32>,
        %get3A_1119 = arith.index_cast %scan3A_1059 : i32 to index
        %get3A_1120 = arith.constant 160 : index
        %get3A_1121 = tpu.vector_load %arg15[%get3A_1119, %get3A_1120] {strides = array<i32>} : memref<40x384xbf16, #tpu.memory_space<vmem>>, vector<32xbf16>,
        %unpack3A_1122 = tpu.unpack_subelements %get3A_1121, 0 {pack_format = #tpu.pack_format<interleaved>} : vector<32xbf16> -> vector<16xf32>
        %unpack3A_1123 = tpu.unpack_subelements %get3A_1121, 1 {pack_format = #tpu.pack_format<interleaved>} : vector<32xbf16> -> vector<16xf32>
        %mul3A_1124 = arith.mulf %unpack3A_1122, %get3A_1063 : vector<16xf32>
        %swap3A_1125 = arith.constant 160 : index
        %swap3A_1126 = tpu.vector_load %arg19[%swap3A_1125] {strides = array<i32>} : memref<384xf32, #tpu.memory_space<vmem>>, vector<16xf32>,
        tpu.vector_store %arg19[%swap3A_1125], %mul3A_1124 {add = true, strides = array<i32>} : memref<384xf32, #tpu.memory_space<vmem>>, vector<16xf32>,
        %mul3A_1127 = arith.mulf %unpack3A_1123, %get3A_1063 : vector<16xf32>
        %swap3A_1128 = arith.constant 176 : index
        %swap3A_1129 = tpu.vector_load %arg19[%swap3A_1128] {strides = array<i32>} : memref<384xf32, #tpu.memory_space<vmem>>, vector<16xf32>,
        tpu.vector_store %arg19[%swap3A_1128], %mul3A_1127 {add = true, strides = array<i32>} : memref<384xf32, #tpu.memory_space<vmem>>, vector<16xf32>,
        %get3A_1130 = arith.index_cast %scan3A_1059 : i32 to index
        %get3A_1131 = arith.constant 192 : index
        %get3A_1132 = tpu.vector_load %arg15[%get3A_1130, %get3A_1131] {strides = array<i32>} : memref<40x384xbf16, #tpu.memory_space<vmem>>, vector<32xbf16>,
        %unpack3A_1133 = tpu.unpack_subelements %get3A_1132, 0 {pack_format = #tpu.pack_format<interleaved>} : vector<32xbf16> -> vector<16xf32>
        %unpack3A_1134 = tpu.unpack_subelements %get3A_1132, 1 {pack_format = #tpu.pack_format<interleaved>} : vector<32xbf16> -> vector<16xf32>
        %mul3A_1135 = arith.mulf %unpack3A_1133, %get3A_1063 : vector<16xf32>
        %swap3A_1136 = arith.constant 192 : index
        %swap3A_1137 = tpu.vector_load %arg19[%swap3A_1136] {strides = array<i32>} : memref<384xf32, #tpu.memory_space<vmem>>, vector<16xf32>,
        tpu.vector_store %arg19[%swap3A_1136], %mul3A_1135 {add = true, strides = array<i32>} : memref<384xf32, #tpu.memory_space<vmem>>, vector<16xf32>,
        %mul3A_1138 = arith.mulf %unpack3A_1134, %get3A_1063 : vector<16xf32>
        %swap3A_1139 = arith.constant 208 : index
        %swap3A_1140 = tpu.vector_load %arg19[%swap3A_1139] {strides = array<i32>} : memref<384xf32, #tpu.memory_space<vmem>>, vector<16xf32>,
        tpu.vector_store %arg19[%swap3A_1139], %mul3A_1138 {add = true, strides = array<i32>} : memref<384xf32, #tpu.memory_space<vmem>>, vector<16xf32>,
        %get3A_1141 = arith.index_cast %scan3A_1059 : i32 to index
        %get3A_1142 = arith.constant 224 : index
        %get3A_1143 = tpu.vector_load %arg15[%get3A_1141, %get3A_1142] {strides = array<i32>} : memref<40x384xbf16, #tpu.memory_space<vmem>>, vector<32xbf16>,
        %unpack3A_1144 = tpu.unpack_subelements %get3A_1143, 0 {pack_format = #tpu.pack_format<interleaved>} : vector<32xbf16> -> vector<16xf32>
        %unpack3A_1145 = tpu.unpack_subelements %get3A_1143, 1 {pack_format = #tpu.pack_format<interleaved>} : vector<32xbf16> -> vector<16xf32>
        %mul3A_1146 = arith.mulf %unpack3A_1144, %get3A_1063 : vector<16xf32>
        %swap3A_1147 = arith.constant 224 : index
        %swap3A_1148 = tpu.vector_load %arg19[%swap3A_1147] {strides = array<i32>} : memref<384xf32, #tpu.memory_space<vmem>>, vector<16xf32>,
        tpu.vector_store %arg19[%swap3A_1147], %mul3A_1146 {add = true, strides = array<i32>} : memref<384xf32, #tpu.memory_space<vmem>>, vector<16xf32>,
        %mul3A_1149 = arith.mulf %unpack3A_1145, %get3A_1063 : vector<16xf32>
        %swap3A_1150 = arith.constant 240 : index
        %swap3A_1151 = tpu.vector_load %arg19[%swap3A_1150] {strides = array<i32>} : memref<384xf32, #tpu.memory_space<vmem>>, vector<16xf32>,
        tpu.vector_store %arg19[%swap3A_1150], %mul3A_1149 {add = true, strides = array<i32>} : memref<384xf32, #tpu.memory_space<vmem>>, vector<16xf32>,
        %get3A_1152 = arith.index_cast %scan3A_1059 : i32 to index
        %get3A_1153 = arith.constant 256 : index
        %get3A_1154 = tpu.vector_load %arg15[%get3A_1152, %get3A_1153] {strides = array<i32>} : memref<40x384xbf16, #tpu.memory_space<vmem>>, vector<32xbf16>,
        %unpack3A_1155 = tpu.unpack_subelements %get3A_1154, 0 {pack_format = #tpu.pack_format<interleaved>} : vector<32xbf16> -> vector<16xf32>
        %unpack3A_1156 = tpu.unpack_subelements %get3A_1154, 1 {pack_format = #tpu.pack_format<interleaved>} : vector<32xbf16> -> vector<16xf32>
        %mul3A_1157 = arith.mulf %unpack3A_1155, %get3A_1063 : vector<16xf32>
        %swap3A_1158 = arith.constant 256 : index
        %swap3A_1159 = tpu.vector_load %arg19[%swap3A_1158] {strides = array<i32>} : memref<384xf32, #tpu.memory_space<vmem>>, vector<16xf32>,
        tpu.vector_store %arg19[%swap3A_1158], %mul3A_1157 {add = true, strides = array<i32>} : memref<384xf32, #tpu.memory_space<vmem>>, vector<16xf32>,
        %mul3A_1160 = arith.mulf %unpack3A_1156, %get3A_1063 : vector<16xf32>
        %swap3A_1161 = arith.constant 272 : index
        %swap3A_1162 = tpu.vector_load %arg19[%swap3A_1161] {strides = array<i32>} : memref<384xf32, #tpu.memory_space<vmem>>, vector<16xf32>,
        tpu.vector_store %arg19[%swap3A_1161], %mul3A_1160 {add = true, strides = array<i32>} : memref<384xf32, #tpu.memory_space<vmem>>, vector<16xf32>,
        %get3A_1163 = arith.index_cast %scan3A_1059 : i32 to index
        %get3A_1164 = arith.constant 288 : index
        %get3A_1165 = tpu.vector_load %arg15[%get3A_1163, %get3A_1164] {strides = array<i32>} : memref<40x384xbf16, #tpu.memory_space<vmem>>, vector<32xbf16>,
        %unpack3A_1166 = tpu.unpack_subelements %get3A_1165, 0 {pack_format = #tpu.pack_format<interleaved>} : vector<32xbf16> -> vector<16xf32>
        %unpack3A_1167 = tpu.unpack_subelements %get3A_1165, 1 {pack_format = #tpu.pack_format<interleaved>} : vector<32xbf16> -> vector<16xf32>
        %mul3A_1168 = arith.mulf %unpack3A_1166, %get3A_1063 : vector<16xf32>
        %swap3A_1169 = arith.constant 288 : index
        %swap3A_1170 = tpu.vector_load %arg19[%swap3A_1169] {strides = array<i32>} : memref<384xf32, #tpu.memory_space<vmem>>, vector<16xf32>,
        tpu.vector_store %arg19[%swap3A_1169], %mul3A_1168 {add = true, strides = array<i32>} : memref<384xf32, #tpu.memory_space<vmem>>, vector<16xf32>,
        %mul3A_1171 = arith.mulf %unpack3A_1167, %get3A_1063 : vector<16xf32>
        %swap3A_1172 = arith.constant 304 : index
        %swap3A_1173 = tpu.vector_load %arg19[%swap3A_1172] {strides = array<i32>} : memref<384xf32, #tpu.memory_space<vmem>>, vector<16xf32>,
        tpu.vector_store %arg19[%swap3A_1172], %mul3A_1171 {add = true, strides = array<i32>} : memref<384xf32, #tpu.memory_space<vmem>>, vector<16xf32>,
        %get3A_1174 = arith.index_cast %scan3A_1059 : i32 to index
        %get3A_1175 = arith.constant 320 : index
        %get3A_1176 = tpu.vector_load %arg15[%get3A_1174, %get3A_1175] {strides = array<i32>} : memref<40x384xbf16, #tpu.memory_space<vmem>>, vector<32xbf16>,
        %unpack3A_1177 = tpu.unpack_subelements %get3A_1176, 0 {pack_format = #tpu.pack_format<interleaved>} : vector<32xbf16> -> vector<16xf32>
        %unpack3A_1178 = tpu.unpack_subelements %get3A_1176, 1 {pack_format = #tpu.pack_format<interleaved>} : vector<32xbf16> -> vector<16xf32>
        %mul3A_1179 = arith.mulf %unpack3A_1177, %get3A_1063 : vector<16xf32>
        %swap3A_1180 = arith.constant 320 : index
        %swap3A_1181 = tpu.vector_load %arg19[%swap3A_1180] {strides = array<i32>} : memref<384xf32, #tpu.memory_space<vmem>>, vector<16xf32>,
        tpu.vector_store %arg19[%swap3A_1180], %mul3A_1179 {add = true, strides = array<i32>} : memref<384xf32, #tpu.memory_space<vmem>>, vector<16xf32>,
        %mul3A_1182 = arith.mulf %unpack3A_1178, %get3A_1063 : vector<16xf32>
        %swap3A_1183 = arith.constant 336 : index
        %swap3A_1184 = tpu.vector_load %arg19[%swap3A_1183] {strides = array<i32>} : memref<384xf32, #tpu.memory_space<vmem>>, vector<16xf32>,
        tpu.vector_store %arg19[%swap3A_1183], %mul3A_1182 {add = true, strides = array<i32>} : memref<384xf32, #tpu.memory_space<vmem>>, vector<16xf32>,
        %get3A_1185 = arith.index_cast %scan3A_1059 : i32 to index
        %get3A_1186 = arith.constant 352 : index
        %get3A_1187 = tpu.vector_load %arg15[%get3A_1185, %get3A_1186] {strides = array<i32>} : memref<40x384xbf16, #tpu.memory_space<vmem>>, vector<32xbf16>,
        %unpack3A_1188 = tpu.unpack_subelements %get3A_1187, 0 {pack_format = #tpu.pack_format<interleaved>} : vector<32xbf16> -> vector<16xf32>
        %unpack3A_1189 = tpu.unpack_subelements %get3A_1187, 1 {pack_format = #tpu.pack_format<interleaved>} : vector<32xbf16> -> vector<16xf32>
        %mul3A_1190 = arith.mulf %unpack3A_1188, %get3A_1063 : vector<16xf32>
        %swap3A_1191 = arith.constant 352 : index
        %swap3A_1192 = tpu.vector_load %arg19[%swap3A_1191] {strides = array<i32>} : memref<384xf32, #tpu.memory_space<vmem>>, vector<16xf32>,
        tpu.vector_store %arg19[%swap3A_1191], %mul3A_1190 {add = true, strides = array<i32>} : memref<384xf32, #tpu.memory_space<vmem>>, vector<16xf32>,
        %mul3A_1193 = arith.mulf %unpack3A_1189, %get3A_1063 : vector<16xf32>
        %swap3A_1194 = arith.constant 368 : index
        %swap3A_1195 = tpu.vector_load %arg19[%swap3A_1194] {strides = array<i32>} : memref<384xf32, #tpu.memory_space<vmem>>, vector<16xf32>,
        tpu.vector_store %arg19[%swap3A_1194], %mul3A_1193 {add = true, strides = array<i32>} : memref<384xf32, #tpu.memory_space<vmem>>, vector<16xf32>,
      }
      %scan3A_593 = arith.constant 35 : i32
      %add3A_594 = arith.constant 3 : i32
      %add3A_595 = arith.addi %add3A_402, %add3A_594 : i32
      %and3A_596 = arith.constant 127 : i32
      %and3A_597 = arith.andi %add3A_595, %and3A_596 : i32
      %add3A_598 = arith.addi %mul3A_2, %and3A_597 : i32
      %dma_start3A_599 = arith.constant 0 : i32
      %dma_start3A_600 = tpu.memref_slice %arg3[%add3A_598, %dma_start3A_599] : memref<4096x40xi32, #tpu.memory_space<hbm>> -> memref<1x40xi32, #tpu.memory_space<hbm>>
      %dma_start3A_601 = tpu.memref_squeeze %dma_start3A_600 : memref<1x40xi32, #tpu.memory_space<hbm>> -> memref<40xi32, #tpu.memory_space<hbm>>
      %dma_start3A_602 = arith.constant 0 : i32
      %dma_start3A_603 = tpu.memref_slice %arg3[%add3A_598, %dma_start3A_602] : memref<4096x40xi32, #tpu.memory_space<hbm>> -> memref<1x40xi32, #tpu.memory_space<hbm>>
      %dma_start3A_604 = tpu.memref_squeeze %dma_start3A_603 : memref<1x40xi32, #tpu.memory_space<hbm>> -> memref<40xi32, #tpu.memory_space<hbm>>
      tpu.enqueue_dma source(%dma_start3A_604 : memref<40xi32, #tpu.memory_space<hbm>>) target(%arg6 : memref<40xi32, #tpu.memory_space<vmem>>) target_semaphore(%arg23 : memref<!tpu.dma_semaphore, #tpu.memory_space<semaphore_mem>>)
      %add3A_605 = arith.addi %mul3A_2, %and3A_597 : i32
      %dma_start3A_606 = arith.constant 0 : i32
      %dma_start3A_607 = tpu.memref_slice %arg4[%add3A_605, %dma_start3A_606] : memref<4096x576xf32, #tpu.memory_space<hbm>> -> memref<1x576xf32, #tpu.memory_space<hbm>>
      %dma_start3A_608 = tpu.memref_squeeze %dma_start3A_607 : memref<1x576xf32, #tpu.memory_space<hbm>> -> memref<576xf32, #tpu.memory_space<hbm>>
      %dma_start3A_609 = arith.constant 0 : i32
      %dma_start3A_610 = tpu.memref_slice %arg4[%add3A_605, %dma_start3A_609] : memref<4096x576xf32, #tpu.memory_space<hbm>> -> memref<1x576xf32, #tpu.memory_space<hbm>>
      %dma_start3A_611 = tpu.memref_squeeze %dma_start3A_610 : memref<1x576xf32, #tpu.memory_space<hbm>> -> memref<576xf32, #tpu.memory_space<hbm>>
      tpu.enqueue_dma source(%dma_start3A_611 : memref<576xf32, #tpu.memory_space<hbm>>) target(%arg10 : memref<576xf32, #tpu.memory_space<vmem>>) target_semaphore(%arg23 : memref<!tpu.dma_semaphore, #tpu.memory_space<semaphore_mem>>)
      %add3A_612 = arith.addi %mul3A_2, %add3A_402 : i32
      %dma_start3A_613 = arith.constant 0 : i32
      %dma_start3A_614 = tpu.memref_slice %arg5[%add3A_612, %dma_start3A_613] : memref<4096x384xf32, #tpu.memory_space<hbm>> -> memref<1x384xf32, #tpu.memory_space<hbm>>
      %dma_start3A_615 = tpu.memref_squeeze %dma_start3A_614 : memref<1x384xf32, #tpu.memory_space<hbm>> -> memref<384xf32, #tpu.memory_space<hbm>>
      %dma_start3A_616 = arith.constant 0 : i32
      %dma_start3A_617 = tpu.memref_slice %arg5[%add3A_612, %dma_start3A_616] : memref<4096x384xf32, #tpu.memory_space<hbm>> -> memref<1x384xf32, #tpu.memory_space<hbm>>
      %dma_start3A_618 = tpu.memref_squeeze %dma_start3A_617 : memref<1x384xf32, #tpu.memory_space<hbm>> -> memref<384xf32, #tpu.memory_space<hbm>>
      tpu.enqueue_dma source(%arg19 : memref<384xf32, #tpu.memory_space<vmem>>) target(%dma_start3A_618 : memref<384xf32, #tpu.memory_space<hbm>>) target_semaphore(%arg32 : memref<!tpu.dma_semaphore, #tpu.memory_space<semaphore_mem>>)
      %mul3A_619 = arith.constant 4 : i32
      %mul3A_620 = arith.muli %scan3A_185, %mul3A_619 : i32
      %add3A_621 = arith.constant 2 : i32
      %add3A_622 = arith.addi %mul3A_620, %add3A_621 : i32
      %dma_wait3A_623 = arith.constant 0 : i32
      %dma_wait3A_624 = arith.constant 0 : i32
      %dma_wait3A_625 = tpu.memref_slice %arg16[%dma_wait3A_623, %dma_wait3A_624] : memref<40x384xbf16, #tpu.memory_space<vmem>> -> memref<36x384xbf16, #tpu.memory_space<vmem>>
      %dma_wait3A_626 = arith.constant 0 : i32
      %dma_wait3A_627 = tpu.memref_slice %arg8[%dma_wait3A_626] : memref<40xi32, #tpu.memory_space<vmem>> -> memref<36xi32, #tpu.memory_space<vmem>>
      %dma_wait3A_628 = arith.constant 0 : i32
      %dma_wait3A_629 = arith.constant 0 : i32
      %dma_wait3A_630 = tpu.memref_slice %arg22[%dma_wait3A_628, %dma_wait3A_629] : memref<4096x384xbf16, #tpu.memory_space<vmem_shared>> -> memref<4096x384xbf16, #tpu.memory_space<vmem_shared>>
      tpu.wait_indirect_dma semaphore(%arg29 : memref<!tpu.dma_semaphore, #tpu.memory_space<semaphore_mem>>) src(%dma_wait3A_630 : memref<4096x384xbf16, #tpu.memory_space<vmem_shared>>) dst(%dma_wait3A_625 : memref<36x384xbf16, #tpu.memory_space<vmem>>)
      %add3A_631 = arith.constant 2 : i32
      %add3A_632 = arith.addi %add3A_622, %add3A_631 : i32
      %and3A_633 = arith.constant 127 : i32
      %and3A_634 = arith.andi %add3A_632, %and3A_633 : i32
      %add3A_635 = arith.addi %mul3A_2, %and3A_634 : i32
      %dma_wait3A_636 = arith.constant 0 : i32
      %dma_wait3A_637 = tpu.memref_slice %arg3[%add3A_635, %dma_wait3A_636] : memref<4096x40xi32, #tpu.memory_space<hbm>> -> memref<1x40xi32, #tpu.memory_space<hbm>>
      %dma_wait3A_638 = tpu.memref_squeeze %dma_wait3A_637 : memref<1x40xi32, #tpu.memory_space<hbm>> -> memref<40xi32, #tpu.memory_space<hbm>>
      %dma_wait3A_639 = arith.constant 0 : i32
      %dma_wait3A_640 = tpu.memref_slice %arg3[%add3A_635, %dma_wait3A_639] : memref<4096x40xi32, #tpu.memory_space<hbm>> -> memref<1x40xi32, #tpu.memory_space<hbm>>
      %dma_wait3A_641 = tpu.memref_squeeze %dma_wait3A_640 : memref<1x40xi32, #tpu.memory_space<hbm>> -> memref<40xi32, #tpu.memory_space<hbm>>
      tpu.wait_dma2 semaphore(%arg23 : memref<!tpu.dma_semaphore, #tpu.memory_space<semaphore_mem>>) src(%dma_wait3A_641 : memref<40xi32, #tpu.memory_space<hbm>>) dst(%arg6 : memref<40xi32, #tpu.memory_space<vmem>>)
      %add3A_642 = arith.addi %mul3A_2, %and3A_634 : i32
      %dma_wait3A_643 = arith.constant 0 : i32
      %dma_wait3A_644 = tpu.memref_slice %arg4[%add3A_642, %dma_wait3A_643] : memref<4096x576xf32, #tpu.memory_space<hbm>> -> memref<1x576xf32, #tpu.memory_space<hbm>>
      %dma_wait3A_645 = tpu.memref_squeeze %dma_wait3A_644 : memref<1x576xf32, #tpu.memory_space<hbm>> -> memref<576xf32, #tpu.memory_space<hbm>>
      %dma_wait3A_646 = arith.constant 0 : i32
      %dma_wait3A_647 = tpu.memref_slice %arg4[%add3A_642, %dma_wait3A_646] : memref<4096x576xf32, #tpu.memory_space<hbm>> -> memref<1x576xf32, #tpu.memory_space<hbm>>
      %dma_wait3A_648 = tpu.memref_squeeze %dma_wait3A_647 : memref<1x576xf32, #tpu.memory_space<hbm>> -> memref<576xf32, #tpu.memory_space<hbm>>
      tpu.wait_dma2 semaphore(%arg23 : memref<!tpu.dma_semaphore, #tpu.memory_space<semaphore_mem>>) src(%dma_wait3A_648 : memref<576xf32, #tpu.memory_space<hbm>>) dst(%arg10 : memref<576xf32, #tpu.memory_space<vmem>>)
      %dma_start3A_649 = arith.constant 0 : i32
      %dma_start3A_650 = arith.constant 0 : i32
      %dma_start3A_651 = tpu.memref_slice %arg14[%dma_start3A_649, %dma_start3A_650] : memref<40x384xbf16, #tpu.memory_space<vmem>> -> memref<36x384xbf16, #tpu.memory_space<vmem>>
      %dma_start3A_652 = arith.constant 0 : i32
      %dma_start3A_653 = tpu.memref_slice %arg6[%dma_start3A_652] : memref<40xi32, #tpu.memory_space<vmem>> -> memref<36xi32, #tpu.memory_space<vmem>>
      %dma_start3A_654 = arith.constant 0 : i32
      %dma_start3A_655 = arith.constant 0 : i32
      %dma_start3A_656 = tpu.memref_slice %arg22[%dma_start3A_654, %dma_start3A_655] : memref<4096x384xbf16, #tpu.memory_space<vmem_shared>> -> memref<4096x384xbf16, #tpu.memory_space<vmem_shared>>
      tpu.enqueue_indirect_dma source(%dma_start3A_656 : memref<4096x384xbf16, #tpu.memory_space<vmem_shared>>) target(%dma_start3A_651 : memref<36x384xbf16, #tpu.memory_space<vmem>>) offsets(%dma_start3A_653 : memref<36xi32, #tpu.memory_space<vmem>>) semaphore(%arg27 : memref<!tpu.dma_semaphore, #tpu.memory_space<semaphore_mem>>)
      %gt3A_657 = arith.constant 0 : i32
      %gt3A_658 = arith.cmpi sgt, %scan3A_185, %gt3A_657 : i32
      %convert_element_type3A_659 = arith.extui %gt3A_658 : i1 to i32
      %cond3A_660 = arith.constant 0 : i32
      %cond3A_661 = arith.cmpi ne, %convert_element_type3A_659, %cond3A_660 : i32
      scf.if %cond3A_661 {
        %add3A_1059 = arith.addi %mul3A_2, %add3A_622 : i32
        %sub3A_1060 = arith.constant 4 : i32
        %sub3A_1061 = arith.subi %add3A_1059, %sub3A_1060 : i32
        %dma_wait3A_1062 = arith.constant 0 : i32
        %dma_wait3A_1063 = tpu.memref_slice %arg5[%sub3A_1061, %dma_wait3A_1062] : memref<4096x384xf32, #tpu.memory_space<hbm>> -> memref<1x384xf32, #tpu.memory_space<hbm>>
        %dma_wait3A_1064 = tpu.memref_squeeze %dma_wait3A_1063 : memref<1x384xf32, #tpu.memory_space<hbm>> -> memref<384xf32, #tpu.memory_space<hbm>>
        %dma_wait3A_1065 = arith.constant 0 : i32
        %dma_wait3A_1066 = tpu.memref_slice %arg5[%sub3A_1061, %dma_wait3A_1065] : memref<4096x384xf32, #tpu.memory_space<hbm>> -> memref<1x384xf32, #tpu.memory_space<hbm>>
        %dma_wait3A_1067 = tpu.memref_squeeze %dma_wait3A_1066 : memref<1x384xf32, #tpu.memory_space<hbm>> -> memref<384xf32, #tpu.memory_space<hbm>>
        tpu.wait_dma2 semaphore(%arg33 : memref<!tpu.dma_semaphore, #tpu.memory_space<semaphore_mem>>) src(%arg20 : memref<384xf32, #tpu.memory_space<vmem>>) dst(%dma_wait3A_1067 : memref<384xf32, #tpu.memory_space<hbm>>)
      } else {
      }
      %get3A_662 = arith.constant 0 : index
      %get3A_663 = tpu.vector_load %arg12[%get3A_662] {strides = array<i32>} : memref<576xf32, #tpu.memory_space<vmem>>, vector<16xf32>,
      %get3A_664 = arith.constant 0 : i32
      %get3A_665 = arith.index_cast %get3A_664 : i32 to index
      %get3A_666 = arith.constant 0 : index
      %get3A_667 = tpu.vector_load %arg16[%get3A_665, %get3A_666] {strides = array<i32>} : memref<40x384xbf16, #tpu.memory_space<vmem>>, vector<32xbf16>,
      %unpack3A_668 = tpu.unpack_subelements %get3A_667, 0 {pack_format = #tpu.pack_format<interleaved>} : vector<32xbf16> -> vector<16xf32>
      %unpack3A_669 = tpu.unpack_subelements %get3A_667, 1 {pack_format = #tpu.pack_format<interleaved>} : vector<32xbf16> -> vector<16xf32>
      %mul3A_670 = arith.mulf %unpack3A_668, %get3A_663 : vector<16xf32>
      %swap3A_671 = arith.constant 0 : index
      %swap3A_672 = tpu.vector_load %arg20[%swap3A_671] {strides = array<i32>} : memref<384xf32, #tpu.memory_space<vmem>>, vector<16xf32>,
      tpu.vector_store %arg20[%swap3A_671], %mul3A_670 {strides = array<i32>} : memref<384xf32, #tpu.memory_space<vmem>>, vector<16xf32>,
      %mul3A_673 = arith.mulf %unpack3A_669, %get3A_663 : vector<16xf32>
      %swap3A_674 = arith.constant 16 : index
      %swap3A_675 = tpu.vector_load %arg20[%swap3A_674] {strides = array<i32>} : memref<384xf32, #tpu.memory_space<vmem>>, vector<16xf32>,
      tpu.vector_store %arg20[%swap3A_674], %mul3A_673 {strides = array<i32>} : memref<384xf32, #tpu.memory_space<vmem>>, vector<16xf32>,
      %get3A_676 = arith.constant 0 : i32
      %get3A_677 = arith.index_cast %get3A_676 : i32 to index
      %get3A_678 = arith.constant 32 : index
      %get3A_679 = tpu.vector_load %arg16[%get3A_677, %get3A_678] {strides = array<i32>} : memref<40x384xbf16, #tpu.memory_space<vmem>>, vector<32xbf16>,
      %unpack3A_680 = tpu.unpack_subelements %get3A_679, 0 {pack_format = #tpu.pack_format<interleaved>} : vector<32xbf16> -> vector<16xf32>
      %unpack3A_681 = tpu.unpack_subelements %get3A_679, 1 {pack_format = #tpu.pack_format<interleaved>} : vector<32xbf16> -> vector<16xf32>
      %mul3A_682 = arith.mulf %unpack3A_680, %get3A_663 : vector<16xf32>
      %swap3A_683 = arith.constant 32 : index
      %swap3A_684 = tpu.vector_load %arg20[%swap3A_683] {strides = array<i32>} : memref<384xf32, #tpu.memory_space<vmem>>, vector<16xf32>,
      tpu.vector_store %arg20[%swap3A_683], %mul3A_682 {strides = array<i32>} : memref<384xf32, #tpu.memory_space<vmem>>, vector<16xf32>,
      %mul3A_685 = arith.mulf %unpack3A_681, %get3A_663 : vector<16xf32>
      %swap3A_686 = arith.constant 48 : index
      %swap3A_687 = tpu.vector_load %arg20[%swap3A_686] {strides = array<i32>} : memref<384xf32, #tpu.memory_space<vmem>>, vector<16xf32>,
      tpu.vector_store %arg20[%swap3A_686], %mul3A_685 {strides = array<i32>} : memref<384xf32, #tpu.memory_space<vmem>>, vector<16xf32>,
      %get3A_688 = arith.constant 0 : i32
      %get3A_689 = arith.index_cast %get3A_688 : i32 to index
      %get3A_690 = arith.constant 64 : index
      %get3A_691 = tpu.vector_load %arg16[%get3A_689, %get3A_690] {strides = array<i32>} : memref<40x384xbf16, #tpu.memory_space<vmem>>, vector<32xbf16>,
      %unpack3A_692 = tpu.unpack_subelements %get3A_691, 0 {pack_format = #tpu.pack_format<interleaved>} : vector<32xbf16> -> vector<16xf32>
      %unpack3A_693 = tpu.unpack_subelements %get3A_691, 1 {pack_format = #tpu.pack_format<interleaved>} : vector<32xbf16> -> vector<16xf32>
      %mul3A_694 = arith.mulf %unpack3A_692, %get3A_663 : vector<16xf32>
      %swap3A_695 = arith.constant 64 : index
      %swap3A_696 = tpu.vector_load %arg20[%swap3A_695] {strides = array<i32>} : memref<384xf32, #tpu.memory_space<vmem>>, vector<16xf32>,
      tpu.vector_store %arg20[%swap3A_695], %mul3A_694 {strides = array<i32>} : memref<384xf32, #tpu.memory_space<vmem>>, vector<16xf32>,
      %mul3A_697 = arith.mulf %unpack3A_693, %get3A_663 : vector<16xf32>
      %swap3A_698 = arith.constant 80 : index
      %swap3A_699 = tpu.vector_load %arg20[%swap3A_698] {strides = array<i32>} : memref<384xf32, #tpu.memory_space<vmem>>, vector<16xf32>,
      tpu.vector_store %arg20[%swap3A_698], %mul3A_697 {strides = array<i32>} : memref<384xf32, #tpu.memory_space<vmem>>, vector<16xf32>,
      %get3A_700 = arith.constant 0 : i32
      %get3A_701 = arith.index_cast %get3A_700 : i32 to index
      %get3A_702 = arith.constant 96 : index
      %get3A_703 = tpu.vector_load %arg16[%get3A_701, %get3A_702] {strides = array<i32>} : memref<40x384xbf16, #tpu.memory_space<vmem>>, vector<32xbf16>,
      %unpack3A_704 = tpu.unpack_subelements %get3A_703, 0 {pack_format = #tpu.pack_format<interleaved>} : vector<32xbf16> -> vector<16xf32>
      %unpack3A_705 = tpu.unpack_subelements %get3A_703, 1 {pack_format = #tpu.pack_format<interleaved>} : vector<32xbf16> -> vector<16xf32>
      %mul3A_706 = arith.mulf %unpack3A_704, %get3A_663 : vector<16xf32>
      %swap3A_707 = arith.constant 96 : index
      %swap3A_708 = tpu.vector_load %arg20[%swap3A_707] {strides = array<i32>} : memref<384xf32, #tpu.memory_space<vmem>>, vector<16xf32>,
      tpu.vector_store %arg20[%swap3A_707], %mul3A_706 {strides = array<i32>} : memref<384xf32, #tpu.memory_space<vmem>>, vector<16xf32>,
      %mul3A_709 = arith.mulf %unpack3A_705, %get3A_663 : vector<16xf32>
      %swap3A_710 = arith.constant 112 : index
      %swap3A_711 = tpu.vector_load %arg20[%swap3A_710] {strides = array<i32>} : memref<384xf32, #tpu.memory_space<vmem>>, vector<16xf32>,
      tpu.vector_store %arg20[%swap3A_710], %mul3A_709 {strides = array<i32>} : memref<384xf32, #tpu.memory_space<vmem>>, vector<16xf32>,
      %get3A_712 = arith.constant 0 : i32
      %get3A_713 = arith.index_cast %get3A_712 : i32 to index
      %get3A_714 = arith.constant 128 : index
      %get3A_715 = tpu.vector_load %arg16[%get3A_713, %get3A_714] {strides = array<i32>} : memref<40x384xbf16, #tpu.memory_space<vmem>>, vector<32xbf16>,
      %unpack3A_716 = tpu.unpack_subelements %get3A_715, 0 {pack_format = #tpu.pack_format<interleaved>} : vector<32xbf16> -> vector<16xf32>
      %unpack3A_717 = tpu.unpack_subelements %get3A_715, 1 {pack_format = #tpu.pack_format<interleaved>} : vector<32xbf16> -> vector<16xf32>
      %mul3A_718 = arith.mulf %unpack3A_716, %get3A_663 : vector<16xf32>
      %swap3A_719 = arith.constant 128 : index
      %swap3A_720 = tpu.vector_load %arg20[%swap3A_719] {strides = array<i32>} : memref<384xf32, #tpu.memory_space<vmem>>, vector<16xf32>,
      tpu.vector_store %arg20[%swap3A_719], %mul3A_718 {strides = array<i32>} : memref<384xf32, #tpu.memory_space<vmem>>, vector<16xf32>,
      %mul3A_721 = arith.mulf %unpack3A_717, %get3A_663 : vector<16xf32>
      %swap3A_722 = arith.constant 144 : index
      %swap3A_723 = tpu.vector_load %arg20[%swap3A_722] {strides = array<i32>} : memref<384xf32, #tpu.memory_space<vmem>>, vector<16xf32>,
      tpu.vector_store %arg20[%swap3A_722], %mul3A_721 {strides = array<i32>} : memref<384xf32, #tpu.memory_space<vmem>>, vector<16xf32>,
      %get3A_724 = arith.constant 0 : i32
      %get3A_725 = arith.index_cast %get3A_724 : i32 to index
      %get3A_726 = arith.constant 160 : index
      %get3A_727 = tpu.vector_load %arg16[%get3A_725, %get3A_726] {strides = array<i32>} : memref<40x384xbf16, #tpu.memory_space<vmem>>, vector<32xbf16>,
      %unpack3A_728 = tpu.unpack_subelements %get3A_727, 0 {pack_format = #tpu.pack_format<interleaved>} : vector<32xbf16> -> vector<16xf32>
      %unpack3A_729 = tpu.unpack_subelements %get3A_727, 1 {pack_format = #tpu.pack_format<interleaved>} : vector<32xbf16> -> vector<16xf32>
      %mul3A_730 = arith.mulf %unpack3A_728, %get3A_663 : vector<16xf32>
      %swap3A_731 = arith.constant 160 : index
      %swap3A_732 = tpu.vector_load %arg20[%swap3A_731] {strides = array<i32>} : memref<384xf32, #tpu.memory_space<vmem>>, vector<16xf32>,
      tpu.vector_store %arg20[%swap3A_731], %mul3A_730 {strides = array<i32>} : memref<384xf32, #tpu.memory_space<vmem>>, vector<16xf32>,
      %mul3A_733 = arith.mulf %unpack3A_729, %get3A_663 : vector<16xf32>
      %swap3A_734 = arith.constant 176 : index
      %swap3A_735 = tpu.vector_load %arg20[%swap3A_734] {strides = array<i32>} : memref<384xf32, #tpu.memory_space<vmem>>, vector<16xf32>,
      tpu.vector_store %arg20[%swap3A_734], %mul3A_733 {strides = array<i32>} : memref<384xf32, #tpu.memory_space<vmem>>, vector<16xf32>,
      %get3A_736 = arith.constant 0 : i32
      %get3A_737 = arith.index_cast %get3A_736 : i32 to index
      %get3A_738 = arith.constant 192 : index
      %get3A_739 = tpu.vector_load %arg16[%get3A_737, %get3A_738] {strides = array<i32>} : memref<40x384xbf16, #tpu.memory_space<vmem>>, vector<32xbf16>,
      %unpack3A_740 = tpu.unpack_subelements %get3A_739, 0 {pack_format = #tpu.pack_format<interleaved>} : vector<32xbf16> -> vector<16xf32>
      %unpack3A_741 = tpu.unpack_subelements %get3A_739, 1 {pack_format = #tpu.pack_format<interleaved>} : vector<32xbf16> -> vector<16xf32>
      %mul3A_742 = arith.mulf %unpack3A_740, %get3A_663 : vector<16xf32>
      %swap3A_743 = arith.constant 192 : index
      %swap3A_744 = tpu.vector_load %arg20[%swap3A_743] {strides = array<i32>} : memref<384xf32, #tpu.memory_space<vmem>>, vector<16xf32>,
      tpu.vector_store %arg20[%swap3A_743], %mul3A_742 {strides = array<i32>} : memref<384xf32, #tpu.memory_space<vmem>>, vector<16xf32>,
      %mul3A_745 = arith.mulf %unpack3A_741, %get3A_663 : vector<16xf32>
      %swap3A_746 = arith.constant 208 : index
      %swap3A_747 = tpu.vector_load %arg20[%swap3A_746] {strides = array<i32>} : memref<384xf32, #tpu.memory_space<vmem>>, vector<16xf32>,
      tpu.vector_store %arg20[%swap3A_746], %mul3A_745 {strides = array<i32>} : memref<384xf32, #tpu.memory_space<vmem>>, vector<16xf32>,
      %get3A_748 = arith.constant 0 : i32
      %get3A_749 = arith.index_cast %get3A_748 : i32 to index
      %get3A_750 = arith.constant 224 : index
      %get3A_751 = tpu.vector_load %arg16[%get3A_749, %get3A_750] {strides = array<i32>} : memref<40x384xbf16, #tpu.memory_space<vmem>>, vector<32xbf16>,
      %unpack3A_752 = tpu.unpack_subelements %get3A_751, 0 {pack_format = #tpu.pack_format<interleaved>} : vector<32xbf16> -> vector<16xf32>
      %unpack3A_753 = tpu.unpack_subelements %get3A_751, 1 {pack_format = #tpu.pack_format<interleaved>} : vector<32xbf16> -> vector<16xf32>
      %mul3A_754 = arith.mulf %unpack3A_752, %get3A_663 : vector<16xf32>
      %swap3A_755 = arith.constant 224 : index
      %swap3A_756 = tpu.vector_load %arg20[%swap3A_755] {strides = array<i32>} : memref<384xf32, #tpu.memory_space<vmem>>, vector<16xf32>,
      tpu.vector_store %arg20[%swap3A_755], %mul3A_754 {strides = array<i32>} : memref<384xf32, #tpu.memory_space<vmem>>, vector<16xf32>,
      %mul3A_757 = arith.mulf %unpack3A_753, %get3A_663 : vector<16xf32>
      %swap3A_758 = arith.constant 240 : index
      %swap3A_759 = tpu.vector_load %arg20[%swap3A_758] {strides = array<i32>} : memref<384xf32, #tpu.memory_space<vmem>>, vector<16xf32>,
      tpu.vector_store %arg20[%swap3A_758], %mul3A_757 {strides = array<i32>} : memref<384xf32, #tpu.memory_space<vmem>>, vector<16xf32>,
      %get3A_760 = arith.constant 0 : i32
      %get3A_761 = arith.index_cast %get3A_760 : i32 to index
      %get3A_762 = arith.constant 256 : index
      %get3A_763 = tpu.vector_load %arg16[%get3A_761, %get3A_762] {strides = array<i32>} : memref<40x384xbf16, #tpu.memory_space<vmem>>, vector<32xbf16>,
      %unpack3A_764 = tpu.unpack_subelements %get3A_763, 0 {pack_format = #tpu.pack_format<interleaved>} : vector<32xbf16> -> vector<16xf32>
      %unpack3A_765 = tpu.unpack_subelements %get3A_763, 1 {pack_format = #tpu.pack_format<interleaved>} : vector<32xbf16> -> vector<16xf32>
      %mul3A_766 = arith.mulf %unpack3A_764, %get3A_663 : vector<16xf32>
      %swap3A_767 = arith.constant 256 : index
      %swap3A_768 = tpu.vector_load %arg20[%swap3A_767] {strides = array<i32>} : memref<384xf32, #tpu.memory_space<vmem>>, vector<16xf32>,
      tpu.vector_store %arg20[%swap3A_767], %mul3A_766 {strides = array<i32>} : memref<384xf32, #tpu.memory_space<vmem>>, vector<16xf32>,
      %mul3A_769 = arith.mulf %unpack3A_765, %get3A_663 : vector<16xf32>
      %swap3A_770 = arith.constant 272 : index
      %swap3A_771 = tpu.vector_load %arg20[%swap3A_770] {strides = array<i32>} : memref<384xf32, #tpu.memory_space<vmem>>, vector<16xf32>,
      tpu.vector_store %arg20[%swap3A_770], %mul3A_769 {strides = array<i32>} : memref<384xf32, #tpu.memory_space<vmem>>, vector<16xf32>,
      %get3A_772 = arith.constant 0 : i32
      %get3A_773 = arith.index_cast %get3A_772 : i32 to index
      %get3A_774 = arith.constant 288 : index
      %get3A_775 = tpu.vector_load %arg16[%get3A_773, %get3A_774] {strides = array<i32>} : memref<40x384xbf16, #tpu.memory_space<vmem>>, vector<32xbf16>,
      %unpack3A_776 = tpu.unpack_subelements %get3A_775, 0 {pack_format = #tpu.pack_format<interleaved>} : vector<32xbf16> -> vector<16xf32>
      %unpack3A_777 = tpu.unpack_subelements %get3A_775, 1 {pack_format = #tpu.pack_format<interleaved>} : vector<32xbf16> -> vector<16xf32>
      %mul3A_778 = arith.mulf %unpack3A_776, %get3A_663 : vector<16xf32>
      %swap3A_779 = arith.constant 288 : index
      %swap3A_780 = tpu.vector_load %arg20[%swap3A_779] {strides = array<i32>} : memref<384xf32, #tpu.memory_space<vmem>>, vector<16xf32>,
      tpu.vector_store %arg20[%swap3A_779], %mul3A_778 {strides = array<i32>} : memref<384xf32, #tpu.memory_space<vmem>>, vector<16xf32>,
      %mul3A_781 = arith.mulf %unpack3A_777, %get3A_663 : vector<16xf32>
      %swap3A_782 = arith.constant 304 : index
      %swap3A_783 = tpu.vector_load %arg20[%swap3A_782] {strides = array<i32>} : memref<384xf32, #tpu.memory_space<vmem>>, vector<16xf32>,
      tpu.vector_store %arg20[%swap3A_782], %mul3A_781 {strides = array<i32>} : memref<384xf32, #tpu.memory_space<vmem>>, vector<16xf32>,
      %get3A_784 = arith.constant 0 : i32
      %get3A_785 = arith.index_cast %get3A_784 : i32 to index
      %get3A_786 = arith.constant 320 : index
      %get3A_787 = tpu.vector_load %arg16[%get3A_785, %get3A_786] {strides = array<i32>} : memref<40x384xbf16, #tpu.memory_space<vmem>>, vector<32xbf16>,
      %unpack3A_788 = tpu.unpack_subelements %get3A_787, 0 {pack_format = #tpu.pack_format<interleaved>} : vector<32xbf16> -> vector<16xf32>
      %unpack3A_789 = tpu.unpack_subelements %get3A_787, 1 {pack_format = #tpu.pack_format<interleaved>} : vector<32xbf16> -> vector<16xf32>
      %mul3A_790 = arith.mulf %unpack3A_788, %get3A_663 : vector<16xf32>
      %swap3A_791 = arith.constant 320 : index
      %swap3A_792 = tpu.vector_load %arg20[%swap3A_791] {strides = array<i32>} : memref<384xf32, #tpu.memory_space<vmem>>, vector<16xf32>,
      tpu.vector_store %arg20[%swap3A_791], %mul3A_790 {strides = array<i32>} : memref<384xf32, #tpu.memory_space<vmem>>, vector<16xf32>,
      %mul3A_793 = arith.mulf %unpack3A_789, %get3A_663 : vector<16xf32>
      %swap3A_794 = arith.constant 336 : index
      %swap3A_795 = tpu.vector_load %arg20[%swap3A_794] {strides = array<i32>} : memref<384xf32, #tpu.memory_space<vmem>>, vector<16xf32>,
      tpu.vector_store %arg20[%swap3A_794], %mul3A_793 {strides = array<i32>} : memref<384xf32, #tpu.memory_space<vmem>>, vector<16xf32>,
      %get3A_796 = arith.constant 0 : i32
      %get3A_797 = arith.index_cast %get3A_796 : i32 to index
      %get3A_798 = arith.constant 352 : index
      %get3A_799 = tpu.vector_load %arg16[%get3A_797, %get3A_798] {strides = array<i32>} : memref<40x384xbf16, #tpu.memory_space<vmem>>, vector<32xbf16>,
      %unpack3A_800 = tpu.unpack_subelements %get3A_799, 0 {pack_format = #tpu.pack_format<interleaved>} : vector<32xbf16> -> vector<16xf32>
      %unpack3A_801 = tpu.unpack_subelements %get3A_799, 1 {pack_format = #tpu.pack_format<interleaved>} : vector<32xbf16> -> vector<16xf32>
      %mul3A_802 = arith.mulf %unpack3A_800, %get3A_663 : vector<16xf32>
      %swap3A_803 = arith.constant 352 : index
      %swap3A_804 = tpu.vector_load %arg20[%swap3A_803] {strides = array<i32>} : memref<384xf32, #tpu.memory_space<vmem>>, vector<16xf32>,
      tpu.vector_store %arg20[%swap3A_803], %mul3A_802 {strides = array<i32>} : memref<384xf32, #tpu.memory_space<vmem>>, vector<16xf32>,
      %mul3A_805 = arith.mulf %unpack3A_801, %get3A_663 : vector<16xf32>
      %swap3A_806 = arith.constant 368 : index
      %swap3A_807 = tpu.vector_load %arg20[%swap3A_806] {strides = array<i32>} : memref<384xf32, #tpu.memory_space<vmem>>, vector<16xf32>,
      tpu.vector_store %arg20[%swap3A_806], %mul3A_805 {strides = array<i32>} : memref<384xf32, #tpu.memory_space<vmem>>, vector<16xf32>,
      %scan3A_808 = arith.constant 0 : i32
      %scan3A_809 = arith.constant 1 : i32
      %scan3A_810 = arith.constant 35 : i32
      %scan3A_811 = arith.addi %scan3A_809, %scan3A_810 : i32
      %scan3A_812 = arith.constant 1 : i32
      scf.for %scan3A_1059 = %scan3A_809 to %scan3A_811 step %scan3A_812  : i32 {
        %mul3A_1060 = arith.constant 16 : i32
        %mul3A_1061 = arith.muli %scan3A_1059, %mul3A_1060 : i32
        %get3A_1062 = arith.index_cast %mul3A_1061 : i32 to index
        %get3A_1063 = tpu.vector_load %arg12[%get3A_1062] {strides = array<i32>} : memref<576xf32, #tpu.memory_space<vmem>>, vector<16xf32>,
        %get3A_1064 = arith.index_cast %scan3A_1059 : i32 to index
        %get3A_1065 = arith.constant 0 : index
        %get3A_1066 = tpu.vector_load %arg16[%get3A_1064, %get3A_1065] {strides = array<i32>} : memref<40x384xbf16, #tpu.memory_space<vmem>>, vector<32xbf16>,
        %unpack3A_1067 = tpu.unpack_subelements %get3A_1066, 0 {pack_format = #tpu.pack_format<interleaved>} : vector<32xbf16> -> vector<16xf32>
        %unpack3A_1068 = tpu.unpack_subelements %get3A_1066, 1 {pack_format = #tpu.pack_format<interleaved>} : vector<32xbf16> -> vector<16xf32>
        %mul3A_1069 = arith.mulf %unpack3A_1067, %get3A_1063 : vector<16xf32>
        %swap3A_1070 = arith.constant 0 : index
        %swap3A_1071 = tpu.vector_load %arg20[%swap3A_1070] {strides = array<i32>} : memref<384xf32, #tpu.memory_space<vmem>>, vector<16xf32>,
        tpu.vector_store %arg20[%swap3A_1070], %mul3A_1069 {add = true, strides = array<i32>} : memref<384xf32, #tpu.memory_space<vmem>>, vector<16xf32>,
        %mul3A_1072 = arith.mulf %unpack3A_1068, %get3A_1063 : vector<16xf32>
        %swap3A_1073 = arith.constant 16 : index
        %swap3A_1074 = tpu.vector_load %arg20[%swap3A_1073] {strides = array<i32>} : memref<384xf32, #tpu.memory_space<vmem>>, vector<16xf32>,
        tpu.vector_store %arg20[%swap3A_1073], %mul3A_1072 {add = true, strides = array<i32>} : memref<384xf32, #tpu.memory_space<vmem>>, vector<16xf32>,
        %get3A_1075 = arith.index_cast %scan3A_1059 : i32 to index
        %get3A_1076 = arith.constant 32 : index
        %get3A_1077 = tpu.vector_load %arg16[%get3A_1075, %get3A_1076] {strides = array<i32>} : memref<40x384xbf16, #tpu.memory_space<vmem>>, vector<32xbf16>,
        %unpack3A_1078 = tpu.unpack_subelements %get3A_1077, 0 {pack_format = #tpu.pack_format<interleaved>} : vector<32xbf16> -> vector<16xf32>
        %unpack3A_1079 = tpu.unpack_subelements %get3A_1077, 1 {pack_format = #tpu.pack_format<interleaved>} : vector<32xbf16> -> vector<16xf32>
        %mul3A_1080 = arith.mulf %unpack3A_1078, %get3A_1063 : vector<16xf32>
        %swap3A_1081 = arith.constant 32 : index
        %swap3A_1082 = tpu.vector_load %arg20[%swap3A_1081] {strides = array<i32>} : memref<384xf32, #tpu.memory_space<vmem>>, vector<16xf32>,
        tpu.vector_store %arg20[%swap3A_1081], %mul3A_1080 {add = true, strides = array<i32>} : memref<384xf32, #tpu.memory_space<vmem>>, vector<16xf32>,
        %mul3A_1083 = arith.mulf %unpack3A_1079, %get3A_1063 : vector<16xf32>
        %swap3A_1084 = arith.constant 48 : index
        %swap3A_1085 = tpu.vector_load %arg20[%swap3A_1084] {strides = array<i32>} : memref<384xf32, #tpu.memory_space<vmem>>, vector<16xf32>,
        tpu.vector_store %arg20[%swap3A_1084], %mul3A_1083 {add = true, strides = array<i32>} : memref<384xf32, #tpu.memory_space<vmem>>, vector<16xf32>,
        %get3A_1086 = arith.index_cast %scan3A_1059 : i32 to index
        %get3A_1087 = arith.constant 64 : index
        %get3A_1088 = tpu.vector_load %arg16[%get3A_1086, %get3A_1087] {strides = array<i32>} : memref<40x384xbf16, #tpu.memory_space<vmem>>, vector<32xbf16>,
        %unpack3A_1089 = tpu.unpack_subelements %get3A_1088, 0 {pack_format = #tpu.pack_format<interleaved>} : vector<32xbf16> -> vector<16xf32>
        %unpack3A_1090 = tpu.unpack_subelements %get3A_1088, 1 {pack_format = #tpu.pack_format<interleaved>} : vector<32xbf16> -> vector<16xf32>
        %mul3A_1091 = arith.mulf %unpack3A_1089, %get3A_1063 : vector<16xf32>
        %swap3A_1092 = arith.constant 64 : index
        %swap3A_1093 = tpu.vector_load %arg20[%swap3A_1092] {strides = array<i32>} : memref<384xf32, #tpu.memory_space<vmem>>, vector<16xf32>,
        tpu.vector_store %arg20[%swap3A_1092], %mul3A_1091 {add = true, strides = array<i32>} : memref<384xf32, #tpu.memory_space<vmem>>, vector<16xf32>,
        %mul3A_1094 = arith.mulf %unpack3A_1090, %get3A_1063 : vector<16xf32>
        %swap3A_1095 = arith.constant 80 : index
        %swap3A_1096 = tpu.vector_load %arg20[%swap3A_1095] {strides = array<i32>} : memref<384xf32, #tpu.memory_space<vmem>>, vector<16xf32>,
        tpu.vector_store %arg20[%swap3A_1095], %mul3A_1094 {add = true, strides = array<i32>} : memref<384xf32, #tpu.memory_space<vmem>>, vector<16xf32>,
        %get3A_1097 = arith.index_cast %scan3A_1059 : i32 to index
        %get3A_1098 = arith.constant 96 : index
        %get3A_1099 = tpu.vector_load %arg16[%get3A_1097, %get3A_1098] {strides = array<i32>} : memref<40x384xbf16, #tpu.memory_space<vmem>>, vector<32xbf16>,
        %unpack3A_1100 = tpu.unpack_subelements %get3A_1099, 0 {pack_format = #tpu.pack_format<interleaved>} : vector<32xbf16> -> vector<16xf32>
        %unpack3A_1101 = tpu.unpack_subelements %get3A_1099, 1 {pack_format = #tpu.pack_format<interleaved>} : vector<32xbf16> -> vector<16xf32>
        %mul3A_1102 = arith.mulf %unpack3A_1100, %get3A_1063 : vector<16xf32>
        %swap3A_1103 = arith.constant 96 : index
        %swap3A_1104 = tpu.vector_load %arg20[%swap3A_1103] {strides = array<i32>} : memref<384xf32, #tpu.memory_space<vmem>>, vector<16xf32>,
        tpu.vector_store %arg20[%swap3A_1103], %mul3A_1102 {add = true, strides = array<i32>} : memref<384xf32, #tpu.memory_space<vmem>>, vector<16xf32>,
        %mul3A_1105 = arith.mulf %unpack3A_1101, %get3A_1063 : vector<16xf32>
        %swap3A_1106 = arith.constant 112 : index
        %swap3A_1107 = tpu.vector_load %arg20[%swap3A_1106] {strides = array<i32>} : memref<384xf32, #tpu.memory_space<vmem>>, vector<16xf32>,
        tpu.vector_store %arg20[%swap3A_1106], %mul3A_1105 {add = true, strides = array<i32>} : memref<384xf32, #tpu.memory_space<vmem>>, vector<16xf32>,
        %get3A_1108 = arith.index_cast %scan3A_1059 : i32 to index
        %get3A_1109 = arith.constant 128 : index
        %get3A_1110 = tpu.vector_load %arg16[%get3A_1108, %get3A_1109] {strides = array<i32>} : memref<40x384xbf16, #tpu.memory_space<vmem>>, vector<32xbf16>,
        %unpack3A_1111 = tpu.unpack_subelements %get3A_1110, 0 {pack_format = #tpu.pack_format<interleaved>} : vector<32xbf16> -> vector<16xf32>
        %unpack3A_1112 = tpu.unpack_subelements %get3A_1110, 1 {pack_format = #tpu.pack_format<interleaved>} : vector<32xbf16> -> vector<16xf32>
        %mul3A_1113 = arith.mulf %unpack3A_1111, %get3A_1063 : vector<16xf32>
        %swap3A_1114 = arith.constant 128 : index
        %swap3A_1115 = tpu.vector_load %arg20[%swap3A_1114] {strides = array<i32>} : memref<384xf32, #tpu.memory_space<vmem>>, vector<16xf32>,
        tpu.vector_store %arg20[%swap3A_1114], %mul3A_1113 {add = true, strides = array<i32>} : memref<384xf32, #tpu.memory_space<vmem>>, vector<16xf32>,
        %mul3A_1116 = arith.mulf %unpack3A_1112, %get3A_1063 : vector<16xf32>
        %swap3A_1117 = arith.constant 144 : index
        %swap3A_1118 = tpu.vector_load %arg20[%swap3A_1117] {strides = array<i32>} : memref<384xf32, #tpu.memory_space<vmem>>, vector<16xf32>,
        tpu.vector_store %arg20[%swap3A_1117], %mul3A_1116 {add = true, strides = array<i32>} : memref<384xf32, #tpu.memory_space<vmem>>, vector<16xf32>,
        %get3A_1119 = arith.index_cast %scan3A_1059 : i32 to index
        %get3A_1120 = arith.constant 160 : index
        %get3A_1121 = tpu.vector_load %arg16[%get3A_1119, %get3A_1120] {strides = array<i32>} : memref<40x384xbf16, #tpu.memory_space<vmem>>, vector<32xbf16>,
        %unpack3A_1122 = tpu.unpack_subelements %get3A_1121, 0 {pack_format = #tpu.pack_format<interleaved>} : vector<32xbf16> -> vector<16xf32>
        %unpack3A_1123 = tpu.unpack_subelements %get3A_1121, 1 {pack_format = #tpu.pack_format<interleaved>} : vector<32xbf16> -> vector<16xf32>
        %mul3A_1124 = arith.mulf %unpack3A_1122, %get3A_1063 : vector<16xf32>
        %swap3A_1125 = arith.constant 160 : index
        %swap3A_1126 = tpu.vector_load %arg20[%swap3A_1125] {strides = array<i32>} : memref<384xf32, #tpu.memory_space<vmem>>, vector<16xf32>,
        tpu.vector_store %arg20[%swap3A_1125], %mul3A_1124 {add = true, strides = array<i32>} : memref<384xf32, #tpu.memory_space<vmem>>, vector<16xf32>,
        %mul3A_1127 = arith.mulf %unpack3A_1123, %get3A_1063 : vector<16xf32>
        %swap3A_1128 = arith.constant 176 : index
        %swap3A_1129 = tpu.vector_load %arg20[%swap3A_1128] {strides = array<i32>} : memref<384xf32, #tpu.memory_space<vmem>>, vector<16xf32>,
        tpu.vector_store %arg20[%swap3A_1128], %mul3A_1127 {add = true, strides = array<i32>} : memref<384xf32, #tpu.memory_space<vmem>>, vector<16xf32>,
        %get3A_1130 = arith.index_cast %scan3A_1059 : i32 to index
        %get3A_1131 = arith.constant 192 : index
        %get3A_1132 = tpu.vector_load %arg16[%get3A_1130, %get3A_1131] {strides = array<i32>} : memref<40x384xbf16, #tpu.memory_space<vmem>>, vector<32xbf16>,
        %unpack3A_1133 = tpu.unpack_subelements %get3A_1132, 0 {pack_format = #tpu.pack_format<interleaved>} : vector<32xbf16> -> vector<16xf32>
        %unpack3A_1134 = tpu.unpack_subelements %get3A_1132, 1 {pack_format = #tpu.pack_format<interleaved>} : vector<32xbf16> -> vector<16xf32>
        %mul3A_1135 = arith.mulf %unpack3A_1133, %get3A_1063 : vector<16xf32>
        %swap3A_1136 = arith.constant 192 : index
        %swap3A_1137 = tpu.vector_load %arg20[%swap3A_1136] {strides = array<i32>} : memref<384xf32, #tpu.memory_space<vmem>>, vector<16xf32>,
        tpu.vector_store %arg20[%swap3A_1136], %mul3A_1135 {add = true, strides = array<i32>} : memref<384xf32, #tpu.memory_space<vmem>>, vector<16xf32>,
        %mul3A_1138 = arith.mulf %unpack3A_1134, %get3A_1063 : vector<16xf32>
        %swap3A_1139 = arith.constant 208 : index
        %swap3A_1140 = tpu.vector_load %arg20[%swap3A_1139] {strides = array<i32>} : memref<384xf32, #tpu.memory_space<vmem>>, vector<16xf32>,
        tpu.vector_store %arg20[%swap3A_1139], %mul3A_1138 {add = true, strides = array<i32>} : memref<384xf32, #tpu.memory_space<vmem>>, vector<16xf32>,
        %get3A_1141 = arith.index_cast %scan3A_1059 : i32 to index
        %get3A_1142 = arith.constant 224 : index
        %get3A_1143 = tpu.vector_load %arg16[%get3A_1141, %get3A_1142] {strides = array<i32>} : memref<40x384xbf16, #tpu.memory_space<vmem>>, vector<32xbf16>,
        %unpack3A_1144 = tpu.unpack_subelements %get3A_1143, 0 {pack_format = #tpu.pack_format<interleaved>} : vector<32xbf16> -> vector<16xf32>
        %unpack3A_1145 = tpu.unpack_subelements %get3A_1143, 1 {pack_format = #tpu.pack_format<interleaved>} : vector<32xbf16> -> vector<16xf32>
        %mul3A_1146 = arith.mulf %unpack3A_1144, %get3A_1063 : vector<16xf32>
        %swap3A_1147 = arith.constant 224 : index
        %swap3A_1148 = tpu.vector_load %arg20[%swap3A_1147] {strides = array<i32>} : memref<384xf32, #tpu.memory_space<vmem>>, vector<16xf32>,
        tpu.vector_store %arg20[%swap3A_1147], %mul3A_1146 {add = true, strides = array<i32>} : memref<384xf32, #tpu.memory_space<vmem>>, vector<16xf32>,
        %mul3A_1149 = arith.mulf %unpack3A_1145, %get3A_1063 : vector<16xf32>
        %swap3A_1150 = arith.constant 240 : index
        %swap3A_1151 = tpu.vector_load %arg20[%swap3A_1150] {strides = array<i32>} : memref<384xf32, #tpu.memory_space<vmem>>, vector<16xf32>,
        tpu.vector_store %arg20[%swap3A_1150], %mul3A_1149 {add = true, strides = array<i32>} : memref<384xf32, #tpu.memory_space<vmem>>, vector<16xf32>,
        %get3A_1152 = arith.index_cast %scan3A_1059 : i32 to index
        %get3A_1153 = arith.constant 256 : index
        %get3A_1154 = tpu.vector_load %arg16[%get3A_1152, %get3A_1153] {strides = array<i32>} : memref<40x384xbf16, #tpu.memory_space<vmem>>, vector<32xbf16>,
        %unpack3A_1155 = tpu.unpack_subelements %get3A_1154, 0 {pack_format = #tpu.pack_format<interleaved>} : vector<32xbf16> -> vector<16xf32>
        %unpack3A_1156 = tpu.unpack_subelements %get3A_1154, 1 {pack_format = #tpu.pack_format<interleaved>} : vector<32xbf16> -> vector<16xf32>
        %mul3A_1157 = arith.mulf %unpack3A_1155, %get3A_1063 : vector<16xf32>
        %swap3A_1158 = arith.constant 256 : index
        %swap3A_1159 = tpu.vector_load %arg20[%swap3A_1158] {strides = array<i32>} : memref<384xf32, #tpu.memory_space<vmem>>, vector<16xf32>,
        tpu.vector_store %arg20[%swap3A_1158], %mul3A_1157 {add = true, strides = array<i32>} : memref<384xf32, #tpu.memory_space<vmem>>, vector<16xf32>,
        %mul3A_1160 = arith.mulf %unpack3A_1156, %get3A_1063 : vector<16xf32>
        %swap3A_1161 = arith.constant 272 : index
        %swap3A_1162 = tpu.vector_load %arg20[%swap3A_1161] {strides = array<i32>} : memref<384xf32, #tpu.memory_space<vmem>>, vector<16xf32>,
        tpu.vector_store %arg20[%swap3A_1161], %mul3A_1160 {add = true, strides = array<i32>} : memref<384xf32, #tpu.memory_space<vmem>>, vector<16xf32>,
        %get3A_1163 = arith.index_cast %scan3A_1059 : i32 to index
        %get3A_1164 = arith.constant 288 : index
        %get3A_1165 = tpu.vector_load %arg16[%get3A_1163, %get3A_1164] {strides = array<i32>} : memref<40x384xbf16, #tpu.memory_space<vmem>>, vector<32xbf16>,
        %unpack3A_1166 = tpu.unpack_subelements %get3A_1165, 0 {pack_format = #tpu.pack_format<interleaved>} : vector<32xbf16> -> vector<16xf32>
        %unpack3A_1167 = tpu.unpack_subelements %get3A_1165, 1 {pack_format = #tpu.pack_format<interleaved>} : vector<32xbf16> -> vector<16xf32>
        %mul3A_1168 = arith.mulf %unpack3A_1166, %get3A_1063 : vector<16xf32>
        %swap3A_1169 = arith.constant 288 : index
        %swap3A_1170 = tpu.vector_load %arg20[%swap3A_1169] {strides = array<i32>} : memref<384xf32, #tpu.memory_space<vmem>>, vector<16xf32>,
        tpu.vector_store %arg20[%swap3A_1169], %mul3A_1168 {add = true, strides = array<i32>} : memref<384xf32, #tpu.memory_space<vmem>>, vector<16xf32>,
        %mul3A_1171 = arith.mulf %unpack3A_1167, %get3A_1063 : vector<16xf32>
        %swap3A_1172 = arith.constant 304 : index
        %swap3A_1173 = tpu.vector_load %arg20[%swap3A_1172] {strides = array<i32>} : memref<384xf32, #tpu.memory_space<vmem>>, vector<16xf32>,
        tpu.vector_store %arg20[%swap3A_1172], %mul3A_1171 {add = true, strides = array<i32>} : memref<384xf32, #tpu.memory_space<vmem>>, vector<16xf32>,
        %get3A_1174 = arith.index_cast %scan3A_1059 : i32 to index
        %get3A_1175 = arith.constant 320 : index
        %get3A_1176 = tpu.vector_load %arg16[%get3A_1174, %get3A_1175] {strides = array<i32>} : memref<40x384xbf16, #tpu.memory_space<vmem>>, vector<32xbf16>,
        %unpack3A_1177 = tpu.unpack_subelements %get3A_1176, 0 {pack_format = #tpu.pack_format<interleaved>} : vector<32xbf16> -> vector<16xf32>
        %unpack3A_1178 = tpu.unpack_subelements %get3A_1176, 1 {pack_format = #tpu.pack_format<interleaved>} : vector<32xbf16> -> vector<16xf32>
        %mul3A_1179 = arith.mulf %unpack3A_1177, %get3A_1063 : vector<16xf32>
        %swap3A_1180 = arith.constant 320 : index
        %swap3A_1181 = tpu.vector_load %arg20[%swap3A_1180] {strides = array<i32>} : memref<384xf32, #tpu.memory_space<vmem>>, vector<16xf32>,
        tpu.vector_store %arg20[%swap3A_1180], %mul3A_1179 {add = true, strides = array<i32>} : memref<384xf32, #tpu.memory_space<vmem>>, vector<16xf32>,
        %mul3A_1182 = arith.mulf %unpack3A_1178, %get3A_1063 : vector<16xf32>
        %swap3A_1183 = arith.constant 336 : index
        %swap3A_1184 = tpu.vector_load %arg20[%swap3A_1183] {strides = array<i32>} : memref<384xf32, #tpu.memory_space<vmem>>, vector<16xf32>,
        tpu.vector_store %arg20[%swap3A_1183], %mul3A_1182 {add = true, strides = array<i32>} : memref<384xf32, #tpu.memory_space<vmem>>, vector<16xf32>,
        %get3A_1185 = arith.index_cast %scan3A_1059 : i32 to index
        %get3A_1186 = arith.constant 352 : index
        %get3A_1187 = tpu.vector_load %arg16[%get3A_1185, %get3A_1186] {strides = array<i32>} : memref<40x384xbf16, #tpu.memory_space<vmem>>, vector<32xbf16>,
        %unpack3A_1188 = tpu.unpack_subelements %get3A_1187, 0 {pack_format = #tpu.pack_format<interleaved>} : vector<32xbf16> -> vector<16xf32>
        %unpack3A_1189 = tpu.unpack_subelements %get3A_1187, 1 {pack_format = #tpu.pack_format<interleaved>} : vector<32xbf16> -> vector<16xf32>
        %mul3A_1190 = arith.mulf %unpack3A_1188, %get3A_1063 : vector<16xf32>
        %swap3A_1191 = arith.constant 352 : index
        %swap3A_1192 = tpu.vector_load %arg20[%swap3A_1191] {strides = array<i32>} : memref<384xf32, #tpu.memory_space<vmem>>, vector<16xf32>,
        tpu.vector_store %arg20[%swap3A_1191], %mul3A_1190 {add = true, strides = array<i32>} : memref<384xf32, #tpu.memory_space<vmem>>, vector<16xf32>,
        %mul3A_1193 = arith.mulf %unpack3A_1189, %get3A_1063 : vector<16xf32>
        %swap3A_1194 = arith.constant 368 : index
        %swap3A_1195 = tpu.vector_load %arg20[%swap3A_1194] {strides = array<i32>} : memref<384xf32, #tpu.memory_space<vmem>>, vector<16xf32>,
        tpu.vector_store %arg20[%swap3A_1194], %mul3A_1193 {add = true, strides = array<i32>} : memref<384xf32, #tpu.memory_space<vmem>>, vector<16xf32>,
      }
      %scan3A_813 = arith.constant 35 : i32
      %add3A_814 = arith.constant 3 : i32
      %add3A_815 = arith.addi %add3A_622, %add3A_814 : i32
      %and3A_816 = arith.constant 127 : i32
      %and3A_817 = arith.andi %add3A_815, %and3A_816 : i32
      %add3A_818 = arith.addi %mul3A_2, %and3A_817 : i32
      %dma_start3A_819 = arith.constant 0 : i32
      %dma_start3A_820 = tpu.memref_slice %arg3[%add3A_818, %dma_start3A_819] : memref<4096x40xi32, #tpu.memory_space<hbm>> -> memref<1x40xi32, #tpu.memory_space<hbm>>
      %dma_start3A_821 = tpu.memref_squeeze %dma_start3A_820 : memref<1x40xi32, #tpu.memory_space<hbm>> -> memref<40xi32, #tpu.memory_space<hbm>>
      %dma_start3A_822 = arith.constant 0 : i32
      %dma_start3A_823 = tpu.memref_slice %arg3[%add3A_818, %dma_start3A_822] : memref<4096x40xi32, #tpu.memory_space<hbm>> -> memref<1x40xi32, #tpu.memory_space<hbm>>
      %dma_start3A_824 = tpu.memref_squeeze %dma_start3A_823 : memref<1x40xi32, #tpu.memory_space<hbm>> -> memref<40xi32, #tpu.memory_space<hbm>>
      tpu.enqueue_dma source(%dma_start3A_824 : memref<40xi32, #tpu.memory_space<hbm>>) target(%arg7 : memref<40xi32, #tpu.memory_space<vmem>>) target_semaphore(%arg24 : memref<!tpu.dma_semaphore, #tpu.memory_space<semaphore_mem>>)
      %add3A_825 = arith.addi %mul3A_2, %and3A_817 : i32
      %dma_start3A_826 = arith.constant 0 : i32
      %dma_start3A_827 = tpu.memref_slice %arg4[%add3A_825, %dma_start3A_826] : memref<4096x576xf32, #tpu.memory_space<hbm>> -> memref<1x576xf32, #tpu.memory_space<hbm>>
      %dma_start3A_828 = tpu.memref_squeeze %dma_start3A_827 : memref<1x576xf32, #tpu.memory_space<hbm>> -> memref<576xf32, #tpu.memory_space<hbm>>
      %dma_start3A_829 = arith.constant 0 : i32
      %dma_start3A_830 = tpu.memref_slice %arg4[%add3A_825, %dma_start3A_829] : memref<4096x576xf32, #tpu.memory_space<hbm>> -> memref<1x576xf32, #tpu.memory_space<hbm>>
      %dma_start3A_831 = tpu.memref_squeeze %dma_start3A_830 : memref<1x576xf32, #tpu.memory_space<hbm>> -> memref<576xf32, #tpu.memory_space<hbm>>
      tpu.enqueue_dma source(%dma_start3A_831 : memref<576xf32, #tpu.memory_space<hbm>>) target(%arg11 : memref<576xf32, #tpu.memory_space<vmem>>) target_semaphore(%arg24 : memref<!tpu.dma_semaphore, #tpu.memory_space<semaphore_mem>>)
      %add3A_832 = arith.addi %mul3A_2, %add3A_622 : i32
      %dma_start3A_833 = arith.constant 0 : i32
      %dma_start3A_834 = tpu.memref_slice %arg5[%add3A_832, %dma_start3A_833] : memref<4096x384xf32, #tpu.memory_space<hbm>> -> memref<1x384xf32, #tpu.memory_space<hbm>>
      %dma_start3A_835 = tpu.memref_squeeze %dma_start3A_834 : memref<1x384xf32, #tpu.memory_space<hbm>> -> memref<384xf32, #tpu.memory_space<hbm>>
      %dma_start3A_836 = arith.constant 0 : i32
      %dma_start3A_837 = tpu.memref_slice %arg5[%add3A_832, %dma_start3A_836] : memref<4096x384xf32, #tpu.memory_space<hbm>> -> memref<1x384xf32, #tpu.memory_space<hbm>>
      %dma_start3A_838 = tpu.memref_squeeze %dma_start3A_837 : memref<1x384xf32, #tpu.memory_space<hbm>> -> memref<384xf32, #tpu.memory_space<hbm>>
      tpu.enqueue_dma source(%arg20 : memref<384xf32, #tpu.memory_space<vmem>>) target(%dma_start3A_838 : memref<384xf32, #tpu.memory_space<hbm>>) target_semaphore(%arg33 : memref<!tpu.dma_semaphore, #tpu.memory_space<semaphore_mem>>)
      %mul3A_839 = arith.constant 4 : i32
      %mul3A_840 = arith.muli %scan3A_185, %mul3A_839 : i32
      %add3A_841 = arith.constant 3 : i32
      %add3A_842 = arith.addi %mul3A_840, %add3A_841 : i32
      %dma_wait3A_843 = arith.constant 0 : i32
      %dma_wait3A_844 = arith.constant 0 : i32
      %dma_wait3A_845 = tpu.memref_slice %arg17[%dma_wait3A_843, %dma_wait3A_844] : memref<40x384xbf16, #tpu.memory_space<vmem>> -> memref<36x384xbf16, #tpu.memory_space<vmem>>
      %dma_wait3A_846 = arith.constant 0 : i32
      %dma_wait3A_847 = tpu.memref_slice %arg9[%dma_wait3A_846] : memref<40xi32, #tpu.memory_space<vmem>> -> memref<36xi32, #tpu.memory_space<vmem>>
      %dma_wait3A_848 = arith.constant 0 : i32
      %dma_wait3A_849 = arith.constant 0 : i32
      %dma_wait3A_850 = tpu.memref_slice %arg22[%dma_wait3A_848, %dma_wait3A_849] : memref<4096x384xbf16, #tpu.memory_space<vmem_shared>> -> memref<4096x384xbf16, #tpu.memory_space<vmem_shared>>
      tpu.wait_indirect_dma semaphore(%arg30 : memref<!tpu.dma_semaphore, #tpu.memory_space<semaphore_mem>>) src(%dma_wait3A_850 : memref<4096x384xbf16, #tpu.memory_space<vmem_shared>>) dst(%dma_wait3A_845 : memref<36x384xbf16, #tpu.memory_space<vmem>>)
      %add3A_851 = arith.constant 2 : i32
      %add3A_852 = arith.addi %add3A_842, %add3A_851 : i32
      %and3A_853 = arith.constant 127 : i32
      %and3A_854 = arith.andi %add3A_852, %and3A_853 : i32
      %add3A_855 = arith.addi %mul3A_2, %and3A_854 : i32
      %dma_wait3A_856 = arith.constant 0 : i32
      %dma_wait3A_857 = tpu.memref_slice %arg3[%add3A_855, %dma_wait3A_856] : memref<4096x40xi32, #tpu.memory_space<hbm>> -> memref<1x40xi32, #tpu.memory_space<hbm>>
      %dma_wait3A_858 = tpu.memref_squeeze %dma_wait3A_857 : memref<1x40xi32, #tpu.memory_space<hbm>> -> memref<40xi32, #tpu.memory_space<hbm>>
      %dma_wait3A_859 = arith.constant 0 : i32
      %dma_wait3A_860 = tpu.memref_slice %arg3[%add3A_855, %dma_wait3A_859] : memref<4096x40xi32, #tpu.memory_space<hbm>> -> memref<1x40xi32, #tpu.memory_space<hbm>>
      %dma_wait3A_861 = tpu.memref_squeeze %dma_wait3A_860 : memref<1x40xi32, #tpu.memory_space<hbm>> -> memref<40xi32, #tpu.memory_space<hbm>>
      tpu.wait_dma2 semaphore(%arg24 : memref<!tpu.dma_semaphore, #tpu.memory_space<semaphore_mem>>) src(%dma_wait3A_861 : memref<40xi32, #tpu.memory_space<hbm>>) dst(%arg7 : memref<40xi32, #tpu.memory_space<vmem>>)
      %add3A_862 = arith.addi %mul3A_2, %and3A_854 : i32
      %dma_wait3A_863 = arith.constant 0 : i32
      %dma_wait3A_864 = tpu.memref_slice %arg4[%add3A_862, %dma_wait3A_863] : memref<4096x576xf32, #tpu.memory_space<hbm>> -> memref<1x576xf32, #tpu.memory_space<hbm>>
      %dma_wait3A_865 = tpu.memref_squeeze %dma_wait3A_864 : memref<1x576xf32, #tpu.memory_space<hbm>> -> memref<576xf32, #tpu.memory_space<hbm>>
      %dma_wait3A_866 = arith.constant 0 : i32
      %dma_wait3A_867 = tpu.memref_slice %arg4[%add3A_862, %dma_wait3A_866] : memref<4096x576xf32, #tpu.memory_space<hbm>> -> memref<1x576xf32, #tpu.memory_space<hbm>>
      %dma_wait3A_868 = tpu.memref_squeeze %dma_wait3A_867 : memref<1x576xf32, #tpu.memory_space<hbm>> -> memref<576xf32, #tpu.memory_space<hbm>>
      tpu.wait_dma2 semaphore(%arg24 : memref<!tpu.dma_semaphore, #tpu.memory_space<semaphore_mem>>) src(%dma_wait3A_868 : memref<576xf32, #tpu.memory_space<hbm>>) dst(%arg11 : memref<576xf32, #tpu.memory_space<vmem>>)
      %dma_start3A_869 = arith.constant 0 : i32
      %dma_start3A_870 = arith.constant 0 : i32
      %dma_start3A_871 = tpu.memref_slice %arg15[%dma_start3A_869, %dma_start3A_870] : memref<40x384xbf16, #tpu.memory_space<vmem>> -> memref<36x384xbf16, #tpu.memory_space<vmem>>
      %dma_start3A_872 = arith.constant 0 : i32
      %dma_start3A_873 = tpu.memref_slice %arg7[%dma_start3A_872] : memref<40xi32, #tpu.memory_space<vmem>> -> memref<36xi32, #tpu.memory_space<vmem>>
      %dma_start3A_874 = arith.constant 0 : i32
      %dma_start3A_875 = arith.constant 0 : i32
      %dma_start3A_876 = tpu.memref_slice %arg22[%dma_start3A_874, %dma_start3A_875] : memref<4096x384xbf16, #tpu.memory_space<vmem_shared>> -> memref<4096x384xbf16, #tpu.memory_space<vmem_shared>>
      tpu.enqueue_indirect_dma source(%dma_start3A_876 : memref<4096x384xbf16, #tpu.memory_space<vmem_shared>>) target(%dma_start3A_871 : memref<36x384xbf16, #tpu.memory_space<vmem>>) offsets(%dma_start3A_873 : memref<36xi32, #tpu.memory_space<vmem>>) semaphore(%arg28 : memref<!tpu.dma_semaphore, #tpu.memory_space<semaphore_mem>>)
      %gt3A_877 = arith.constant 0 : i32
      %gt3A_878 = arith.cmpi sgt, %scan3A_185, %gt3A_877 : i32
      %convert_element_type3A_879 = arith.extui %gt3A_878 : i1 to i32
      %cond3A_880 = arith.constant 0 : i32
      %cond3A_881 = arith.cmpi ne, %convert_element_type3A_879, %cond3A_880 : i32
      scf.if %cond3A_881 {
        %add3A_1059 = arith.addi %mul3A_2, %add3A_842 : i32
        %sub3A_1060 = arith.constant 4 : i32
        %sub3A_1061 = arith.subi %add3A_1059, %sub3A_1060 : i32
        %dma_wait3A_1062 = arith.constant 0 : i32
        %dma_wait3A_1063 = tpu.memref_slice %arg5[%sub3A_1061, %dma_wait3A_1062] : memref<4096x384xf32, #tpu.memory_space<hbm>> -> memref<1x384xf32, #tpu.memory_space<hbm>>
        %dma_wait3A_1064 = tpu.memref_squeeze %dma_wait3A_1063 : memref<1x384xf32, #tpu.memory_space<hbm>> -> memref<384xf32, #tpu.memory_space<hbm>>
        %dma_wait3A_1065 = arith.constant 0 : i32
        %dma_wait3A_1066 = tpu.memref_slice %arg5[%sub3A_1061, %dma_wait3A_1065] : memref<4096x384xf32, #tpu.memory_space<hbm>> -> memref<1x384xf32, #tpu.memory_space<hbm>>
        %dma_wait3A_1067 = tpu.memref_squeeze %dma_wait3A_1066 : memref<1x384xf32, #tpu.memory_space<hbm>> -> memref<384xf32, #tpu.memory_space<hbm>>
        tpu.wait_dma2 semaphore(%arg34 : memref<!tpu.dma_semaphore, #tpu.memory_space<semaphore_mem>>) src(%arg21 : memref<384xf32, #tpu.memory_space<vmem>>) dst(%dma_wait3A_1067 : memref<384xf32, #tpu.memory_space<hbm>>)
      } else {
      }
      %get3A_882 = arith.constant 0 : index
      %get3A_883 = tpu.vector_load %arg13[%get3A_882] {strides = array<i32>} : memref<576xf32, #tpu.memory_space<vmem>>, vector<16xf32>,
      %get3A_884 = arith.constant 0 : i32
      %get3A_885 = arith.index_cast %get3A_884 : i32 to index
      %get3A_886 = arith.constant 0 : index
      %get3A_887 = tpu.vector_load %arg17[%get3A_885, %get3A_886] {strides = array<i32>} : memref<40x384xbf16, #tpu.memory_space<vmem>>, vector<32xbf16>,
      %unpack3A_888 = tpu.unpack_subelements %get3A_887, 0 {pack_format = #tpu.pack_format<interleaved>} : vector<32xbf16> -> vector<16xf32>
      %unpack3A_889 = tpu.unpack_subelements %get3A_887, 1 {pack_format = #tpu.pack_format<interleaved>} : vector<32xbf16> -> vector<16xf32>
      %mul3A_890 = arith.mulf %unpack3A_888, %get3A_883 : vector<16xf32>
      %swap3A_891 = arith.constant 0 : index
      %swap3A_892 = tpu.vector_load %arg21[%swap3A_891] {strides = array<i32>} : memref<384xf32, #tpu.memory_space<vmem>>, vector<16xf32>,
      tpu.vector_store %arg21[%swap3A_891], %mul3A_890 {strides = array<i32>} : memref<384xf32, #tpu.memory_space<vmem>>, vector<16xf32>,
      %mul3A_893 = arith.mulf %unpack3A_889, %get3A_883 : vector<16xf32>
      %swap3A_894 = arith.constant 16 : index
      %swap3A_895 = tpu.vector_load %arg21[%swap3A_894] {strides = array<i32>} : memref<384xf32, #tpu.memory_space<vmem>>, vector<16xf32>,
      tpu.vector_store %arg21[%swap3A_894], %mul3A_893 {strides = array<i32>} : memref<384xf32, #tpu.memory_space<vmem>>, vector<16xf32>,
      %get3A_896 = arith.constant 0 : i32
      %get3A_897 = arith.index_cast %get3A_896 : i32 to index
      %get3A_898 = arith.constant 32 : index
      %get3A_899 = tpu.vector_load %arg17[%get3A_897, %get3A_898] {strides = array<i32>} : memref<40x384xbf16, #tpu.memory_space<vmem>>, vector<32xbf16>,
      %unpack3A_900 = tpu.unpack_subelements %get3A_899, 0 {pack_format = #tpu.pack_format<interleaved>} : vector<32xbf16> -> vector<16xf32>
      %unpack3A_901 = tpu.unpack_subelements %get3A_899, 1 {pack_format = #tpu.pack_format<interleaved>} : vector<32xbf16> -> vector<16xf32>
      %mul3A_902 = arith.mulf %unpack3A_900, %get3A_883 : vector<16xf32>
      %swap3A_903 = arith.constant 32 : index
      %swap3A_904 = tpu.vector_load %arg21[%swap3A_903] {strides = array<i32>} : memref<384xf32, #tpu.memory_space<vmem>>, vector<16xf32>,
      tpu.vector_store %arg21[%swap3A_903], %mul3A_902 {strides = array<i32>} : memref<384xf32, #tpu.memory_space<vmem>>, vector<16xf32>,
      %mul3A_905 = arith.mulf %unpack3A_901, %get3A_883 : vector<16xf32>
      %swap3A_906 = arith.constant 48 : index
      %swap3A_907 = tpu.vector_load %arg21[%swap3A_906] {strides = array<i32>} : memref<384xf32, #tpu.memory_space<vmem>>, vector<16xf32>,
      tpu.vector_store %arg21[%swap3A_906], %mul3A_905 {strides = array<i32>} : memref<384xf32, #tpu.memory_space<vmem>>, vector<16xf32>,
      %get3A_908 = arith.constant 0 : i32
      %get3A_909 = arith.index_cast %get3A_908 : i32 to index
      %get3A_910 = arith.constant 64 : index
      %get3A_911 = tpu.vector_load %arg17[%get3A_909, %get3A_910] {strides = array<i32>} : memref<40x384xbf16, #tpu.memory_space<vmem>>, vector<32xbf16>,
      %unpack3A_912 = tpu.unpack_subelements %get3A_911, 0 {pack_format = #tpu.pack_format<interleaved>} : vector<32xbf16> -> vector<16xf32>
      %unpack3A_913 = tpu.unpack_subelements %get3A_911, 1 {pack_format = #tpu.pack_format<interleaved>} : vector<32xbf16> -> vector<16xf32>
      %mul3A_914 = arith.mulf %unpack3A_912, %get3A_883 : vector<16xf32>
      %swap3A_915 = arith.constant 64 : index
      %swap3A_916 = tpu.vector_load %arg21[%swap3A_915] {strides = array<i32>} : memref<384xf32, #tpu.memory_space<vmem>>, vector<16xf32>,
      tpu.vector_store %arg21[%swap3A_915], %mul3A_914 {strides = array<i32>} : memref<384xf32, #tpu.memory_space<vmem>>, vector<16xf32>,
      %mul3A_917 = arith.mulf %unpack3A_913, %get3A_883 : vector<16xf32>
      %swap3A_918 = arith.constant 80 : index
      %swap3A_919 = tpu.vector_load %arg21[%swap3A_918] {strides = array<i32>} : memref<384xf32, #tpu.memory_space<vmem>>, vector<16xf32>,
      tpu.vector_store %arg21[%swap3A_918], %mul3A_917 {strides = array<i32>} : memref<384xf32, #tpu.memory_space<vmem>>, vector<16xf32>,
      %get3A_920 = arith.constant 0 : i32
      %get3A_921 = arith.index_cast %get3A_920 : i32 to index
      %get3A_922 = arith.constant 96 : index
      %get3A_923 = tpu.vector_load %arg17[%get3A_921, %get3A_922] {strides = array<i32>} : memref<40x384xbf16, #tpu.memory_space<vmem>>, vector<32xbf16>,
      %unpack3A_924 = tpu.unpack_subelements %get3A_923, 0 {pack_format = #tpu.pack_format<interleaved>} : vector<32xbf16> -> vector<16xf32>
      %unpack3A_925 = tpu.unpack_subelements %get3A_923, 1 {pack_format = #tpu.pack_format<interleaved>} : vector<32xbf16> -> vector<16xf32>
      %mul3A_926 = arith.mulf %unpack3A_924, %get3A_883 : vector<16xf32>
      %swap3A_927 = arith.constant 96 : index
      %swap3A_928 = tpu.vector_load %arg21[%swap3A_927] {strides = array<i32>} : memref<384xf32, #tpu.memory_space<vmem>>, vector<16xf32>,
      tpu.vector_store %arg21[%swap3A_927], %mul3A_926 {strides = array<i32>} : memref<384xf32, #tpu.memory_space<vmem>>, vector<16xf32>,
      %mul3A_929 = arith.mulf %unpack3A_925, %get3A_883 : vector<16xf32>
      %swap3A_930 = arith.constant 112 : index
      %swap3A_931 = tpu.vector_load %arg21[%swap3A_930] {strides = array<i32>} : memref<384xf32, #tpu.memory_space<vmem>>, vector<16xf32>,
      tpu.vector_store %arg21[%swap3A_930], %mul3A_929 {strides = array<i32>} : memref<384xf32, #tpu.memory_space<vmem>>, vector<16xf32>,
      %get3A_932 = arith.constant 0 : i32
      %get3A_933 = arith.index_cast %get3A_932 : i32 to index
      %get3A_934 = arith.constant 128 : index
      %get3A_935 = tpu.vector_load %arg17[%get3A_933, %get3A_934] {strides = array<i32>} : memref<40x384xbf16, #tpu.memory_space<vmem>>, vector<32xbf16>,
      %unpack3A_936 = tpu.unpack_subelements %get3A_935, 0 {pack_format = #tpu.pack_format<interleaved>} : vector<32xbf16> -> vector<16xf32>
      %unpack3A_937 = tpu.unpack_subelements %get3A_935, 1 {pack_format = #tpu.pack_format<interleaved>} : vector<32xbf16> -> vector<16xf32>
      %mul3A_938 = arith.mulf %unpack3A_936, %get3A_883 : vector<16xf32>
      %swap3A_939 = arith.constant 128 : index
      %swap3A_940 = tpu.vector_load %arg21[%swap3A_939] {strides = array<i32>} : memref<384xf32, #tpu.memory_space<vmem>>, vector<16xf32>,
      tpu.vector_store %arg21[%swap3A_939], %mul3A_938 {strides = array<i32>} : memref<384xf32, #tpu.memory_space<vmem>>, vector<16xf32>,
      %mul3A_941 = arith.mulf %unpack3A_937, %get3A_883 : vector<16xf32>
      %swap3A_942 = arith.constant 144 : index
      %swap3A_943 = tpu.vector_load %arg21[%swap3A_942] {strides = array<i32>} : memref<384xf32, #tpu.memory_space<vmem>>, vector<16xf32>,
      tpu.vector_store %arg21[%swap3A_942], %mul3A_941 {strides = array<i32>} : memref<384xf32, #tpu.memory_space<vmem>>, vector<16xf32>,
      %get3A_944 = arith.constant 0 : i32
      %get3A_945 = arith.index_cast %get3A_944 : i32 to index
      %get3A_946 = arith.constant 160 : index
      %get3A_947 = tpu.vector_load %arg17[%get3A_945, %get3A_946] {strides = array<i32>} : memref<40x384xbf16, #tpu.memory_space<vmem>>, vector<32xbf16>,
      %unpack3A_948 = tpu.unpack_subelements %get3A_947, 0 {pack_format = #tpu.pack_format<interleaved>} : vector<32xbf16> -> vector<16xf32>
      %unpack3A_949 = tpu.unpack_subelements %get3A_947, 1 {pack_format = #tpu.pack_format<interleaved>} : vector<32xbf16> -> vector<16xf32>
      %mul3A_950 = arith.mulf %unpack3A_948, %get3A_883 : vector<16xf32>
      %swap3A_951 = arith.constant 160 : index
      %swap3A_952 = tpu.vector_load %arg21[%swap3A_951] {strides = array<i32>} : memref<384xf32, #tpu.memory_space<vmem>>, vector<16xf32>,
      tpu.vector_store %arg21[%swap3A_951], %mul3A_950 {strides = array<i32>} : memref<384xf32, #tpu.memory_space<vmem>>, vector<16xf32>,
      %mul3A_953 = arith.mulf %unpack3A_949, %get3A_883 : vector<16xf32>
      %swap3A_954 = arith.constant 176 : index
      %swap3A_955 = tpu.vector_load %arg21[%swap3A_954] {strides = array<i32>} : memref<384xf32, #tpu.memory_space<vmem>>, vector<16xf32>,
      tpu.vector_store %arg21[%swap3A_954], %mul3A_953 {strides = array<i32>} : memref<384xf32, #tpu.memory_space<vmem>>, vector<16xf32>,
      %get3A_956 = arith.constant 0 : i32
      %get3A_957 = arith.index_cast %get3A_956 : i32 to index
      %get3A_958 = arith.constant 192 : index
      %get3A_959 = tpu.vector_load %arg17[%get3A_957, %get3A_958] {strides = array<i32>} : memref<40x384xbf16, #tpu.memory_space<vmem>>, vector<32xbf16>,
      %unpack3A_960 = tpu.unpack_subelements %get3A_959, 0 {pack_format = #tpu.pack_format<interleaved>} : vector<32xbf16> -> vector<16xf32>
      %unpack3A_961 = tpu.unpack_subelements %get3A_959, 1 {pack_format = #tpu.pack_format<interleaved>} : vector<32xbf16> -> vector<16xf32>
      %mul3A_962 = arith.mulf %unpack3A_960, %get3A_883 : vector<16xf32>
      %swap3A_963 = arith.constant 192 : index
      %swap3A_964 = tpu.vector_load %arg21[%swap3A_963] {strides = array<i32>} : memref<384xf32, #tpu.memory_space<vmem>>, vector<16xf32>,
      tpu.vector_store %arg21[%swap3A_963], %mul3A_962 {strides = array<i32>} : memref<384xf32, #tpu.memory_space<vmem>>, vector<16xf32>,
      %mul3A_965 = arith.mulf %unpack3A_961, %get3A_883 : vector<16xf32>
      %swap3A_966 = arith.constant 208 : index
      %swap3A_967 = tpu.vector_load %arg21[%swap3A_966] {strides = array<i32>} : memref<384xf32, #tpu.memory_space<vmem>>, vector<16xf32>,
      tpu.vector_store %arg21[%swap3A_966], %mul3A_965 {strides = array<i32>} : memref<384xf32, #tpu.memory_space<vmem>>, vector<16xf32>,
      %get3A_968 = arith.constant 0 : i32
      %get3A_969 = arith.index_cast %get3A_968 : i32 to index
      %get3A_970 = arith.constant 224 : index
      %get3A_971 = tpu.vector_load %arg17[%get3A_969, %get3A_970] {strides = array<i32>} : memref<40x384xbf16, #tpu.memory_space<vmem>>, vector<32xbf16>,
      %unpack3A_972 = tpu.unpack_subelements %get3A_971, 0 {pack_format = #tpu.pack_format<interleaved>} : vector<32xbf16> -> vector<16xf32>
      %unpack3A_973 = tpu.unpack_subelements %get3A_971, 1 {pack_format = #tpu.pack_format<interleaved>} : vector<32xbf16> -> vector<16xf32>
      %mul3A_974 = arith.mulf %unpack3A_972, %get3A_883 : vector<16xf32>
      %swap3A_975 = arith.constant 224 : index
      %swap3A_976 = tpu.vector_load %arg21[%swap3A_975] {strides = array<i32>} : memref<384xf32, #tpu.memory_space<vmem>>, vector<16xf32>,
      tpu.vector_store %arg21[%swap3A_975], %mul3A_974 {strides = array<i32>} : memref<384xf32, #tpu.memory_space<vmem>>, vector<16xf32>,
      %mul3A_977 = arith.mulf %unpack3A_973, %get3A_883 : vector<16xf32>
      %swap3A_978 = arith.constant 240 : index
      %swap3A_979 = tpu.vector_load %arg21[%swap3A_978] {strides = array<i32>} : memref<384xf32, #tpu.memory_space<vmem>>, vector<16xf32>,
      tpu.vector_store %arg21[%swap3A_978], %mul3A_977 {strides = array<i32>} : memref<384xf32, #tpu.memory_space<vmem>>, vector<16xf32>,
      %get3A_980 = arith.constant 0 : i32
      %get3A_981 = arith.index_cast %get3A_980 : i32 to index
      %get3A_982 = arith.constant 256 : index
      %get3A_983 = tpu.vector_load %arg17[%get3A_981, %get3A_982] {strides = array<i32>} : memref<40x384xbf16, #tpu.memory_space<vmem>>, vector<32xbf16>,
      %unpack3A_984 = tpu.unpack_subelements %get3A_983, 0 {pack_format = #tpu.pack_format<interleaved>} : vector<32xbf16> -> vector<16xf32>
      %unpack3A_985 = tpu.unpack_subelements %get3A_983, 1 {pack_format = #tpu.pack_format<interleaved>} : vector<32xbf16> -> vector<16xf32>
      %mul3A_986 = arith.mulf %unpack3A_984, %get3A_883 : vector<16xf32>
      %swap3A_987 = arith.constant 256 : index
      %swap3A_988 = tpu.vector_load %arg21[%swap3A_987] {strides = array<i32>} : memref<384xf32, #tpu.memory_space<vmem>>, vector<16xf32>,
      tpu.vector_store %arg21[%swap3A_987], %mul3A_986 {strides = array<i32>} : memref<384xf32, #tpu.memory_space<vmem>>, vector<16xf32>,
      %mul3A_989 = arith.mulf %unpack3A_985, %get3A_883 : vector<16xf32>
      %swap3A_990 = arith.constant 272 : index
      %swap3A_991 = tpu.vector_load %arg21[%swap3A_990] {strides = array<i32>} : memref<384xf32, #tpu.memory_space<vmem>>, vector<16xf32>,
      tpu.vector_store %arg21[%swap3A_990], %mul3A_989 {strides = array<i32>} : memref<384xf32, #tpu.memory_space<vmem>>, vector<16xf32>,
      %get3A_992 = arith.constant 0 : i32
      %get3A_993 = arith.index_cast %get3A_992 : i32 to index
      %get3A_994 = arith.constant 288 : index
      %get3A_995 = tpu.vector_load %arg17[%get3A_993, %get3A_994] {strides = array<i32>} : memref<40x384xbf16, #tpu.memory_space<vmem>>, vector<32xbf16>,
      %unpack3A_996 = tpu.unpack_subelements %get3A_995, 0 {pack_format = #tpu.pack_format<interleaved>} : vector<32xbf16> -> vector<16xf32>
      %unpack3A_997 = tpu.unpack_subelements %get3A_995, 1 {pack_format = #tpu.pack_format<interleaved>} : vector<32xbf16> -> vector<16xf32>
      %mul3A_998 = arith.mulf %unpack3A_996, %get3A_883 : vector<16xf32>
      %swap3A_999 = arith.constant 288 : index
      %swap3A_1000 = tpu.vector_load %arg21[%swap3A_999] {strides = array<i32>} : memref<384xf32, #tpu.memory_space<vmem>>, vector<16xf32>,
      tpu.vector_store %arg21[%swap3A_999], %mul3A_998 {strides = array<i32>} : memref<384xf32, #tpu.memory_space<vmem>>, vector<16xf32>,
      %mul3A_1001 = arith.mulf %unpack3A_997, %get3A_883 : vector<16xf32>
      %swap3A_1002 = arith.constant 304 : index
      %swap3A_1003 = tpu.vector_load %arg21[%swap3A_1002] {strides = array<i32>} : memref<384xf32, #tpu.memory_space<vmem>>, vector<16xf32>,
      tpu.vector_store %arg21[%swap3A_1002], %mul3A_1001 {strides = array<i32>} : memref<384xf32, #tpu.memory_space<vmem>>, vector<16xf32>,
      %get3A_1004 = arith.constant 0 : i32
      %get3A_1005 = arith.index_cast %get3A_1004 : i32 to index
      %get3A_1006 = arith.constant 320 : index
      %get3A_1007 = tpu.vector_load %arg17[%get3A_1005, %get3A_1006] {strides = array<i32>} : memref<40x384xbf16, #tpu.memory_space<vmem>>, vector<32xbf16>,
      %unpack3A_1008 = tpu.unpack_subelements %get3A_1007, 0 {pack_format = #tpu.pack_format<interleaved>} : vector<32xbf16> -> vector<16xf32>
      %unpack3A_1009 = tpu.unpack_subelements %get3A_1007, 1 {pack_format = #tpu.pack_format<interleaved>} : vector<32xbf16> -> vector<16xf32>
      %mul3A_1010 = arith.mulf %unpack3A_1008, %get3A_883 : vector<16xf32>
      %swap3A_1011 = arith.constant 320 : index
      %swap3A_1012 = tpu.vector_load %arg21[%swap3A_1011] {strides = array<i32>} : memref<384xf32, #tpu.memory_space<vmem>>, vector<16xf32>,
      tpu.vector_store %arg21[%swap3A_1011], %mul3A_1010 {strides = array<i32>} : memref<384xf32, #tpu.memory_space<vmem>>, vector<16xf32>,
      %mul3A_1013 = arith.mulf %unpack3A_1009, %get3A_883 : vector<16xf32>
      %swap3A_1014 = arith.constant 336 : index
      %swap3A_1015 = tpu.vector_load %arg21[%swap3A_1014] {strides = array<i32>} : memref<384xf32, #tpu.memory_space<vmem>>, vector<16xf32>,
      tpu.vector_store %arg21[%swap3A_1014], %mul3A_1013 {strides = array<i32>} : memref<384xf32, #tpu.memory_space<vmem>>, vector<16xf32>,
      %get3A_1016 = arith.constant 0 : i32
      %get3A_1017 = arith.index_cast %get3A_1016 : i32 to index
      %get3A_1018 = arith.constant 352 : index
      %get3A_1019 = tpu.vector_load %arg17[%get3A_1017, %get3A_1018] {strides = array<i32>} : memref<40x384xbf16, #tpu.memory_space<vmem>>, vector<32xbf16>,
      %unpack3A_1020 = tpu.unpack_subelements %get3A_1019, 0 {pack_format = #tpu.pack_format<interleaved>} : vector<32xbf16> -> vector<16xf32>
      %unpack3A_1021 = tpu.unpack_subelements %get3A_1019, 1 {pack_format = #tpu.pack_format<interleaved>} : vector<32xbf16> -> vector<16xf32>
      %mul3A_1022 = arith.mulf %unpack3A_1020, %get3A_883 : vector<16xf32>
      %swap3A_1023 = arith.constant 352 : index
      %swap3A_1024 = tpu.vector_load %arg21[%swap3A_1023] {strides = array<i32>} : memref<384xf32, #tpu.memory_space<vmem>>, vector<16xf32>,
      tpu.vector_store %arg21[%swap3A_1023], %mul3A_1022 {strides = array<i32>} : memref<384xf32, #tpu.memory_space<vmem>>, vector<16xf32>,
      %mul3A_1025 = arith.mulf %unpack3A_1021, %get3A_883 : vector<16xf32>
      %swap3A_1026 = arith.constant 368 : index
      %swap3A_1027 = tpu.vector_load %arg21[%swap3A_1026] {strides = array<i32>} : memref<384xf32, #tpu.memory_space<vmem>>, vector<16xf32>,
      tpu.vector_store %arg21[%swap3A_1026], %mul3A_1025 {strides = array<i32>} : memref<384xf32, #tpu.memory_space<vmem>>, vector<16xf32>,
      %scan3A_1028 = arith.constant 0 : i32
      %scan3A_1029 = arith.constant 1 : i32
      %scan3A_1030 = arith.constant 35 : i32
      %scan3A_1031 = arith.addi %scan3A_1029, %scan3A_1030 : i32
      %scan3A_1032 = arith.constant 1 : i32
      scf.for %scan3A_1059 = %scan3A_1029 to %scan3A_1031 step %scan3A_1032  : i32 {
        %mul3A_1060 = arith.constant 16 : i32
        %mul3A_1061 = arith.muli %scan3A_1059, %mul3A_1060 : i32
        %get3A_1062 = arith.index_cast %mul3A_1061 : i32 to index
        %get3A_1063 = tpu.vector_load %arg13[%get3A_1062] {strides = array<i32>} : memref<576xf32, #tpu.memory_space<vmem>>, vector<16xf32>,
        %get3A_1064 = arith.index_cast %scan3A_1059 : i32 to index
        %get3A_1065 = arith.constant 0 : index
        %get3A_1066 = tpu.vector_load %arg17[%get3A_1064, %get3A_1065] {strides = array<i32>} : memref<40x384xbf16, #tpu.memory_space<vmem>>, vector<32xbf16>,
        %unpack3A_1067 = tpu.unpack_subelements %get3A_1066, 0 {pack_format = #tpu.pack_format<interleaved>} : vector<32xbf16> -> vector<16xf32>
        %unpack3A_1068 = tpu.unpack_subelements %get3A_1066, 1 {pack_format = #tpu.pack_format<interleaved>} : vector<32xbf16> -> vector<16xf32>
        %mul3A_1069 = arith.mulf %unpack3A_1067, %get3A_1063 : vector<16xf32>
        %swap3A_1070 = arith.constant 0 : index
        %swap3A_1071 = tpu.vector_load %arg21[%swap3A_1070] {strides = array<i32>} : memref<384xf32, #tpu.memory_space<vmem>>, vector<16xf32>,
        tpu.vector_store %arg21[%swap3A_1070], %mul3A_1069 {add = true, strides = array<i32>} : memref<384xf32, #tpu.memory_space<vmem>>, vector<16xf32>,
        %mul3A_1072 = arith.mulf %unpack3A_1068, %get3A_1063 : vector<16xf32>
        %swap3A_1073 = arith.constant 16 : index
        %swap3A_1074 = tpu.vector_load %arg21[%swap3A_1073] {strides = array<i32>} : memref<384xf32, #tpu.memory_space<vmem>>, vector<16xf32>,
        tpu.vector_store %arg21[%swap3A_1073], %mul3A_1072 {add = true, strides = array<i32>} : memref<384xf32, #tpu.memory_space<vmem>>, vector<16xf32>,
        %get3A_1075 = arith.index_cast %scan3A_1059 : i32 to index
        %get3A_1076 = arith.constant 32 : index
        %get3A_1077 = tpu.vector_load %arg17[%get3A_1075, %get3A_1076] {strides = array<i32>} : memref<40x384xbf16, #tpu.memory_space<vmem>>, vector<32xbf16>,
        %unpack3A_1078 = tpu.unpack_subelements %get3A_1077, 0 {pack_format = #tpu.pack_format<interleaved>} : vector<32xbf16> -> vector<16xf32>
        %unpack3A_1079 = tpu.unpack_subelements %get3A_1077, 1 {pack_format = #tpu.pack_format<interleaved>} : vector<32xbf16> -> vector<16xf32>
        %mul3A_1080 = arith.mulf %unpack3A_1078, %get3A_1063 : vector<16xf32>
        %swap3A_1081 = arith.constant 32 : index
        %swap3A_1082 = tpu.vector_load %arg21[%swap3A_1081] {strides = array<i32>} : memref<384xf32, #tpu.memory_space<vmem>>, vector<16xf32>,
        tpu.vector_store %arg21[%swap3A_1081], %mul3A_1080 {add = true, strides = array<i32>} : memref<384xf32, #tpu.memory_space<vmem>>, vector<16xf32>,
        %mul3A_1083 = arith.mulf %unpack3A_1079, %get3A_1063 : vector<16xf32>
        %swap3A_1084 = arith.constant 48 : index
        %swap3A_1085 = tpu.vector_load %arg21[%swap3A_1084] {strides = array<i32>} : memref<384xf32, #tpu.memory_space<vmem>>, vector<16xf32>,
        tpu.vector_store %arg21[%swap3A_1084], %mul3A_1083 {add = true, strides = array<i32>} : memref<384xf32, #tpu.memory_space<vmem>>, vector<16xf32>,
        %get3A_1086 = arith.index_cast %scan3A_1059 : i32 to index
        %get3A_1087 = arith.constant 64 : index
        %get3A_1088 = tpu.vector_load %arg17[%get3A_1086, %get3A_1087] {strides = array<i32>} : memref<40x384xbf16, #tpu.memory_space<vmem>>, vector<32xbf16>,
        %unpack3A_1089 = tpu.unpack_subelements %get3A_1088, 0 {pack_format = #tpu.pack_format<interleaved>} : vector<32xbf16> -> vector<16xf32>
        %unpack3A_1090 = tpu.unpack_subelements %get3A_1088, 1 {pack_format = #tpu.pack_format<interleaved>} : vector<32xbf16> -> vector<16xf32>
        %mul3A_1091 = arith.mulf %unpack3A_1089, %get3A_1063 : vector<16xf32>
        %swap3A_1092 = arith.constant 64 : index
        %swap3A_1093 = tpu.vector_load %arg21[%swap3A_1092] {strides = array<i32>} : memref<384xf32, #tpu.memory_space<vmem>>, vector<16xf32>,
        tpu.vector_store %arg21[%swap3A_1092], %mul3A_1091 {add = true, strides = array<i32>} : memref<384xf32, #tpu.memory_space<vmem>>, vector<16xf32>,
        %mul3A_1094 = arith.mulf %unpack3A_1090, %get3A_1063 : vector<16xf32>
        %swap3A_1095 = arith.constant 80 : index
        %swap3A_1096 = tpu.vector_load %arg21[%swap3A_1095] {strides = array<i32>} : memref<384xf32, #tpu.memory_space<vmem>>, vector<16xf32>,
        tpu.vector_store %arg21[%swap3A_1095], %mul3A_1094 {add = true, strides = array<i32>} : memref<384xf32, #tpu.memory_space<vmem>>, vector<16xf32>,
        %get3A_1097 = arith.index_cast %scan3A_1059 : i32 to index
        %get3A_1098 = arith.constant 96 : index
        %get3A_1099 = tpu.vector_load %arg17[%get3A_1097, %get3A_1098] {strides = array<i32>} : memref<40x384xbf16, #tpu.memory_space<vmem>>, vector<32xbf16>,
        %unpack3A_1100 = tpu.unpack_subelements %get3A_1099, 0 {pack_format = #tpu.pack_format<interleaved>} : vector<32xbf16> -> vector<16xf32>
        %unpack3A_1101 = tpu.unpack_subelements %get3A_1099, 1 {pack_format = #tpu.pack_format<interleaved>} : vector<32xbf16> -> vector<16xf32>
        %mul3A_1102 = arith.mulf %unpack3A_1100, %get3A_1063 : vector<16xf32>
        %swap3A_1103 = arith.constant 96 : index
        %swap3A_1104 = tpu.vector_load %arg21[%swap3A_1103] {strides = array<i32>} : memref<384xf32, #tpu.memory_space<vmem>>, vector<16xf32>,
        tpu.vector_store %arg21[%swap3A_1103], %mul3A_1102 {add = true, strides = array<i32>} : memref<384xf32, #tpu.memory_space<vmem>>, vector<16xf32>,
        %mul3A_1105 = arith.mulf %unpack3A_1101, %get3A_1063 : vector<16xf32>
        %swap3A_1106 = arith.constant 112 : index
        %swap3A_1107 = tpu.vector_load %arg21[%swap3A_1106] {strides = array<i32>} : memref<384xf32, #tpu.memory_space<vmem>>, vector<16xf32>,
        tpu.vector_store %arg21[%swap3A_1106], %mul3A_1105 {add = true, strides = array<i32>} : memref<384xf32, #tpu.memory_space<vmem>>, vector<16xf32>,
        %get3A_1108 = arith.index_cast %scan3A_1059 : i32 to index
        %get3A_1109 = arith.constant 128 : index
        %get3A_1110 = tpu.vector_load %arg17[%get3A_1108, %get3A_1109] {strides = array<i32>} : memref<40x384xbf16, #tpu.memory_space<vmem>>, vector<32xbf16>,
        %unpack3A_1111 = tpu.unpack_subelements %get3A_1110, 0 {pack_format = #tpu.pack_format<interleaved>} : vector<32xbf16> -> vector<16xf32>
        %unpack3A_1112 = tpu.unpack_subelements %get3A_1110, 1 {pack_format = #tpu.pack_format<interleaved>} : vector<32xbf16> -> vector<16xf32>
        %mul3A_1113 = arith.mulf %unpack3A_1111, %get3A_1063 : vector<16xf32>
        %swap3A_1114 = arith.constant 128 : index
        %swap3A_1115 = tpu.vector_load %arg21[%swap3A_1114] {strides = array<i32>} : memref<384xf32, #tpu.memory_space<vmem>>, vector<16xf32>,
        tpu.vector_store %arg21[%swap3A_1114], %mul3A_1113 {add = true, strides = array<i32>} : memref<384xf32, #tpu.memory_space<vmem>>, vector<16xf32>,
        %mul3A_1116 = arith.mulf %unpack3A_1112, %get3A_1063 : vector<16xf32>
        %swap3A_1117 = arith.constant 144 : index
        %swap3A_1118 = tpu.vector_load %arg21[%swap3A_1117] {strides = array<i32>} : memref<384xf32, #tpu.memory_space<vmem>>, vector<16xf32>,
        tpu.vector_store %arg21[%swap3A_1117], %mul3A_1116 {add = true, strides = array<i32>} : memref<384xf32, #tpu.memory_space<vmem>>, vector<16xf32>,
        %get3A_1119 = arith.index_cast %scan3A_1059 : i32 to index
        %get3A_1120 = arith.constant 160 : index
        %get3A_1121 = tpu.vector_load %arg17[%get3A_1119, %get3A_1120] {strides = array<i32>} : memref<40x384xbf16, #tpu.memory_space<vmem>>, vector<32xbf16>,
        %unpack3A_1122 = tpu.unpack_subelements %get3A_1121, 0 {pack_format = #tpu.pack_format<interleaved>} : vector<32xbf16> -> vector<16xf32>
        %unpack3A_1123 = tpu.unpack_subelements %get3A_1121, 1 {pack_format = #tpu.pack_format<interleaved>} : vector<32xbf16> -> vector<16xf32>
        %mul3A_1124 = arith.mulf %unpack3A_1122, %get3A_1063 : vector<16xf32>
        %swap3A_1125 = arith.constant 160 : index
        %swap3A_1126 = tpu.vector_load %arg21[%swap3A_1125] {strides = array<i32>} : memref<384xf32, #tpu.memory_space<vmem>>, vector<16xf32>,
        tpu.vector_store %arg21[%swap3A_1125], %mul3A_1124 {add = true, strides = array<i32>} : memref<384xf32, #tpu.memory_space<vmem>>, vector<16xf32>,
        %mul3A_1127 = arith.mulf %unpack3A_1123, %get3A_1063 : vector<16xf32>
        %swap3A_1128 = arith.constant 176 : index
        %swap3A_1129 = tpu.vector_load %arg21[%swap3A_1128] {strides = array<i32>} : memref<384xf32, #tpu.memory_space<vmem>>, vector<16xf32>,
        tpu.vector_store %arg21[%swap3A_1128], %mul3A_1127 {add = true, strides = array<i32>} : memref<384xf32, #tpu.memory_space<vmem>>, vector<16xf32>,
        %get3A_1130 = arith.index_cast %scan3A_1059 : i32 to index
        %get3A_1131 = arith.constant 192 : index
        %get3A_1132 = tpu.vector_load %arg17[%get3A_1130, %get3A_1131] {strides = array<i32>} : memref<40x384xbf16, #tpu.memory_space<vmem>>, vector<32xbf16>,
        %unpack3A_1133 = tpu.unpack_subelements %get3A_1132, 0 {pack_format = #tpu.pack_format<interleaved>} : vector<32xbf16> -> vector<16xf32>
        %unpack3A_1134 = tpu.unpack_subelements %get3A_1132, 1 {pack_format = #tpu.pack_format<interleaved>} : vector<32xbf16> -> vector<16xf32>
        %mul3A_1135 = arith.mulf %unpack3A_1133, %get3A_1063 : vector<16xf32>
        %swap3A_1136 = arith.constant 192 : index
        %swap3A_1137 = tpu.vector_load %arg21[%swap3A_1136] {strides = array<i32>} : memref<384xf32, #tpu.memory_space<vmem>>, vector<16xf32>,
        tpu.vector_store %arg21[%swap3A_1136], %mul3A_1135 {add = true, strides = array<i32>} : memref<384xf32, #tpu.memory_space<vmem>>, vector<16xf32>,
        %mul3A_1138 = arith.mulf %unpack3A_1134, %get3A_1063 : vector<16xf32>
        %swap3A_1139 = arith.constant 208 : index
        %swap3A_1140 = tpu.vector_load %arg21[%swap3A_1139] {strides = array<i32>} : memref<384xf32, #tpu.memory_space<vmem>>, vector<16xf32>,
        tpu.vector_store %arg21[%swap3A_1139], %mul3A_1138 {add = true, strides = array<i32>} : memref<384xf32, #tpu.memory_space<vmem>>, vector<16xf32>,
        %get3A_1141 = arith.index_cast %scan3A_1059 : i32 to index
        %get3A_1142 = arith.constant 224 : index
        %get3A_1143 = tpu.vector_load %arg17[%get3A_1141, %get3A_1142] {strides = array<i32>} : memref<40x384xbf16, #tpu.memory_space<vmem>>, vector<32xbf16>,
        %unpack3A_1144 = tpu.unpack_subelements %get3A_1143, 0 {pack_format = #tpu.pack_format<interleaved>} : vector<32xbf16> -> vector<16xf32>
        %unpack3A_1145 = tpu.unpack_subelements %get3A_1143, 1 {pack_format = #tpu.pack_format<interleaved>} : vector<32xbf16> -> vector<16xf32>
        %mul3A_1146 = arith.mulf %unpack3A_1144, %get3A_1063 : vector<16xf32>
        %swap3A_1147 = arith.constant 224 : index
        %swap3A_1148 = tpu.vector_load %arg21[%swap3A_1147] {strides = array<i32>} : memref<384xf32, #tpu.memory_space<vmem>>, vector<16xf32>,
        tpu.vector_store %arg21[%swap3A_1147], %mul3A_1146 {add = true, strides = array<i32>} : memref<384xf32, #tpu.memory_space<vmem>>, vector<16xf32>,
        %mul3A_1149 = arith.mulf %unpack3A_1145, %get3A_1063 : vector<16xf32>
        %swap3A_1150 = arith.constant 240 : index
        %swap3A_1151 = tpu.vector_load %arg21[%swap3A_1150] {strides = array<i32>} : memref<384xf32, #tpu.memory_space<vmem>>, vector<16xf32>,
        tpu.vector_store %arg21[%swap3A_1150], %mul3A_1149 {add = true, strides = array<i32>} : memref<384xf32, #tpu.memory_space<vmem>>, vector<16xf32>,
        %get3A_1152 = arith.index_cast %scan3A_1059 : i32 to index
        %get3A_1153 = arith.constant 256 : index
        %get3A_1154 = tpu.vector_load %arg17[%get3A_1152, %get3A_1153] {strides = array<i32>} : memref<40x384xbf16, #tpu.memory_space<vmem>>, vector<32xbf16>,
        %unpack3A_1155 = tpu.unpack_subelements %get3A_1154, 0 {pack_format = #tpu.pack_format<interleaved>} : vector<32xbf16> -> vector<16xf32>
        %unpack3A_1156 = tpu.unpack_subelements %get3A_1154, 1 {pack_format = #tpu.pack_format<interleaved>} : vector<32xbf16> -> vector<16xf32>
        %mul3A_1157 = arith.mulf %unpack3A_1155, %get3A_1063 : vector<16xf32>
        %swap3A_1158 = arith.constant 256 : index
        %swap3A_1159 = tpu.vector_load %arg21[%swap3A_1158] {strides = array<i32>} : memref<384xf32, #tpu.memory_space<vmem>>, vector<16xf32>,
        tpu.vector_store %arg21[%swap3A_1158], %mul3A_1157 {add = true, strides = array<i32>} : memref<384xf32, #tpu.memory_space<vmem>>, vector<16xf32>,
        %mul3A_1160 = arith.mulf %unpack3A_1156, %get3A_1063 : vector<16xf32>
        %swap3A_1161 = arith.constant 272 : index
        %swap3A_1162 = tpu.vector_load %arg21[%swap3A_1161] {strides = array<i32>} : memref<384xf32, #tpu.memory_space<vmem>>, vector<16xf32>,
        tpu.vector_store %arg21[%swap3A_1161], %mul3A_1160 {add = true, strides = array<i32>} : memref<384xf32, #tpu.memory_space<vmem>>, vector<16xf32>,
        %get3A_1163 = arith.index_cast %scan3A_1059 : i32 to index
        %get3A_1164 = arith.constant 288 : index
        %get3A_1165 = tpu.vector_load %arg17[%get3A_1163, %get3A_1164] {strides = array<i32>} : memref<40x384xbf16, #tpu.memory_space<vmem>>, vector<32xbf16>,
        %unpack3A_1166 = tpu.unpack_subelements %get3A_1165, 0 {pack_format = #tpu.pack_format<interleaved>} : vector<32xbf16> -> vector<16xf32>
        %unpack3A_1167 = tpu.unpack_subelements %get3A_1165, 1 {pack_format = #tpu.pack_format<interleaved>} : vector<32xbf16> -> vector<16xf32>
        %mul3A_1168 = arith.mulf %unpack3A_1166, %get3A_1063 : vector<16xf32>
        %swap3A_1169 = arith.constant 288 : index
        %swap3A_1170 = tpu.vector_load %arg21[%swap3A_1169] {strides = array<i32>} : memref<384xf32, #tpu.memory_space<vmem>>, vector<16xf32>,
        tpu.vector_store %arg21[%swap3A_1169], %mul3A_1168 {add = true, strides = array<i32>} : memref<384xf32, #tpu.memory_space<vmem>>, vector<16xf32>,
        %mul3A_1171 = arith.mulf %unpack3A_1167, %get3A_1063 : vector<16xf32>
        %swap3A_1172 = arith.constant 304 : index
        %swap3A_1173 = tpu.vector_load %arg21[%swap3A_1172] {strides = array<i32>} : memref<384xf32, #tpu.memory_space<vmem>>, vector<16xf32>,
        tpu.vector_store %arg21[%swap3A_1172], %mul3A_1171 {add = true, strides = array<i32>} : memref<384xf32, #tpu.memory_space<vmem>>, vector<16xf32>,
        %get3A_1174 = arith.index_cast %scan3A_1059 : i32 to index
        %get3A_1175 = arith.constant 320 : index
        %get3A_1176 = tpu.vector_load %arg17[%get3A_1174, %get3A_1175] {strides = array<i32>} : memref<40x384xbf16, #tpu.memory_space<vmem>>, vector<32xbf16>,
        %unpack3A_1177 = tpu.unpack_subelements %get3A_1176, 0 {pack_format = #tpu.pack_format<interleaved>} : vector<32xbf16> -> vector<16xf32>
        %unpack3A_1178 = tpu.unpack_subelements %get3A_1176, 1 {pack_format = #tpu.pack_format<interleaved>} : vector<32xbf16> -> vector<16xf32>
        %mul3A_1179 = arith.mulf %unpack3A_1177, %get3A_1063 : vector<16xf32>
        %swap3A_1180 = arith.constant 320 : index
        %swap3A_1181 = tpu.vector_load %arg21[%swap3A_1180] {strides = array<i32>} : memref<384xf32, #tpu.memory_space<vmem>>, vector<16xf32>,
        tpu.vector_store %arg21[%swap3A_1180], %mul3A_1179 {add = true, strides = array<i32>} : memref<384xf32, #tpu.memory_space<vmem>>, vector<16xf32>,
        %mul3A_1182 = arith.mulf %unpack3A_1178, %get3A_1063 : vector<16xf32>
        %swap3A_1183 = arith.constant 336 : index
        %swap3A_1184 = tpu.vector_load %arg21[%swap3A_1183] {strides = array<i32>} : memref<384xf32, #tpu.memory_space<vmem>>, vector<16xf32>,
        tpu.vector_store %arg21[%swap3A_1183], %mul3A_1182 {add = true, strides = array<i32>} : memref<384xf32, #tpu.memory_space<vmem>>, vector<16xf32>,
        %get3A_1185 = arith.index_cast %scan3A_1059 : i32 to index
        %get3A_1186 = arith.constant 352 : index
        %get3A_1187 = tpu.vector_load %arg17[%get3A_1185, %get3A_1186] {strides = array<i32>} : memref<40x384xbf16, #tpu.memory_space<vmem>>, vector<32xbf16>,
        %unpack3A_1188 = tpu.unpack_subelements %get3A_1187, 0 {pack_format = #tpu.pack_format<interleaved>} : vector<32xbf16> -> vector<16xf32>
        %unpack3A_1189 = tpu.unpack_subelements %get3A_1187, 1 {pack_format = #tpu.pack_format<interleaved>} : vector<32xbf16> -> vector<16xf32>
        %mul3A_1190 = arith.mulf %unpack3A_1188, %get3A_1063 : vector<16xf32>
        %swap3A_1191 = arith.constant 352 : index
        %swap3A_1192 = tpu.vector_load %arg21[%swap3A_1191] {strides = array<i32>} : memref<384xf32, #tpu.memory_space<vmem>>, vector<16xf32>,
        tpu.vector_store %arg21[%swap3A_1191], %mul3A_1190 {add = true, strides = array<i32>} : memref<384xf32, #tpu.memory_space<vmem>>, vector<16xf32>,
        %mul3A_1193 = arith.mulf %unpack3A_1189, %get3A_1063 : vector<16xf32>
        %swap3A_1194 = arith.constant 368 : index
        %swap3A_1195 = tpu.vector_load %arg21[%swap3A_1194] {strides = array<i32>} : memref<384xf32, #tpu.memory_space<vmem>>, vector<16xf32>,
        tpu.vector_store %arg21[%swap3A_1194], %mul3A_1193 {add = true, strides = array<i32>} : memref<384xf32, #tpu.memory_space<vmem>>, vector<16xf32>,
      }
      %scan3A_1033 = arith.constant 35 : i32
      %add3A_1034 = arith.constant 3 : i32
      %add3A_1035 = arith.addi %add3A_842, %add3A_1034 : i32
      %and3A_1036 = arith.constant 127 : i32
      %and3A_1037 = arith.andi %add3A_1035, %and3A_1036 : i32
      %add3A_1038 = arith.addi %mul3A_2, %and3A_1037 : i32
      %dma_start3A_1039 = arith.constant 0 : i32
      %dma_start3A_1040 = tpu.memref_slice %arg3[%add3A_1038, %dma_start3A_1039] : memref<4096x40xi32, #tpu.memory_space<hbm>> -> memref<1x40xi32, #tpu.memory_space<hbm>>
      %dma_start3A_1041 = tpu.memref_squeeze %dma_start3A_1040 : memref<1x40xi32, #tpu.memory_space<hbm>> -> memref<40xi32, #tpu.memory_space<hbm>>
      %dma_start3A_1042 = arith.constant 0 : i32
      %dma_start3A_1043 = tpu.memref_slice %arg3[%add3A_1038, %dma_start3A_1042] : memref<4096x40xi32, #tpu.memory_space<hbm>> -> memref<1x40xi32, #tpu.memory_space<hbm>>
      %dma_start3A_1044 = tpu.memref_squeeze %dma_start3A_1043 : memref<1x40xi32, #tpu.memory_space<hbm>> -> memref<40xi32, #tpu.memory_space<hbm>>
      tpu.enqueue_dma source(%dma_start3A_1044 : memref<40xi32, #tpu.memory_space<hbm>>) target(%arg8 : memref<40xi32, #tpu.memory_space<vmem>>) target_semaphore(%arg25 : memref<!tpu.dma_semaphore, #tpu.memory_space<semaphore_mem>>)
      %add3A_1045 = arith.addi %mul3A_2, %and3A_1037 : i32
      %dma_start3A_1046 = arith.constant 0 : i32
      %dma_start3A_1047 = tpu.memref_slice %arg4[%add3A_1045, %dma_start3A_1046] : memref<4096x576xf32, #tpu.memory_space<hbm>> -> memref<1x576xf32, #tpu.memory_space<hbm>>
      %dma_start3A_1048 = tpu.memref_squeeze %dma_start3A_1047 : memref<1x576xf32, #tpu.memory_space<hbm>> -> memref<576xf32, #tpu.memory_space<hbm>>
      %dma_start3A_1049 = arith.constant 0 : i32
      %dma_start3A_1050 = tpu.memref_slice %arg4[%add3A_1045, %dma_start3A_1049] : memref<4096x576xf32, #tpu.memory_space<hbm>> -> memref<1x576xf32, #tpu.memory_space<hbm>>
      %dma_start3A_1051 = tpu.memref_squeeze %dma_start3A_1050 : memref<1x576xf32, #tpu.memory_space<hbm>> -> memref<576xf32, #tpu.memory_space<hbm>>
      tpu.enqueue_dma source(%dma_start3A_1051 : memref<576xf32, #tpu.memory_space<hbm>>) target(%arg12 : memref<576xf32, #tpu.memory_space<vmem>>) target_semaphore(%arg25 : memref<!tpu.dma_semaphore, #tpu.memory_space<semaphore_mem>>)
      %add3A_1052 = arith.addi %mul3A_2, %add3A_842 : i32
      %dma_start3A_1053 = arith.constant 0 : i32
      %dma_start3A_1054 = tpu.memref_slice %arg5[%add3A_1052, %dma_start3A_1053] : memref<4096x384xf32, #tpu.memory_space<hbm>> -> memref<1x384xf32, #tpu.memory_space<hbm>>
      %dma_start3A_1055 = tpu.memref_squeeze %dma_start3A_1054 : memref<1x384xf32, #tpu.memory_space<hbm>> -> memref<384xf32, #tpu.memory_space<hbm>>
      %dma_start3A_1056 = arith.constant 0 : i32
      %dma_start3A_1057 = tpu.memref_slice %arg5[%add3A_1052, %dma_start3A_1056] : memref<4096x384xf32, #tpu.memory_space<hbm>> -> memref<1x384xf32, #tpu.memory_space<hbm>>
      %dma_start3A_1058 = tpu.memref_squeeze %dma_start3A_1057 : memref<1x384xf32, #tpu.memory_space<hbm>> -> memref<384xf32, #tpu.memory_space<hbm>>
      tpu.enqueue_dma source(%arg21 : memref<384xf32, #tpu.memory_space<vmem>>) target(%dma_start3A_1058 : memref<384xf32, #tpu.memory_space<hbm>>) target_semaphore(%arg34 : memref<!tpu.dma_semaphore, #tpu.memory_space<semaphore_mem>>)
    }
    %scan3A_105 = arith.constant 32 : i32
    %add3A_106 = arith.constant 128 : i32
    %add3A_107 = arith.addi %mul3A_2, %add3A_106 : i32
    %sub3A = arith.constant 4 : i32
    %sub3A_108 = arith.subi %add3A_107, %sub3A : i32
    %add3A_109 = arith.constant 0 : i32
    %add3A_110 = arith.addi %sub3A_108, %add3A_109 : i32
    %dma_wait3A_111 = arith.constant 0 : i32
    %dma_wait3A_112 = tpu.memref_slice %arg5[%add3A_110, %dma_wait3A_111] : memref<4096x384xf32, #tpu.memory_space<hbm>> -> memref<1x384xf32, #tpu.memory_space<hbm>>
    %dma_wait3A_113 = tpu.memref_squeeze %dma_wait3A_112 : memref<1x384xf32, #tpu.memory_space<hbm>> -> memref<384xf32, #tpu.memory_space<hbm>>
    %dma_wait3A_114 = arith.constant 0 : i32
    %dma_wait3A_115 = tpu.memref_slice %arg5[%add3A_110, %dma_wait3A_114] : memref<4096x384xf32, #tpu.memory_space<hbm>> -> memref<1x384xf32, #tpu.memory_space<hbm>>
    %dma_wait3A_116 = tpu.memref_squeeze %dma_wait3A_115 : memref<1x384xf32, #tpu.memory_space<hbm>> -> memref<384xf32, #tpu.memory_space<hbm>>
    tpu.wait_dma2 semaphore(%arg31 : memref<!tpu.dma_semaphore, #tpu.memory_space<semaphore_mem>>) src(%arg18 : memref<384xf32, #tpu.memory_space<vmem>>) dst(%dma_wait3A_116 : memref<384xf32, #tpu.memory_space<hbm>>)
    %add3A_117 = arith.constant 128 : i32
    %add3A_118 = arith.addi %mul3A_2, %add3A_117 : i32
    %sub3A_119 = arith.constant 4 : i32
    %sub3A_120 = arith.subi %add3A_118, %sub3A_119 : i32
    %add3A_121 = arith.constant 1 : i32
    %add3A_122 = arith.addi %sub3A_120, %add3A_121 : i32
    %dma_wait3A_123 = arith.constant 0 : i32
    %dma_wait3A_124 = tpu.memref_slice %arg5[%add3A_122, %dma_wait3A_123] : memref<4096x384xf32, #tpu.memory_space<hbm>> -> memref<1x384xf32, #tpu.memory_space<hbm>>
    %dma_wait3A_125 = tpu.memref_squeeze %dma_wait3A_124 : memref<1x384xf32, #tpu.memory_space<hbm>> -> memref<384xf32, #tpu.memory_space<hbm>>
    %dma_wait3A_126 = arith.constant 0 : i32
    %dma_wait3A_127 = tpu.memref_slice %arg5[%add3A_122, %dma_wait3A_126] : memref<4096x384xf32, #tpu.memory_space<hbm>> -> memref<1x384xf32, #tpu.memory_space<hbm>>
    %dma_wait3A_128 = tpu.memref_squeeze %dma_wait3A_127 : memref<1x384xf32, #tpu.memory_space<hbm>> -> memref<384xf32, #tpu.memory_space<hbm>>
    tpu.wait_dma2 semaphore(%arg32 : memref<!tpu.dma_semaphore, #tpu.memory_space<semaphore_mem>>) src(%arg19 : memref<384xf32, #tpu.memory_space<vmem>>) dst(%dma_wait3A_128 : memref<384xf32, #tpu.memory_space<hbm>>)
    %add3A_129 = arith.constant 128 : i32
    %add3A_130 = arith.addi %mul3A_2, %add3A_129 : i32
    %sub3A_131 = arith.constant 4 : i32
    %sub3A_132 = arith.subi %add3A_130, %sub3A_131 : i32
    %add3A_133 = arith.constant 2 : i32
    %add3A_134 = arith.addi %sub3A_132, %add3A_133 : i32
    %dma_wait3A_135 = arith.constant 0 : i32
    %dma_wait3A_136 = tpu.memref_slice %arg5[%add3A_134, %dma_wait3A_135] : memref<4096x384xf32, #tpu.memory_space<hbm>> -> memref<1x384xf32, #tpu.memory_space<hbm>>
    %dma_wait3A_137 = tpu.memref_squeeze %dma_wait3A_136 : memref<1x384xf32, #tpu.memory_space<hbm>> -> memref<384xf32, #tpu.memory_space<hbm>>
    %dma_wait3A_138 = arith.constant 0 : i32
    %dma_wait3A_139 = tpu.memref_slice %arg5[%add3A_134, %dma_wait3A_138] : memref<4096x384xf32, #tpu.memory_space<hbm>> -> memref<1x384xf32, #tpu.memory_space<hbm>>
    %dma_wait3A_140 = tpu.memref_squeeze %dma_wait3A_139 : memref<1x384xf32, #tpu.memory_space<hbm>> -> memref<384xf32, #tpu.memory_space<hbm>>
    tpu.wait_dma2 semaphore(%arg33 : memref<!tpu.dma_semaphore, #tpu.memory_space<semaphore_mem>>) src(%arg20 : memref<384xf32, #tpu.memory_space<vmem>>) dst(%dma_wait3A_140 : memref<384xf32, #tpu.memory_space<hbm>>)
    %add3A_141 = arith.constant 128 : i32
    %add3A_142 = arith.addi %mul3A_2, %add3A_141 : i32
    %sub3A_143 = arith.constant 4 : i32
    %sub3A_144 = arith.subi %add3A_142, %sub3A_143 : i32
    %add3A_145 = arith.constant 3 : i32
    %add3A_146 = arith.addi %sub3A_144, %add3A_145 : i32
    %dma_wait3A_147 = arith.constant 0 : i32
    %dma_wait3A_148 = tpu.memref_slice %arg5[%add3A_146, %dma_wait3A_147] : memref<4096x384xf32, #tpu.memory_space<hbm>> -> memref<1x384xf32, #tpu.memory_space<hbm>>
    %dma_wait3A_149 = tpu.memref_squeeze %dma_wait3A_148 : memref<1x384xf32, #tpu.memory_space<hbm>> -> memref<384xf32, #tpu.memory_space<hbm>>
    %dma_wait3A_150 = arith.constant 0 : i32
    %dma_wait3A_151 = tpu.memref_slice %arg5[%add3A_146, %dma_wait3A_150] : memref<4096x384xf32, #tpu.memory_space<hbm>> -> memref<1x384xf32, #tpu.memory_space<hbm>>
    %dma_wait3A_152 = tpu.memref_squeeze %dma_wait3A_151 : memref<1x384xf32, #tpu.memory_space<hbm>> -> memref<384xf32, #tpu.memory_space<hbm>>
    tpu.wait_dma2 semaphore(%arg34 : memref<!tpu.dma_semaphore, #tpu.memory_space<semaphore_mem>>) src(%arg21 : memref<384xf32, #tpu.memory_space<vmem>>) dst(%dma_wait3A_152 : memref<384xf32, #tpu.memory_space<hbm>>)
    %dma_wait3A_153 = arith.constant 0 : i32
    %dma_wait3A_154 = arith.constant 0 : i32
    %dma_wait3A_155 = tpu.memref_slice %arg14[%dma_wait3A_153, %dma_wait3A_154] : memref<40x384xbf16, #tpu.memory_space<vmem>> -> memref<36x384xbf16, #tpu.memory_space<vmem>>
    %dma_wait3A_156 = arith.constant 0 : i32
    %dma_wait3A_157 = tpu.memref_slice %arg6[%dma_wait3A_156] : memref<40xi32, #tpu.memory_space<vmem>> -> memref<36xi32, #tpu.memory_space<vmem>>
    %dma_wait3A_158 = arith.constant 0 : i32
    %dma_wait3A_159 = arith.constant 0 : i32
    %dma_wait3A_160 = tpu.memref_slice %arg22[%dma_wait3A_158, %dma_wait3A_159] : memref<4096x384xbf16, #tpu.memory_space<vmem_shared>> -> memref<4096x384xbf16, #tpu.memory_space<vmem_shared>>
    tpu.wait_indirect_dma semaphore(%arg27 : memref<!tpu.dma_semaphore, #tpu.memory_space<semaphore_mem>>) src(%dma_wait3A_160 : memref<4096x384xbf16, #tpu.memory_space<vmem_shared>>) dst(%dma_wait3A_155 : memref<36x384xbf16, #tpu.memory_space<vmem>>)
    %dma_wait3A_161 = arith.constant 0 : i32
    %dma_wait3A_162 = arith.constant 0 : i32
    %dma_wait3A_163 = tpu.memref_slice %arg15[%dma_wait3A_161, %dma_wait3A_162] : memref<40x384xbf16, #tpu.memory_space<vmem>> -> memref<36x384xbf16, #tpu.memory_space<vmem>>
    %dma_wait3A_164 = arith.constant 0 : i32
    %dma_wait3A_165 = tpu.memref_slice %arg7[%dma_wait3A_164] : memref<40xi32, #tpu.memory_space<vmem>> -> memref<36xi32, #tpu.memory_space<vmem>>
    %dma_wait3A_166 = arith.constant 0 : i32
    %dma_wait3A_167 = arith.constant 0 : i32
    %dma_wait3A_168 = tpu.memref_slice %arg22[%dma_wait3A_166, %dma_wait3A_167] : memref<4096x384xbf16, #tpu.memory_space<vmem_shared>> -> memref<4096x384xbf16, #tpu.memory_space<vmem_shared>>
    tpu.wait_indirect_dma semaphore(%arg28 : memref<!tpu.dma_semaphore, #tpu.memory_space<semaphore_mem>>) src(%dma_wait3A_168 : memref<4096x384xbf16, #tpu.memory_space<vmem_shared>>) dst(%dma_wait3A_163 : memref<36x384xbf16, #tpu.memory_space<vmem>>)
    %add3A_169 = arith.constant 2 : i32
    %add3A_170 = arith.addi %mul3A_2, %add3A_169 : i32
    %dma_wait3A_171 = arith.constant 0 : i32
    %dma_wait3A_172 = tpu.memref_slice %arg3[%add3A_170, %dma_wait3A_171] : memref<4096x40xi32, #tpu.memory_space<hbm>> -> memref<1x40xi32, #tpu.memory_space<hbm>>
    %dma_wait3A_173 = tpu.memref_squeeze %dma_wait3A_172 : memref<1x40xi32, #tpu.memory_space<hbm>> -> memref<40xi32, #tpu.memory_space<hbm>>
    %dma_wait3A_174 = arith.constant 0 : i32
    %dma_wait3A_175 = tpu.memref_slice %arg3[%add3A_170, %dma_wait3A_174] : memref<4096x40xi32, #tpu.memory_space<hbm>> -> memref<1x40xi32, #tpu.memory_space<hbm>>
    %dma_wait3A_176 = tpu.memref_squeeze %dma_wait3A_175 : memref<1x40xi32, #tpu.memory_space<hbm>> -> memref<40xi32, #tpu.memory_space<hbm>>
    tpu.wait_dma2 semaphore(%arg25 : memref<!tpu.dma_semaphore, #tpu.memory_space<semaphore_mem>>) src(%dma_wait3A_176 : memref<40xi32, #tpu.memory_space<hbm>>) dst(%arg8 : memref<40xi32, #tpu.memory_space<vmem>>)
    %add3A_177 = arith.constant 2 : i32
    %add3A_178 = arith.addi %mul3A_2, %add3A_177 : i32
    %dma_wait3A_179 = arith.constant 0 : i32
    %dma_wait3A_180 = tpu.memref_slice %arg4[%add3A_178, %dma_wait3A_179] : memref<4096x576xf32, #tpu.memory_space<hbm>> -> memref<1x576xf32, #tpu.memory_space<hbm>>
    %dma_wait3A_181 = tpu.memref_squeeze %dma_wait3A_180 : memref<1x576xf32, #tpu.memory_space<hbm>> -> memref<576xf32, #tpu.memory_space<hbm>>
    %dma_wait3A_182 = arith.constant 0 : i32
    %dma_wait3A_183 = tpu.memref_slice %arg4[%add3A_178, %dma_wait3A_182] : memref<4096x576xf32, #tpu.memory_space<hbm>> -> memref<1x576xf32, #tpu.memory_space<hbm>>
    %dma_wait3A_184 = tpu.memref_squeeze %dma_wait3A_183 : memref<1x576xf32, #tpu.memory_space<hbm>> -> memref<576xf32, #tpu.memory_space<hbm>>
    tpu.wait_dma2 semaphore(%arg25 : memref<!tpu.dma_semaphore, #tpu.memory_space<semaphore_mem>>) src(%dma_wait3A_184 : memref<576xf32, #tpu.memory_space<hbm>>) dst(%arg12 : memref<576xf32, #tpu.memory_space<vmem>>)
    return
  }
}

module attributes {stable_mosaic.version = 14 : i64} {
  func.func @_prologue_body(%arg0: i32, %arg1: memref<1x1024x384xf32, #tpu.memory_space<vmem>>, %arg2: memref<1x1024x384xf32, #tpu.memory_space<vmem>>, %arg3: memref<1x1024x2xf32, #tpu.memory_space<vmem>>, %arg4: memref<1x384xf32, #tpu.memory_space<vmem>>, %arg5: memref<1x384xf32, #tpu.memory_space<vmem>>, %arg6: memref<1x384xf32, #tpu.memory_space<vmem>>, %arg7: memref<1x384xf32, #tpu.memory_space<vmem>>, %arg8: memref<384x384xf32, #tpu.memory_space<vmem>>, %arg9: memref<1x384xf32, #tpu.memory_space<vmem>>, %arg10: memref<384x72xf32, #tpu.memory_space<vmem>>, %arg11: memref<1x72xf32, #tpu.memory_space<vmem>>, %arg12: memref<384x9xf32, #tpu.memory_space<vmem>>, %arg13: memref<1x9xf32, #tpu.memory_space<vmem>>, %arg14: memref<384x9xf32, #tpu.memory_space<vmem>>, %arg15: memref<1x9xf32, #tpu.memory_space<vmem>>, %arg16: memref<72x576xf32, #tpu.memory_space<vmem>>, %arg17: memref<36x576xf32, #tpu.memory_space<vmem>>, %arg18: memref<72x8xf32, #tpu.memory_space<vmem>>, %arg19: memref<8x72xf32, #tpu.memory_space<vmem>>, %arg20: memref<1x1024x384xbf16, #tpu.memory_space<vmem>>, %arg21: memref<1x1024x576xf32, #tpu.memory_space<vmem>>, %arg22: memref<1x1024x40xi32, #tpu.memory_space<vmem>>, %arg23: memref<1x1024x9xf32, #tpu.memory_space<vmem>>, %arg24: memref<1x1024x9xf32, #tpu.memory_space<vmem>>) attributes {dimension_semantics = [#tpu.dimension_semantics<arbitrary>], iteration_bounds = array<i64: 4>, scalar_prefetch = 0 : i64, scratch_operands = 0 : i64, tpu.core_type = #tpu.core_type<tc>, window_params = [{transform_indices = @transform_0, window_bounds = array<i64: 1, 1024, 384>}, {transform_indices = @transform_1, window_bounds = array<i64: 1, 1024, 384>}, {transform_indices = @transform_2, window_bounds = array<i64: 1, 1024, 2>}, {pipeline_mode = #tpu.pipeline_mode<synchronous>, transform_indices = @transform_3, window_bounds = array<i64: 1, 384>}, {pipeline_mode = #tpu.pipeline_mode<synchronous>, transform_indices = @transform_4, window_bounds = array<i64: 1, 384>}, {pipeline_mode = #tpu.pipeline_mode<synchronous>, transform_indices = @transform_5, window_bounds = array<i64: 1, 384>}, {pipeline_mode = #tpu.pipeline_mode<synchronous>, transform_indices = @transform_6, window_bounds = array<i64: 1, 384>}, {pipeline_mode = #tpu.pipeline_mode<synchronous>, transform_indices = @transform_7, window_bounds = array<i64: 384, 384>}, {pipeline_mode = #tpu.pipeline_mode<synchronous>, transform_indices = @transform_8, window_bounds = array<i64: 1, 384>}, {pipeline_mode = #tpu.pipeline_mode<synchronous>, transform_indices = @transform_9, window_bounds = array<i64: 384, 72>}, {pipeline_mode = #tpu.pipeline_mode<synchronous>, transform_indices = @transform_10, window_bounds = array<i64: 1, 72>}, {pipeline_mode = #tpu.pipeline_mode<synchronous>, transform_indices = @transform_11, window_bounds = array<i64: 384, 9>}, {pipeline_mode = #tpu.pipeline_mode<synchronous>, transform_indices = @transform_12, window_bounds = array<i64: 1, 9>}, {pipeline_mode = #tpu.pipeline_mode<synchronous>, transform_indices = @transform_13, window_bounds = array<i64: 384, 9>}, {pipeline_mode = #tpu.pipeline_mode<synchronous>, transform_indices = @transform_14, window_bounds = array<i64: 1, 9>}, {pipeline_mode = #tpu.pipeline_mode<synchronous>, transform_indices = @transform_15, window_bounds = array<i64: 72, 576>}, {pipeline_mode = #tpu.pipeline_mode<synchronous>, transform_indices = @transform_16, window_bounds = array<i64: 36, 576>}, {pipeline_mode = #tpu.pipeline_mode<synchronous>, transform_indices = @transform_17, window_bounds = array<i64: 72, 8>}, {pipeline_mode = #tpu.pipeline_mode<synchronous>, transform_indices = @transform_18, window_bounds = array<i64: 8, 72>}, {transform_indices = @transform_19, window_bounds = array<i64: 1, 1024, 384>}, {transform_indices = @transform_20, window_bounds = array<i64: 1, 1024, 576>}, {transform_indices = @transform_21, window_bounds = array<i64: 1, 1024, 40>}, {transform_indices = @transform_22, window_bounds = array<i64: 1, 1024, 9>}, {transform_indices = @transform_23, window_bounds = array<i64: 1, 1024, 9>}]} {
    %get3A = arith.constant 0 : index
    %get3A_0 = arith.constant 0 : index
    %get3A_1 = arith.constant 0 : index
    %get3A_2 = vector.load %arg1[%get3A, %get3A_0, %get3A_1] : memref<1x1024x384xf32, #tpu.memory_space<vmem>>, vector<1x1024x384xf32>
    %get3A_3 = vector.shape_cast %get3A_2 : vector<1x1024x384xf32> to vector<1024x384xf32>
    %get3A_4 = arith.constant 0 : index
    %get3A_5 = arith.constant 0 : index
    %get3A_6 = vector.load %arg4[%get3A_4, %get3A_5] : memref<1x384xf32, #tpu.memory_space<vmem>>, vector<1x384xf32>
    %get3A_7 = arith.constant 0 : index
    %get3A_8 = arith.constant 0 : index
    %get3A_9 = vector.load %arg5[%get3A_7, %get3A_8] : memref<1x384xf32, #tpu.memory_space<vmem>>, vector<1x384xf32>
    %reduce_sum3A = arith.constant dense<0.000000e+00> : vector<1024xf32>
    %reduce_sum3A_10 = vector.multi_reduction <add>, %get3A_3, %reduce_sum3A [1] : vector<1024x384xf32> to vector<1024xf32>
    %broadcast_in_dim3A = vector.shape_cast %reduce_sum3A_10 : vector<1024xf32> to vector<1024x1xf32>
    %div3A = arith.constant 3.840000e+02 : f32
    %div3A_11 = vector.broadcast %div3A : f32 to vector<1024x1xf32>
    %div3A_12 = arith.divf %broadcast_in_dim3A, %div3A_11 : vector<1024x1xf32>
    %sub3A = vector.broadcast %div3A_12 : vector<1024x1xf32> to vector<1024x384xf32>
    %sub3A_13 = arith.subf %get3A_3, %sub3A : vector<1024x384xf32>
    %sub3A_14 = vector.broadcast %div3A_12 : vector<1024x1xf32> to vector<1024x384xf32>
    %sub3A_15 = arith.subf %get3A_3, %sub3A_14 : vector<1024x384xf32>
    %mul3A = arith.mulf %sub3A_13, %sub3A_15 : vector<1024x384xf32>
    %reduce_sum3A_16 = arith.constant dense<0.000000e+00> : vector<1024xf32>
    %reduce_sum3A_17 = vector.multi_reduction <add>, %mul3A, %reduce_sum3A_16 [1] : vector<1024x384xf32> to vector<1024xf32>
    %broadcast_in_dim3A_18 = vector.shape_cast %reduce_sum3A_17 : vector<1024xf32> to vector<1024x1xf32>
    %div3A_19 = arith.constant 3.840000e+02 : f32
    %div3A_20 = vector.broadcast %div3A_19 : f32 to vector<1024x1xf32>
    %div3A_21 = arith.divf %broadcast_in_dim3A_18, %div3A_20 : vector<1024x1xf32>
    %sub3A_22 = vector.broadcast %div3A_12 : vector<1024x1xf32> to vector<1024x384xf32>
    %sub3A_23 = arith.subf %get3A_3, %sub3A_22 : vector<1024x384xf32>
    %add3A = arith.constant 9.99999974E-6 : f32
    %add3A_24 = vector.broadcast %add3A : f32 to vector<1024x1xf32>
    %add3A_25 = arith.addf %div3A_21, %add3A_24 : vector<1024x1xf32>
    %rsqrt3A = math.rsqrt %add3A_25 : vector<1024x1xf32>
    %mul3A_26 = vector.broadcast %rsqrt3A : vector<1024x1xf32> to vector<1024x384xf32>
    %mul3A_27 = arith.mulf %sub3A_23, %mul3A_26 : vector<1024x384xf32>
    %mul3A_28 = vector.broadcast %get3A_6 : vector<1x384xf32> to vector<1024x384xf32>
    %mul3A_29 = arith.mulf %mul3A_27, %mul3A_28 : vector<1024x384xf32>
    %add3A_30 = vector.broadcast %get3A_9 : vector<1x384xf32> to vector<1024x384xf32>
    %add3A_31 = arith.addf %mul3A_29, %add3A_30 : vector<1024x384xf32>
    %get3A_32 = arith.constant 0 : index
    %get3A_33 = arith.constant 0 : index
    %get3A_34 = arith.constant 0 : index
    %get3A_35 = vector.load %arg2[%get3A_32, %get3A_33, %get3A_34] : memref<1x1024x384xf32, #tpu.memory_space<vmem>>, vector<1x1024x384xf32>
    %get3A_36 = vector.shape_cast %get3A_35 : vector<1x1024x384xf32> to vector<1024x384xf32>
    %get3A_37 = arith.constant 0 : index
    %get3A_38 = arith.constant 0 : index
    %get3A_39 = vector.load %arg6[%get3A_37, %get3A_38] : memref<1x384xf32, #tpu.memory_space<vmem>>, vector<1x384xf32>
    %get3A_40 = arith.constant 0 : index
    %get3A_41 = arith.constant 0 : index
    %get3A_42 = vector.load %arg7[%get3A_40, %get3A_41] : memref<1x384xf32, #tpu.memory_space<vmem>>, vector<1x384xf32>
    %reduce_sum3A_43 = arith.constant dense<0.000000e+00> : vector<1024xf32>
    %reduce_sum3A_44 = vector.multi_reduction <add>, %get3A_36, %reduce_sum3A_43 [1] : vector<1024x384xf32> to vector<1024xf32>
    %broadcast_in_dim3A_45 = vector.shape_cast %reduce_sum3A_44 : vector<1024xf32> to vector<1024x1xf32>
    %div3A_46 = arith.constant 3.840000e+02 : f32
    %div3A_47 = vector.broadcast %div3A_46 : f32 to vector<1024x1xf32>
    %div3A_48 = arith.divf %broadcast_in_dim3A_45, %div3A_47 : vector<1024x1xf32>
    %sub3A_49 = vector.broadcast %div3A_48 : vector<1024x1xf32> to vector<1024x384xf32>
    %sub3A_50 = arith.subf %get3A_36, %sub3A_49 : vector<1024x384xf32>
    %sub3A_51 = vector.broadcast %div3A_48 : vector<1024x1xf32> to vector<1024x384xf32>
    %sub3A_52 = arith.subf %get3A_36, %sub3A_51 : vector<1024x384xf32>
    %mul3A_53 = arith.mulf %sub3A_50, %sub3A_52 : vector<1024x384xf32>
    %reduce_sum3A_54 = arith.constant dense<0.000000e+00> : vector<1024xf32>
    %reduce_sum3A_55 = vector.multi_reduction <add>, %mul3A_53, %reduce_sum3A_54 [1] : vector<1024x384xf32> to vector<1024xf32>
    %broadcast_in_dim3A_56 = vector.shape_cast %reduce_sum3A_55 : vector<1024xf32> to vector<1024x1xf32>
    %div3A_57 = arith.constant 3.840000e+02 : f32
    %div3A_58 = vector.broadcast %div3A_57 : f32 to vector<1024x1xf32>
    %div3A_59 = arith.divf %broadcast_in_dim3A_56, %div3A_58 : vector<1024x1xf32>
    %sub3A_60 = vector.broadcast %div3A_48 : vector<1024x1xf32> to vector<1024x384xf32>
    %sub3A_61 = arith.subf %get3A_36, %sub3A_60 : vector<1024x384xf32>
    %add3A_62 = arith.constant 9.99999974E-6 : f32
    %add3A_63 = vector.broadcast %add3A_62 : f32 to vector<1024x1xf32>
    %add3A_64 = arith.addf %div3A_59, %add3A_63 : vector<1024x1xf32>
    %rsqrt3A_65 = math.rsqrt %add3A_64 : vector<1024x1xf32>
    %mul3A_66 = vector.broadcast %rsqrt3A_65 : vector<1024x1xf32> to vector<1024x384xf32>
    %mul3A_67 = arith.mulf %sub3A_61, %mul3A_66 : vector<1024x384xf32>
    %mul3A_68 = vector.broadcast %get3A_39 : vector<1x384xf32> to vector<1024x384xf32>
    %mul3A_69 = arith.mulf %mul3A_67, %mul3A_68 : vector<1024x384xf32>
    %add3A_70 = vector.broadcast %get3A_42 : vector<1x384xf32> to vector<1024x384xf32>
    %add3A_71 = arith.addf %mul3A_69, %add3A_70 : vector<1024x384xf32>
    %get3A_72 = arith.constant 0 : index
    %get3A_73 = arith.constant 0 : index
    %get3A_74 = vector.load %arg8[%get3A_72, %get3A_73] : memref<384x384xf32, #tpu.memory_space<vmem>>, vector<384x384xf32>
    %dot_general3A = arith.constant dense<0.000000e+00> : vector<1024x384xf32>
    %dot_general3A_75 = tpu.matmul %add3A_71, %get3A_74, %dot_general3A {dimension_numbers = #tpu.dot_dimension_numbers<[1], [0], [0], [1], [0, 0, 1, 1], [], []>, transpose_lhs_hint = false} : vector<1024x384xf32>, vector<384x384xf32>, vector<1024x384xf32> -> vector<1024x384xf32>
    %get3A_76 = arith.constant 0 : index
    %get3A_77 = arith.constant 0 : index
    %get3A_78 = vector.load %arg9[%get3A_76, %get3A_77] : memref<1x384xf32, #tpu.memory_space<vmem>>, vector<1x384xf32>
    %add3A_79 = vector.broadcast %get3A_78 : vector<1x384xf32> to vector<1024x384xf32>
    %add3A_80 = arith.addf %dot_general3A_75, %add3A_79 : vector<1024x384xf32>
    %convert_element_type3A = arith.truncf %add3A_80 : vector<1024x384xf32> to vector<1024x384xbf16>
    %swap3A = arith.constant 0 : index
    %swap3A_81 = arith.constant 0 : index
    %swap3A_82 = arith.constant 0 : index
    %swap3A_83 = vector.load %arg20[%swap3A, %swap3A_81, %swap3A_82] : memref<1x1024x384xbf16, #tpu.memory_space<vmem>>, vector<1x1024x384xbf16>
    %swap3A_84 = vector.shape_cast %swap3A_83 : vector<1x1024x384xbf16> to vector<1024x384xbf16>
    %swap3A_85 = vector.shape_cast %convert_element_type3A : vector<1024x384xbf16> to vector<1x1024x384xbf16>
    tpu.vector_store %arg20[%swap3A, %swap3A_81, %swap3A_82], %swap3A_85 {strides = array<i32>} : memref<1x1024x384xbf16, #tpu.memory_space<vmem>>, vector<1x1024x384xbf16>,
    %get3A_86 = arith.constant 0 : index
    %get3A_87 = arith.constant 0 : index
    %get3A_88 = vector.load %arg10[%get3A_86, %get3A_87] : memref<384x72xf32, #tpu.memory_space<vmem>>, vector<384x72xf32>
    %dot_general3A_89 = arith.constant dense<0.000000e+00> : vector<1024x72xf32>
    %dot_general3A_90 = tpu.matmul %add3A_31, %get3A_88, %dot_general3A_89 {dimension_numbers = #tpu.dot_dimension_numbers<[1], [0], [0], [1], [0, 0, 1, 1], [], []>, transpose_lhs_hint = false} : vector<1024x384xf32>, vector<384x72xf32>, vector<1024x72xf32> -> vector<1024x72xf32>
    %get3A_91 = arith.constant 0 : index
    %get3A_92 = arith.constant 0 : index
    %get3A_93 = vector.load %arg11[%get3A_91, %get3A_92] : memref<1x72xf32, #tpu.memory_space<vmem>>, vector<1x72xf32>
    %add3A_94 = vector.broadcast %get3A_93 : vector<1x72xf32> to vector<1024x72xf32>
    %add3A_95 = arith.addf %dot_general3A_90, %add3A_94 : vector<1024x72xf32>
    %reduce_max3A = arith.constant dense<0xFF800000> : vector<1024xf32>
    %reduce_max3A_96 = vector.multi_reduction <maximumf>, %add3A_95, %reduce_max3A [1] : vector<1024x72xf32> to vector<1024xf32>
    %broadcast_in_dim3A_97 = vector.shape_cast %reduce_max3A_96 : vector<1024xf32> to vector<1024x1xf32>
    %sub3A_98 = vector.broadcast %broadcast_in_dim3A_97 : vector<1024x1xf32> to vector<1024x72xf32>
    %sub3A_99 = arith.subf %add3A_95, %sub3A_98 : vector<1024x72xf32>
    %exp3A = math.exp %sub3A_99 : vector<1024x72xf32>
    %get3A_100 = arith.constant 0 : index
    %get3A_101 = arith.constant 0 : index
    %get3A_102 = vector.load %arg18[%get3A_100, %get3A_101] : memref<72x8xf32, #tpu.memory_space<vmem>>, vector<72x8xf32>
    %dot_general3A_103 = arith.constant dense<0.000000e+00> : vector<1024x8xf32>
    %dot_general3A_104 = tpu.matmul %exp3A, %get3A_102, %dot_general3A_103 {dimension_numbers = #tpu.dot_dimension_numbers<[1], [0], [0], [1], [0, 0, 1, 1], [], []>, transpose_lhs_hint = false} : vector<1024x72xf32>, vector<72x8xf32>, vector<1024x8xf32> -> vector<1024x8xf32>
    %get3A_105 = arith.constant 0 : index
    %get3A_106 = arith.constant 0 : index
    %get3A_107 = vector.load %arg19[%get3A_105, %get3A_106] : memref<8x72xf32, #tpu.memory_space<vmem>>, vector<8x72xf32>
    %dot_general3A_108 = arith.constant dense<0.000000e+00> : vector<1024x72xf32>
    %dot_general3A_109 = tpu.matmul %dot_general3A_104, %get3A_107, %dot_general3A_108 {dimension_numbers = #tpu.dot_dimension_numbers<[1], [0], [0], [1], [0, 0, 1, 1], [], []>, transpose_lhs_hint = false} : vector<1024x8xf32>, vector<8x72xf32>, vector<1024x72xf32> -> vector<1024x72xf32>
    %div3A_110 = arith.divf %exp3A, %dot_general3A_109 : vector<1024x72xf32>
    %get3A_111 = arith.constant 0 : index
    %get3A_112 = arith.constant 0 : index
    %get3A_113 = vector.load %arg12[%get3A_111, %get3A_112] : memref<384x9xf32, #tpu.memory_space<vmem>>, vector<384x9xf32>
    %dot_general3A_114 = arith.constant dense<0.000000e+00> : vector<1024x9xf32>
    %dot_general3A_115 = tpu.matmul %add3A_31, %get3A_113, %dot_general3A_114 {dimension_numbers = #tpu.dot_dimension_numbers<[1], [0], [0], [1], [0, 0, 1, 1], [], []>, transpose_lhs_hint = false} : vector<1024x384xf32>, vector<384x9xf32>, vector<1024x9xf32> -> vector<1024x9xf32>
    %get3A_116 = arith.constant 0 : index
    %get3A_117 = arith.constant 0 : index
    %get3A_118 = vector.load %arg13[%get3A_116, %get3A_117] : memref<1x9xf32, #tpu.memory_space<vmem>>, vector<1x9xf32>
    %add3A_119 = vector.broadcast %get3A_118 : vector<1x9xf32> to vector<1024x9xf32>
    %add3A_120 = arith.addf %dot_general3A_115, %add3A_119 : vector<1024x9xf32>
    %get3A_121 = arith.constant 0 : index
    %get3A_122 = arith.constant 0 : index
    %get3A_123 = vector.load %arg14[%get3A_121, %get3A_122] : memref<384x9xf32, #tpu.memory_space<vmem>>, vector<384x9xf32>
    %dot_general3A_124 = arith.constant dense<0.000000e+00> : vector<1024x9xf32>
    %dot_general3A_125 = tpu.matmul %add3A_31, %get3A_123, %dot_general3A_124 {dimension_numbers = #tpu.dot_dimension_numbers<[1], [0], [0], [1], [0, 0, 1, 1], [], []>, transpose_lhs_hint = false} : vector<1024x384xf32>, vector<384x9xf32>, vector<1024x9xf32> -> vector<1024x9xf32>
    %get3A_126 = arith.constant 0 : index
    %get3A_127 = arith.constant 0 : index
    %get3A_128 = vector.load %arg15[%get3A_126, %get3A_127] : memref<1x9xf32, #tpu.memory_space<vmem>>, vector<1x9xf32>
    %add3A_129 = vector.broadcast %get3A_128 : vector<1x9xf32> to vector<1024x9xf32>
    %add3A_130 = arith.addf %dot_general3A_125, %add3A_129 : vector<1024x9xf32>
    %get3A_131 = arith.constant 0 : index
    %get3A_132 = arith.constant 0 : index
    %get3A_133 = arith.constant 0 : index
    %get3A_134 = vector.load %arg3[%get3A_131, %get3A_132, %get3A_133] : memref<1x1024x2xf32, #tpu.memory_space<vmem>>, vector<1x1024x2xf32>
    %get3A_135 = vector.shape_cast %get3A_134 : vector<1x1024x2xf32> to vector<1024x2xf32>
    %slice3A = vector.extract_strided_slice %get3A_135 {offsets = [0, 0], sizes = [1024, 1], strides = [1, 1]} : vector<1024x2xf32> to vector<1024x1xf32>
    %add3A_136 = vector.broadcast %slice3A : vector<1024x1xf32> to vector<1024x9xf32>
    %add3A_137 = arith.addf %add3A_136, %add3A_120 : vector<1024x9xf32>
    %slice3A_138 = vector.extract_strided_slice %get3A_135 {offsets = [0, 1], sizes = [1024, 1], strides = [1, 1]} : vector<1024x2xf32> to vector<1024x1xf32>
    %add3A_139 = vector.broadcast %slice3A_138 : vector<1024x1xf32> to vector<1024x9xf32>
    %add3A_140 = arith.addf %add3A_139, %add3A_130 : vector<1024x9xf32>
    %swap3A_141 = arith.constant 0 : index
    %swap3A_142 = arith.constant 0 : index
    %swap3A_143 = arith.constant 0 : index
    %swap3A_144 = vector.load %arg23[%swap3A_141, %swap3A_142, %swap3A_143] : memref<1x1024x9xf32, #tpu.memory_space<vmem>>, vector<1x1024x9xf32>
    %swap3A_145 = vector.shape_cast %swap3A_144 : vector<1x1024x9xf32> to vector<1024x9xf32>
    %swap3A_146 = vector.shape_cast %add3A_137 : vector<1024x9xf32> to vector<1x1024x9xf32>
    tpu.vector_store %arg23[%swap3A_141, %swap3A_142, %swap3A_143], %swap3A_146 {strides = array<i32>} : memref<1x1024x9xf32, #tpu.memory_space<vmem>>, vector<1x1024x9xf32>,
    %swap3A_147 = arith.constant 0 : index
    %swap3A_148 = arith.constant 0 : index
    %swap3A_149 = arith.constant 0 : index
    %swap3A_150 = vector.load %arg24[%swap3A_147, %swap3A_148, %swap3A_149] : memref<1x1024x9xf32, #tpu.memory_space<vmem>>, vector<1x1024x9xf32>
    %swap3A_151 = vector.shape_cast %swap3A_150 : vector<1x1024x9xf32> to vector<1024x9xf32>
    %swap3A_152 = vector.shape_cast %add3A_140 : vector<1024x9xf32> to vector<1x1024x9xf32>
    tpu.vector_store %arg24[%swap3A_147, %swap3A_148, %swap3A_149], %swap3A_152 {strides = array<i32>} : memref<1x1024x9xf32, #tpu.memory_space<vmem>>, vector<1x1024x9xf32>,
    %mul3A_153 = arith.constant 3.200000e+01 : f32
    %mul3A_154 = vector.broadcast %mul3A_153 : f32 to vector<1024x9xf32>
    %mul3A_155 = arith.mulf %add3A_137, %mul3A_154 : vector<1024x9xf32>
    %sub3A_156 = arith.constant 5.000000e-01 : f32
    %sub3A_157 = vector.broadcast %sub3A_156 : f32 to vector<1024x9xf32>
    %sub3A_158 = arith.subf %mul3A_155, %sub3A_157 : vector<1024x9xf32>
    %mul3A_159 = arith.constant 3.200000e+01 : f32
    %mul3A_160 = vector.broadcast %mul3A_159 : f32 to vector<1024x9xf32>
    %mul3A_161 = arith.mulf %add3A_140, %mul3A_160 : vector<1024x9xf32>
    %sub3A_162 = arith.constant 5.000000e-01 : f32
    %sub3A_163 = vector.broadcast %sub3A_162 : f32 to vector<1024x9xf32>
    %sub3A_164 = arith.subf %mul3A_161, %sub3A_163 : vector<1024x9xf32>
    %floor3A = math.floor %sub3A_158 : vector<1024x9xf32>
    %floor3A_165 = math.floor %sub3A_164 : vector<1024x9xf32>
    %sub3A_166 = arith.subf %sub3A_158, %floor3A : vector<1024x9xf32>
    %sub3A_167 = arith.constant 1.000000e+00 : f32
    %sub3A_168 = vector.broadcast %sub3A_167 : f32 to vector<1024x9xf32>
    %sub3A_169 = arith.subf %sub3A_168, %sub3A_166 : vector<1024x9xf32>
    %sub3A_170 = arith.subf %sub3A_164, %floor3A_165 : vector<1024x9xf32>
    %sub3A_171 = arith.constant 1.000000e+00 : f32
    %sub3A_172 = vector.broadcast %sub3A_171 : f32 to vector<1024x9xf32>
    %sub3A_173 = arith.subf %sub3A_172, %sub3A_170 : vector<1024x9xf32>
    %ge3A = arith.constant 0.000000e+00 : f32
    %ge3A_174 = vector.broadcast %ge3A : f32 to vector<1024x9xf32>
    %ge3A_175 = arith.cmpf oge, %floor3A, %ge3A_174 : vector<1024x9xf32>
    %lt3A = arith.constant 3.200000e+01 : f32
    %lt3A_176 = vector.broadcast %lt3A : f32 to vector<1024x9xf32>
    %lt3A_177 = arith.cmpf olt, %floor3A, %lt3A_176 : vector<1024x9xf32>
    %and3A = arith.andi %ge3A_175, %lt3A_177 : vector<1024x9xi1>
    %ge3A_178 = arith.constant 0.000000e+00 : f32
    %ge3A_179 = vector.broadcast %ge3A_178 : f32 to vector<1024x9xf32>
    %ge3A_180 = arith.cmpf oge, %floor3A_165, %ge3A_179 : vector<1024x9xf32>
    %and3A_181 = arith.andi %and3A, %ge3A_180 : vector<1024x9xi1>
    %lt3A_182 = arith.constant 3.200000e+01 : f32
    %lt3A_183 = vector.broadcast %lt3A_182 : f32 to vector<1024x9xf32>
    %lt3A_184 = arith.cmpf olt, %floor3A_165, %lt3A_183 : vector<1024x9xf32>
    %and3A_185 = arith.andi %and3A_181, %lt3A_184 : vector<1024x9xi1>
    %jit3A = arith.constant 0 : i32
    %jit3A_186 = arith.constant 31 : i32
    %convert_element_type3A_187 = arith.sitofp %jit3A : i32 to f32
    %max3A = vector.broadcast %convert_element_type3A_187 : f32 to vector<1024x9xf32>
    %max3A_188 = arith.maximumf %max3A, %floor3A : vector<1024x9xf32>
    %convert_element_type3A_189 = arith.sitofp %jit3A_186 : i32 to f32
    %min3A = vector.broadcast %convert_element_type3A_189 : f32 to vector<1024x9xf32>
    %min3A_190 = arith.minimumf %min3A, %max3A_188 : vector<1024x9xf32>
    %convert_element_type3A_191 = arith.fptosi %min3A_190 : vector<1024x9xf32> to vector<1024x9xi32>
    %jit3A_192 = arith.constant 0 : i32
    %jit3A_193 = arith.constant 31 : i32
    %convert_element_type3A_194 = arith.sitofp %jit3A_192 : i32 to f32
    %max3A_195 = vector.broadcast %convert_element_type3A_194 : f32 to vector<1024x9xf32>
    %max3A_196 = arith.maximumf %max3A_195, %floor3A_165 : vector<1024x9xf32>
    %convert_element_type3A_197 = arith.sitofp %jit3A_193 : i32 to f32
    %min3A_198 = vector.broadcast %convert_element_type3A_197 : f32 to vector<1024x9xf32>
    %min3A_199 = arith.minimumf %min3A_198, %max3A_196 : vector<1024x9xf32>
    %convert_element_type3A_200 = arith.fptosi %min3A_199 : vector<1024x9xf32> to vector<1024x9xi32>
    %mul3A_201 = arith.constant 32 : i32
    %mul3A_202 = vector.broadcast %mul3A_201 : i32 to vector<1024x9xi32>
    %mul3A_203 = arith.muli %convert_element_type3A_200, %mul3A_202 : vector<1024x9xi32>
    %add3A_204 = arith.addi %mul3A_203, %convert_element_type3A_191 : vector<1024x9xi32>
    %mul3A_205 = arith.constant 1024 : i32
    %mul3A_206 = arith.muli %arg0, %mul3A_205 : i32
    %add3A_207 = vector.broadcast %mul3A_206 : i32 to vector<1024x9xi32>
    %add3A_208 = arith.addi %add3A_204, %add3A_207 : vector<1024x9xi32>
    %mul3A_209 = arith.mulf %sub3A_169, %sub3A_173 : vector<1024x9xf32>
    %convert_element_type3A_210 = arith.extui %and3A_185 : vector<1024x9xi1> to vector<1024x9xi32>
    %convert_element_type3A_211 = arith.sitofp %convert_element_type3A_210 : vector<1024x9xi32> to vector<1024x9xf32>
    %mul3A_212 = arith.mulf %mul3A_209, %convert_element_type3A_211 : vector<1024x9xf32>
    %add3A_213 = arith.constant 1.000000e+00 : f32
    %add3A_214 = vector.broadcast %add3A_213 : f32 to vector<1024x9xf32>
    %add3A_215 = arith.addf %floor3A, %add3A_214 : vector<1024x9xf32>
    %ge3A_216 = arith.constant 0.000000e+00 : f32
    %ge3A_217 = vector.broadcast %ge3A_216 : f32 to vector<1024x9xf32>
    %ge3A_218 = arith.cmpf oge, %add3A_215, %ge3A_217 : vector<1024x9xf32>
    %lt3A_219 = arith.constant 3.200000e+01 : f32
    %lt3A_220 = vector.broadcast %lt3A_219 : f32 to vector<1024x9xf32>
    %lt3A_221 = arith.cmpf olt, %add3A_215, %lt3A_220 : vector<1024x9xf32>
    %and3A_222 = arith.andi %ge3A_218, %lt3A_221 : vector<1024x9xi1>
    %ge3A_223 = arith.constant 0.000000e+00 : f32
    %ge3A_224 = vector.broadcast %ge3A_223 : f32 to vector<1024x9xf32>
    %ge3A_225 = arith.cmpf oge, %floor3A_165, %ge3A_224 : vector<1024x9xf32>
    %and3A_226 = arith.andi %and3A_222, %ge3A_225 : vector<1024x9xi1>
    %lt3A_227 = arith.constant 3.200000e+01 : f32
    %lt3A_228 = vector.broadcast %lt3A_227 : f32 to vector<1024x9xf32>
    %lt3A_229 = arith.cmpf olt, %floor3A_165, %lt3A_228 : vector<1024x9xf32>
    %and3A_230 = arith.andi %and3A_226, %lt3A_229 : vector<1024x9xi1>
    %jit3A_231 = arith.constant 0 : i32
    %jit3A_232 = arith.constant 31 : i32
    %convert_element_type3A_233 = arith.sitofp %jit3A_231 : i32 to f32
    %max3A_234 = vector.broadcast %convert_element_type3A_233 : f32 to vector<1024x9xf32>
    %max3A_235 = arith.maximumf %max3A_234, %add3A_215 : vector<1024x9xf32>
    %convert_element_type3A_236 = arith.sitofp %jit3A_232 : i32 to f32
    %min3A_237 = vector.broadcast %convert_element_type3A_236 : f32 to vector<1024x9xf32>
    %min3A_238 = arith.minimumf %min3A_237, %max3A_235 : vector<1024x9xf32>
    %convert_element_type3A_239 = arith.fptosi %min3A_238 : vector<1024x9xf32> to vector<1024x9xi32>
    %jit3A_240 = arith.constant 0 : i32
    %jit3A_241 = arith.constant 31 : i32
    %convert_element_type3A_242 = arith.sitofp %jit3A_240 : i32 to f32
    %max3A_243 = vector.broadcast %convert_element_type3A_242 : f32 to vector<1024x9xf32>
    %max3A_244 = arith.maximumf %max3A_243, %floor3A_165 : vector<1024x9xf32>
    %convert_element_type3A_245 = arith.sitofp %jit3A_241 : i32 to f32
    %min3A_246 = vector.broadcast %convert_element_type3A_245 : f32 to vector<1024x9xf32>
    %min3A_247 = arith.minimumf %min3A_246, %max3A_244 : vector<1024x9xf32>
    %convert_element_type3A_248 = arith.fptosi %min3A_247 : vector<1024x9xf32> to vector<1024x9xi32>
    %mul3A_249 = arith.constant 32 : i32
    %mul3A_250 = vector.broadcast %mul3A_249 : i32 to vector<1024x9xi32>
    %mul3A_251 = arith.muli %convert_element_type3A_248, %mul3A_250 : vector<1024x9xi32>
    %add3A_252 = arith.addi %mul3A_251, %convert_element_type3A_239 : vector<1024x9xi32>
    %mul3A_253 = arith.constant 1024 : i32
    %mul3A_254 = arith.muli %arg0, %mul3A_253 : i32
    %add3A_255 = vector.broadcast %mul3A_254 : i32 to vector<1024x9xi32>
    %add3A_256 = arith.addi %add3A_252, %add3A_255 : vector<1024x9xi32>
    %mul3A_257 = arith.mulf %sub3A_166, %sub3A_173 : vector<1024x9xf32>
    %convert_element_type3A_258 = arith.extui %and3A_230 : vector<1024x9xi1> to vector<1024x9xi32>
    %convert_element_type3A_259 = arith.sitofp %convert_element_type3A_258 : vector<1024x9xi32> to vector<1024x9xf32>
    %mul3A_260 = arith.mulf %mul3A_257, %convert_element_type3A_259 : vector<1024x9xf32>
    %add3A_261 = arith.constant 1.000000e+00 : f32
    %add3A_262 = vector.broadcast %add3A_261 : f32 to vector<1024x9xf32>
    %add3A_263 = arith.addf %floor3A_165, %add3A_262 : vector<1024x9xf32>
    %ge3A_264 = arith.constant 0.000000e+00 : f32
    %ge3A_265 = vector.broadcast %ge3A_264 : f32 to vector<1024x9xf32>
    %ge3A_266 = arith.cmpf oge, %floor3A, %ge3A_265 : vector<1024x9xf32>
    %lt3A_267 = arith.constant 3.200000e+01 : f32
    %lt3A_268 = vector.broadcast %lt3A_267 : f32 to vector<1024x9xf32>
    %lt3A_269 = arith.cmpf olt, %floor3A, %lt3A_268 : vector<1024x9xf32>
    %and3A_270 = arith.andi %ge3A_266, %lt3A_269 : vector<1024x9xi1>
    %ge3A_271 = arith.constant 0.000000e+00 : f32
    %ge3A_272 = vector.broadcast %ge3A_271 : f32 to vector<1024x9xf32>
    %ge3A_273 = arith.cmpf oge, %add3A_263, %ge3A_272 : vector<1024x9xf32>
    %and3A_274 = arith.andi %and3A_270, %ge3A_273 : vector<1024x9xi1>
    %lt3A_275 = arith.constant 3.200000e+01 : f32
    %lt3A_276 = vector.broadcast %lt3A_275 : f32 to vector<1024x9xf32>
    %lt3A_277 = arith.cmpf olt, %add3A_263, %lt3A_276 : vector<1024x9xf32>
    %and3A_278 = arith.andi %and3A_274, %lt3A_277 : vector<1024x9xi1>
    %jit3A_279 = arith.constant 0 : i32
    %jit3A_280 = arith.constant 31 : i32
    %convert_element_type3A_281 = arith.sitofp %jit3A_279 : i32 to f32
    %max3A_282 = vector.broadcast %convert_element_type3A_281 : f32 to vector<1024x9xf32>
    %max3A_283 = arith.maximumf %max3A_282, %floor3A : vector<1024x9xf32>
    %convert_element_type3A_284 = arith.sitofp %jit3A_280 : i32 to f32
    %min3A_285 = vector.broadcast %convert_element_type3A_284 : f32 to vector<1024x9xf32>
    %min3A_286 = arith.minimumf %min3A_285, %max3A_283 : vector<1024x9xf32>
    %convert_element_type3A_287 = arith.fptosi %min3A_286 : vector<1024x9xf32> to vector<1024x9xi32>
    %jit3A_288 = arith.constant 0 : i32
    %jit3A_289 = arith.constant 31 : i32
    %convert_element_type3A_290 = arith.sitofp %jit3A_288 : i32 to f32
    %max3A_291 = vector.broadcast %convert_element_type3A_290 : f32 to vector<1024x9xf32>
    %max3A_292 = arith.maximumf %max3A_291, %add3A_263 : vector<1024x9xf32>
    %convert_element_type3A_293 = arith.sitofp %jit3A_289 : i32 to f32
    %min3A_294 = vector.broadcast %convert_element_type3A_293 : f32 to vector<1024x9xf32>
    %min3A_295 = arith.minimumf %min3A_294, %max3A_292 : vector<1024x9xf32>
    %convert_element_type3A_296 = arith.fptosi %min3A_295 : vector<1024x9xf32> to vector<1024x9xi32>
    %mul3A_297 = arith.constant 32 : i32
    %mul3A_298 = vector.broadcast %mul3A_297 : i32 to vector<1024x9xi32>
    %mul3A_299 = arith.muli %convert_element_type3A_296, %mul3A_298 : vector<1024x9xi32>
    %add3A_300 = arith.addi %mul3A_299, %convert_element_type3A_287 : vector<1024x9xi32>
    %mul3A_301 = arith.constant 1024 : i32
    %mul3A_302 = arith.muli %arg0, %mul3A_301 : i32
    %add3A_303 = vector.broadcast %mul3A_302 : i32 to vector<1024x9xi32>
    %add3A_304 = arith.addi %add3A_300, %add3A_303 : vector<1024x9xi32>
    %mul3A_305 = arith.mulf %sub3A_169, %sub3A_170 : vector<1024x9xf32>
    %convert_element_type3A_306 = arith.extui %and3A_278 : vector<1024x9xi1> to vector<1024x9xi32>
    %convert_element_type3A_307 = arith.sitofp %convert_element_type3A_306 : vector<1024x9xi32> to vector<1024x9xf32>
    %mul3A_308 = arith.mulf %mul3A_305, %convert_element_type3A_307 : vector<1024x9xf32>
    %add3A_309 = arith.constant 1.000000e+00 : f32
    %add3A_310 = vector.broadcast %add3A_309 : f32 to vector<1024x9xf32>
    %add3A_311 = arith.addf %floor3A, %add3A_310 : vector<1024x9xf32>
    %add3A_312 = arith.constant 1.000000e+00 : f32
    %add3A_313 = vector.broadcast %add3A_312 : f32 to vector<1024x9xf32>
    %add3A_314 = arith.addf %floor3A_165, %add3A_313 : vector<1024x9xf32>
    %ge3A_315 = arith.constant 0.000000e+00 : f32
    %ge3A_316 = vector.broadcast %ge3A_315 : f32 to vector<1024x9xf32>
    %ge3A_317 = arith.cmpf oge, %add3A_311, %ge3A_316 : vector<1024x9xf32>
    %lt3A_318 = arith.constant 3.200000e+01 : f32
    %lt3A_319 = vector.broadcast %lt3A_318 : f32 to vector<1024x9xf32>
    %lt3A_320 = arith.cmpf olt, %add3A_311, %lt3A_319 : vector<1024x9xf32>
    %and3A_321 = arith.andi %ge3A_317, %lt3A_320 : vector<1024x9xi1>
    %ge3A_322 = arith.constant 0.000000e+00 : f32
    %ge3A_323 = vector.broadcast %ge3A_322 : f32 to vector<1024x9xf32>
    %ge3A_324 = arith.cmpf oge, %add3A_314, %ge3A_323 : vector<1024x9xf32>
    %and3A_325 = arith.andi %and3A_321, %ge3A_324 : vector<1024x9xi1>
    %lt3A_326 = arith.constant 3.200000e+01 : f32
    %lt3A_327 = vector.broadcast %lt3A_326 : f32 to vector<1024x9xf32>
    %lt3A_328 = arith.cmpf olt, %add3A_314, %lt3A_327 : vector<1024x9xf32>
    %and3A_329 = arith.andi %and3A_325, %lt3A_328 : vector<1024x9xi1>
    %jit3A_330 = arith.constant 0 : i32
    %jit3A_331 = arith.constant 31 : i32
    %convert_element_type3A_332 = arith.sitofp %jit3A_330 : i32 to f32
    %max3A_333 = vector.broadcast %convert_element_type3A_332 : f32 to vector<1024x9xf32>
    %max3A_334 = arith.maximumf %max3A_333, %add3A_311 : vector<1024x9xf32>
    %convert_element_type3A_335 = arith.sitofp %jit3A_331 : i32 to f32
    %min3A_336 = vector.broadcast %convert_element_type3A_335 : f32 to vector<1024x9xf32>
    %min3A_337 = arith.minimumf %min3A_336, %max3A_334 : vector<1024x9xf32>
    %convert_element_type3A_338 = arith.fptosi %min3A_337 : vector<1024x9xf32> to vector<1024x9xi32>
    %jit3A_339 = arith.constant 0 : i32
    %jit3A_340 = arith.constant 31 : i32
    %convert_element_type3A_341 = arith.sitofp %jit3A_339 : i32 to f32
    %max3A_342 = vector.broadcast %convert_element_type3A_341 : f32 to vector<1024x9xf32>
    %max3A_343 = arith.maximumf %max3A_342, %add3A_314 : vector<1024x9xf32>
    %convert_element_type3A_344 = arith.sitofp %jit3A_340 : i32 to f32
    %min3A_345 = vector.broadcast %convert_element_type3A_344 : f32 to vector<1024x9xf32>
    %min3A_346 = arith.minimumf %min3A_345, %max3A_343 : vector<1024x9xf32>
    %convert_element_type3A_347 = arith.fptosi %min3A_346 : vector<1024x9xf32> to vector<1024x9xi32>
    %mul3A_348 = arith.constant 32 : i32
    %mul3A_349 = vector.broadcast %mul3A_348 : i32 to vector<1024x9xi32>
    %mul3A_350 = arith.muli %convert_element_type3A_347, %mul3A_349 : vector<1024x9xi32>
    %add3A_351 = arith.addi %mul3A_350, %convert_element_type3A_338 : vector<1024x9xi32>
    %mul3A_352 = arith.constant 1024 : i32
    %mul3A_353 = arith.muli %arg0, %mul3A_352 : i32
    %add3A_354 = vector.broadcast %mul3A_353 : i32 to vector<1024x9xi32>
    %add3A_355 = arith.addi %add3A_351, %add3A_354 : vector<1024x9xi32>
    %mul3A_356 = arith.mulf %sub3A_166, %sub3A_170 : vector<1024x9xf32>
    %convert_element_type3A_357 = arith.extui %and3A_329 : vector<1024x9xi1> to vector<1024x9xi32>
    %convert_element_type3A_358 = arith.sitofp %convert_element_type3A_357 : vector<1024x9xi32> to vector<1024x9xf32>
    %mul3A_359 = arith.mulf %mul3A_356, %convert_element_type3A_358 : vector<1024x9xf32>
    %broadcast_in_dim3A_360 = arith.constant 0 : i32
    %broadcast_in_dim3A_361 = vector.broadcast %broadcast_in_dim3A_360 : i32 to vector<1024x4xi32>
    %concatenate3A = tpu.concatenate %add3A_208, %add3A_256, %add3A_304, %add3A_355, %broadcast_in_dim3A_361 in 1 : vector<1024x9xi32>, vector<1024x9xi32>, vector<1024x9xi32>, vector<1024x9xi32>, vector<1024x4xi32> -> vector<1024x40xi32>
    %swap3A_362 = arith.constant 0 : index
    %swap3A_363 = arith.constant 0 : index
    %swap3A_364 = arith.constant 0 : index
    %swap3A_365 = vector.load %arg22[%swap3A_362, %swap3A_363, %swap3A_364] : memref<1x1024x40xi32, #tpu.memory_space<vmem>>, vector<1x1024x40xi32>
    %swap3A_366 = vector.shape_cast %swap3A_365 : vector<1x1024x40xi32> to vector<1024x40xi32>
    %swap3A_367 = vector.shape_cast %concatenate3A : vector<1024x40xi32> to vector<1x1024x40xi32>
    tpu.vector_store %arg22[%swap3A_362, %swap3A_363, %swap3A_364], %swap3A_367 {strides = array<i32>} : memref<1x1024x40xi32, #tpu.memory_space<vmem>>, vector<1x1024x40xi32>,
    %concatenate3A_368 = tpu.concatenate %mul3A_212, %mul3A_260, %mul3A_308, %mul3A_359 in 1 : vector<1024x9xf32>, vector<1024x9xf32>, vector<1024x9xf32>, vector<1024x9xf32> -> vector<1024x36xf32>
    %get3A_369 = arith.constant 0 : index
    %get3A_370 = arith.constant 0 : index
    %get3A_371 = vector.load %arg16[%get3A_369, %get3A_370] : memref<72x576xf32, #tpu.memory_space<vmem>>, vector<72x576xf32>
    %dot_general3A_372 = arith.constant dense<0.000000e+00> : vector<1024x576xf32>
    %dot_general3A_373 = tpu.matmul %div3A_110, %get3A_371, %dot_general3A_372 {dimension_numbers = #tpu.dot_dimension_numbers<[1], [0], [0], [1], [0, 0, 1, 1], [], []>, transpose_lhs_hint = false} : vector<1024x72xf32>, vector<72x576xf32>, vector<1024x576xf32> -> vector<1024x576xf32>
    %get3A_374 = arith.constant 0 : index
    %get3A_375 = arith.constant 0 : index
    %get3A_376 = vector.load %arg17[%get3A_374, %get3A_375] : memref<36x576xf32, #tpu.memory_space<vmem>>, vector<36x576xf32>
    %dot_general3A_377 = arith.constant dense<0.000000e+00> : vector<1024x576xf32>
    %dot_general3A_378 = tpu.matmul %concatenate3A_368, %get3A_376, %dot_general3A_377 {dimension_numbers = #tpu.dot_dimension_numbers<[1], [0], [0], [1], [0, 0, 1, 1], [], []>, transpose_lhs_hint = false} : vector<1024x36xf32>, vector<36x576xf32>, vector<1024x576xf32> -> vector<1024x576xf32>
    %mul3A_379 = arith.mulf %dot_general3A_373, %dot_general3A_378 : vector<1024x576xf32>
    %swap3A_380 = arith.constant 0 : index
    %swap3A_381 = arith.constant 0 : index
    %swap3A_382 = arith.constant 0 : index
    %swap3A_383 = vector.load %arg21[%swap3A_380, %swap3A_381, %swap3A_382] : memref<1x1024x576xf32, #tpu.memory_space<vmem>>, vector<1x1024x576xf32>
    %swap3A_384 = vector.shape_cast %swap3A_383 : vector<1x1024x576xf32> to vector<1024x576xf32>
    %swap3A_385 = vector.shape_cast %mul3A_379 : vector<1024x576xf32> to vector<1x1024x576xf32>
    tpu.vector_store %arg21[%swap3A_380, %swap3A_381, %swap3A_382], %swap3A_385 {strides = array<i32>} : memref<1x1024x576xf32, #tpu.memory_space<vmem>>, vector<1x1024x576xf32>,
    return
  }
  func.func @transform_0(%arg0: i32) -> (i32, i32, i32) {
    %c0_i32 = arith.constant 0 : i32
    %c0_i32_0 = arith.constant 0 : i32
    %c0_i32_1 = arith.constant 0 : i32
    return %arg0, %c0_i32, %c0_i32_0 : i32, i32, i32
  }
  func.func @transform_1(%arg0: i32) -> (i32, i32, i32) {
    %c0_i32 = arith.constant 0 : i32
    %c0_i32_0 = arith.constant 0 : i32
    %c0_i32_1 = arith.constant 0 : i32
    return %arg0, %c0_i32, %c0_i32_0 : i32, i32, i32
  }
  func.func @transform_2(%arg0: i32) -> (i32, i32, i32) {
    %c0_i32 = arith.constant 0 : i32
    %c0_i32_0 = arith.constant 0 : i32
    %c0_i32_1 = arith.constant 0 : i32
    return %arg0, %c0_i32, %c0_i32_0 : i32, i32, i32
  }
  func.func @transform_3(%arg0: i32) -> (i32, i32) {
    %c0_i32 = arith.constant 0 : i32
    %c0_i32_0 = arith.constant 0 : i32
    %c0_i32_1 = arith.constant 0 : i32
    return %c0_i32, %c0_i32_0 : i32, i32
  }
  func.func @transform_4(%arg0: i32) -> (i32, i32) {
    %c0_i32 = arith.constant 0 : i32
    %c0_i32_0 = arith.constant 0 : i32
    %c0_i32_1 = arith.constant 0 : i32
    return %c0_i32, %c0_i32_0 : i32, i32
  }
  func.func @transform_5(%arg0: i32) -> (i32, i32) {
    %c0_i32 = arith.constant 0 : i32
    %c0_i32_0 = arith.constant 0 : i32
    %c0_i32_1 = arith.constant 0 : i32
    return %c0_i32, %c0_i32_0 : i32, i32
  }
  func.func @transform_6(%arg0: i32) -> (i32, i32) {
    %c0_i32 = arith.constant 0 : i32
    %c0_i32_0 = arith.constant 0 : i32
    %c0_i32_1 = arith.constant 0 : i32
    return %c0_i32, %c0_i32_0 : i32, i32
  }
  func.func @transform_7(%arg0: i32) -> (i32, i32) {
    %c0_i32 = arith.constant 0 : i32
    %c0_i32_0 = arith.constant 0 : i32
    %c0_i32_1 = arith.constant 0 : i32
    return %c0_i32, %c0_i32_0 : i32, i32
  }
  func.func @transform_8(%arg0: i32) -> (i32, i32) {
    %c0_i32 = arith.constant 0 : i32
    %c0_i32_0 = arith.constant 0 : i32
    %c0_i32_1 = arith.constant 0 : i32
    return %c0_i32, %c0_i32_0 : i32, i32
  }
  func.func @transform_9(%arg0: i32) -> (i32, i32) {
    %c0_i32 = arith.constant 0 : i32
    %c0_i32_0 = arith.constant 0 : i32
    %c0_i32_1 = arith.constant 0 : i32
    return %c0_i32, %c0_i32_0 : i32, i32
  }
  func.func @transform_10(%arg0: i32) -> (i32, i32) {
    %c0_i32 = arith.constant 0 : i32
    %c0_i32_0 = arith.constant 0 : i32
    %c0_i32_1 = arith.constant 0 : i32
    return %c0_i32, %c0_i32_0 : i32, i32
  }
  func.func @transform_11(%arg0: i32) -> (i32, i32) {
    %c0_i32 = arith.constant 0 : i32
    %c0_i32_0 = arith.constant 0 : i32
    %c0_i32_1 = arith.constant 0 : i32
    return %c0_i32, %c0_i32_0 : i32, i32
  }
  func.func @transform_12(%arg0: i32) -> (i32, i32) {
    %c0_i32 = arith.constant 0 : i32
    %c0_i32_0 = arith.constant 0 : i32
    %c0_i32_1 = arith.constant 0 : i32
    return %c0_i32, %c0_i32_0 : i32, i32
  }
  func.func @transform_13(%arg0: i32) -> (i32, i32) {
    %c0_i32 = arith.constant 0 : i32
    %c0_i32_0 = arith.constant 0 : i32
    %c0_i32_1 = arith.constant 0 : i32
    return %c0_i32, %c0_i32_0 : i32, i32
  }
  func.func @transform_14(%arg0: i32) -> (i32, i32) {
    %c0_i32 = arith.constant 0 : i32
    %c0_i32_0 = arith.constant 0 : i32
    %c0_i32_1 = arith.constant 0 : i32
    return %c0_i32, %c0_i32_0 : i32, i32
  }
  func.func @transform_15(%arg0: i32) -> (i32, i32) {
    %c0_i32 = arith.constant 0 : i32
    %c0_i32_0 = arith.constant 0 : i32
    %c0_i32_1 = arith.constant 0 : i32
    return %c0_i32, %c0_i32_0 : i32, i32
  }
  func.func @transform_16(%arg0: i32) -> (i32, i32) {
    %c0_i32 = arith.constant 0 : i32
    %c0_i32_0 = arith.constant 0 : i32
    %c0_i32_1 = arith.constant 0 : i32
    return %c0_i32, %c0_i32_0 : i32, i32
  }
  func.func @transform_17(%arg0: i32) -> (i32, i32) {
    %c0_i32 = arith.constant 0 : i32
    %c0_i32_0 = arith.constant 0 : i32
    %c0_i32_1 = arith.constant 0 : i32
    return %c0_i32, %c0_i32_0 : i32, i32
  }
  func.func @transform_18(%arg0: i32) -> (i32, i32) {
    %c0_i32 = arith.constant 0 : i32
    %c0_i32_0 = arith.constant 0 : i32
    %c0_i32_1 = arith.constant 0 : i32
    return %c0_i32, %c0_i32_0 : i32, i32
  }
  func.func @transform_19(%arg0: i32) -> (i32, i32, i32) {
    %c0_i32 = arith.constant 0 : i32
    %c0_i32_0 = arith.constant 0 : i32
    %c0_i32_1 = arith.constant 0 : i32
    return %arg0, %c0_i32, %c0_i32_0 : i32, i32, i32
  }
  func.func @transform_20(%arg0: i32) -> (i32, i32, i32) {
    %c0_i32 = arith.constant 0 : i32
    %c0_i32_0 = arith.constant 0 : i32
    %c0_i32_1 = arith.constant 0 : i32
    return %arg0, %c0_i32, %c0_i32_0 : i32, i32, i32
  }
  func.func @transform_21(%arg0: i32) -> (i32, i32, i32) {
    %c0_i32 = arith.constant 0 : i32
    %c0_i32_0 = arith.constant 0 : i32
    %c0_i32_1 = arith.constant 0 : i32
    return %arg0, %c0_i32, %c0_i32_0 : i32, i32, i32
  }
  func.func @transform_22(%arg0: i32) -> (i32, i32, i32) {
    %c0_i32 = arith.constant 0 : i32
    %c0_i32_0 = arith.constant 0 : i32
    %c0_i32_1 = arith.constant 0 : i32
    return %arg0, %c0_i32, %c0_i32_0 : i32, i32, i32
  }
  func.func @transform_23(%arg0: i32) -> (i32, i32, i32) {
    %c0_i32 = arith.constant 0 : i32
    %c0_i32_0 = arith.constant 0 : i32
    %c0_i32_1 = arith.constant 0 : i32
    return %arg0, %c0_i32, %c0_i32_0 : i32, i32, i32
  }
}

module attributes {stable_mosaic.version = 14 : i64} {
  func.func @_epilogue_body(%arg0: memref<4096x384xf32, #tpu.memory_space<vmem>>, %arg1: memref<384x384xf32, #tpu.memory_space<vmem>>, %arg2: memref<1x384xf32, #tpu.memory_space<vmem>>, %arg3: memref<4096x384xf32, #tpu.memory_space<vmem>>) attributes {dimension_semantics = [], scalar_prefetch = 0 : i64, scratch_operands = 0 : i64, tpu.core_type = #tpu.core_type<tc>} {
    %get3A = arith.constant 0 : index
    %get3A_0 = arith.constant 0 : index
    %get3A_1 = vector.load %arg0[%get3A, %get3A_0] : memref<4096x384xf32, #tpu.memory_space<vmem>>, vector<4096x384xf32>
    %get3A_2 = arith.constant 0 : index
    %get3A_3 = arith.constant 0 : index
    %get3A_4 = vector.load %arg1[%get3A_2, %get3A_3] : memref<384x384xf32, #tpu.memory_space<vmem>>, vector<384x384xf32>
    %dot_general3A = arith.constant dense<0.000000e+00> : vector<4096x384xf32>
    %dot_general3A_5 = tpu.matmul %get3A_1, %get3A_4, %dot_general3A {dimension_numbers = #tpu.dot_dimension_numbers<[1], [0], [0], [1], [0, 0, 1, 1], [], []>, transpose_lhs_hint = false} : vector<4096x384xf32>, vector<384x384xf32>, vector<4096x384xf32> -> vector<4096x384xf32>
    %get3A_6 = arith.constant 0 : index
    %get3A_7 = arith.constant 0 : index
    %get3A_8 = vector.load %arg2[%get3A_6, %get3A_7] : memref<1x384xf32, #tpu.memory_space<vmem>>, vector<1x384xf32>
    %add3A = vector.broadcast %get3A_8 : vector<1x384xf32> to vector<4096x384xf32>
    %add3A_9 = arith.addf %dot_general3A_5, %add3A : vector<4096x384xf32>
    %swap3A = arith.constant 0 : index
    %swap3A_10 = arith.constant 0 : index
    %swap3A_11 = vector.load %arg3[%swap3A, %swap3A_10] : memref<4096x384xf32, #tpu.memory_space<vmem>>, vector<4096x384xf32>
    tpu.vector_store %arg3[%swap3A, %swap3A_10], %add3A_9 {strides = array<i32>} : memref<4096x384xf32, #tpu.memory_space<vmem>>, vector<4096x384xf32>,
    return
  }
}

</mosaic_0001>

<sc_bundles>
// kernel: kernel.5.cloned.1.call-start
scs
__scs_entry_jumppad:
0x0: {  	(pc) =	sbr.rel $0x88, $3  }
0x1: {  	(tag) =	ssettag $0x0;
	lr =	simm.s32 $0x1  }
0x2: {  	[smem:$0x3F92] =	sst lr;
	_ =	strace $0xD0000000  }
0x3: {  	_ = 	snop  }
0x4: {  	_ = 	snop  }
0x5: {  	_ = 	snop  }
0x6: {  	_ = 	snop  }
0x7: {  	_ = 	snop  }
__scs_overlays_trampoline_lowered:
0x8: {  	[smem:$0x3FA1] =	sst s0  }
0x9: {  	[smem:$0x3FA2] =	sst s1  }
0xa: {  	[smem:$0x3FA3] =	sst s2  }
0xb: {  	[smem:$0x3FA4] =	sst s3  }
0xc: {  	[smem:$0x3FA5] =	sst s4  }
0xd: {  	[smem:$0x3FA6] =	sst s5  }
0xe: {  	[smem:$0x3FA7] =	sst s6  }
0xf: {  	[smem:$0x3FA8] =	sst s7  }
0x10: {  	[smem:$0x3FA9] =	sst s8  }
0x11: {  	[smem:$0x3FAA] =	sst s9;
	s0 =	simm.s32 @!p0 $0x0  }
0x12: {  	s1 =	sld [smem:$0x3F90];
	s0 =	simm.s32 @p0 $0x1  }
0x13: {  	[smem:$0x3FAB] =	sst s0;
	s0 =	simm.s32 @!p1 $0x0  }
0x14: {  	s2 =	sld [smem:$0x3F8F];
	s0 =	simm.s32 @p1 $0x1  }
0x15: {  	[smem:$0x3FAC] =	sst s0;
	s0 =	simm.s32 @!p2 $0x0  }
0x16: {  	s3 =	sld [smem:$0x3FDB];
	s0 =	simm.s32 @p2 $0x1  }
0x17: {  	s4 =	simm.s32 $0x1BF5;
	[smem:$0x3FAE] =	sst s0  }
0x18: {  	s0 =	sld [smem:$0x3F91];
	_ =	swait.ge [sflag:s4], $0x0  }
0x19: {  	s7 =	sld [smem:$0x3F92]  }
0x1a: {  	s8 =	sadd.s32 $0xFFFFE003, lr  }
0x1b: {  	s9 =	sadd.s32 $0xFFFFFEF7, lr;
	s5 =	simm.s32 $0xFFFFFFFF;
	p2 =	slt.u32 s8, $0xFFFFF086  }
0x1c: {  	p1 =	slt.u32 s9, $0xF7A;
	s5 =	simm.s32 @!p2 $0x0  }
0x1d: {  	s5 =	simm.s32 @p1 $0x1;
	p0 =	seq.s32 s7, s2  }
0x1e: {  	s7 =	smul.u32 @!p0 $0xF7A, s2;
	p2 =	seq.s32 @!p0 s5, $0x0  }
0x1f: {  	s9 =	smul.u32 $0xF7A, s1;
	s8 =	simm.s32 @!p0 $0x1BF5;
	p2 =	por !p2, p0  }
0x20: {  	[sflag:s8] =	ssyncset.s32 @!p0 $0xFFFFF086;
	s6 =	sadd.s32 @!p0 s3, s7;
	s7 =	simm.s32 @!p0 $0x108  }
0x21: {  	s3 =	sadd.s32 s3, s9;
	s6 =	sadd.s32 @!p0 $0x88, s6;
	s7 =	simm.s32 @p2 $0x1082  }
0x22: {  	[simem:s7], [sflag:s8] =	dma.local @!p0 [hbm:s6], $0xF7A  }
0x23: {  	s9 =	sor.u32 $0xD0000000, s2;
	s6 =	simm.s32 $0x108;
	_ =	swait.ge @!p0 [sflag:s8], $0x0  }
0x24: {  	s3 =	sadd.s32 $0x88, s3;
	s6 =	simm.s32 @!p1 $0x1082;
	[sflag:s4] =	ssyncset.s32 $0xFFFFF086  }
0x25: {  	[simem:s6], [sflag:s4] =	dma.local [hbm:s3], $0xF7A  }
0x26: {  	[smem:$0x3F92] =	sst s1;
	(tag) =	ssettag s2;
	_ =	strace s9  }
0x27: {  	s1 =	sld [smem:$0x3FA2]  }
0x28: {  	s2 =	sld [smem:$0x3FA3]  }
0x29: {  	s4 =	sld [smem:$0x3FA5]  }
0x2a: {  	p0 =	seq.s32 s5, $0x0;
	s5 =	sld [smem:$0x3FA6]  }
0x2b: {  	s6 =	sld [smem:$0x3FA7]  }
0x2c: {  	s7 =	sld [smem:$0x3FA8]  }
0x2d: {  	s3 =	simm.s32 $0x108;
	s8 =	sld [smem:$0x3FA9]  }
0x2e: {  	s3 =	simm.s32 @!p0 $0x1082;
	s9 =	sld [smem:$0x3FAA]  }
0x2f: {  	lr =	sadd.s32 s0, s3;
	s0 =	sld [smem:$0x3FA1]  }
0x30: {  	s3 =	sld [smem:$0x3FA4]  }
0x31: {  	[smem:$0x3FAD] =	sst s10  }
0x32: {  	s10 =	sld [smem:$0x3FAB];
	_ =	sdelay $0x3  }
0x33: {  	p0 =	seq.s32 s10, $0x1;
	s10 =	sld [smem:$0x3FAD];
	_ =	sdelay $0x3  }
0x34: {  	[smem:$0x3FAD] =	sst s10  }
0x35: {  	s10 =	sld [smem:$0x3FAC];
	_ =	sdelay $0x3  }
0x36: {  	p1 =	seq.s32 s10, $0x1;
	s10 =	sld [smem:$0x3FAD];
	_ =	sdelay $0x3  }
0x37: {  	[smem:$0x3FAD] =	sst s10  }
0x38: {  	s10 =	sld [smem:$0x3FAE]  }
0x39: {  	_ = 	snop;
	(pc) =	sbr.ind lr, $3  }
0x3a: {  	_ = 	snop  }
0x3b: {  	_ = 	snop  }
0x3c: {  	p2 =	seq.s32 s10, $0x1;
	s10 =	sld [smem:$0x3FAD]  }
0x3d: {  	_ =	shalt  }
0x3e: {  	_ =	shalt  }
0x3f: {  	_ =	shalt  }
0x40: {  	_ =	shalt  }
0x41: {  	_ =	shalt  }
0x42: {  	_ =	shalt  }
0x43: {  	_ =	shalt  }
0x44: {  	_ =	shalt  }
0x45: {  	_ =	shalt  }
0x46: {  	_ =	shalt  }
0x47: {  	_ =	shalt  }
0x48: {  	_ =	shalt  }
0x49: {  	_ =	shalt  }
0x4a: {  	_ =	shalt  }
0x4b: {  	_ =	shalt  }
0x4c: {  	_ =	shalt  }
0x4d: {  	_ =	shalt  }
0x4e: {  	_ =	shalt  }
0x4f: {  	_ =	shalt  }
0x50: {  	_ =	shalt  }
0x51: {  	_ =	shalt  }
0x52: {  	_ =	shalt  }
0x53: {  	_ =	shalt  }
0x54: {  	_ =	shalt  }
0x55: {  	_ =	shalt  }
0x56: {  	_ =	shalt  }
0x57: {  	_ =	shalt  }
0x58: {  	_ =	shalt  }
0x59: {  	_ =	shalt  }
0x5a: {  	_ =	shalt  }
0x5b: {  	_ =	shalt  }
0x5c: {  	_ =	shalt  }
0x5d: {  	_ =	shalt  }
0x5e: {  	_ =	shalt  }
0x5f: {  	_ =	shalt  }
0x60: {  	_ =	shalt  }
0x61: {  	_ =	shalt  }
0x62: {  	_ =	shalt  }
0x63: {  	_ =	shalt  }
0x64: {  	_ =	shalt  }
0x65: {  	_ =	shalt  }
0x66: {  	_ =	shalt  }
0x67: {  	_ =	shalt  }
0x68: {  	_ =	shalt  }
0x69: {  	_ =	shalt  }
0x6a: {  	_ =	shalt  }
0x6b: {  	_ =	shalt  }
0x6c: {  	_ =	shalt  }
0x6d: {  	_ =	shalt  }
0x6e: {  	_ =	shalt  }
0x6f: {  	_ =	shalt  }
0x70: {  	_ =	shalt  }
0x71: {  	_ =	shalt  }
0x72: {  	_ =	shalt  }
0x73: {  	_ =	shalt  }
0x74: {  	_ =	shalt  }
0x75: {  	_ =	shalt  }
0x76: {  	_ =	shalt  }
0x77: {  	_ =	shalt  }
0x78: {  	_ =	shalt  }
0x79: {  	_ =	shalt  }
0x7a: {  	_ =	shalt  }
0x7b: {  	_ =	shalt  }
0x7c: {  	_ =	shalt  }
0x7d: {  	_ =	shalt  }
0x7e: {  	_ =	shalt  }
0x7f: {  	_ =	shalt  }
0x80: {  	_ =	shalt  }
0x81: {  	_ =	shalt  }
0x82: {  	_ =	shalt  }
0x83: {  	_ =	shalt  }
0x84: {  	_ =	shalt  }
0x85: {  	_ =	shalt  }
0x86: {  	_ =	shalt  }
0x87: {  	_ =	shalt  }
.Lfunc_end0:
.L_simem_size_0:
called_computation_lowered:
.L_overlay_start_0:
0x88: {  	s2 =	sld [smem:$0x3FD9]  }
0x89: {  	s3 =	sld [smem:$0x3FFE];
	_ =	sdelay $0x1  }
0x8a: {  	s1 =	srdreg.scid  }
0x8b: {  	s0 =	sand.u32 $0x1, s1  }
0x8c: {  	s14 =	sshll.u32 s0, $0xA;
	s2 =	sadd.s32 s3, s2  }
0x8d: {  	s2 =	sadd.s32 s2, s14  }
0x8e: {  	[smem:$0x3FB9] =	sst s2  }
0x8f: {  	_ = 	snop  }
0x90: {  	s2 =	sld [smem:$0x3FD0];
	_ =	sdelay $0x2  }
0x91: {  	s15 =	simm.s32 $0xA;
	s4 =	simm.s32 $0x10  }
0x92: {  	[smem:s4], [sflag:s15] =	dma.local [hbm:s2], $0x1  }
0x93: {  	_ =	swait.eq [sflag:s15], $0x1  }
0x94: {  	[sflag:s15] =	ssyncset.done $0x0  }
0x95: {  	[sflag:s15] =	ssyncadd.s32 $0xFFFFFFFF  }
0x96: {  	s16 =	sld [smem:$0x10];
	(tm) =	ssettm $0x1  }
0x97: {  	s17 =	sld [smem:$0x3FFB];
	_ =	sdelay $0x3  }
0x98: {  	_ =	strace s17  }
0x99: {  	s3 =	sld [smem:$0x3FFC];
	_ =	sdelay $0x3  }
0x9a: {  	_ =	strace s3  }
0x9b: {  	s3 =	sld [smem:$0x3FFD];
	_ =	sdelay $0x3  }
0x9c: {  	_ =	strace s3  }
0x9d: {  	_ =	strace $0x8FFFFFFF  }
0x9e: {  	s18 =	sld [smem:$0x3FDB];
	_ =	sdelay $0x1  }
0x9f: {  	s19 =	simm.s32 $_scs_section_size  }
0xa0: {  	s5 =	simm.s32 $_size__tile_overlayer_lowered;
	s6 =	simm.s32 $_tile_overlayer_lowered  }
0xa1: {  	s22 =	simm.s32 $0x1BFF;
	s21 =	sshll.u32 s6, $0x1;
	s3 =	sadd.s32 s19, s18  }
0xa2: {  	s7 =	simm.s32 $0x0;
	s20 =	sshll.u32 s5, $0x1;
	s5 =	sadd.s32 s21, s3  }
0xa3: {  	[timem:s7], [sflag:s22] =	dma.local [hbm:s5], s20  }
0xa4: {  	_ =	swait.ge [sflag:s22], s20  }
0xa5: {  	s4 =	ssub.s32 $0x0, s20;
	[sflag:s22] =	ssyncset.done $0x0  }
0xa6: {  	[sflag:s22] =	ssyncadd.s32 s4;
	_ =	sdelay $0x1  }
0xa7: {  	s23 =	simm.s32 $0x1B8B  }
0xa8: {  	_ =	swait.ge [sflag:s23], $0x1  }
0xa9: {  	[sflag:s23] =	ssyncset.done $0x0  }
0xaa: {  	s25 =	simm.s32 $0x1B8E;
	s24 =	sld [smem:$0x3FFE];
	[sflag:s23] =	ssyncadd.s32 $0xFFFFFFFF  }
0xab: {  	s26 =	simm.s32 $execute0_lowered;
	[smem:$0x3FD2] =	sst s25  }
0xac: {  	s5 =	sshll.u32 s26, $0x1;
	_ =	strace $0x80000046;
	[dreg:$0x1] =	wrdreg $0xFFFFFFFF  }
0xad: {  	s28 =	simm.s32 $_size_execute0_lowered;
	s3 =	sadd.s32 s3, s5;
	[dreg:$0x0] =	wrdreg $0x0  }
0xae: {  	s5 =	sshll.u32 s28, $0x1;
	[dreg:$0x2] =	wrdreg s3  }
0xaf: {  	[dreg:$0x3] =	wrdreg s5  }
0xb0: {  	[dreg:$0x4] =	wrdreg $0xC0  }
0xb1: {  	_ =	task [dreg:s7], $0x5FFFF  }
0xb2: {  	[dreg:$0x1] =	wrdreg $0xFFFFFFFF  }
0xb3: {  	[dreg:$0x0] =	wrdreg $0x60  }
0xb4: {  	[dreg:$0x2] =	wrdreg s24  }
0xb5: {  	[dreg:$0x3] =	wrdreg s16  }
0xb6: {  	[dreg:$0x4] =	wrdreg $0x87A00  }
0xb7: {  	[dreg:$0x5] =	wrdreg $0x9  }
0xb8: {  	_ =	task.clear_ibuf [dreg:s7], $0x6FFFF;
	_ =	strace $0x90000046  }
0xb9: {  	s29 =	simm.s32 $0x9;
	_ =	strace $0x80000048  }
0xba: {  	_ =	swait.ge [sflag:s29], $0x1  }
0xbb: {  	[sflag:s29] =	ssyncadd.s32 $0xFFFFFFFF  }
0xbc: {  	_ =	strace $0x90000048  }
0xbd: {  	_ =	sfence  }
0xbe: {  	s30 =	sld [smem:$0x0];
	_ =	sdelay $0x2  }
0xbf: {  	s31 =	sshll.u32 s1, $0xD;
	s1 =	sshrl.u32 s1, $0x2  }
0xc0: {  	s3 =	sand.u32 $0x4000, s31;
	s1 =	sadd.s32 s1, s30  }
0xc1: {  	s0 =	sor.u32 s3, s0;
	s1 =	sshll.u32 s1, $0x11  }
0xc2: {  	s0 =	sor.u32 s1, s0  }
0xc3: {  	s0 =	sadd.s32 $0x8F2B, s0  }
0xc4: {  	[sflag:s0] =	ssyncadd.remote.s32 $0x1  }
0xc5: {  	_ =	sfence.sel $0xFFFF  }
0xc6: {  	[dreg:$0x0] =	wrdreg $0xFFFFFFFF;
	(pc) =	sbr.abs _section_cstart, $3  }
0xc7: {  	[dreg:$0x1] =	wrdreg $0xFFFFFFFF  }
0xc8: {  	_ =	task.clear_ibuf [dreg:s7], $0x2FFFF;
	_ =	strace $0x9FFFFFFF  }
0xc9: {  	(tm) =	ssettm $0x7FFFFFFF  }
tec
execute0_lowered:
.L_overlay_start_1:
0x0: {  	(tag) =	ssettag $0x1  }
0x1: {  	s0 =	rddreg [dreg:$0x0]  }
0x2: {  	s8 =	rddreg [dreg:$0x2];
	s7 =	stileid.u32  }
0x3: {  	s2 =	simm.s32 $0x0;
	s18 =	srdreg.scid;
	s1 =	smul.u32 $0x18000, s7  }
0x4: {  	[smem:$0x7FF] =	sst s2;
	s2 =	sand.u32 $0x1, s18;
	s4 =	sshll.u32 s7, $0x8  }
0x5: {  	s9 =	sadd.s32 $0x6B000, s0;
	s11 =	sadd.s32 $0x3000, s0;
	s7 =	sshll.u32 s7, $0x6  }
0x6: {  	_ =	strace $0x80000047;
	s5 =	sshll.u32 s2, $0x7;
	[dreg:$0x4] =	wrdreg s9  }
0x7: {  	s2 =	ssub.s32 $0x2, s2;
	s22 =	sor.u32 $0x1C0D, s7;
	[dreg:$0x6] =	wrdreg s11  }
0x8: {  	s3 =	sshrl.u32 s1, $0x4;
	s10 =	sor.u32 s5, s4;
	s19 =	sshrl.u32 s2, $0x1  }
0x9: {  	s1 =	sshrl.u32 s1, $0x1;
	[dreg:$0x8] =	wrdreg s22;
	s4 =	smul.u32 $0x5, s10  }
0xa: {  	s3 =	sadd.s32 s3, s0;
	s5 =	smul.u32 $0x48, s10;
	s6 =	sor.u32 $0x1, s10  }
0xb: {  	s0 =	ssub.s32 s2, s19;
	[dreg:$0x5] =	wrdreg s10;
	s30 =	sor.u32 $0x3, s10  }
0xc: {  	s1 =	sadd.s32 s1, s8;
	s3 =	sadd.s32 $0x53000, s3;
	[dreg:$0x10] =	wrdreg s30  }
0xd: {  	s21 =	sor.u32 $0x2, s10;
	s0 =	smax.u32 s0, $0x1;
	[dreg:$0x7] =	wrdreg s3  }
0xe: {  	s8 =	simm.s32 $0x8780;
	s31 =	sshrl.u32 s1, $0x3;
	[dreg:$0xf] =	wrdreg s0  }
0xf: {  	s20 =	smul.u32 $0x5, s6;
	s4 =	sadd.s32 s9, s4;
	[dreg:$0x11] =	wrdreg s31  }
0x10: {  	s6 =	smul.u32 $0x48, s6;
	s24 =	sadd.s32 s11, s5;
	[dreg:$0x9] =	wrdreg s4  }
0x11: {  	s23 =	smul.u32 $0x5, s21;
	[dreg:$0xa] =	wrdreg s24;
	s2 =	sadd.s32 s9, s20  }
0x12: {  	s25 =	smul.u32 $0x48, s21;
	s26 =	sadd.s32 s11, s6;
	[dreg:$0xb] =	wrdreg s2  }
0x13: {  	s10 =	simm.s32 $0x8790;
	s28 =	sadd.s32 s9, s23;
	[dreg:$0xc] =	wrdreg s26  }
0x14: {  	s0 =	simm.s32 $0x0;
	s29 =	sadd.s32 s11, s25;
	[dreg:$0xd] =	wrdreg s28  }
0x15: {  	s4 =	simm.s32 $0x8760;
	s9 =	simm.s32 $0x8770;
	[dreg:$0xe] =	wrdreg s29  }
.LBB2_1:
0x16: {  	[dreg:$0x12] =	wrdreg s0  }
0x17: {  	s11 =	rddreg [dreg:$0x7]  }
0x18: {  	s12 =	rddreg [dreg:$0x8]  }
0x19: {  	s13 =	rddreg [dreg:$0x11];
	s16 =	simm.s32 $0xD  }
0x1a: {  	[spmem:s13], [sflag:s12] =	dma.local [hbm:s11], $0x1800  }
0x1b: {  	_ =	swait.ge [sflag:s16], $0x1800  }
0x1c: {  	[sflag:s16] =	ssyncset.done $0x0  }
0x1d: {  	[sflag:s16] =	ssyncadd.s32 $0xFFFFE800  }
0x1e: {  	[bflag:$0x0] =	sbarrier.arrive $0xFFFF  }
0x1f: {  	s1 =	simm.s32 $0x0;
	s17 =	rddreg [dreg:$0x9]  }
0x20: {  	[tilespmem:s1], [sflag:$0x1] =	stream.linear.gather [hbm4b:s17+s1], $0x28, $0x38;
	[tilespmem:$0x147A0] =	vst v63  }
0x21: {  	s19 =	simm.s32 $0xA0;
	s18 =	rddreg [dreg:$0xa]  }
0x22: {  	[tilespmem:s19], [sflag:$0x1] =	stream.linear.gather [hbm4b:s18+s1], $0x240, $0x38;
	[tilespmem:$0x147A0] =	vst v63  }
0x23: {  	s21 =	simm.s32 $0x28;
	s20 =	rddreg [dreg:$0xb]  }
0x24: {  	[tilespmem:s21], [sflag:$0x2] =	stream.linear.gather [hbm4b:s20+s1], $0x28, $0x38;
	[tilespmem:$0x147A0] =	vst v63  }
0x25: {  	s23 =	simm.s32 $0x2E0;
	s22 =	rddreg [dreg:$0xc]  }
0x26: {  	[tilespmem:s23], [sflag:$0x2] =	stream.linear.gather [hbm4b:s22+s1], $0x240, $0x38;
	[tilespmem:$0x147A0] =	vst v63  }
0x27: {  	s2 =	simm.s32 $0x50;
	s24 =	rddreg [dreg:$0xd]  }
0x28: {  	[tilespmem:s2], [sflag:$0x3] =	stream.linear.gather [hbm4b:s24+s1], $0x28, $0x38;
	[tilespmem:$0x147A0] =	vst v63  }
0x29: {  	s26 =	simm.s32 $0x520;
	s28 =	simm.s32 $0x1;
	s25 =	rddreg [dreg:$0xe]  }
0x2a: {  	[tilespmem:s26], [sflag:$0x3] =	stream.linear.gather [hbm4b:s25+s1], $0x240, $0x38;
	[tilespmem:$0x147A0] =	vst v63  }
0x2b: {  	_ =	swait.ge [sflag:s28], $0x28  }
0x2c: {  	[sflag:s28] =	ssyncset.done $0x0  }
0x2d: {  	[sflag:s28] =	ssyncadd.s32 $0xFFFFFFD8  }
0x2e: {  	_ =	swait.ge [sflag:s28], $0x240  }
0x2f: {  	[sflag:s28] =	ssyncset.done $0x0  }
0x30: {  	s3 =	simm.s32 $0x24;
	[sflag:s28] =	ssyncadd.s32 $0xFFFFFDC0  }
0x31: {  	s29 =	simm.s32 $0x9A0;
	s30 =	simm.s32 $0x2;
	s11 =	rddreg [dreg:$0x2]  }
0x32: {  	[tilespmem:s29], [sflag:$0x5] =	stream.indirect.gather [spmem:s11], $0xC0, s1, s3, $0xb8;
	[tilespmem:$0x147A0] =	vst v63  }
0x33: {  	_ =	swait.ge [sflag:s30], $0x28  }
0x34: {  	[sflag:s30] =	ssyncset.done $0x0  }
0x35: {  	[sflag:s30] =	ssyncadd.s32 $0xFFFFFFD8  }
0x36: {  	_ =	swait.ge [sflag:s30], $0x240  }
0x37: {  	[sflag:s30] =	ssyncset.done $0x0  }
0x38: {  	s31 =	simm.s32 $0x27A0;
	s7 =	simm.s32 $0x0;
	[sflag:s30] =	ssyncadd.s32 $0xFFFFFDC0  }
0x39: {  	[tilespmem:s31], [sflag:$0x6] =	stream.indirect.gather [spmem:s11], $0xC0, s21, s3, $0xb8;
	[tilespmem:$0x147A0] =	vst v63  }
.LBB2_2:
0x3a: {  	s11 =	simm.s32 $0x5  }
0x3b: {  	_ =	swait.ge [sflag:s11], $0x1B00  }
0x3c: {  	[sflag:s11] =	ssyncset.done $0x0  }
0x3d: {  	s5 =	simm.s32 $0x3;
	[sflag:s11] =	ssyncadd.s32 $0xFFFFE500  }
0x3e: {  	_ =	swait.ge [sflag:s5], $0x28  }
0x3f: {  	[sflag:s5] =	ssyncset.done $0x0  }
0x40: {  	[sflag:s5] =	ssyncadd.s32 $0xFFFFFFD8  }
0x41: {  	_ =	swait.ge [sflag:s5], $0x240  }
0x42: {  	[sflag:s5] =	ssyncset.done $0x0  }
0x43: {  	s12 =	simm.s32 $0x24;
	[sflag:s5] =	ssyncadd.s32 $0xFFFFFDC0  }
0x44: {  	s13 =	simm.s32 $0x45A0;
	p0 =	seq.s32 s7, $0x0;
	s11 =	rddreg [dreg:$0x2]  }
0x45: {  	[tilespmem:s13], [sflag:$0x7] =	stream.indirect.gather [spmem:s11], $0xC0, s2, s12, $0xb8;
	[tilespmem:$0x147A0] =	vst v63  }
0x46: {  	s11 =	simm.s32 @!p0 $0x9  }
0x47: {  	_ =	swait.ge @!p0 [sflag:s11], $0x180  }
0x48: {  	[sflag:s11] =	ssyncset.done @!p0 $0x0  }
0x49: {  	[sflag:s11] =	ssyncadd.s32 @!p0 $0xFFFFFE80  }
0x4a: {  	v0 =	vld [tilespmem:$0x9A0]  }
0x4b: {  	v1 =	vld [tilespmem:$0xA0]  }
0x4c: {  	v2 =	vld [tilespmem:$0x9B0];
	_ =	sdelay $0x1  }
0x4d: {  	v3 =	vld [tilespmem:$0x9C0]  }
0x4e: {  	v4 =	vunpack.i.l.bf16.f32 v0  }
0x4f: {  	v5 =	vld [tilespmem:$0x9D0];
	v0 =	vunpack.i.u.bf16.f32 v0;
	v4 =	vmul.f32 v4, v1  }
0x50: {  	v6 =	vunpack.i.l.bf16.f32 v2;
	v0 =	vmul.f32 v0, v1  }
0x51: {  	v56 =	vld [tilespmem:$0x9E0];
	v2 =	vunpack.i.u.bf16.f32 v2;
	v55 =	vmul.f32 v6, v1;
	[tilespmem:$0x81A0] =	vst v4  }
0x52: {  	[tilespmem:$0x81B0] =	vst v0;
	v0 =	vmul.f32 v2, v1;
	v2 =	vunpack.i.l.bf16.f32 v3  }
0x53: {  	v57 =	vld [tilespmem:$0x9F0];
	[tilespmem:$0x81C0] =	vst v55;
	v3 =	vunpack.i.u.bf16.f32 v3;
	v2 =	vmul.f32 v2, v1  }
0x54: {  	[tilespmem:$0x81D0] =	vst v0;
	v0 =	vmul.f32 v3, v1;
	v3 =	vunpack.i.l.bf16.f32 v5  }
0x55: {  	v58 =	vld [tilespmem:$0xA00];
	[tilespmem:$0x81E0] =	vst v2;
	v2 =	vunpack.i.u.bf16.f32 v5;
	v3 =	vmul.f32 v3, v1  }
0x56: {  	[tilespmem:$0x81F0] =	vst v0;
	v0 =	vmul.f32 v2, v1;
	v2 =	vunpack.i.l.bf16.f32 v56  }
0x57: {  	v59 =	vld [tilespmem:$0xA10];
	[tilespmem:$0x8200] =	vst v3;
	v3 =	vunpack.i.u.bf16.f32 v56;
	v2 =	vmul.f32 v2, v1  }
0x58: {  	[tilespmem:$0x8210] =	vst v0;
	v0 =	vmul.f32 v3, v1;
	v3 =	vunpack.i.l.bf16.f32 v57  }
0x59: {  	v60 =	vld [tilespmem:$0xA20];
	[tilespmem:$0x8220] =	vst v2;
	v2 =	vunpack.i.u.bf16.f32 v57;
	v3 =	vmul.f32 v3, v1  }
0x5a: {  	[tilespmem:$0x8230] =	vst v0;
	v0 =	vmul.f32 v2, v1;
	v2 =	vunpack.i.l.bf16.f32 v58  }
0x5b: {  	v61 =	vld [tilespmem:$0xA30];
	[tilespmem:$0x8240] =	vst v3;
	v3 =	vunpack.i.u.bf16.f32 v58;
	v2 =	vmul.f32 v2, v1  }
0x5c: {  	[tilespmem:$0x8250] =	vst v0;
	v0 =	vmul.f32 v3, v1;
	v3 =	vunpack.i.l.bf16.f32 v59  }
0x5d: {  	v62 =	vld [tilespmem:$0xA40];
	[tilespmem:$0x8260] =	vst v2;
	v2 =	vunpack.i.u.bf16.f32 v59;
	v3 =	vmul.f32 v3, v1  }
0x5e: {  	[tilespmem:$0x8270] =	vst v0;
	v0 =	vmul.f32 v2, v1;
	v2 =	vunpack.i.l.bf16.f32 v60  }
0x5f: {  	v63 =	vld [tilespmem:$0xA50];
	[tilespmem:$0x8280] =	vst v3;
	v3 =	vunpack.i.u.bf16.f32 v60;
	v2 =	vmul.f32 v2, v1  }
0x60: {  	[tilespmem:$0x8290] =	vst v0;
	v0 =	vmul.f32 v3, v1;
	v3 =	vunpack.i.l.bf16.f32 v61  }
0x61: {  	[tilespmem:$0x82A0] =	vst v2;
	v2 =	vunpack.i.u.bf16.f32 v61;
	v3 =	vmul.f32 v3, v1  }
0x62: {  	[tilespmem:$0x82B0] =	vst v0;
	v0 =	vmul.f32 v2, v1;
	v2 =	vunpack.i.l.bf16.f32 v62  }
0x63: {  	[tilespmem:$0x82C0] =	vst v3;
	v3 =	vunpack.i.u.bf16.f32 v62;
	v2 =	vmul.f32 v2, v1  }
0x64: {  	[tilespmem:$0x82D0] =	vst v0;
	v0 =	vmul.f32 v3, v1;
	v3 =	vunpack.i.l.bf16.f32 v63  }
0x65: {  	[tilespmem:$0x82E0] =	vst v2;
	v2 =	vunpack.i.u.bf16.f32 v63;
	v3 =	vmul.f32 v3, v1  }
0x66: {  	[tilespmem:$0x82F0] =	vst v0;
	v0 =	vmul.f32 v2, v1  }
0x67: {  	[tilespmem:$0x8300] =	vst v3  }
0x68: {  	s11 =	simm.s32 $0xB10;
	[tilespmem:$0x8310] =	vst v0  }
0x69: {  	s6 =	simm.s32 $0x10;
	v0 =	vld [tilespmem:s11+$0xFFFFFF50]  }
0x6a: {  	v1 =	vld [tilespmem:s6+$0xA0];
	_ =	sdelay $0x3  }
0x6b: {  	v2 =	vunpack.i.l.bf16.f32 v0  }
0x6c: {  	v0 =	vunpack.i.u.bf16.f32 v0;
	v2 =	vmul.f32 v2, v1  }
0x6d: {  	s14 =	simm.s32 $0x81A0;
	v0 =	vmul.f32 v0, v1  }
0x6e: {  	s15 =	simm.s32 $0x81B0;
	[tilespmem:s14+$0x0] =	vst.add.f32.msk $0xffff, v2  }
0x6f: {  	[tilespmem:s15+$0x0] =	vst.add.f32.msk $0xffff, v0  }
0x70: {  	v0 =	vld [tilespmem:s11+$0xFFFFFF60];
	_ =	sdelay $0x4  }
0x71: {  	v2 =	vunpack.i.l.bf16.f32 v0  }
0x72: {  	v0 =	vunpack.i.u.bf16.f32 v0;
	v2 =	vmul.f32 v2, v1  }
0x73: {  	s16 =	simm.s32 $0x81C0;
	v0 =	vmul.f32 v0, v1  }
0x74: {  	s18 =	simm.s32 $0x81D0;
	[tilespmem:s16+$0x0] =	vst.add.f32.msk $0xffff, v2  }
0x75: {  	[tilespmem:s18+$0x0] =	vst.add.f32.msk $0xffff, v0  }
0x76: {  	v0 =	vld [tilespmem:s11+$0xFFFFFF70];
	_ =	sdelay $0x4  }
0x77: {  	v2 =	vunpack.i.l.bf16.f32 v0  }
0x78: {  	v0 =	vunpack.i.u.bf16.f32 v0;
	v2 =	vmul.f32 v2, v1  }
0x79: {  	s1 =	simm.s32 $0x81E0;
	v0 =	vmul.f32 v0, v1  }
0x7a: {  	s19 =	simm.s32 $0x81F0;
	[tilespmem:s1+$0x0] =	vst.add.f32.msk $0xffff, v2  }
0x7b: {  	[tilespmem:s19+$0x0] =	vst.add.f32.msk $0xffff, v0  }
0x7c: {  	v0 =	vld [tilespmem:s11+$0xFFFFFF80];
	_ =	sdelay $0x4  }
0x7d: {  	v2 =	vunpack.i.l.bf16.f32 v0  }
0x7e: {  	v0 =	vunpack.i.u.bf16.f32 v0;
	v2 =	vmul.f32 v2, v1  }
0x7f: {  	s20 =	simm.s32 $0x8200;
	v0 =	vmul.f32 v0, v1  }
0x80: {  	s22 =	simm.s32 $0x8210;
	[tilespmem:s20+$0x0] =	vst.add.f32.msk $0xffff, v2  }
0x81: {  	[tilespmem:s22+$0x0] =	vst.add.f32.msk $0xffff, v0  }
0x82: {  	v0 =	vld [tilespmem:s11+$0xFFFFFF90];
	_ =	sdelay $0x4  }
0x83: {  	v2 =	vunpack.i.l.bf16.f32 v0  }
0x84: {  	v0 =	vunpack.i.u.bf16.f32 v0;
	v2 =	vmul.f32 v2, v1  }
0x85: {  	s24 =	simm.s32 $0x8220;
	v0 =	vmul.f32 v0, v1  }
0x86: {  	s28 =	simm.s32 $0x8230;
	[tilespmem:s24+$0x0] =	vst.add.f32.msk $0xffff, v2  }
0x87: {  	[tilespmem:s28+$0x0] =	vst.add.f32.msk $0xffff, v0  }
0x88: {  	v0 =	vld [tilespmem:s11+$0xFFFFFFA0];
	_ =	sdelay $0x4  }
0x89: {  	v2 =	vunpack.i.l.bf16.f32 v0  }
0x8a: {  	v0 =	vunpack.i.u.bf16.f32 v0;
	v2 =	vmul.f32 v2, v1  }
0x8b: {  	s30 =	simm.s32 $0x8240;
	v0 =	vmul.f32 v0, v1  }
0x8c: {  	s23 =	simm.s32 $0x8250;
	[tilespmem:s30+$0x0] =	vst.add.f32.msk $0xffff, v2  }
0x8d: {  	[tilespmem:s23+$0x0] =	vst.add.f32.msk $0xffff, v0  }
0x8e: {  	v0 =	vld [tilespmem:s11+$0xFFFFFFB0];
	_ =	sdelay $0x4  }
0x8f: {  	v2 =	vunpack.i.l.bf16.f32 v0  }
0x90: {  	v0 =	vunpack.i.u.bf16.f32 v0;
	v2 =	vmul.f32 v2, v1  }
0x91: {  	s17 =	simm.s32 $0x8260;
	v0 =	vmul.f32 v0, v1  }
0x92: {  	s21 =	simm.s32 $0x8270;
	[tilespmem:s17+$0x0] =	vst.add.f32.msk $0xffff, v2  }
0x93: {  	[tilespmem:s21+$0x0] =	vst.add.f32.msk $0xffff, v0  }
0x94: {  	v0 =	vld [tilespmem:s11+$0xFFFFFFC0];
	_ =	sdelay $0x4  }
0x95: {  	v2 =	vunpack.i.l.bf16.f32 v0  }
0x96: {  	v0 =	vunpack.i.u.bf16.f32 v0;
	v2 =	vmul.f32 v2, v1  }
0x97: {  	s31 =	simm.s32 $0x8280;
	v0 =	vmul.f32 v0, v1  }
0x98: {  	s2 =	simm.s32 $0x8290;
	[tilespmem:s31+$0x0] =	vst.add.f32.msk $0xffff, v2  }
0x99: {  	[tilespmem:s2+$0x0] =	vst.add.f32.msk $0xffff, v0  }
0x9a: {  	v0 =	vld [tilespmem:s11+$0xFFFFFFD0];
	_ =	sdelay $0x4  }
0x9b: {  	v2 =	vunpack.i.l.bf16.f32 v0  }
0x9c: {  	v0 =	vunpack.i.u.bf16.f32 v0;
	v2 =	vmul.f32 v2, v1  }
0x9d: {  	s3 =	simm.s32 $0x82A0;
	v0 =	vmul.f32 v0, v1  }
0x9e: {  	s26 =	simm.s32 $0x82B0;
	[tilespmem:s3+$0x0] =	vst.add.f32.msk $0xffff, v2  }
0x9f: {  	[tilespmem:s26+$0x0] =	vst.add.f32.msk $0xffff, v0  }
0xa0: {  	v0 =	vld [tilespmem:s11+$0xFFFFFFE0];
	_ =	sdelay $0x4  }
0xa1: {  	v2 =	vunpack.i.l.bf16.f32 v0  }
0xa2: {  	v0 =	vunpack.i.u.bf16.f32 v0;
	v2 =	vmul.f32 v2, v1  }
0xa3: {  	s29 =	simm.s32 $0x82C0;
	v0 =	vmul.f32 v0, v1  }
0xa4: {  	s25 =	simm.s32 $0x82D0;
	[tilespmem:s29+$0x0] =	vst.add.f32.msk $0xffff, v2  }
0xa5: {  	[tilespmem:s25+$0x0] =	vst.add.f32.msk $0xffff, v0  }
0xa6: {  	v0 =	vld [tilespmem:s11+$0xFFFFFFF0];
	_ =	sdelay $0x4  }
0xa7: {  	v2 =	vunpack.i.l.bf16.f32 v0  }
0xa8: {  	v0 =	vunpack.i.u.bf16.f32 v0;
	v2 =	vmul.f32 v2, v1  }
0xa9: {  	s0 =	simm.s32 $0x82E0;
	v0 =	vmul.f32 v0, v1  }
0xaa: {  	s5 =	simm.s32 $0x82F0;
	[tilespmem:s0+$0x0] =	vst.add.f32.msk $0xffff, v2  }
0xab: {  	[tilespmem:s5+$0x0] =	vst.add.f32.msk $0xffff, v0  }
0xac: {  	v0 =	vld [tilespmem:s11+$0x0];
	_ =	sdelay $0x4  }
0xad: {  	s13 =	sshll.u32 s7, $0x2;
	v2 =	vunpack.i.l.bf16.f32 v0  }
0xae: {  	[dreg:$0x13] =	wrdreg s7;
	s7 =	sor.u32 $0x2, s13;
	v2 =	vmul.f32 v2, v1  }
0xaf: {  	[dreg:$0x16] =	wrdreg s7;
	s7 =	simm.s32 $0x8300;
	v0 =	vunpack.i.u.bf16.f32 v0  }
0xb0: {  	s12 =	simm.s32 $0x80;
	[dreg:$0x14] =	wrdreg s13;
	s6 =	simm.s32 $0x8310;
	v0 =	vmul.f32 v0, v1;
	[tilespmem:s7+$0x0] =	vst.add.f32.msk $0xffff, v2  }
.LBB2_3:
0xb1: {  	p1 =	sne.s32 s12, $0x8C0  }
0xb2: {  	[tilespmem:s6+$0x0] =	vst.add.f32.msk $0xffff, v0;
	s11 =	sadd.s32 $0xC0, s11;
	s13 =	smov.u32 s12;
	s12 =	sadd.s32 $0x40, s12  }
0xb3: {  	s13 =	sshra.s32 s13, $0x2;
	v1 =	vld [tilespmem:s11+$0xFFFFFF50]  }
0xb4: {  	v0 =	vld [tilespmem:s13+$0xA0];
	_ =	sdelay $0x3  }
0xb5: {  	v2 =	vunpack.i.u.bf16.f32 v1;
	v1 =	vunpack.i.l.bf16.f32 v1  }
0xb6: {  	v1 =	vmul.f32 v1, v0;
	v2 =	vmul.f32 v2, v0;
	_ =	sdelay $0x1  }
0xb7: {  	[tilespmem:s14+$0x0] =	vst.add.f32.msk $0xffff, v1  }
0xb8: {  	[tilespmem:s15+$0x0] =	vst.add.f32.msk $0xffff, v2  }
0xb9: {  	v1 =	vld [tilespmem:s11+$0xFFFFFF60];
	_ =	sdelay $0x4  }
0xba: {  	v2 =	vunpack.i.u.bf16.f32 v1;
	v1 =	vunpack.i.l.bf16.f32 v1  }
0xbb: {  	v1 =	vmul.f32 v1, v0;
	v2 =	vmul.f32 v2, v0;
	_ =	sdelay $0x1  }
0xbc: {  	[tilespmem:s16+$0x0] =	vst.add.f32.msk $0xffff, v1  }
0xbd: {  	[tilespmem:s18+$0x0] =	vst.add.f32.msk $0xffff, v2  }
0xbe: {  	v1 =	vld [tilespmem:s11+$0xFFFFFF70];
	_ =	sdelay $0x4  }
0xbf: {  	v2 =	vunpack.i.u.bf16.f32 v1;
	v1 =	vunpack.i.l.bf16.f32 v1  }
0xc0: {  	v1 =	vmul.f32 v1, v0;
	v2 =	vmul.f32 v2, v0;
	_ =	sdelay $0x1  }
0xc1: {  	[tilespmem:s1+$0x0] =	vst.add.f32.msk $0xffff, v1  }
0xc2: {  	[tilespmem:s19+$0x0] =	vst.add.f32.msk $0xffff, v2  }
0xc3: {  	v1 =	vld [tilespmem:s11+$0xFFFFFF80];
	_ =	sdelay $0x4  }
0xc4: {  	v2 =	vunpack.i.u.bf16.f32 v1;
	v1 =	vunpack.i.l.bf16.f32 v1  }
0xc5: {  	v1 =	vmul.f32 v1, v0;
	v2 =	vmul.f32 v2, v0;
	_ =	sdelay $0x1  }
0xc6: {  	[tilespmem:s20+$0x0] =	vst.add.f32.msk $0xffff, v1  }
0xc7: {  	[tilespmem:s22+$0x0] =	vst.add.f32.msk $0xffff, v2  }
0xc8: {  	v1 =	vld [tilespmem:s11+$0xFFFFFF90];
	_ =	sdelay $0x4  }
0xc9: {  	v2 =	vunpack.i.u.bf16.f32 v1;
	v1 =	vunpack.i.l.bf16.f32 v1  }
0xca: {  	v1 =	vmul.f32 v1, v0;
	v2 =	vmul.f32 v2, v0;
	_ =	sdelay $0x1  }
0xcb: {  	[tilespmem:s24+$0x0] =	vst.add.f32.msk $0xffff, v1  }
0xcc: {  	[tilespmem:s28+$0x0] =	vst.add.f32.msk $0xffff, v2  }
0xcd: {  	v1 =	vld [tilespmem:s11+$0xFFFFFFA0];
	_ =	sdelay $0x4  }
0xce: {  	v2 =	vunpack.i.u.bf16.f32 v1;
	v1 =	vunpack.i.l.bf16.f32 v1  }
0xcf: {  	v1 =	vmul.f32 v1, v0;
	v2 =	vmul.f32 v2, v0;
	_ =	sdelay $0x1  }
0xd0: {  	[tilespmem:s30+$0x0] =	vst.add.f32.msk $0xffff, v1  }
0xd1: {  	[tilespmem:s23+$0x0] =	vst.add.f32.msk $0xffff, v2  }
0xd2: {  	v1 =	vld [tilespmem:s11+$0xFFFFFFB0];
	_ =	sdelay $0x4  }
0xd3: {  	v2 =	vunpack.i.u.bf16.f32 v1;
	v1 =	vunpack.i.l.bf16.f32 v1  }
0xd4: {  	v1 =	vmul.f32 v1, v0;
	v2 =	vmul.f32 v2, v0;
	_ =	sdelay $0x1  }
0xd5: {  	[tilespmem:s17+$0x0] =	vst.add.f32.msk $0xffff, v1  }
0xd6: {  	[tilespmem:s21+$0x0] =	vst.add.f32.msk $0xffff, v2  }
0xd7: {  	v1 =	vld [tilespmem:s11+$0xFFFFFFC0];
	_ =	sdelay $0x4  }
0xd8: {  	v2 =	vunpack.i.u.bf16.f32 v1;
	v1 =	vunpack.i.l.bf16.f32 v1  }
0xd9: {  	v1 =	vmul.f32 v1, v0;
	v2 =	vmul.f32 v2, v0;
	_ =	sdelay $0x1  }
0xda: {  	[tilespmem:s31+$0x0] =	vst.add.f32.msk $0xffff, v1  }
0xdb: {  	[tilespmem:s2+$0x0] =	vst.add.f32.msk $0xffff, v2  }
0xdc: {  	v1 =	vld [tilespmem:s11+$0xFFFFFFD0];
	_ =	sdelay $0x4  }
0xdd: {  	v2 =	vunpack.i.u.bf16.f32 v1;
	v1 =	vunpack.i.l.bf16.f32 v1  }
0xde: {  	v1 =	vmul.f32 v1, v0;
	v2 =	vmul.f32 v2, v0;
	_ =	sdelay $0x1  }
0xdf: {  	[tilespmem:s3+$0x0] =	vst.add.f32.msk $0xffff, v1  }
0xe0: {  	[tilespmem:s26+$0x0] =	vst.add.f32.msk $0xffff, v2  }
0xe1: {  	v1 =	vld [tilespmem:s11+$0xFFFFFFE0];
	_ =	sdelay $0x4  }
0xe2: {  	v2 =	vunpack.i.u.bf16.f32 v1;
	v1 =	vunpack.i.l.bf16.f32 v1  }
0xe3: {  	v1 =	vmul.f32 v1, v0;
	v2 =	vmul.f32 v2, v0;
	_ =	sdelay $0x1  }
0xe4: {  	[tilespmem:s29+$0x0] =	vst.add.f32.msk $0xffff, v1  }
0xe5: {  	[tilespmem:s25+$0x0] =	vst.add.f32.msk $0xffff, v2  }
0xe6: {  	v1 =	vld [tilespmem:s11+$0xFFFFFFF0];
	_ =	sdelay $0x4  }
0xe7: {  	v2 =	vunpack.i.u.bf16.f32 v1;
	v1 =	vunpack.i.l.bf16.f32 v1  }
0xe8: {  	v1 =	vmul.f32 v1, v0;
	v2 =	vmul.f32 v2, v0;
	_ =	sdelay $0x1  }
0xe9: {  	[tilespmem:s0+$0x0] =	vst.add.f32.msk $0xffff, v1  }
0xea: {  	[tilespmem:s5+$0x0] =	vst.add.f32.msk $0xffff, v2  }
0xeb: {  	v1 =	vld [tilespmem:s11+$0x0];
	_ =	sdelay $0x3  }
.Ltmp0:
0xec: {  	(pc) =	sbr.rel @p1 .LBB2_3-.Ltmp0, $3  }
0xed: {  	v2 =	vunpack.i.u.bf16.f32 v1;
	v1 =	vunpack.i.l.bf16.f32 v1  }
0xee: {  	v1 =	vmul.f32 v1, v0;
	v0 =	vmul.f32 v2, v0;
	_ =	sdelay $0x1  }
0xef: {  	[tilespmem:s7+$0x0] =	vst.add.f32.msk $0xffff, v1  }
0xf0: {  	s11 =	rddreg [dreg:$0x10]  }
0xf1: {  	s30 =	rddreg [dreg:$0x14]  }
0xf2: {  	s12 =	rddreg [dreg:$0x4];
	s1 =	sor.u32 s11, s30  }
0xf3: {  	s2 =	simm.s32 $0x0;
	s23 =	rddreg [dreg:$0x5];
	s11 =	smul.u32 $0x5, s1  }
0xf4: {  	s0 =	simm.s32 $0x78;
	s13 =	rddreg [dreg:$0x6];
	s24 =	simm.s32 $0x760  }
0xf5: {  	[tilespmem:s6+$0x0] =	vst.add.f32.msk $0xffff, v0;
	s22 =	smul.u32 $0x48, s1;
	s11 =	sadd.s32 s12, s11;
	s12 =	sadd.s32 s23, s30  }
0xf6: {  	[tilespmem:s0], [sflag:$0x4] =	stream.linear.gather [hbm4b:s11+s2], $0x28, $0x38;
	[tilespmem:$0x147A0] =	vst v63  }
0xf7: {  	s25 =	rddreg [dreg:$0x1];
	s11 =	sadd.s32 s13, s22;
	s12 =	smul.u32 $0x30, s12  }
0xf8: {  	[tilespmem:s24], [sflag:$0x4] =	stream.linear.gather [hbm4b:s11+s2], $0x240, $0x38;
	[tilespmem:$0x147A0] =	vst v63  }
0xf9: {  	s26 =	simm.s32 $0x6;
	[dreg:$0x15] =	wrdreg s1;
	s11 =	sadd.s32 s25, s12  }
0xfa: {  	[hbm4b:s11+s2] =	stream.linear.scatter [tilespmem:s14], [sflag:$0x9], $0x180, $0x38;
	[tilespmem:$0x147A0] =	vst v63  }
0xfb: {  	_ =	swait.ge [sflag:s26], $0x1B00  }
0xfc: {  	[sflag:s26] =	ssyncset.done $0x0  }
0xfd: {  	s2 =	simm.s32 $0x4;
	[sflag:s26] =	ssyncadd.s32 $0xFFFFE500  }
0xfe: {  	_ =	swait.ge [sflag:s2], $0x28  }
0xff: {  	[sflag:s2] =	ssyncset.done $0x0  }
0x100: {  	[sflag:s2] =	ssyncadd.s32 $0xFFFFFFD8  }
0x101: {  	_ =	swait.ge [sflag:s2], $0x240  }
0x102: {  	[sflag:s2] =	ssyncset.done $0x0  }
0x103: {  	s5 =	simm.s32 $0x24;
	[sflag:s2] =	ssyncadd.s32 $0xFFFFFDC0  }
0x104: {  	s6 =	simm.s32 $0x63A0;
	s11 =	simm.s32 @!p0 $0xA;
	s3 =	rddreg [dreg:$0x2]  }
0x105: {  	[tilespmem:s6], [sflag:$0x8] =	stream.indirect.gather [spmem:s3], $0xC0, s0, s5, $0xb8;
	[tilespmem:$0x147A0] =	vst v63  }
0x106: {  	_ =	swait.ge @!p0 [sflag:s11], $0x180  }
0x107: {  	[sflag:s11] =	ssyncset.done @!p0 $0x0  }
0x108: {  	[sflag:s11] =	ssyncadd.s32 @!p0 $0xFFFFFE80  }
0x109: {  	v0 =	vld [tilespmem:$0x27A0]  }
0x10a: {  	v1 =	vld [tilespmem:$0x2E0]  }
0x10b: {  	v2 =	vld [tilespmem:$0x27B0];
	_ =	sdelay $0x1  }
0x10c: {  	v3 =	vld [tilespmem:$0x27C0]  }
0x10d: {  	v4 =	vunpack.i.l.bf16.f32 v0  }
0x10e: {  	v5 =	vld [tilespmem:$0x27D0];
	v0 =	vunpack.i.u.bf16.f32 v0;
	v4 =	vmul.f32 v4, v1  }
0x10f: {  	v6 =	vunpack.i.l.bf16.f32 v2;
	v0 =	vmul.f32 v0, v1  }
0x110: {  	v56 =	vld [tilespmem:$0x27E0];
	v2 =	vunpack.i.u.bf16.f32 v2;
	v55 =	vmul.f32 v6, v1;
	[tilespmem:$0x8320] =	vst v4  }
0x111: {  	[tilespmem:$0x8330] =	vst v0;
	v0 =	vmul.f32 v2, v1;
	v2 =	vunpack.i.l.bf16.f32 v3  }
0x112: {  	v57 =	vld [tilespmem:$0x27F0];
	[tilespmem:$0x8340] =	vst v55;
	v3 =	vunpack.i.u.bf16.f32 v3;
	v2 =	vmul.f32 v2, v1  }
0x113: {  	[tilespmem:$0x8350] =	vst v0;
	v0 =	vmul.f32 v3, v1;
	v3 =	vunpack.i.l.bf16.f32 v5  }
0x114: {  	v58 =	vld [tilespmem:$0x2800];
	[tilespmem:$0x8360] =	vst v2;
	v2 =	vunpack.i.u.bf16.f32 v5;
	v3 =	vmul.f32 v3, v1  }
0x115: {  	[tilespmem:$0x8370] =	vst v0;
	v0 =	vmul.f32 v2, v1;
	v2 =	vunpack.i.l.bf16.f32 v56  }
0x116: {  	v59 =	vld [tilespmem:$0x2810];
	[tilespmem:$0x8380] =	vst v3;
	v3 =	vunpack.i.u.bf16.f32 v56;
	v2 =	vmul.f32 v2, v1  }
0x117: {  	[tilespmem:$0x8390] =	vst v0;
	v0 =	vmul.f32 v3, v1;
	v3 =	vunpack.i.l.bf16.f32 v57  }
0x118: {  	v60 =	vld [tilespmem:$0x2820];
	[tilespmem:$0x83A0] =	vst v2;
	v2 =	vunpack.i.u.bf16.f32 v57;
	v3 =	vmul.f32 v3, v1  }
0x119: {  	[tilespmem:$0x83B0] =	vst v0;
	v0 =	vmul.f32 v2, v1;
	v2 =	vunpack.i.l.bf16.f32 v58  }
0x11a: {  	v61 =	vld [tilespmem:$0x2830];
	[tilespmem:$0x83C0] =	vst v3;
	v3 =	vunpack.i.u.bf16.f32 v58;
	v2 =	vmul.f32 v2, v1  }
0x11b: {  	[tilespmem:$0x83D0] =	vst v0;
	v0 =	vmul.f32 v3, v1;
	v3 =	vunpack.i.l.bf16.f32 v59  }
0x11c: {  	v62 =	vld [tilespmem:$0x2840];
	[tilespmem:$0x83E0] =	vst v2;
	v2 =	vunpack.i.u.bf16.f32 v59;
	v3 =	vmul.f32 v3, v1  }
0x11d: {  	[tilespmem:$0x83F0] =	vst v0;
	v0 =	vmul.f32 v2, v1;
	v2 =	vunpack.i.l.bf16.f32 v60  }
0x11e: {  	v63 =	vld [tilespmem:$0x2850];
	[tilespmem:$0x8400] =	vst v3;
	v3 =	vunpack.i.u.bf16.f32 v60;
	v2 =	vmul.f32 v2, v1  }
0x11f: {  	[tilespmem:$0x8410] =	vst v0;
	v0 =	vmul.f32 v3, v1;
	v3 =	vunpack.i.l.bf16.f32 v61  }
0x120: {  	[tilespmem:$0x8420] =	vst v2;
	v2 =	vunpack.i.u.bf16.f32 v61;
	v3 =	vmul.f32 v3, v1  }
0x121: {  	[tilespmem:$0x8430] =	vst v0;
	v0 =	vmul.f32 v2, v1;
	v2 =	vunpack.i.l.bf16.f32 v62  }
0x122: {  	[tilespmem:$0x8440] =	vst v3;
	v3 =	vunpack.i.u.bf16.f32 v62;
	v2 =	vmul.f32 v2, v1  }
0x123: {  	[tilespmem:$0x8450] =	vst v0;
	v0 =	vmul.f32 v3, v1;
	v3 =	vunpack.i.l.bf16.f32 v63  }
0x124: {  	[tilespmem:$0x8460] =	vst v2;
	v2 =	vunpack.i.u.bf16.f32 v63;
	v3 =	vmul.f32 v3, v1  }
0x125: {  	[tilespmem:$0x8470] =	vst v0;
	v0 =	vmul.f32 v2, v1  }
0x126: {  	[tilespmem:$0x8480] =	vst v3  }
0x127: {  	s11 =	simm.s32 $0x2910;
	[tilespmem:$0x8490] =	vst v0  }
0x128: {  	s7 =	simm.s32 $0x10;
	v0 =	vld [tilespmem:s11+$0xFFFFFF50]  }
0x129: {  	v1 =	vld [tilespmem:s7+$0x2E0];
	_ =	sdelay $0x3  }
0x12a: {  	v2 =	vunpack.i.l.bf16.f32 v0  }
0x12b: {  	v0 =	vunpack.i.u.bf16.f32 v0;
	v2 =	vmul.f32 v2, v1  }
0x12c: {  	s0 =	simm.s32 $0x8320;
	v0 =	vmul.f32 v0, v1  }
0x12d: {  	s1 =	simm.s32 $0x8330;
	[tilespmem:s0+$0x0] =	vst.add.f32.msk $0xffff, v2  }
0x12e: {  	[tilespmem:s1+$0x0] =	vst.add.f32.msk $0xffff, v0  }
0x12f: {  	v0 =	vld [tilespmem:s11+$0xFFFFFF60];
	_ =	sdelay $0x4  }
0x130: {  	v2 =	vunpack.i.l.bf16.f32 v0  }
0x131: {  	v0 =	vunpack.i.u.bf16.f32 v0;
	v2 =	vmul.f32 v2, v1  }
0x132: {  	s2 =	simm.s32 $0x8340;
	v0 =	vmul.f32 v0, v1  }
0x133: {  	s3 =	simm.s32 $0x8350;
	[tilespmem:s2+$0x0] =	vst.add.f32.msk $0xffff, v2  }
0x134: {  	[tilespmem:s3+$0x0] =	vst.add.f32.msk $0xffff, v0  }
0x135: {  	v0 =	vld [tilespmem:s11+$0xFFFFFF70];
	_ =	sdelay $0x4  }
0x136: {  	v2 =	vunpack.i.l.bf16.f32 v0  }
0x137: {  	v0 =	vunpack.i.u.bf16.f32 v0;
	v2 =	vmul.f32 v2, v1  }
0x138: {  	s5 =	simm.s32 $0x8360;
	v0 =	vmul.f32 v0, v1  }
0x139: {  	s6 =	simm.s32 $0x8370;
	[tilespmem:s5+$0x0] =	vst.add.f32.msk $0xffff, v2  }
0x13a: {  	[tilespmem:s6+$0x0] =	vst.add.f32.msk $0xffff, v0  }
0x13b: {  	v0 =	vld [tilespmem:s11+$0xFFFFFF80];
	_ =	sdelay $0x4  }
0x13c: {  	v2 =	vunpack.i.l.bf16.f32 v0  }
0x13d: {  	v0 =	vunpack.i.u.bf16.f32 v0;
	v2 =	vmul.f32 v2, v1  }
0x13e: {  	s7 =	simm.s32 $0x8380;
	v0 =	vmul.f32 v0, v1  }
0x13f: {  	s14 =	simm.s32 $0x8390;
	[tilespmem:s7+$0x0] =	vst.add.f32.msk $0xffff, v2  }
0x140: {  	[tilespmem:s14+$0x0] =	vst.add.f32.msk $0xffff, v0  }
0x141: {  	v0 =	vld [tilespmem:s11+$0xFFFFFF90];
	_ =	sdelay $0x4  }
0x142: {  	v2 =	vunpack.i.l.bf16.f32 v0  }
0x143: {  	v0 =	vunpack.i.u.bf16.f32 v0;
	v2 =	vmul.f32 v2, v1  }
0x144: {  	s15 =	simm.s32 $0x83A0;
	v0 =	vmul.f32 v0, v1  }
0x145: {  	s16 =	simm.s32 $0x83B0;
	[tilespmem:s15+$0x0] =	vst.add.f32.msk $0xffff, v2  }
0x146: {  	[tilespmem:s16+$0x0] =	vst.add.f32.msk $0xffff, v0  }
0x147: {  	v0 =	vld [tilespmem:s11+$0xFFFFFFA0];
	_ =	sdelay $0x4  }
0x148: {  	v2 =	vunpack.i.l.bf16.f32 v0  }
0x149: {  	v0 =	vunpack.i.u.bf16.f32 v0;
	v2 =	vmul.f32 v2, v1  }
0x14a: {  	s17 =	simm.s32 $0x83C0;
	v0 =	vmul.f32 v0, v1  }
0x14b: {  	s18 =	simm.s32 $0x83D0;
	[tilespmem:s17+$0x0] =	vst.add.f32.msk $0xffff, v2  }
0x14c: {  	[tilespmem:s18+$0x0] =	vst.add.f32.msk $0xffff, v0  }
0x14d: {  	v0 =	vld [tilespmem:s11+$0xFFFFFFB0];
	_ =	sdelay $0x4  }
0x14e: {  	v2 =	vunpack.i.l.bf16.f32 v0  }
0x14f: {  	v0 =	vunpack.i.u.bf16.f32 v0;
	v2 =	vmul.f32 v2, v1  }
0x150: {  	s19 =	simm.s32 $0x83E0;
	v0 =	vmul.f32 v0, v1  }
0x151: {  	s20 =	simm.s32 $0x83F0;
	[tilespmem:s19+$0x0] =	vst.add.f32.msk $0xffff, v2  }
0x152: {  	[tilespmem:s20+$0x0] =	vst.add.f32.msk $0xffff, v0  }
0x153: {  	v0 =	vld [tilespmem:s11+$0xFFFFFFC0];
	_ =	sdelay $0x4  }
0x154: {  	v2 =	vunpack.i.l.bf16.f32 v0  }
0x155: {  	v0 =	vunpack.i.u.bf16.f32 v0;
	v2 =	vmul.f32 v2, v1  }
0x156: {  	s21 =	simm.s32 $0x8400;
	v0 =	vmul.f32 v0, v1  }
0x157: {  	s22 =	simm.s32 $0x8410;
	[tilespmem:s21+$0x0] =	vst.add.f32.msk $0xffff, v2  }
0x158: {  	[tilespmem:s22+$0x0] =	vst.add.f32.msk $0xffff, v0  }
0x159: {  	v0 =	vld [tilespmem:s11+$0xFFFFFFD0];
	_ =	sdelay $0x4  }
0x15a: {  	v2 =	vunpack.i.l.bf16.f32 v0  }
0x15b: {  	v0 =	vunpack.i.u.bf16.f32 v0;
	v2 =	vmul.f32 v2, v1  }
0x15c: {  	s23 =	simm.s32 $0x8420;
	v0 =	vmul.f32 v0, v1  }
0x15d: {  	s24 =	simm.s32 $0x8430;
	[tilespmem:s23+$0x0] =	vst.add.f32.msk $0xffff, v2  }
0x15e: {  	[tilespmem:s24+$0x0] =	vst.add.f32.msk $0xffff, v0  }
0x15f: {  	v0 =	vld [tilespmem:s11+$0xFFFFFFE0];
	_ =	sdelay $0x4  }
0x160: {  	v2 =	vunpack.i.l.bf16.f32 v0  }
0x161: {  	v0 =	vunpack.i.u.bf16.f32 v0;
	v2 =	vmul.f32 v2, v1  }
0x162: {  	s25 =	simm.s32 $0x8440;
	v0 =	vmul.f32 v0, v1  }
0x163: {  	s26 =	simm.s32 $0x8450;
	[tilespmem:s25+$0x0] =	vst.add.f32.msk $0xffff, v2  }
0x164: {  	[tilespmem:s26+$0x0] =	vst.add.f32.msk $0xffff, v0  }
0x165: {  	v0 =	vld [tilespmem:s11+$0xFFFFFFF0];
	_ =	sdelay $0x4  }
0x166: {  	v2 =	vunpack.i.l.bf16.f32 v0  }
0x167: {  	v0 =	vunpack.i.u.bf16.f32 v0;
	v2 =	vmul.f32 v2, v1  }
0x168: {  	s28 =	simm.s32 $0x8460;
	v0 =	vmul.f32 v0, v1  }
0x169: {  	s29 =	simm.s32 $0x8470;
	[tilespmem:s28+$0x0] =	vst.add.f32.msk $0xffff, v2  }
0x16a: {  	[tilespmem:s29+$0x0] =	vst.add.f32.msk $0xffff, v0  }
0x16b: {  	v0 =	vld [tilespmem:s11+$0x0];
	_ =	sdelay $0x4  }
0x16c: {  	v2 =	vunpack.i.l.bf16.f32 v0  }
0x16d: {  	v2 =	vmul.f32 v2, v1  }
0x16e: {  	s13 =	sor.u32 $0x1, s30;
	s30 =	simm.s32 $0x8480;
	v0 =	vunpack.i.u.bf16.f32 v0  }
0x16f: {  	s31 =	simm.s32 $0x8490;
	s12 =	simm.s32 $0x80;
	[dreg:$0x17] =	wrdreg s13;
	v0 =	vmul.f32 v0, v1;
	[tilespmem:s30+$0x0] =	vst.add.f32.msk $0xffff, v2  }
.LBB2_5:
0x170: {  	p1 =	sne.s32 s12, $0x8C0  }
0x171: {  	[tilespmem:s31+$0x0] =	vst.add.f32.msk $0xffff, v0;
	s11 =	sadd.s32 $0xC0, s11;
	s13 =	smov.u32 s12;
	s12 =	sadd.s32 $0x40, s12  }
0x172: {  	s13 =	sshra.s32 s13, $0x2;
	v1 =	vld [tilespmem:s11+$0xFFFFFF50]  }
0x173: {  	v0 =	vld [tilespmem:s13+$0x2E0];
	_ =	sdelay $0x3  }
0x174: {  	v2 =	vunpack.i.u.bf16.f32 v1;
	v1 =	vunpack.i.l.bf16.f32 v1  }
0x175: {  	v1 =	vmul.f32 v1, v0;
	v2 =	vmul.f32 v2, v0;
	_ =	sdelay $0x1  }
0x176: {  	[tilespmem:s0+$0x0] =	vst.add.f32.msk $0xffff, v1  }
0x177: {  	[tilespmem:s1+$0x0] =	vst.add.f32.msk $0xffff, v2  }
0x178: {  	v1 =	vld [tilespmem:s11+$0xFFFFFF60];
	_ =	sdelay $0x4  }
0x179: {  	v2 =	vunpack.i.u.bf16.f32 v1;
	v1 =	vunpack.i.l.bf16.f32 v1  }
0x17a: {  	v1 =	vmul.f32 v1, v0;
	v2 =	vmul.f32 v2, v0;
	_ =	sdelay $0x1  }
0x17b: {  	[tilespmem:s2+$0x0] =	vst.add.f32.msk $0xffff, v1  }
0x17c: {  	[tilespmem:s3+$0x0] =	vst.add.f32.msk $0xffff, v2  }
0x17d: {  	v1 =	vld [tilespmem:s11+$0xFFFFFF70];
	_ =	sdelay $0x4  }
0x17e: {  	v2 =	vunpack.i.u.bf16.f32 v1;
	v1 =	vunpack.i.l.bf16.f32 v1  }
0x17f: {  	v1 =	vmul.f32 v1, v0;
	v2 =	vmul.f32 v2, v0;
	_ =	sdelay $0x1  }
0x180: {  	[tilespmem:s5+$0x0] =	vst.add.f32.msk $0xffff, v1  }
0x181: {  	[tilespmem:s6+$0x0] =	vst.add.f32.msk $0xffff, v2  }
0x182: {  	v1 =	vld [tilespmem:s11+$0xFFFFFF80];
	_ =	sdelay $0x4  }
0x183: {  	v2 =	vunpack.i.u.bf16.f32 v1;
	v1 =	vunpack.i.l.bf16.f32 v1  }
0x184: {  	v1 =	vmul.f32 v1, v0;
	v2 =	vmul.f32 v2, v0;
	_ =	sdelay $0x1  }
0x185: {  	[tilespmem:s7+$0x0] =	vst.add.f32.msk $0xffff, v1  }
0x186: {  	[tilespmem:s14+$0x0] =	vst.add.f32.msk $0xffff, v2  }
0x187: {  	v1 =	vld [tilespmem:s11+$0xFFFFFF90];
	_ =	sdelay $0x4  }
0x188: {  	v2 =	vunpack.i.u.bf16.f32 v1;
	v1 =	vunpack.i.l.bf16.f32 v1  }
0x189: {  	v1 =	vmul.f32 v1, v0;
	v2 =	vmul.f32 v2, v0;
	_ =	sdelay $0x1  }
0x18a: {  	[tilespmem:s15+$0x0] =	vst.add.f32.msk $0xffff, v1  }
0x18b: {  	[tilespmem:s16+$0x0] =	vst.add.f32.msk $0xffff, v2  }
0x18c: {  	v1 =	vld [tilespmem:s11+$0xFFFFFFA0];
	_ =	sdelay $0x4  }
0x18d: {  	v2 =	vunpack.i.u.bf16.f32 v1;
	v1 =	vunpack.i.l.bf16.f32 v1  }
0x18e: {  	v1 =	vmul.f32 v1, v0;
	v2 =	vmul.f32 v2, v0;
	_ =	sdelay $0x1  }
0x18f: {  	[tilespmem:s17+$0x0] =	vst.add.f32.msk $0xffff, v1  }
0x190: {  	[tilespmem:s18+$0x0] =	vst.add.f32.msk $0xffff, v2  }
0x191: {  	v1 =	vld [tilespmem:s11+$0xFFFFFFB0];
	_ =	sdelay $0x4  }
0x192: {  	v2 =	vunpack.i.u.bf16.f32 v1;
	v1 =	vunpack.i.l.bf16.f32 v1  }
0x193: {  	v1 =	vmul.f32 v1, v0;
	v2 =	vmul.f32 v2, v0;
	_ =	sdelay $0x1  }
0x194: {  	[tilespmem:s19+$0x0] =	vst.add.f32.msk $0xffff, v1  }
0x195: {  	[tilespmem:s20+$0x0] =	vst.add.f32.msk $0xffff, v2  }
0x196: {  	v1 =	vld [tilespmem:s11+$0xFFFFFFC0];
	_ =	sdelay $0x4  }
0x197: {  	v2 =	vunpack.i.u.bf16.f32 v1;
	v1 =	vunpack.i.l.bf16.f32 v1  }
0x198: {  	v1 =	vmul.f32 v1, v0;
	v2 =	vmul.f32 v2, v0;
	_ =	sdelay $0x1  }
0x199: {  	[tilespmem:s21+$0x0] =	vst.add.f32.msk $0xffff, v1  }
0x19a: {  	[tilespmem:s22+$0x0] =	vst.add.f32.msk $0xffff, v2  }
0x19b: {  	v1 =	vld [tilespmem:s11+$0xFFFFFFD0];
	_ =	sdelay $0x4  }
0x19c: {  	v2 =	vunpack.i.u.bf16.f32 v1;
	v1 =	vunpack.i.l.bf16.f32 v1  }
0x19d: {  	v1 =	vmul.f32 v1, v0;
	v2 =	vmul.f32 v2, v0;
	_ =	sdelay $0x1  }
0x19e: {  	[tilespmem:s23+$0x0] =	vst.add.f32.msk $0xffff, v1  }
0x19f: {  	[tilespmem:s24+$0x0] =	vst.add.f32.msk $0xffff, v2  }
0x1a0: {  	v1 =	vld [tilespmem:s11+$0xFFFFFFE0];
	_ =	sdelay $0x4  }
0x1a1: {  	v2 =	vunpack.i.u.bf16.f32 v1;
	v1 =	vunpack.i.l.bf16.f32 v1  }
0x1a2: {  	v1 =	vmul.f32 v1, v0;
	v2 =	vmul.f32 v2, v0;
	_ =	sdelay $0x1  }
0x1a3: {  	[tilespmem:s25+$0x0] =	vst.add.f32.msk $0xffff, v1  }
0x1a4: {  	[tilespmem:s26+$0x0] =	vst.add.f32.msk $0xffff, v2  }
0x1a5: {  	v1 =	vld [tilespmem:s11+$0xFFFFFFF0];
	_ =	sdelay $0x4  }
0x1a6: {  	v2 =	vunpack.i.u.bf16.f32 v1;
	v1 =	vunpack.i.l.bf16.f32 v1  }
0x1a7: {  	v1 =	vmul.f32 v1, v0;
	v2 =	vmul.f32 v2, v0;
	_ =	sdelay $0x1  }
0x1a8: {  	[tilespmem:s28+$0x0] =	vst.add.f32.msk $0xffff, v1  }
0x1a9: {  	[tilespmem:s29+$0x0] =	vst.add.f32.msk $0xffff, v2  }
0x1aa: {  	v1 =	vld [tilespmem:s11+$0x0];
	_ =	sdelay $0x3  }
.Ltmp1:
0x1ab: {  	(pc) =	sbr.rel @p1 .LBB2_5-.Ltmp1, $3  }
0x1ac: {  	v2 =	vunpack.i.u.bf16.f32 v1;
	v1 =	vunpack.i.l.bf16.f32 v1  }
0x1ad: {  	v1 =	vmul.f32 v1, v0;
	v0 =	vmul.f32 v2, v0;
	_ =	sdelay $0x1  }
0x1ae: {  	[tilespmem:s30+$0x0] =	vst.add.f32.msk $0xffff, v1  }
0x1af: {  	s1 =	rddreg [dreg:$0x14]  }
0x1b0: {  	s11 =	sadd.s32 $0x4, s1  }
0x1b1: {  	s3 =	rddreg [dreg:$0x5];
	s11 =	sand.u32 $0x7C, s11  }
0x1b2: {  	s13 =	rddreg [dreg:$0x4];
	s11 =	sor.u32 s3, s11  }
0x1b3: {  	s17 =	rddreg [dreg:$0x17];
	s12 =	smul.u32 $0x5, s11  }
0x1b4: {  	s2 =	simm.s32 $0x0;
	s19 =	rddreg [dreg:$0x6];
	s20 =	simm.s32 $0xA0  }
0x1b5: {  	[tilespmem:s31+$0x0] =	vst.add.f32.msk $0xffff, v0;
	s18 =	sadd.s32 s3, s17;
	s11 =	smul.u32 $0x48, s11;
	s12 =	sadd.s32 s13, s12  }
0x1b6: {  	[tilespmem:s2], [sflag:$0x1] =	stream.linear.gather [hbm4b:s12+s2], $0x28, $0x38;
	[tilespmem:$0x147A0] =	vst v63  }
0x1b7: {  	s21 =	rddreg [dreg:$0x1];
	s11 =	sadd.s32 s19, s11;
	s12 =	smul.u32 $0x30, s18  }
0x1b8: {  	[tilespmem:s20], [sflag:$0x1] =	stream.linear.gather [hbm4b:s11+s2], $0x240, $0x38;
	[tilespmem:$0x147A0] =	vst v63  }
0x1b9: {  	s22 =	simm.s32 $0x7;
	s11 =	sadd.s32 s21, s12  }
0x1ba: {  	[hbm4b:s11+s2] =	stream.linear.scatter [tilespmem:s0], [sflag:$0xA], $0x180, $0x38;
	[tilespmem:$0x147A0] =	vst v63  }
0x1bb: {  	_ =	swait.ge [sflag:s22], $0x1B00  }
0x1bc: {  	[sflag:s22] =	ssyncset.done $0x0  }
0x1bd: {  	s23 =	simm.s32 $0x1;
	[sflag:s22] =	ssyncadd.s32 $0xFFFFE500  }
0x1be: {  	_ =	swait.ge [sflag:s23], $0x28  }
0x1bf: {  	[sflag:s23] =	ssyncset.done $0x0  }
0x1c0: {  	[sflag:s23] =	ssyncadd.s32 $0xFFFFFFD8  }
0x1c1: {  	_ =	swait.ge [sflag:s23], $0x240  }
0x1c2: {  	[sflag:s23] =	ssyncset.done $0x0  }
0x1c3: {  	[sflag:s23] =	ssyncadd.s32 $0xFFFFFDC0  }
0x1c4: {  	s24 =	simm.s32 $0x24;
	s25 =	simm.s32 $0x9A0;
	s11 =	rddreg [dreg:$0x2]  }
0x1c5: {  	[tilespmem:s25], [sflag:$0x5] =	stream.indirect.gather [spmem:s11], $0xC0, s2, s24, $0xb8;
	[tilespmem:$0x147A0] =	vst v63  }
0x1c6: {  	s11 =	simm.s32 @!p0 $0xB  }
0x1c7: {  	_ =	swait.ge @!p0 [sflag:s11], $0x180  }
0x1c8: {  	[sflag:s11] =	ssyncset.done @!p0 $0x0  }
0x1c9: {  	[sflag:s11] =	ssyncadd.s32 @!p0 $0xFFFFFE80  }
0x1ca: {  	v0 =	vld [tilespmem:$0x45A0]  }
0x1cb: {  	v1 =	vld [tilespmem:$0x520]  }
0x1cc: {  	v2 =	vld [tilespmem:$0x45B0];
	_ =	sdelay $0x1  }
0x1cd: {  	v3 =	vld [tilespmem:$0x45C0]  }
0x1ce: {  	v4 =	vunpack.i.l.bf16.f32 v0  }
0x1cf: {  	v5 =	vld [tilespmem:$0x45D0];
	v0 =	vunpack.i.u.bf16.f32 v0;
	v4 =	vmul.f32 v4, v1  }
0x1d0: {  	v6 =	vunpack.i.l.bf16.f32 v2;
	v0 =	vmul.f32 v0, v1  }
0x1d1: {  	v56 =	vld [tilespmem:$0x45E0];
	v2 =	vunpack.i.u.bf16.f32 v2;
	v55 =	vmul.f32 v6, v1;
	[tilespmem:$0x84A0] =	vst v4  }
0x1d2: {  	[tilespmem:$0x84B0] =	vst v0;
	v0 =	vmul.f32 v2, v1;
	v2 =	vunpack.i.l.bf16.f32 v3  }
0x1d3: {  	v57 =	vld [tilespmem:$0x45F0];
	[tilespmem:$0x84C0] =	vst v55;
	v3 =	vunpack.i.u.bf16.f32 v3;
	v2 =	vmul.f32 v2, v1  }
0x1d4: {  	[tilespmem:$0x84D0] =	vst v0;
	v0 =	vmul.f32 v3, v1;
	v3 =	vunpack.i.l.bf16.f32 v5  }
0x1d5: {  	v58 =	vld [tilespmem:$0x4600];
	[tilespmem:$0x84E0] =	vst v2;
	v2 =	vunpack.i.u.bf16.f32 v5;
	v3 =	vmul.f32 v3, v1  }
0x1d6: {  	[tilespmem:$0x84F0] =	vst v0;
	v0 =	vmul.f32 v2, v1;
	v2 =	vunpack.i.l.bf16.f32 v56  }
0x1d7: {  	v59 =	vld [tilespmem:$0x4610];
	[tilespmem:$0x8500] =	vst v3;
	v3 =	vunpack.i.u.bf16.f32 v56;
	v2 =	vmul.f32 v2, v1  }
0x1d8: {  	[tilespmem:$0x8510] =	vst v0;
	v0 =	vmul.f32 v3, v1;
	v3 =	vunpack.i.l.bf16.f32 v57  }
0x1d9: {  	v60 =	vld [tilespmem:$0x4620];
	[tilespmem:$0x8520] =	vst v2;
	v2 =	vunpack.i.u.bf16.f32 v57;
	v3 =	vmul.f32 v3, v1  }
0x1da: {  	[tilespmem:$0x8530] =	vst v0;
	v0 =	vmul.f32 v2, v1;
	v2 =	vunpack.i.l.bf16.f32 v58  }
0x1db: {  	v61 =	vld [tilespmem:$0x4630];
	[tilespmem:$0x8540] =	vst v3;
	v3 =	vunpack.i.u.bf16.f32 v58;
	v2 =	vmul.f32 v2, v1  }
0x1dc: {  	[tilespmem:$0x8550] =	vst v0;
	v0 =	vmul.f32 v3, v1;
	v3 =	vunpack.i.l.bf16.f32 v59  }
0x1dd: {  	v62 =	vld [tilespmem:$0x4640];
	[tilespmem:$0x8560] =	vst v2;
	v2 =	vunpack.i.u.bf16.f32 v59;
	v3 =	vmul.f32 v3, v1  }
0x1de: {  	[tilespmem:$0x8570] =	vst v0;
	v0 =	vmul.f32 v2, v1;
	v2 =	vunpack.i.l.bf16.f32 v60  }
0x1df: {  	v63 =	vld [tilespmem:$0x4650];
	[tilespmem:$0x8580] =	vst v3;
	v3 =	vunpack.i.u.bf16.f32 v60;
	v2 =	vmul.f32 v2, v1  }
0x1e0: {  	[tilespmem:$0x8590] =	vst v0;
	v0 =	vmul.f32 v3, v1;
	v3 =	vunpack.i.l.bf16.f32 v61  }
0x1e1: {  	[tilespmem:$0x85A0] =	vst v2;
	v2 =	vunpack.i.u.bf16.f32 v61;
	v3 =	vmul.f32 v3, v1  }
0x1e2: {  	[tilespmem:$0x85B0] =	vst v0;
	v0 =	vmul.f32 v2, v1;
	v2 =	vunpack.i.l.bf16.f32 v62  }
0x1e3: {  	[tilespmem:$0x85C0] =	vst v3;
	v3 =	vunpack.i.u.bf16.f32 v62;
	v2 =	vmul.f32 v2, v1  }
0x1e4: {  	[tilespmem:$0x85D0] =	vst v0;
	v0 =	vmul.f32 v3, v1;
	v3 =	vunpack.i.l.bf16.f32 v63  }
0x1e5: {  	[tilespmem:$0x85E0] =	vst v2;
	v2 =	vunpack.i.u.bf16.f32 v63;
	v3 =	vmul.f32 v3, v1  }
0x1e6: {  	[tilespmem:$0x85F0] =	vst v0;
	v0 =	vmul.f32 v2, v1  }
0x1e7: {  	[tilespmem:$0x8600] =	vst v3  }
0x1e8: {  	s11 =	simm.s32 $0x4710;
	[tilespmem:$0x8610] =	vst v0  }
0x1e9: {  	s26 =	simm.s32 $0x10;
	v0 =	vld [tilespmem:s11+$0xFFFFFF50]  }
0x1ea: {  	v1 =	vld [tilespmem:s26+$0x520];
	_ =	sdelay $0x3  }
0x1eb: {  	v2 =	vunpack.i.l.bf16.f32 v0  }
0x1ec: {  	v0 =	vunpack.i.u.bf16.f32 v0;
	v2 =	vmul.f32 v2, v1  }
0x1ed: {  	s0 =	simm.s32 $0x84A0;
	v0 =	vmul.f32 v0, v1  }
0x1ee: {  	s1 =	simm.s32 $0x84B0;
	[tilespmem:s0+$0x0] =	vst.add.f32.msk $0xffff, v2  }
0x1ef: {  	[tilespmem:s1+$0x0] =	vst.add.f32.msk $0xffff, v0  }
0x1f0: {  	v0 =	vld [tilespmem:s11+$0xFFFFFF60];
	_ =	sdelay $0x4  }
0x1f1: {  	v2 =	vunpack.i.l.bf16.f32 v0  }
0x1f2: {  	v0 =	vunpack.i.u.bf16.f32 v0;
	v2 =	vmul.f32 v2, v1  }
0x1f3: {  	s2 =	simm.s32 $0x84C0;
	v0 =	vmul.f32 v0, v1  }
0x1f4: {  	s3 =	simm.s32 $0x84D0;
	[tilespmem:s2+$0x0] =	vst.add.f32.msk $0xffff, v2  }
0x1f5: {  	[tilespmem:s3+$0x0] =	vst.add.f32.msk $0xffff, v0  }
0x1f6: {  	v0 =	vld [tilespmem:s11+$0xFFFFFF70];
	_ =	sdelay $0x4  }
0x1f7: {  	v2 =	vunpack.i.l.bf16.f32 v0  }
0x1f8: {  	v0 =	vunpack.i.u.bf16.f32 v0;
	v2 =	vmul.f32 v2, v1  }
0x1f9: {  	s5 =	simm.s32 $0x84E0;
	v0 =	vmul.f32 v0, v1  }
0x1fa: {  	s6 =	simm.s32 $0x84F0;
	[tilespmem:s5+$0x0] =	vst.add.f32.msk $0xffff, v2  }
0x1fb: {  	[tilespmem:s6+$0x0] =	vst.add.f32.msk $0xffff, v0  }
0x1fc: {  	v0 =	vld [tilespmem:s11+$0xFFFFFF80];
	_ =	sdelay $0x4  }
0x1fd: {  	v2 =	vunpack.i.l.bf16.f32 v0  }
0x1fe: {  	v0 =	vunpack.i.u.bf16.f32 v0;
	v2 =	vmul.f32 v2, v1  }
0x1ff: {  	s7 =	simm.s32 $0x8500;
	v0 =	vmul.f32 v0, v1  }
0x200: {  	s14 =	simm.s32 $0x8510;
	[tilespmem:s7+$0x0] =	vst.add.f32.msk $0xffff, v2  }
0x201: {  	[tilespmem:s14+$0x0] =	vst.add.f32.msk $0xffff, v0  }
0x202: {  	v0 =	vld [tilespmem:s11+$0xFFFFFF90];
	_ =	sdelay $0x4  }
0x203: {  	v2 =	vunpack.i.l.bf16.f32 v0  }
0x204: {  	v0 =	vunpack.i.u.bf16.f32 v0;
	v2 =	vmul.f32 v2, v1  }
0x205: {  	s15 =	simm.s32 $0x8520;
	v0 =	vmul.f32 v0, v1  }
0x206: {  	s16 =	simm.s32 $0x8530;
	[tilespmem:s15+$0x0] =	vst.add.f32.msk $0xffff, v2  }
0x207: {  	[tilespmem:s16+$0x0] =	vst.add.f32.msk $0xffff, v0  }
0x208: {  	v0 =	vld [tilespmem:s11+$0xFFFFFFA0];
	_ =	sdelay $0x4  }
0x209: {  	v2 =	vunpack.i.l.bf16.f32 v0  }
0x20a: {  	v0 =	vunpack.i.u.bf16.f32 v0;
	v2 =	vmul.f32 v2, v1  }
0x20b: {  	s17 =	simm.s32 $0x8540;
	v0 =	vmul.f32 v0, v1  }
0x20c: {  	s18 =	simm.s32 $0x8550;
	[tilespmem:s17+$0x0] =	vst.add.f32.msk $0xffff, v2  }
0x20d: {  	[tilespmem:s18+$0x0] =	vst.add.f32.msk $0xffff, v0  }
0x20e: {  	v0 =	vld [tilespmem:s11+$0xFFFFFFB0];
	_ =	sdelay $0x4  }
0x20f: {  	v2 =	vunpack.i.l.bf16.f32 v0  }
0x210: {  	v0 =	vunpack.i.u.bf16.f32 v0;
	v2 =	vmul.f32 v2, v1  }
0x211: {  	s19 =	simm.s32 $0x8560;
	v0 =	vmul.f32 v0, v1  }
0x212: {  	s20 =	simm.s32 $0x8570;
	[tilespmem:s19+$0x0] =	vst.add.f32.msk $0xffff, v2  }
0x213: {  	[tilespmem:s20+$0x0] =	vst.add.f32.msk $0xffff, v0  }
0x214: {  	v0 =	vld [tilespmem:s11+$0xFFFFFFC0];
	_ =	sdelay $0x4  }
0x215: {  	v2 =	vunpack.i.l.bf16.f32 v0  }
0x216: {  	v0 =	vunpack.i.u.bf16.f32 v0;
	v2 =	vmul.f32 v2, v1  }
0x217: {  	s21 =	simm.s32 $0x8580;
	v0 =	vmul.f32 v0, v1  }
0x218: {  	s22 =	simm.s32 $0x8590;
	[tilespmem:s21+$0x0] =	vst.add.f32.msk $0xffff, v2  }
0x219: {  	[tilespmem:s22+$0x0] =	vst.add.f32.msk $0xffff, v0  }
0x21a: {  	v0 =	vld [tilespmem:s11+$0xFFFFFFD0];
	_ =	sdelay $0x4  }
0x21b: {  	v2 =	vunpack.i.l.bf16.f32 v0  }
0x21c: {  	v0 =	vunpack.i.u.bf16.f32 v0;
	v2 =	vmul.f32 v2, v1  }
0x21d: {  	s23 =	simm.s32 $0x85A0;
	v0 =	vmul.f32 v0, v1  }
0x21e: {  	s24 =	simm.s32 $0x85B0;
	[tilespmem:s23+$0x0] =	vst.add.f32.msk $0xffff, v2  }
0x21f: {  	[tilespmem:s24+$0x0] =	vst.add.f32.msk $0xffff, v0  }
0x220: {  	v0 =	vld [tilespmem:s11+$0xFFFFFFE0];
	_ =	sdelay $0x4  }
0x221: {  	v2 =	vunpack.i.l.bf16.f32 v0  }
0x222: {  	v0 =	vunpack.i.u.bf16.f32 v0;
	v2 =	vmul.f32 v2, v1  }
0x223: {  	s25 =	simm.s32 $0x85C0;
	v0 =	vmul.f32 v0, v1  }
0x224: {  	s26 =	simm.s32 $0x85D0;
	[tilespmem:s25+$0x0] =	vst.add.f32.msk $0xffff, v2  }
0x225: {  	[tilespmem:s26+$0x0] =	vst.add.f32.msk $0xffff, v0  }
0x226: {  	v0 =	vld [tilespmem:s11+$0xFFFFFFF0];
	_ =	sdelay $0x4  }
0x227: {  	v2 =	vunpack.i.l.bf16.f32 v0  }
0x228: {  	v0 =	vunpack.i.u.bf16.f32 v0;
	v2 =	vmul.f32 v2, v1  }
0x229: {  	s28 =	simm.s32 $0x85E0;
	v0 =	vmul.f32 v0, v1  }
0x22a: {  	s29 =	simm.s32 $0x85F0;
	[tilespmem:s28+$0x0] =	vst.add.f32.msk $0xffff, v2  }
0x22b: {  	[tilespmem:s29+$0x0] =	vst.add.f32.msk $0xffff, v0  }
0x22c: {  	v0 =	vld [tilespmem:s11+$0x0];
	_ =	sdelay $0x4  }
0x22d: {  	v2 =	vunpack.i.l.bf16.f32 v0  }
0x22e: {  	v2 =	vmul.f32 v2, v1  }
0x22f: {  	s30 =	simm.s32 $0x8600;
	v0 =	vunpack.i.u.bf16.f32 v0  }
0x230: {  	s31 =	simm.s32 $0x8610;
	s12 =	simm.s32 $0x80;
	v0 =	vmul.f32 v0, v1;
	[tilespmem:s30+$0x0] =	vst.add.f32.msk $0xffff, v2  }
.LBB2_7:
0x231: {  	p1 =	sne.s32 s12, $0x8C0  }
0x232: {  	[tilespmem:s31+$0x0] =	vst.add.f32.msk $0xffff, v0;
	s11 =	sadd.s32 $0xC0, s11;
	s13 =	smov.u32 s12;
	s12 =	sadd.s32 $0x40, s12  }
0x233: {  	s13 =	sshra.s32 s13, $0x2;
	v1 =	vld [tilespmem:s11+$0xFFFFFF50]  }
0x234: {  	v0 =	vld [tilespmem:s13+$0x520];
	_ =	sdelay $0x3  }
0x235: {  	v2 =	vunpack.i.u.bf16.f32 v1;
	v1 =	vunpack.i.l.bf16.f32 v1  }
0x236: {  	v1 =	vmul.f32 v1, v0;
	v2 =	vmul.f32 v2, v0;
	_ =	sdelay $0x1  }
0x237: {  	[tilespmem:s0+$0x0] =	vst.add.f32.msk $0xffff, v1  }
0x238: {  	[tilespmem:s1+$0x0] =	vst.add.f32.msk $0xffff, v2  }
0x239: {  	v1 =	vld [tilespmem:s11+$0xFFFFFF60];
	_ =	sdelay $0x4  }
0x23a: {  	v2 =	vunpack.i.u.bf16.f32 v1;
	v1 =	vunpack.i.l.bf16.f32 v1  }
0x23b: {  	v1 =	vmul.f32 v1, v0;
	v2 =	vmul.f32 v2, v0;
	_ =	sdelay $0x1  }
0x23c: {  	[tilespmem:s2+$0x0] =	vst.add.f32.msk $0xffff, v1  }
0x23d: {  	[tilespmem:s3+$0x0] =	vst.add.f32.msk $0xffff, v2  }
0x23e: {  	v1 =	vld [tilespmem:s11+$0xFFFFFF70];
	_ =	sdelay $0x4  }
0x23f: {  	v2 =	vunpack.i.u.bf16.f32 v1;
	v1 =	vunpack.i.l.bf16.f32 v1  }
0x240: {  	v1 =	vmul.f32 v1, v0;
	v2 =	vmul.f32 v2, v0;
	_ =	sdelay $0x1  }
0x241: {  	[tilespmem:s5+$0x0] =	vst.add.f32.msk $0xffff, v1  }
0x242: {  	[tilespmem:s6+$0x0] =	vst.add.f32.msk $0xffff, v2  }
0x243: {  	v1 =	vld [tilespmem:s11+$0xFFFFFF80];
	_ =	sdelay $0x4  }
0x244: {  	v2 =	vunpack.i.u.bf16.f32 v1;
	v1 =	vunpack.i.l.bf16.f32 v1  }
0x245: {  	v1 =	vmul.f32 v1, v0;
	v2 =	vmul.f32 v2, v0;
	_ =	sdelay $0x1  }
0x246: {  	[tilespmem:s7+$0x0] =	vst.add.f32.msk $0xffff, v1  }
0x247: {  	[tilespmem:s14+$0x0] =	vst.add.f32.msk $0xffff, v2  }
0x248: {  	v1 =	vld [tilespmem:s11+$0xFFFFFF90];
	_ =	sdelay $0x4  }
0x249: {  	v2 =	vunpack.i.u.bf16.f32 v1;
	v1 =	vunpack.i.l.bf16.f32 v1  }
0x24a: {  	v1 =	vmul.f32 v1, v0;
	v2 =	vmul.f32 v2, v0;
	_ =	sdelay $0x1  }
0x24b: {  	[tilespmem:s15+$0x0] =	vst.add.f32.msk $0xffff, v1  }
0x24c: {  	[tilespmem:s16+$0x0] =	vst.add.f32.msk $0xffff, v2  }
0x24d: {  	v1 =	vld [tilespmem:s11+$0xFFFFFFA0];
	_ =	sdelay $0x4  }
0x24e: {  	v2 =	vunpack.i.u.bf16.f32 v1;
	v1 =	vunpack.i.l.bf16.f32 v1  }
0x24f: {  	v1 =	vmul.f32 v1, v0;
	v2 =	vmul.f32 v2, v0;
	_ =	sdelay $0x1  }
0x250: {  	[tilespmem:s17+$0x0] =	vst.add.f32.msk $0xffff, v1  }
0x251: {  	[tilespmem:s18+$0x0] =	vst.add.f32.msk $0xffff, v2  }
0x252: {  	v1 =	vld [tilespmem:s11+$0xFFFFFFB0];
	_ =	sdelay $0x4  }
0x253: {  	v2 =	vunpack.i.u.bf16.f32 v1;
	v1 =	vunpack.i.l.bf16.f32 v1  }
0x254: {  	v1 =	vmul.f32 v1, v0;
	v2 =	vmul.f32 v2, v0;
	_ =	sdelay $0x1  }
0x255: {  	[tilespmem:s19+$0x0] =	vst.add.f32.msk $0xffff, v1  }
0x256: {  	[tilespmem:s20+$0x0] =	vst.add.f32.msk $0xffff, v2  }
0x257: {  	v1 =	vld [tilespmem:s11+$0xFFFFFFC0];
	_ =	sdelay $0x4  }
0x258: {  	v2 =	vunpack.i.u.bf16.f32 v1;
	v1 =	vunpack.i.l.bf16.f32 v1  }
0x259: {  	v1 =	vmul.f32 v1, v0;
	v2 =	vmul.f32 v2, v0;
	_ =	sdelay $0x1  }
0x25a: {  	[tilespmem:s21+$0x0] =	vst.add.f32.msk $0xffff, v1  }
0x25b: {  	[tilespmem:s22+$0x0] =	vst.add.f32.msk $0xffff, v2  }
0x25c: {  	v1 =	vld [tilespmem:s11+$0xFFFFFFD0];
	_ =	sdelay $0x4  }
0x25d: {  	v2 =	vunpack.i.u.bf16.f32 v1;
	v1 =	vunpack.i.l.bf16.f32 v1  }
0x25e: {  	v1 =	vmul.f32 v1, v0;
	v2 =	vmul.f32 v2, v0;
	_ =	sdelay $0x1  }
0x25f: {  	[tilespmem:s23+$0x0] =	vst.add.f32.msk $0xffff, v1  }
0x260: {  	[tilespmem:s24+$0x0] =	vst.add.f32.msk $0xffff, v2  }
0x261: {  	v1 =	vld [tilespmem:s11+$0xFFFFFFE0];
	_ =	sdelay $0x4  }
0x262: {  	v2 =	vunpack.i.u.bf16.f32 v1;
	v1 =	vunpack.i.l.bf16.f32 v1  }
0x263: {  	v1 =	vmul.f32 v1, v0;
	v2 =	vmul.f32 v2, v0;
	_ =	sdelay $0x1  }
0x264: {  	[tilespmem:s25+$0x0] =	vst.add.f32.msk $0xffff, v1  }
0x265: {  	[tilespmem:s26+$0x0] =	vst.add.f32.msk $0xffff, v2  }
0x266: {  	v1 =	vld [tilespmem:s11+$0xFFFFFFF0];
	_ =	sdelay $0x4  }
0x267: {  	v2 =	vunpack.i.u.bf16.f32 v1;
	v1 =	vunpack.i.l.bf16.f32 v1  }
0x268: {  	v1 =	vmul.f32 v1, v0;
	v2 =	vmul.f32 v2, v0;
	_ =	sdelay $0x1  }
0x269: {  	[tilespmem:s28+$0x0] =	vst.add.f32.msk $0xffff, v1  }
0x26a: {  	[tilespmem:s29+$0x0] =	vst.add.f32.msk $0xffff, v2  }
0x26b: {  	v1 =	vld [tilespmem:s11+$0x0];
	_ =	sdelay $0x3  }
.Ltmp2:
0x26c: {  	(pc) =	sbr.rel @p1 .LBB2_7-.Ltmp2, $3  }
0x26d: {  	v2 =	vunpack.i.u.bf16.f32 v1;
	v1 =	vunpack.i.l.bf16.f32 v1  }
0x26e: {  	v1 =	vmul.f32 v1, v0;
	v0 =	vmul.f32 v2, v0;
	_ =	sdelay $0x1  }
0x26f: {  	[tilespmem:s30+$0x0] =	vst.add.f32.msk $0xffff, v1  }
0x270: {  	s1 =	rddreg [dreg:$0x14]  }
0x271: {  	s11 =	sadd.s32 $0x5, s1  }
0x272: {  	s5 =	rddreg [dreg:$0x5];
	s11 =	sand.u32 $0x7D, s11  }
0x273: {  	s13 =	rddreg [dreg:$0x4];
	s11 =	sor.u32 s5, s11  }
0x274: {  	s3 =	simm.s32 $0x0;
	s21 =	rddreg [dreg:$0x16];
	s12 =	smul.u32 $0x5, s11  }
0x275: {  	s2 =	simm.s32 $0x28;
	s23 =	rddreg [dreg:$0x6];
	s24 =	simm.s32 $0x2E0  }
0x276: {  	[tilespmem:s31+$0x0] =	vst.add.f32.msk $0xffff, v0;
	s22 =	sadd.s32 s5, s21;
	s11 =	smul.u32 $0x48, s11;
	s12 =	sadd.s32 s13, s12  }
0x277: {  	[tilespmem:s2], [sflag:$0x2] =	stream.linear.gather [hbm4b:s12+s3], $0x28, $0x38;
	[tilespmem:$0x147A0] =	vst v63  }
0x278: {  	s25 =	rddreg [dreg:$0x1];
	s11 =	sadd.s32 s23, s11;
	s12 =	smul.u32 $0x30, s22  }
0x279: {  	[tilespmem:s24], [sflag:$0x2] =	stream.linear.gather [hbm4b:s11+s3], $0x240, $0x38;
	[tilespmem:$0x147A0] =	vst v63  }
0x27a: {  	s26 =	simm.s32 $0x8;
	s11 =	sadd.s32 s25, s12  }
0x27b: {  	[hbm4b:s11+s3] =	stream.linear.scatter [tilespmem:s0], [sflag:$0xB], $0x180, $0x38;
	[tilespmem:$0x147A0] =	vst v63  }
0x27c: {  	_ =	swait.ge [sflag:s26], $0x1B00  }
0x27d: {  	[sflag:s26] =	ssyncset.done $0x0  }
0x27e: {  	s28 =	simm.s32 $0x2;
	[sflag:s26] =	ssyncadd.s32 $0xFFFFE500  }
0x27f: {  	_ =	swait.ge [sflag:s28], $0x28  }
0x280: {  	[sflag:s28] =	ssyncset.done $0x0  }
0x281: {  	[sflag:s28] =	ssyncadd.s32 $0xFFFFFFD8  }
0x282: {  	_ =	swait.ge [sflag:s28], $0x240  }
0x283: {  	[sflag:s28] =	ssyncset.done $0x0  }
0x284: {  	[sflag:s28] =	ssyncadd.s32 $0xFFFFFDC0  }
0x285: {  	s29 =	simm.s32 $0x24;
	s30 =	simm.s32 $0x27A0;
	s11 =	rddreg [dreg:$0x2]  }
0x286: {  	[tilespmem:s30], [sflag:$0x6] =	stream.indirect.gather [spmem:s11], $0xC0, s2, s29, $0xb8;
	[tilespmem:$0x147A0] =	vst v63  }
0x287: {  	s11 =	simm.s32 @!p0 $0xC  }
0x288: {  	_ =	swait.ge @!p0 [sflag:s11], $0x180  }
0x289: {  	[sflag:s11] =	ssyncset.done @!p0 $0x0  }
0x28a: {  	[sflag:s11] =	ssyncadd.s32 @!p0 $0xFFFFFE80  }
0x28b: {  	v0 =	vld [tilespmem:$0x63A0]  }
0x28c: {  	v1 =	vld [tilespmem:$0x760]  }
0x28d: {  	v2 =	vld [tilespmem:$0x63B0];
	_ =	sdelay $0x1  }
0x28e: {  	v3 =	vld [tilespmem:$0x63C0]  }
0x28f: {  	v4 =	vunpack.i.l.bf16.f32 v0  }
0x290: {  	v5 =	vld [tilespmem:$0x63D0];
	v0 =	vunpack.i.u.bf16.f32 v0;
	v4 =	vmul.f32 v4, v1  }
0x291: {  	v6 =	vunpack.i.l.bf16.f32 v2;
	v0 =	vmul.f32 v0, v1  }
0x292: {  	v56 =	vld [tilespmem:$0x63E0];
	v2 =	vunpack.i.u.bf16.f32 v2;
	v55 =	vmul.f32 v6, v1;
	[tilespmem:$0x8620] =	vst v4  }
0x293: {  	[tilespmem:$0x8630] =	vst v0;
	v0 =	vmul.f32 v2, v1;
	v2 =	vunpack.i.l.bf16.f32 v3  }
0x294: {  	v57 =	vld [tilespmem:$0x63F0];
	[tilespmem:$0x8640] =	vst v55;
	v3 =	vunpack.i.u.bf16.f32 v3;
	v2 =	vmul.f32 v2, v1  }
0x295: {  	[tilespmem:$0x8650] =	vst v0;
	v0 =	vmul.f32 v3, v1;
	v3 =	vunpack.i.l.bf16.f32 v5  }
0x296: {  	v58 =	vld [tilespmem:$0x6400];
	[tilespmem:$0x8660] =	vst v2;
	v2 =	vunpack.i.u.bf16.f32 v5;
	v3 =	vmul.f32 v3, v1  }
0x297: {  	[tilespmem:$0x8670] =	vst v0;
	v0 =	vmul.f32 v2, v1;
	v2 =	vunpack.i.l.bf16.f32 v56  }
0x298: {  	v59 =	vld [tilespmem:$0x6410];
	[tilespmem:$0x8680] =	vst v3;
	v3 =	vunpack.i.u.bf16.f32 v56;
	v2 =	vmul.f32 v2, v1  }
0x299: {  	[tilespmem:$0x8690] =	vst v0;
	v0 =	vmul.f32 v3, v1;
	v3 =	vunpack.i.l.bf16.f32 v57  }
0x29a: {  	v60 =	vld [tilespmem:$0x6420];
	[tilespmem:$0x86A0] =	vst v2;
	v2 =	vunpack.i.u.bf16.f32 v57;
	v3 =	vmul.f32 v3, v1  }
0x29b: {  	[tilespmem:$0x86B0] =	vst v0;
	v0 =	vmul.f32 v2, v1;
	v2 =	vunpack.i.l.bf16.f32 v58  }
0x29c: {  	v61 =	vld [tilespmem:$0x6430];
	[tilespmem:$0x86C0] =	vst v3;
	v3 =	vunpack.i.u.bf16.f32 v58;
	v2 =	vmul.f32 v2, v1  }
0x29d: {  	[tilespmem:$0x86D0] =	vst v0;
	v0 =	vmul.f32 v3, v1;
	v3 =	vunpack.i.l.bf16.f32 v59  }
0x29e: {  	v62 =	vld [tilespmem:$0x6440];
	[tilespmem:$0x86E0] =	vst v2;
	v2 =	vunpack.i.u.bf16.f32 v59;
	v3 =	vmul.f32 v3, v1  }
0x29f: {  	[tilespmem:$0x86F0] =	vst v0;
	v0 =	vmul.f32 v2, v1;
	v2 =	vunpack.i.l.bf16.f32 v60  }
0x2a0: {  	v63 =	vld [tilespmem:$0x6450];
	[tilespmem:$0x8700] =	vst v3;
	v3 =	vunpack.i.u.bf16.f32 v60;
	v2 =	vmul.f32 v2, v1  }
0x2a1: {  	[tilespmem:$0x8710] =	vst v0;
	v0 =	vmul.f32 v3, v1;
	v3 =	vunpack.i.l.bf16.f32 v61  }
0x2a2: {  	[tilespmem:$0x8720] =	vst v2;
	v2 =	vunpack.i.u.bf16.f32 v61;
	v3 =	vmul.f32 v3, v1  }
0x2a3: {  	[tilespmem:$0x8730] =	vst v0;
	v0 =	vmul.f32 v2, v1;
	v2 =	vunpack.i.l.bf16.f32 v62  }
0x2a4: {  	[tilespmem:$0x8740] =	vst v3;
	v3 =	vunpack.i.u.bf16.f32 v62;
	v2 =	vmul.f32 v2, v1  }
0x2a5: {  	[tilespmem:$0x8750] =	vst v0;
	v0 =	vmul.f32 v3, v1;
	v3 =	vunpack.i.l.bf16.f32 v63  }
0x2a6: {  	[tilespmem:$0x8760] =	vst v2;
	v2 =	vunpack.i.u.bf16.f32 v63;
	v3 =	vmul.f32 v3, v1  }
0x2a7: {  	[tilespmem:$0x8770] =	vst v0;
	v0 =	vmul.f32 v2, v1  }
0x2a8: {  	[tilespmem:$0x8780] =	vst v3  }
0x2a9: {  	s11 =	simm.s32 $0x6510;
	[tilespmem:$0x8790] =	vst v0  }
0x2aa: {  	s31 =	simm.s32 $0x10;
	v0 =	vld [tilespmem:s11+$0xFFFFFF50]  }
0x2ab: {  	v1 =	vld [tilespmem:s31+$0x760];
	_ =	sdelay $0x3  }
0x2ac: {  	v2 =	vunpack.i.l.bf16.f32 v0  }
0x2ad: {  	v0 =	vunpack.i.u.bf16.f32 v0;
	v2 =	vmul.f32 v2, v1  }
0x2ae: {  	s0 =	simm.s32 $0x8620;
	v0 =	vmul.f32 v0, v1  }
0x2af: {  	s1 =	simm.s32 $0x8630;
	[tilespmem:s0+$0x0] =	vst.add.f32.msk $0xffff, v2  }
0x2b0: {  	[tilespmem:s1+$0x0] =	vst.add.f32.msk $0xffff, v0  }
0x2b1: {  	v0 =	vld [tilespmem:s11+$0xFFFFFF60];
	_ =	sdelay $0x4  }
0x2b2: {  	v2 =	vunpack.i.l.bf16.f32 v0  }
0x2b3: {  	v0 =	vunpack.i.u.bf16.f32 v0;
	v2 =	vmul.f32 v2, v1  }
0x2b4: {  	s2 =	simm.s32 $0x8640;
	v0 =	vmul.f32 v0, v1  }
0x2b5: {  	s3 =	simm.s32 $0x8650;
	[tilespmem:s2+$0x0] =	vst.add.f32.msk $0xffff, v2  }
0x2b6: {  	[tilespmem:s3+$0x0] =	vst.add.f32.msk $0xffff, v0  }
0x2b7: {  	v0 =	vld [tilespmem:s11+$0xFFFFFF70];
	_ =	sdelay $0x4  }
0x2b8: {  	v2 =	vunpack.i.l.bf16.f32 v0  }
0x2b9: {  	v0 =	vunpack.i.u.bf16.f32 v0;
	v2 =	vmul.f32 v2, v1  }
0x2ba: {  	s5 =	simm.s32 $0x8660;
	v0 =	vmul.f32 v0, v1  }
0x2bb: {  	s6 =	simm.s32 $0x8670;
	[tilespmem:s5+$0x0] =	vst.add.f32.msk $0xffff, v2  }
0x2bc: {  	[tilespmem:s6+$0x0] =	vst.add.f32.msk $0xffff, v0  }
0x2bd: {  	v0 =	vld [tilespmem:s11+$0xFFFFFF80];
	_ =	sdelay $0x4  }
0x2be: {  	v2 =	vunpack.i.l.bf16.f32 v0  }
0x2bf: {  	v0 =	vunpack.i.u.bf16.f32 v0;
	v2 =	vmul.f32 v2, v1  }
0x2c0: {  	s7 =	simm.s32 $0x8680;
	v0 =	vmul.f32 v0, v1  }
0x2c1: {  	s14 =	simm.s32 $0x8690;
	[tilespmem:s7+$0x0] =	vst.add.f32.msk $0xffff, v2  }
0x2c2: {  	[tilespmem:s14+$0x0] =	vst.add.f32.msk $0xffff, v0  }
0x2c3: {  	v0 =	vld [tilespmem:s11+$0xFFFFFF90];
	_ =	sdelay $0x4  }
0x2c4: {  	v2 =	vunpack.i.l.bf16.f32 v0  }
0x2c5: {  	v0 =	vunpack.i.u.bf16.f32 v0;
	v2 =	vmul.f32 v2, v1  }
0x2c6: {  	s15 =	simm.s32 $0x86A0;
	v0 =	vmul.f32 v0, v1  }
0x2c7: {  	s16 =	simm.s32 $0x86B0;
	[tilespmem:s15+$0x0] =	vst.add.f32.msk $0xffff, v2  }
0x2c8: {  	[tilespmem:s16+$0x0] =	vst.add.f32.msk $0xffff, v0  }
0x2c9: {  	v0 =	vld [tilespmem:s11+$0xFFFFFFA0];
	_ =	sdelay $0x4  }
0x2ca: {  	v2 =	vunpack.i.l.bf16.f32 v0  }
0x2cb: {  	v0 =	vunpack.i.u.bf16.f32 v0;
	v2 =	vmul.f32 v2, v1  }
0x2cc: {  	s17 =	simm.s32 $0x86C0;
	v0 =	vmul.f32 v0, v1  }
0x2cd: {  	s18 =	simm.s32 $0x86D0;
	[tilespmem:s17+$0x0] =	vst.add.f32.msk $0xffff, v2  }
0x2ce: {  	[tilespmem:s18+$0x0] =	vst.add.f32.msk $0xffff, v0  }
0x2cf: {  	v0 =	vld [tilespmem:s11+$0xFFFFFFB0];
	_ =	sdelay $0x4  }
0x2d0: {  	v2 =	vunpack.i.l.bf16.f32 v0  }
0x2d1: {  	v0 =	vunpack.i.u.bf16.f32 v0;
	v2 =	vmul.f32 v2, v1  }
0x2d2: {  	s19 =	simm.s32 $0x86E0;
	v0 =	vmul.f32 v0, v1  }
0x2d3: {  	s20 =	simm.s32 $0x86F0;
	[tilespmem:s19+$0x0] =	vst.add.f32.msk $0xffff, v2  }
0x2d4: {  	[tilespmem:s20+$0x0] =	vst.add.f32.msk $0xffff, v0  }
0x2d5: {  	v0 =	vld [tilespmem:s11+$0xFFFFFFC0];
	_ =	sdelay $0x4  }
0x2d6: {  	v2 =	vunpack.i.l.bf16.f32 v0  }
0x2d7: {  	v0 =	vunpack.i.u.bf16.f32 v0;
	v2 =	vmul.f32 v2, v1  }
0x2d8: {  	s21 =	simm.s32 $0x8700;
	v0 =	vmul.f32 v0, v1  }
0x2d9: {  	s22 =	simm.s32 $0x8710;
	[tilespmem:s21+$0x0] =	vst.add.f32.msk $0xffff, v2  }
0x2da: {  	[tilespmem:s22+$0x0] =	vst.add.f32.msk $0xffff, v0  }
0x2db: {  	v0 =	vld [tilespmem:s11+$0xFFFFFFD0];
	_ =	sdelay $0x4  }
0x2dc: {  	v2 =	vunpack.i.l.bf16.f32 v0  }
0x2dd: {  	v0 =	vunpack.i.u.bf16.f32 v0;
	v2 =	vmul.f32 v2, v1  }
0x2de: {  	s23 =	simm.s32 $0x8720;
	v0 =	vmul.f32 v0, v1  }
0x2df: {  	s24 =	simm.s32 $0x8730;
	[tilespmem:s23+$0x0] =	vst.add.f32.msk $0xffff, v2  }
0x2e0: {  	[tilespmem:s24+$0x0] =	vst.add.f32.msk $0xffff, v0  }
0x2e1: {  	v0 =	vld [tilespmem:s11+$0xFFFFFFE0];
	_ =	sdelay $0x4  }
0x2e2: {  	v2 =	vunpack.i.l.bf16.f32 v0  }
0x2e3: {  	v0 =	vunpack.i.u.bf16.f32 v0;
	v2 =	vmul.f32 v2, v1  }
0x2e4: {  	s25 =	simm.s32 $0x8740;
	v0 =	vmul.f32 v0, v1  }
0x2e5: {  	s26 =	simm.s32 $0x8750;
	[tilespmem:s25+$0x0] =	vst.add.f32.msk $0xffff, v2  }
0x2e6: {  	[tilespmem:s26+$0x0] =	vst.add.f32.msk $0xffff, v0  }
0x2e7: {  	v0 =	vld [tilespmem:s11+$0xFFFFFFF0];
	_ =	sdelay $0x4  }
0x2e8: {  	v2 =	vunpack.i.l.bf16.f32 v0  }
0x2e9: {  	v0 =	vunpack.i.u.bf16.f32 v0;
	v2 =	vmul.f32 v2, v1  }
0x2ea: {  	v0 =	vmul.f32 v0, v1  }
0x2eb: {  	[tilespmem:s4+$0x0] =	vst.add.f32.msk $0xffff, v2  }
0x2ec: {  	[tilespmem:s9+$0x0] =	vst.add.f32.msk $0xffff, v0  }
0x2ed: {  	v0 =	vld [tilespmem:s11+$0x0];
	_ =	sdelay $0x4  }
0x2ee: {  	v2 =	vunpack.i.l.bf16.f32 v0  }
0x2ef: {  	v2 =	vmul.f32 v2, v1  }
0x2f0: {  	v0 =	vunpack.i.u.bf16.f32 v0  }
0x2f1: {  	s12 =	simm.s32 $0x80;
	v0 =	vmul.f32 v0, v1;
	[tilespmem:s8+$0x0] =	vst.add.f32.msk $0xffff, v2  }
.LBB2_9:
0x2f2: {  	p0 =	sne.s32 s12, $0x8C0  }
0x2f3: {  	[tilespmem:s10+$0x0] =	vst.add.f32.msk $0xffff, v0;
	s11 =	sadd.s32 $0xC0, s11;
	s13 =	smov.u32 s12;
	s12 =	sadd.s32 $0x40, s12  }
0x2f4: {  	s13 =	sshra.s32 s13, $0x2;
	v1 =	vld [tilespmem:s11+$0xFFFFFF50]  }
0x2f5: {  	v0 =	vld [tilespmem:s13+$0x760];
	_ =	sdelay $0x3  }
0x2f6: {  	v2 =	vunpack.i.u.bf16.f32 v1;
	v1 =	vunpack.i.l.bf16.f32 v1  }
0x2f7: {  	v1 =	vmul.f32 v1, v0;
	v2 =	vmul.f32 v2, v0;
	_ =	sdelay $0x1  }
0x2f8: {  	[tilespmem:s0+$0x0] =	vst.add.f32.msk $0xffff, v1  }
0x2f9: {  	[tilespmem:s1+$0x0] =	vst.add.f32.msk $0xffff, v2  }
0x2fa: {  	v1 =	vld [tilespmem:s11+$0xFFFFFF60];
	_ =	sdelay $0x4  }
0x2fb: {  	v2 =	vunpack.i.u.bf16.f32 v1;
	v1 =	vunpack.i.l.bf16.f32 v1  }
0x2fc: {  	v1 =	vmul.f32 v1, v0;
	v2 =	vmul.f32 v2, v0;
	_ =	sdelay $0x1  }
0x2fd: {  	[tilespmem:s2+$0x0] =	vst.add.f32.msk $0xffff, v1  }
0x2fe: {  	[tilespmem:s3+$0x0] =	vst.add.f32.msk $0xffff, v2  }
0x2ff: {  	v1 =	vld [tilespmem:s11+$0xFFFFFF70];
	_ =	sdelay $0x4  }
0x300: {  	v2 =	vunpack.i.u.bf16.f32 v1;
	v1 =	vunpack.i.l.bf16.f32 v1  }
0x301: {  	v1 =	vmul.f32 v1, v0;
	v2 =	vmul.f32 v2, v0;
	_ =	sdelay $0x1  }
0x302: {  	[tilespmem:s5+$0x0] =	vst.add.f32.msk $0xffff, v1  }
0x303: {  	[tilespmem:s6+$0x0] =	vst.add.f32.msk $0xffff, v2  }
0x304: {  	v1 =	vld [tilespmem:s11+$0xFFFFFF80];
	_ =	sdelay $0x4  }
0x305: {  	v2 =	vunpack.i.u.bf16.f32 v1;
	v1 =	vunpack.i.l.bf16.f32 v1  }
0x306: {  	v1 =	vmul.f32 v1, v0;
	v2 =	vmul.f32 v2, v0;
	_ =	sdelay $0x1  }
0x307: {  	[tilespmem:s7+$0x0] =	vst.add.f32.msk $0xffff, v1  }
0x308: {  	[tilespmem:s14+$0x0] =	vst.add.f32.msk $0xffff, v2  }
0x309: {  	v1 =	vld [tilespmem:s11+$0xFFFFFF90];
	_ =	sdelay $0x4  }
0x30a: {  	v2 =	vunpack.i.u.bf16.f32 v1;
	v1 =	vunpack.i.l.bf16.f32 v1  }
0x30b: {  	v1 =	vmul.f32 v1, v0;
	v2 =	vmul.f32 v2, v0;
	_ =	sdelay $0x1  }
0x30c: {  	[tilespmem:s15+$0x0] =	vst.add.f32.msk $0xffff, v1  }
0x30d: {  	[tilespmem:s16+$0x0] =	vst.add.f32.msk $0xffff, v2  }
0x30e: {  	v1 =	vld [tilespmem:s11+$0xFFFFFFA0];
	_ =	sdelay $0x4  }
0x30f: {  	v2 =	vunpack.i.u.bf16.f32 v1;
	v1 =	vunpack.i.l.bf16.f32 v1  }
0x310: {  	v1 =	vmul.f32 v1, v0;
	v2 =	vmul.f32 v2, v0;
	_ =	sdelay $0x1  }
0x311: {  	[tilespmem:s17+$0x0] =	vst.add.f32.msk $0xffff, v1  }
0x312: {  	[tilespmem:s18+$0x0] =	vst.add.f32.msk $0xffff, v2  }
0x313: {  	v1 =	vld [tilespmem:s11+$0xFFFFFFB0];
	_ =	sdelay $0x4  }
0x314: {  	v2 =	vunpack.i.u.bf16.f32 v1;
	v1 =	vunpack.i.l.bf16.f32 v1  }
0x315: {  	v1 =	vmul.f32 v1, v0;
	v2 =	vmul.f32 v2, v0;
	_ =	sdelay $0x1  }
0x316: {  	[tilespmem:s19+$0x0] =	vst.add.f32.msk $0xffff, v1  }
0x317: {  	[tilespmem:s20+$0x0] =	vst.add.f32.msk $0xffff, v2  }
0x318: {  	v1 =	vld [tilespmem:s11+$0xFFFFFFC0];
	_ =	sdelay $0x4  }
0x319: {  	v2 =	vunpack.i.u.bf16.f32 v1;
	v1 =	vunpack.i.l.bf16.f32 v1  }
0x31a: {  	v1 =	vmul.f32 v1, v0;
	v2 =	vmul.f32 v2, v0;
	_ =	sdelay $0x1  }
0x31b: {  	[tilespmem:s21+$0x0] =	vst.add.f32.msk $0xffff, v1  }
0x31c: {  	[tilespmem:s22+$0x0] =	vst.add.f32.msk $0xffff, v2  }
0x31d: {  	v1 =	vld [tilespmem:s11+$0xFFFFFFD0];
	_ =	sdelay $0x4  }
0x31e: {  	v2 =	vunpack.i.u.bf16.f32 v1;
	v1 =	vunpack.i.l.bf16.f32 v1  }
0x31f: {  	v1 =	vmul.f32 v1, v0;
	v2 =	vmul.f32 v2, v0;
	_ =	sdelay $0x1  }
0x320: {  	[tilespmem:s23+$0x0] =	vst.add.f32.msk $0xffff, v1  }
0x321: {  	[tilespmem:s24+$0x0] =	vst.add.f32.msk $0xffff, v2  }
0x322: {  	v1 =	vld [tilespmem:s11+$0xFFFFFFE0];
	_ =	sdelay $0x4  }
0x323: {  	v2 =	vunpack.i.u.bf16.f32 v1;
	v1 =	vunpack.i.l.bf16.f32 v1  }
0x324: {  	v1 =	vmul.f32 v1, v0;
	v2 =	vmul.f32 v2, v0;
	_ =	sdelay $0x1  }
0x325: {  	[tilespmem:s25+$0x0] =	vst.add.f32.msk $0xffff, v1  }
0x326: {  	[tilespmem:s26+$0x0] =	vst.add.f32.msk $0xffff, v2  }
0x327: {  	v1 =	vld [tilespmem:s11+$0xFFFFFFF0];
	_ =	sdelay $0x4  }
0x328: {  	v2 =	vunpack.i.u.bf16.f32 v1;
	v1 =	vunpack.i.l.bf16.f32 v1  }
0x329: {  	v1 =	vmul.f32 v1, v0;
	v2 =	vmul.f32 v2, v0;
	_ =	sdelay $0x1  }
0x32a: {  	[tilespmem:s4+$0x0] =	vst.add.f32.msk $0xffff, v1  }
0x32b: {  	[tilespmem:s9+$0x0] =	vst.add.f32.msk $0xffff, v2  }
0x32c: {  	v1 =	vld [tilespmem:s11+$0x0];
	_ =	sdelay $0x3  }
.Ltmp3:
0x32d: {  	(pc) =	sbr.rel @p0 .LBB2_9-.Ltmp3, $3  }
0x32e: {  	v2 =	vunpack.i.u.bf16.f32 v1;
	v1 =	vunpack.i.l.bf16.f32 v1  }
0x32f: {  	v1 =	vmul.f32 v1, v0;
	v0 =	vmul.f32 v2, v0;
	_ =	sdelay $0x1  }
0x330: {  	[tilespmem:s8+$0x0] =	vst.add.f32.msk $0xffff, v1  }
0x331: {  	s1 =	rddreg [dreg:$0x14]  }
0x332: {  	s11 =	sadd.s32 $0x6, s1  }
0x333: {  	s12 =	rddreg [dreg:$0x5];
	s11 =	sand.u32 $0x7E, s11  }
0x334: {  	s13 =	rddreg [dreg:$0x4];
	s11 =	sor.u32 s12, s11  }
0x335: {  	s3 =	simm.s32 $0x0;
	s7 =	rddreg [dreg:$0x13];
	s12 =	smul.u32 $0x5, s11  }
0x336: {  	s2 =	simm.s32 $0x50;
	s26 =	rddreg [dreg:$0x6];
	s7 =	sadd.s32 $0x1, s7  }
0x337: {  	[tilespmem:s10+$0x0] =	vst.add.f32.msk $0xffff, v0;
	p0 =	sne.s32 s7, $0x20;
	s11 =	smul.u32 $0x48, s11;
	s12 =	sadd.s32 s13, s12  }
0x338: {  	[tilespmem:s2], [sflag:$0x3] =	stream.linear.gather [hbm4b:s12+s3], $0x28, $0x38;
	[tilespmem:$0x147A0] =	vst v63  }
.Ltmp4:
0x339: {  	s28 =	rddreg [dreg:$0x15];
	s30 =	simm.s32 $0x520;
	(pc) =	sbr.rel @p0 .LBB2_2-.Ltmp4, $4  }
0x33a: {  	s31 =	rddreg [dreg:$0x1];
	s29 =	smul.u32 $0x30, s28;
	s5 =	sadd.s32 s26, s11  }
0x33b: {  	[tilespmem:s30], [sflag:$0x3] =	stream.linear.gather [hbm4b:s5+s3], $0x240, $0x38;
	[tilespmem:$0x147A0] =	vst v63  }
0x33c: {  	s11 =	sadd.s32 s31, s29  }
0x33d: {  	[hbm4b:s11+s3] =	stream.linear.scatter [tilespmem:s0], [sflag:$0xC], $0x180, $0x38;
	[tilespmem:$0x147A0] =	vst v63  }
0x33e: {  	s0 =	simm.s32 $0x9  }
0x33f: {  	_ =	swait.ge [sflag:s0], $0x180  }
0x340: {  	[sflag:s0] =	ssyncset.done $0x0  }
0x341: {  	s25 =	simm.s32 $0xA;
	[sflag:s0] =	ssyncadd.s32 $0xFFFFFE80  }
0x342: {  	_ =	swait.ge [sflag:s25], $0x180  }
0x343: {  	[sflag:s25] =	ssyncset.done $0x0  }
0x344: {  	s26 =	simm.s32 $0xB;
	[sflag:s25] =	ssyncadd.s32 $0xFFFFFE80  }
0x345: {  	_ =	swait.ge [sflag:s26], $0x180  }
0x346: {  	[sflag:s26] =	ssyncset.done $0x0  }
0x347: {  	s28 =	simm.s32 $0xC;
	[sflag:s26] =	ssyncadd.s32 $0xFFFFFE80  }
0x348: {  	_ =	swait.ge [sflag:s28], $0x180  }
0x349: {  	[sflag:s28] =	ssyncset.done $0x0  }
0x34a: {  	s11 =	simm.s32 $0x5;
	[sflag:s28] =	ssyncadd.s32 $0xFFFFFE80  }
0x34b: {  	_ =	swait.ge [sflag:s11], $0x1B00  }
0x34c: {  	[sflag:s11] =	ssyncset.done $0x0  }
0x34d: {  	s29 =	simm.s32 $0x6;
	[sflag:s11] =	ssyncadd.s32 $0xFFFFE500  }
0x34e: {  	_ =	swait.ge [sflag:s29], $0x1B00  }
0x34f: {  	[sflag:s29] =	ssyncset.done $0x0  }
0x350: {  	s12 =	simm.s32 $0x3;
	[sflag:s29] =	ssyncadd.s32 $0xFFFFE500  }
0x351: {  	_ =	swait.ge [sflag:s12], $0x28  }
0x352: {  	[sflag:s12] =	ssyncset.done $0x0  }
0x353: {  	[sflag:s12] =	ssyncadd.s32 $0xFFFFFFD8  }
0x354: {  	_ =	swait.ge [sflag:s12], $0x240  }
0x355: {  	s30 =	rddreg [dreg:$0x12]  }
0x356: {  	s31 =	rddreg [dreg:$0xf];
	s0 =	sadd.s32 $0x1, s30  }
0x357: {  	p0 =	sne.s32 s0, s31  }
.Ltmp5:
0x358: {  	_ = 	snop;
	(pc) =	sbr.rel @p0 .LBB2_1-.Ltmp5, $3  }
0x359: {  	_ =	sdelay $0x1  }
0x35a: {  	[sflag:s12] =	ssyncset.done $0x0  }
0x35b: {  	[sflag:s12] =	ssyncadd.s32 $0xFFFFFDC0  }
0x35c: {  	_ =	sfence.sel $0x180000  }
0x35d: {  	[bflag:$0x0] =	sbarrier.arrive $0xFFFF  }
0x35e: {  	_ =	strace $0x90000047  }
0x35f: {  	s0 =	stileid.u32;
	[bflag:$0x2] =	sbarrier.arrive $0xFFFF  }
0x360: {  	p0 =	sne.s32 s0, $0x0;
	s0 =	rddreg [dreg:$0x3]  }
0x361: {  	s0 =	sadd.s32 @!p0 $0x100000, s0  }
0x362: {  	[sflag:s0] =	ssyncadd.tile.s32 @!p0 $0x1;
	_ =	shalt  }
.Lfunc_end2:
_tile_overlayer_lowered:
.L_overlay_start_2:
0x363: {  	(tag) =	ssettag $0x2  }
0x364: {  	s0 =	rddreg [dreg:$0x0];
	s2 =	stileid.u32  }
0x365: {  	s1 =	rddreg [dreg:$0x1];
	p0 =	sne.s32 s2, $0x0  }
0x366: {  	s3 =	rddreg [dreg:$0x2];
	[bflag:$0x3] =	sbarrier.arrive $0xFFFF;
	s2 =	simm.s32 @!p0 $0x1C0D  }
0x367: {  	[timem:s3], [sflag:s2] =	dma.local @!p0 [hbm:s0], s1  }
0x368: {  	s0 =	simm.s32 @!p0 $0xD  }
0x369: {  	_ =	swait.ge @!p0 [sflag:s0], s1  }
0x36a: {  	s1 =	ssub.s32 @!p0 $0x0, s1;
	[sflag:s0] =	ssyncset.done @!p0 $0x0  }
0x36b: {  	[sflag:s0] =	ssyncadd.s32 @!p0 s1  }
0x36c: {  	[bflag:$0x3] =	sbarrier.arrive $0xFFFF  }
0x36d: {  	_ =	shalt  }

</sc_bundles>
